<compile_context>
chip_gen: v7x
topology: tpu7x:2x2x1
jax: 0.10.2.dev20260603
libtpu: 0.0.44.dev20260713+nightly
codegen_flags: <defaults>
</compile_context>

<pallas_src>
import functools

import jax
import jax.numpy as jnp
from jax import lax
from jax.experimental import pallas as pl
from jax.experimental.pallas import tpu as pltpu
from jax.experimental.pallas import tpu_sc as plsc

N = 10000
E = 320000
IN = 128
H = 256
HALF = H // 2
OUT = 128
L = 4
B = 64

NT = 16
CH = 128
BLK = 8
NB = 20
NCHUNK = NB * BLK
EPT = NCHUNK * CH
EPAD = NT * EPT
NPAD = 10240
ZR = NPAD // NT
TRASH = NPAD - 1


def _bn_relu(y, g, b):
  m = jnp.mean(y, axis=0, keepdims=True)
  d = y - m
  v = jnp.mean(d * d, axis=0, keepdims=True)
  return jnp.maximum(d * lax.rsqrt(v + 1e-5) * g + b, 0.0)


def _mlp_pool(x, W1, b1, g1, be1, W2, b2, g2, be2, batch2d, linW, linb,
              h2_ref, pool_ref):
  h = _bn_relu(jnp.dot(x, W1, preferred_element_type=jnp.float32) + b1, g1, be1)
  h = _bn_relu(jnp.dot(h, W2, preferred_element_type=jnp.float32) + b2, g2, be2)
  rows = lax.broadcasted_iota(jnp.int32, (B, N), 0)
  P = (rows == batch2d).astype(jnp.float32)
  cnt = jnp.maximum(jnp.sum(P, axis=1, keepdims=True), 1.0)
  pooled = jnp.dot(P, h, preferred_element_type=jnp.float32) / cnt
  pool_ref[...] = jnp.dot(pooled, linW, preferred_element_type=jnp.float32) + linb
  h2_ref[0, :, :] = h[:, :HALF]
  h2_ref[1, :, :] = h[:, HALF:]


def _mlp0_body(x_ref, W1_ref, b1_ref, g1_ref, be1_ref, W2_ref, b2_ref, g2_ref,
               be2_ref, batch_ref, linW_ref, linb_ref, h2_ref, pool_ref):
  _mlp_pool(x_ref[...], W1_ref[...], b1_ref[...], g1_ref[...], be1_ref[...],
            W2_ref[...], b2_ref[...], g2_ref[...], be2_ref[...],
            batch_ref[...], linW_ref[...], linb_ref[...], h2_ref, pool_ref)


def _gin_body(h2_ref, agg2_ref, eps_ref, W1_ref, b1_ref, g1_ref, be1_ref,
              W2_ref, b2_ref, g2_ref, be2_ref, batch_ref, linW_ref, linb_ref,
              h2o_ref, pool_ref):
  scale = 1.0 + eps_ref[...]
  m0 = h2_ref[0, :, :] * scale + agg2_ref[0, :N, :]
  m1 = h2_ref[1, :, :] * scale + agg2_ref[1, :N, :]
  m = jnp.concatenate([m0, m1], axis=1)
  _mlp_pool(m, W1_ref[...], b1_ref[...], g1_ref[...], be1_ref[...],
            W2_ref[...], b2_ref[...], g2_ref[...], be2_ref[...],
            batch_ref[...], linW_ref[...], linb_ref[...], h2o_ref, pool_ref)


_mlp0_call = pl.pallas_call(
    _mlp0_body,
    out_shape=[jax.ShapeDtypeStruct((2, N, HALF), jnp.float32),
               jax.ShapeDtypeStruct((B, OUT), jnp.float32)],
)

_gin_call = pl.pallas_call(
    _gin_body,
    out_shape=[jax.ShapeDtypeStruct((2, N, HALF), jnp.float32),
               jax.ShapeDtypeStruct((B, OUT), jnp.float32)],
)


def _edge_body(h2_hbm, sd_hbm, zeros_hbm, out_hbm,
               blk_a, blk_b, rows_a, rows_b, acc,
               sem_ia, sem_ib, sem_a, sem_b):
  c = lax.axis_index("c")
  s = lax.axis_index("s")

  def start_blk(b, buf, sem):
    pltpu.async_copy(sd_hbm.at[c, s, pl.ds(b * BLK, BLK)], buf, sem)

  def wait_blk(buf, sem):
    pltpu.make_async_copy(sd_hbm.at[c, s, pl.ds(0, BLK)], buf, sem).wait()

  def wait_rows(buf, sem):
    pltpu.make_async_copy(h2_hbm.at[blk_a.at[0, 0]], buf, sem).wait()

  start_blk(0, blk_a, sem_ia)
  pltpu.sync_copy(zeros_hbm, acc.at[pl.ds(s * ZR, ZR)])
  wait_blk(blk_a, sem_ia)
  plsc.subcore_barrier()

  pltpu.async_copy(h2_hbm.at[blk_a.at[0, 0]], rows_a, sem_a)
  start_blk(1, blk_b, sem_ib)

  def do_block(blk, oblk, osem):
    for k in range(BLK):
      rcur, scur = (rows_a, sem_a) if k % 2 == 0 else (rows_b, sem_b)
      rnx, snx = (rows_b, sem_b) if k % 2 == 0 else (rows_a, sem_a)
      if k < BLK - 1:
        pltpu.async_copy(h2_hbm.at[blk.at[k + 1, 0]], rnx, snx)
      else:
        wait_blk(oblk, osem)
        pltpu.async_copy(h2_hbm.at[oblk.at[0, 0]], rnx, snx)
      wait_rows(rcur, scur)
      pltpu.sync_copy(rcur, acc.at[blk.at[k, 1]], add=True)

  def pairbody(m, carry):
    b0 = 2 * m
    do_block(blk_a, blk_b, sem_ib)
    start_blk(jnp.minimum(b0 + 2, NB - 1), blk_a, sem_ia)
    do_block(blk_b, blk_a, sem_ia)
    start_blk(jnp.minimum(b0 + 3, NB - 1), blk_b, sem_ib)
    return carry

  lax.fori_loop(0, NB // 2, pairbody, 0)
  wait_rows(rows_a, sem_a)
  wait_blk(blk_b, sem_ib)

  plsc.subcore_barrier()
  pltpu.sync_copy(acc.at[pl.ds(s * ZR, ZR)], out_hbm.at[c, pl.ds(s * ZR, ZR)])


@functools.lru_cache(maxsize=1)
def _build_edge_call():
  return functools.partial(
      pl.kernel,
      out_type=jax.ShapeDtypeStruct((2, NPAD, HALF), jnp.float32),
      mesh=plsc.VectorSubcoreMesh(core_axis_name="c", subcore_axis_name="s"),
      scratch_types=[
          pltpu.VMEM((BLK, 2, CH), jnp.int32),
          pltpu.VMEM((BLK, 2, CH), jnp.int32),
          pltpu.VMEM((CH, HALF), jnp.float32),
          pltpu.VMEM((CH, HALF), jnp.float32),
          pltpu.VMEM_SHARED((NPAD, HALF), jnp.float32),
          pltpu.SemaphoreType.DMA,
          pltpu.SemaphoreType.DMA,
          pltpu.SemaphoreType.DMA,
          pltpu.SemaphoreType.DMA,
      ],
  )(_edge_body)


def _edge_agg(h2flat, sd, zeros):
  return _build_edge_call()(h2flat, sd, zeros)


def kernel(x, edge_index, batch, fh_W1, fh_b1, fh_g1, fh_be1, fh_W2, fh_b2,
           fh_g2, fh_be2, nn_W1, nn_b1, bn1_g, bn1_b, nn_W2, nn_b2, bn2_g,
           bn2_b, eps, lin_W, lin_b):
  r = lambda v: v.reshape(1, -1)
  batch2d = batch.reshape(1, N)
  src = jnp.concatenate([edge_index[0], jnp.zeros((EPAD - E,), jnp.int32)])
  dst = jnp.concatenate(
      [edge_index[1], jnp.full((EPAD - E,), TRASH, jnp.int32)])
  src4 = jnp.stack([src, src + N]).reshape(2, NT, NCHUNK, 1, CH)
  dst4 = jnp.broadcast_to(
      dst.reshape(1, NT, NCHUNK, 1, CH), (2, NT, NCHUNK, 1, CH))
  sd = jnp.concatenate([src4, dst4], axis=3)
  zeros = jnp.zeros((ZR, HALF), jnp.float32)

  h2, out = _mlp0_call(x, fh_W1, r(fh_b1), r(fh_g1), r(fh_be1),
                       fh_W2, r(fh_b2), r(fh_g2), r(fh_be2),
                       batch2d, lin_W[0], r(lin_b[0]))
  for l in range(L - 1):
    agg2 = _edge_agg(h2.reshape(2 * N, HALF), sd, zeros)
    h2, outl = _gin_call(h2, agg2, eps[l].reshape(1, 1),
                         nn_W1[l], r(nn_b1[l]), r(bn1_g[l]), r(bn1_b[l]),
                         nn_W2[l], r(nn_b2[l]), r(bn2_g[l]), r(bn2_b[l]),
                         batch2d, lin_W[l + 1], r(lin_b[l + 1]))
    out = out + outl
  return out

# --- scband reference (transcript-rebuilt; emitter-appended) ---
"""Pipeline reference for scband-gin-84043920048226 (READ-ONLY COPY).

The authoritative reference and input builder live on the scoring server;
editing this copy changes nothing except your own understanding.
"""

import jax, jax.numpy as jnp
import numpy as np

N = 10000
E = 320000
IN = 128
H = 256
OUT = 128
L = 4
B = 64


def setup_inputs(seed: int = 0) -> dict:
    key = jax.random.key(seed)
    ks = jax.random.split(key, 24)
    x = jax.random.normal(ks[0], (N, IN), dtype=jnp.float32)
    edge_index = jax.random.randint(ks[1], (2, E), 0, N, dtype=jnp.int32)
    batch = jnp.sort(jax.random.randint(ks[2], (N,), 0, B, dtype=jnp.int32))
    s = 0.05
    inp = {
        'x': x,
        'edge_index': edge_index,
        'batch': batch,
        'fh_W1': s * jax.random.normal(ks[3], (IN, H), jnp.float32),
        'fh_b1': jnp.zeros((H,), jnp.float32),
        'fh_g1': jnp.ones((H,), jnp.float32),
        'fh_be1': jnp.zeros((H,), jnp.float32),
        'fh_W2': s * jax.random.normal(ks[4], (H, H), jnp.float32),
        'fh_b2': jnp.zeros((H,), jnp.float32),
        'fh_g2': jnp.ones((H,), jnp.float32),
        'fh_be2': jnp.zeros((H,), jnp.float32),
        'nn_W1': s * jax.random.normal(ks[5], (L - 1, H, H), jnp.float32),
        'nn_b1': jnp.zeros((L - 1, H), jnp.float32),
        'bn1_g': jnp.ones((L - 1, H), jnp.float32),
        'bn1_b': jnp.zeros((L - 1, H), jnp.float32),
        'nn_W2': s * jax.random.normal(ks[6], (L - 1, H, H), jnp.float32),
        'nn_b2': jnp.zeros((L - 1, H), jnp.float32),
        'bn2_g': jnp.ones((L - 1, H), jnp.float32),
        'bn2_b': jnp.zeros((L - 1, H), jnp.float32),
        'eps': jnp.zeros((L - 1,), jnp.float32),
        'lin_W': s * jax.random.normal(ks[7], (L, H, OUT), jnp.float32),
        'lin_b': jnp.zeros((L, OUT), jnp.float32),
    }
    return inp


def _bn(h, g, b):
    m = jnp.mean(h, axis=0)
    v = jnp.mean((h - m) ** 2, axis=0)
    return (h - m) / jnp.sqrt(v + 1e-5) * g + b


def _mlp(h, W1, b1, g1, be1, W2, b2, g2, be2):
    h = jax.nn.relu(_bn(h @ W1 + b1, g1, be1))
    h = jax.nn.relu(_bn(h @ W2 + b2, g2, be2))
    return h


def reference(x, edge_index, batch, fh_W1, fh_b1, fh_g1, fh_be1, fh_W2, fh_b2, fh_g2, fh_be2,
              nn_W1, nn_b1, bn1_g, bn1_b, nn_W2, nn_b2, bn2_g, bn2_b, eps, lin_W, lin_b):
    src = edge_index[0]
    dst = edge_index[1]
    ones = jnp.ones((N, 1), jnp.float32)
    cnt = jnp.maximum(jax.ops.segment_sum(ones, batch, num_segments=B), 1.0)

    def pool_mean(v):
        return jax.ops.segment_sum(v, batch, num_segments=B) / cnt

    # layer 0: first_h MLP, then per-node linear, then graph mean pool (dropout p=0)
    h = _mlp(x, fh_W1, fh_b1, fh_g1, fh_be1, fh_W2, fh_b2, fh_g2, fh_be2)
    out = pool_mean(h @ lin_W[0] + lin_b[0])
    # layers 1..L-1: GINConv (scatter-add aggregation) + pool + linear
    for l in range(L - 1):
        agg = jax.ops.segment_sum(h[src], dst, num_segments=N)
        m = (1.0 + eps[l]) * h + agg
        h = _mlp(m, nn_W1[l], nn_b1[l], bn1_g[l], bn1_b[l], nn_W2[l], nn_b2[l], bn2_g[l], bn2_b[l])
        out = out + (pool_mean(h) @ lin_W[l + 1] + lin_b[l + 1])
    return out

if __name__ == "__main__":
    import jax
    _d = setup_inputs()
    print(jax.jit(kernel)(*tuple(_d.values())))

</pallas_src>

<mosaic_0001>
#map = affine_map<(d0, d1) -> (0, 0)>
#map1 = affine_map<(d0, d1) -> (0, 0, 0, 0, 0)>
#map2 = affine_map<(d0, d1) -> (0, 0, 0)>
module attributes {stable_mosaic.version = 14 : i64} {
  func.func @_edge_body(%arg0: i32, %arg1: i32, %arg2: memref<20000x128xf32, #tpu.memory_space<hbm>>, %arg3: memref<2x16x160x2x128xi32, #tpu.memory_space<hbm>>, %arg4: memref<640x128xf32, #tpu.memory_space<hbm>>, %arg5: memref<2x10240x128xf32, #tpu.memory_space<hbm>>, %arg6: memref<8x2x128xi32, #tpu.memory_space<vmem>>, %arg7: memref<8x2x128xi32, #tpu.memory_space<vmem>>, %arg8: memref<128x128xf32, #tpu.memory_space<vmem>>, %arg9: memref<128x128xf32, #tpu.memory_space<vmem>>, %arg10: memref<10240x128xf32, #tpu.memory_space<vmem_shared>>, %arg11: memref<!tpu.dma_semaphore, #tpu.memory_space<semaphore_mem>>, %arg12: memref<!tpu.dma_semaphore, #tpu.memory_space<semaphore_mem>>, %arg13: memref<!tpu.dma_semaphore, #tpu.memory_space<semaphore_mem>>, %arg14: memref<!tpu.dma_semaphore, #tpu.memory_space<semaphore_mem>>) attributes {dimension_semantics = [#tpu.dimension_semantics<core_parallel>, #tpu.dimension_semantics<subcore_parallel>], iteration_bounds = array<i64: 2, 16>, scalar_prefetch = 0 : i64, scratch_operands = 9 : i64, tpu.core_type = #tpu.core_type<sc_vector_subcore>, window_params = [{transform_indices = #map}, {transform_indices = #map1}, {transform_indices = #map}, {transform_indices = #map2}]} {
    %dma_start3A = arith.constant 0 : i32
    %dma_start3A_0 = arith.constant 0 : i32
    %dma_start3A_1 = arith.constant 0 : i32
    %dma_start3A_2 = tpu.memref_slice %arg3[%arg0, %arg1, %dma_start3A, %dma_start3A_0, %dma_start3A_1] : memref<2x16x160x2x128xi32, #tpu.memory_space<hbm>> -> memref<1x1x8x2x128xi32, #tpu.memory_space<hbm>>
    %dma_start3A_3 = tpu.memref_squeeze %dma_start3A_2 : memref<1x1x8x2x128xi32, #tpu.memory_space<hbm>> -> memref<8x2x128xi32, #tpu.memory_space<hbm>>
    %dma_start3A_4 = arith.constant 0 : i32
    %dma_start3A_5 = arith.constant 0 : i32
    %dma_start3A_6 = arith.constant 0 : i32
    %dma_start3A_7 = tpu.memref_slice %arg3[%arg0, %arg1, %dma_start3A_4, %dma_start3A_5, %dma_start3A_6] : memref<2x16x160x2x128xi32, #tpu.memory_space<hbm>> -> memref<1x1x8x2x128xi32, #tpu.memory_space<hbm>>
    %dma_start3A_8 = tpu.memref_squeeze %dma_start3A_7 : memref<1x1x8x2x128xi32, #tpu.memory_space<hbm>> -> memref<8x2x128xi32, #tpu.memory_space<hbm>>
    tpu.enqueue_dma source(%dma_start3A_8 : memref<8x2x128xi32, #tpu.memory_space<hbm>>) target(%arg6 : memref<8x2x128xi32, #tpu.memory_space<vmem>>) target_semaphore(%arg11 : memref<!tpu.dma_semaphore, #tpu.memory_space<semaphore_mem>>)
    %mul3A = arith.constant 640 : i32
    %mul3A_9 = arith.muli %arg1, %mul3A : i32
    "tpu.region"() ({
      %run_scoped3A = tpu.sem_alloc : memref<!tpu.dma_semaphore, #tpu.memory_space<semaphore_mem>>
      %dma_start3A_65 = arith.constant 0 : i32
      %dma_start3A_66 = tpu.memref_slice %arg10[%mul3A_9, %dma_start3A_65] : memref<10240x128xf32, #tpu.memory_space<vmem_shared>> -> memref<640x128xf32, #tpu.memory_space<vmem_shared>>
      tpu.enqueue_dma source(%arg4 : memref<640x128xf32, #tpu.memory_space<hbm>>) target(%dma_start3A_66 : memref<640x128xf32, #tpu.memory_space<vmem_shared>>) target_semaphore(%run_scoped3A : memref<!tpu.dma_semaphore, #tpu.memory_space<semaphore_mem>>)
      %dma_wait3A_67 = arith.constant 0 : i32
      %dma_wait3A_68 = tpu.memref_slice %arg10[%mul3A_9, %dma_wait3A_67] : memref<10240x128xf32, #tpu.memory_space<vmem_shared>> -> memref<640x128xf32, #tpu.memory_space<vmem_shared>>
      tpu.wait_dma2 semaphore(%run_scoped3A : memref<!tpu.dma_semaphore, #tpu.memory_space<semaphore_mem>>) src(%arg4 : memref<640x128xf32, #tpu.memory_space<hbm>>) dst(%dma_wait3A_68 : memref<640x128xf32, #tpu.memory_space<vmem_shared>>)
      tpu.yield
    }) : () -> ()
    %dma_wait3A = arith.constant 0 : i32
    %dma_wait3A_10 = arith.constant 0 : i32
    %dma_wait3A_11 = arith.constant 0 : i32
    %dma_wait3A_12 = tpu.memref_slice %arg3[%arg0, %arg1, %dma_wait3A, %dma_wait3A_10, %dma_wait3A_11] : memref<2x16x160x2x128xi32, #tpu.memory_space<hbm>> -> memref<1x1x8x2x128xi32, #tpu.memory_space<hbm>>
    %dma_wait3A_13 = tpu.memref_squeeze %dma_wait3A_12 : memref<1x1x8x2x128xi32, #tpu.memory_space<hbm>> -> memref<8x2x128xi32, #tpu.memory_space<hbm>>
    %dma_wait3A_14 = arith.constant 0 : i32
    %dma_wait3A_15 = arith.constant 0 : i32
    %dma_wait3A_16 = arith.constant 0 : i32
    %dma_wait3A_17 = tpu.memref_slice %arg3[%arg0, %arg1, %dma_wait3A_14, %dma_wait3A_15, %dma_wait3A_16] : memref<2x16x160x2x128xi32, #tpu.memory_space<hbm>> -> memref<1x1x8x2x128xi32, #tpu.memory_space<hbm>>
    %dma_wait3A_18 = tpu.memref_squeeze %dma_wait3A_17 : memref<1x1x8x2x128xi32, #tpu.memory_space<hbm>> -> memref<8x2x128xi32, #tpu.memory_space<hbm>>
    tpu.wait_dma2 semaphore(%arg11 : memref<!tpu.dma_semaphore, #tpu.memory_space<semaphore_mem>>) src(%dma_wait3A_18 : memref<8x2x128xi32, #tpu.memory_space<hbm>>) dst(%arg6 : memref<8x2x128xi32, #tpu.memory_space<vmem>>)
    %barrier3A = arith.constant 0 : index
    tpu.barrier barrier_id(%barrier3A)
    %dma_start3A_19 = arith.constant 0 : i32
    %dma_start3A_20 = arith.constant 0 : i32
    %dma_start3A_21 = arith.constant 0 : i32
    %dma_start3A_22 = tpu.memref_slice %arg6[%dma_start3A_19, %dma_start3A_20, %dma_start3A_21] : memref<8x2x128xi32, #tpu.memory_space<vmem>> -> memref<1x1x128xi32, #tpu.memory_space<vmem>>
    %dma_start3A_23 = tpu.memref_squeeze %dma_start3A_22 : memref<1x1x128xi32, #tpu.memory_space<vmem>> -> memref<128xi32, #tpu.memory_space<vmem>>
    %dma_start3A_24 = arith.constant 0 : i32
    %dma_start3A_25 = arith.constant 0 : i32
    %dma_start3A_26 = tpu.memref_slice %arg2[%dma_start3A_24, %dma_start3A_25] : memref<20000x128xf32, #tpu.memory_space<hbm>> -> memref<20000x128xf32, #tpu.memory_space<hbm>>
    tpu.enqueue_indirect_dma source(%dma_start3A_26 : memref<20000x128xf32, #tpu.memory_space<hbm>>) target(%arg8 : memref<128x128xf32, #tpu.memory_space<vmem>>) offsets(%dma_start3A_23 : memref<128xi32, #tpu.memory_space<vmem>>) semaphore(%arg13 : memref<!tpu.dma_semaphore, #tpu.memory_space<semaphore_mem>>)
    %dma_start3A_27 = arith.constant 8 : i32
    %dma_start3A_28 = arith.constant 0 : i32
    %dma_start3A_29 = arith.constant 0 : i32
    %dma_start3A_30 = tpu.memref_slice %arg3[%arg0, %arg1, %dma_start3A_27, %dma_start3A_28, %dma_start3A_29] : memref<2x16x160x2x128xi32, #tpu.memory_space<hbm>> -> memref<1x1x8x2x128xi32, #tpu.memory_space<hbm>>
    %dma_start3A_31 = tpu.memref_squeeze %dma_start3A_30 : memref<1x1x8x2x128xi32, #tpu.memory_space<hbm>> -> memref<8x2x128xi32, #tpu.memory_space<hbm>>
    %dma_start3A_32 = arith.constant 8 : i32
    %dma_start3A_33 = arith.constant 0 : i32
    %dma_start3A_34 = arith.constant 0 : i32
    %dma_start3A_35 = tpu.memref_slice %arg3[%arg0, %arg1, %dma_start3A_32, %dma_start3A_33, %dma_start3A_34] : memref<2x16x160x2x128xi32, #tpu.memory_space<hbm>> -> memref<1x1x8x2x128xi32, #tpu.memory_space<hbm>>
    %dma_start3A_36 = tpu.memref_squeeze %dma_start3A_35 : memref<1x1x8x2x128xi32, #tpu.memory_space<hbm>> -> memref<8x2x128xi32, #tpu.memory_space<hbm>>
    tpu.enqueue_dma source(%dma_start3A_36 : memref<8x2x128xi32, #tpu.memory_space<hbm>>) target(%arg7 : memref<8x2x128xi32, #tpu.memory_space<vmem>>) target_semaphore(%arg12 : memref<!tpu.dma_semaphore, #tpu.memory_space<semaphore_mem>>)
    %scan3A = arith.constant 0 : i32
    %scan3A_37 = arith.constant 0 : i32
    %scan3A_38 = arith.constant 10 : i32
    %scan3A_39 = arith.addi %scan3A_37, %scan3A_38 : i32
    %scan3A_40 = arith.constant 1 : i32
    scf.for %scan3A_65 = %scan3A_37 to %scan3A_39 step %scan3A_40  : i32 {
      %mul3A_66 = arith.constant 2 : i32
      %mul3A_67 = arith.muli %mul3A_66, %scan3A_65 : i32
      %dma_start3A_68 = arith.constant 1 : i32
      %dma_start3A_69 = arith.constant 0 : i32
      %dma_start3A_70 = arith.constant 0 : i32
      %dma_start3A_71 = tpu.memref_slice %arg6[%dma_start3A_68, %dma_start3A_69, %dma_start3A_70] : memref<8x2x128xi32, #tpu.memory_space<vmem>> -> memref<1x1x128xi32, #tpu.memory_space<vmem>>
      %dma_start3A_72 = tpu.memref_squeeze %dma_start3A_71 : memref<1x1x128xi32, #tpu.memory_space<vmem>> -> memref<128xi32, #tpu.memory_space<vmem>>
      %dma_start3A_73 = arith.constant 0 : i32
      %dma_start3A_74 = arith.constant 0 : i32
      %dma_start3A_75 = tpu.memref_slice %arg2[%dma_start3A_73, %dma_start3A_74] : memref<20000x128xf32, #tpu.memory_space<hbm>> -> memref<20000x128xf32, #tpu.memory_space<hbm>>
      tpu.enqueue_indirect_dma source(%dma_start3A_75 : memref<20000x128xf32, #tpu.memory_space<hbm>>) target(%arg9 : memref<128x128xf32, #tpu.memory_space<vmem>>) offsets(%dma_start3A_72 : memref<128xi32, #tpu.memory_space<vmem>>) semaphore(%arg14 : memref<!tpu.dma_semaphore, #tpu.memory_space<semaphore_mem>>)
      %dma_wait3A_76 = arith.constant 0 : i32
      %dma_wait3A_77 = arith.constant 0 : i32
      %dma_wait3A_78 = arith.constant 0 : i32
      %dma_wait3A_79 = tpu.memref_slice %arg6[%dma_wait3A_76, %dma_wait3A_77, %dma_wait3A_78] : memref<8x2x128xi32, #tpu.memory_space<vmem>> -> memref<1x1x128xi32, #tpu.memory_space<vmem>>
      %dma_wait3A_80 = tpu.memref_squeeze %dma_wait3A_79 : memref<1x1x128xi32, #tpu.memory_space<vmem>> -> memref<128xi32, #tpu.memory_space<vmem>>
      %dma_wait3A_81 = arith.constant 0 : i32
      %dma_wait3A_82 = arith.constant 0 : i32
      %dma_wait3A_83 = tpu.memref_slice %arg2[%dma_wait3A_81, %dma_wait3A_82] : memref<20000x128xf32, #tpu.memory_space<hbm>> -> memref<20000x128xf32, #tpu.memory_space<hbm>>
      tpu.wait_indirect_dma semaphore(%arg13 : memref<!tpu.dma_semaphore, #tpu.memory_space<semaphore_mem>>) src(%dma_wait3A_83 : memref<20000x128xf32, #tpu.memory_space<hbm>>) dst(%arg8 : memref<128x128xf32, #tpu.memory_space<vmem>>)
      %run_scoped3A = arith.constant 0 : i32
      %run_scoped3A_84 = arith.constant 1 : i32
      "tpu.region"() ({
        %run_scoped3A_401 = tpu.sem_alloc : memref<!tpu.dma_semaphore, #tpu.memory_space<semaphore_mem>>
        %dma_start3A_402 = arith.constant 0 : i32
        %dma_start3A_403 = tpu.memref_slice %arg6[%run_scoped3A, %run_scoped3A_84, %dma_start3A_402] : memref<8x2x128xi32, #tpu.memory_space<vmem>> -> memref<1x1x128xi32, #tpu.memory_space<vmem>>
        %dma_start3A_404 = tpu.memref_squeeze %dma_start3A_403 : memref<1x1x128xi32, #tpu.memory_space<vmem>> -> memref<128xi32, #tpu.memory_space<vmem>>
        %dma_start3A_405 = arith.constant 0 : i32
        %dma_start3A_406 = arith.constant 0 : i32
        %dma_start3A_407 = tpu.memref_slice %arg10[%dma_start3A_405, %dma_start3A_406] : memref<10240x128xf32, #tpu.memory_space<vmem_shared>> -> memref<10240x128xf32, #tpu.memory_space<vmem_shared>>
        tpu.enqueue_indirect_dma source(%arg8 : memref<128x128xf32, #tpu.memory_space<vmem>>) target(%dma_start3A_407 : memref<10240x128xf32, #tpu.memory_space<vmem_shared>>) offsets(%dma_start3A_404 : memref<128xi32, #tpu.memory_space<vmem>>) semaphore(%run_scoped3A_401 : memref<!tpu.dma_semaphore, #tpu.memory_space<semaphore_mem>>) {add = true}
        %dma_wait3A_408 = arith.constant 0 : i32
        %dma_wait3A_409 = tpu.memref_slice %arg6[%run_scoped3A, %run_scoped3A_84, %dma_wait3A_408] : memref<8x2x128xi32, #tpu.memory_space<vmem>> -> memref<1x1x128xi32, #tpu.memory_space<vmem>>
        %dma_wait3A_410 = tpu.memref_squeeze %dma_wait3A_409 : memref<1x1x128xi32, #tpu.memory_space<vmem>> -> memref<128xi32, #tpu.memory_space<vmem>>
        %dma_wait3A_411 = arith.constant 0 : i32
        %dma_wait3A_412 = arith.constant 0 : i32
        %dma_wait3A_413 = tpu.memref_slice %arg10[%dma_wait3A_411, %dma_wait3A_412] : memref<10240x128xf32, #tpu.memory_space<vmem_shared>> -> memref<10240x128xf32, #tpu.memory_space<vmem_shared>>
        tpu.wait_indirect_dma semaphore(%run_scoped3A_401 : memref<!tpu.dma_semaphore, #tpu.memory_space<semaphore_mem>>) src(%arg8 : memref<128x128xf32, #tpu.memory_space<vmem>>) dst(%dma_wait3A_413 : memref<10240x128xf32, #tpu.memory_space<vmem_shared>>)
        tpu.yield
      }) : () -> ()
      %dma_start3A_85 = arith.constant 2 : i32
      %dma_start3A_86 = arith.constant 0 : i32
      %dma_start3A_87 = arith.constant 0 : i32
      %dma_start3A_88 = tpu.memref_slice %arg6[%dma_start3A_85, %dma_start3A_86, %dma_start3A_87] : memref<8x2x128xi32, #tpu.memory_space<vmem>> -> memref<1x1x128xi32, #tpu.memory_space<vmem>>
      %dma_start3A_89 = tpu.memref_squeeze %dma_start3A_88 : memref<1x1x128xi32, #tpu.memory_space<vmem>> -> memref<128xi32, #tpu.memory_space<vmem>>
      %dma_start3A_90 = arith.constant 0 : i32
      %dma_start3A_91 = arith.constant 0 : i32
      %dma_start3A_92 = tpu.memref_slice %arg2[%dma_start3A_90, %dma_start3A_91] : memref<20000x128xf32, #tpu.memory_space<hbm>> -> memref<20000x128xf32, #tpu.memory_space<hbm>>
      tpu.enqueue_indirect_dma source(%dma_start3A_92 : memref<20000x128xf32, #tpu.memory_space<hbm>>) target(%arg8 : memref<128x128xf32, #tpu.memory_space<vmem>>) offsets(%dma_start3A_89 : memref<128xi32, #tpu.memory_space<vmem>>) semaphore(%arg13 : memref<!tpu.dma_semaphore, #tpu.memory_space<semaphore_mem>>)
      %dma_wait3A_93 = arith.constant 0 : i32
      %dma_wait3A_94 = arith.constant 0 : i32
      %dma_wait3A_95 = arith.constant 0 : i32
      %dma_wait3A_96 = tpu.memref_slice %arg6[%dma_wait3A_93, %dma_wait3A_94, %dma_wait3A_95] : memref<8x2x128xi32, #tpu.memory_space<vmem>> -> memref<1x1x128xi32, #tpu.memory_space<vmem>>
      %dma_wait3A_97 = tpu.memref_squeeze %dma_wait3A_96 : memref<1x1x128xi32, #tpu.memory_space<vmem>> -> memref<128xi32, #tpu.memory_space<vmem>>
      %dma_wait3A_98 = arith.constant 0 : i32
      %dma_wait3A_99 = arith.constant 0 : i32
      %dma_wait3A_100 = tpu.memref_slice %arg2[%dma_wait3A_98, %dma_wait3A_99] : memref<20000x128xf32, #tpu.memory_space<hbm>> -> memref<20000x128xf32, #tpu.memory_space<hbm>>
      tpu.wait_indirect_dma semaphore(%arg14 : memref<!tpu.dma_semaphore, #tpu.memory_space<semaphore_mem>>) src(%dma_wait3A_100 : memref<20000x128xf32, #tpu.memory_space<hbm>>) dst(%arg9 : memref<128x128xf32, #tpu.memory_space<vmem>>)
      %run_scoped3A_101 = arith.constant 1 : i32
      %run_scoped3A_102 = arith.constant 1 : i32
      "tpu.region"() ({
        %run_scoped3A_401 = tpu.sem_alloc : memref<!tpu.dma_semaphore, #tpu.memory_space<semaphore_mem>>
        %dma_start3A_402 = arith.constant 0 : i32
        %dma_start3A_403 = tpu.memref_slice %arg6[%run_scoped3A_101, %run_scoped3A_102, %dma_start3A_402] : memref<8x2x128xi32, #tpu.memory_space<vmem>> -> memref<1x1x128xi32, #tpu.memory_space<vmem>>
        %dma_start3A_404 = tpu.memref_squeeze %dma_start3A_403 : memref<1x1x128xi32, #tpu.memory_space<vmem>> -> memref<128xi32, #tpu.memory_space<vmem>>
        %dma_start3A_405 = arith.constant 0 : i32
        %dma_start3A_406 = arith.constant 0 : i32
        %dma_start3A_407 = tpu.memref_slice %arg10[%dma_start3A_405, %dma_start3A_406] : memref<10240x128xf32, #tpu.memory_space<vmem_shared>> -> memref<10240x128xf32, #tpu.memory_space<vmem_shared>>
        tpu.enqueue_indirect_dma source(%arg9 : memref<128x128xf32, #tpu.memory_space<vmem>>) target(%dma_start3A_407 : memref<10240x128xf32, #tpu.memory_space<vmem_shared>>) offsets(%dma_start3A_404 : memref<128xi32, #tpu.memory_space<vmem>>) semaphore(%run_scoped3A_401 : memref<!tpu.dma_semaphore, #tpu.memory_space<semaphore_mem>>) {add = true}
        %dma_wait3A_408 = arith.constant 0 : i32
        %dma_wait3A_409 = tpu.memref_slice %arg6[%run_scoped3A_101, %run_scoped3A_102, %dma_wait3A_408] : memref<8x2x128xi32, #tpu.memory_space<vmem>> -> memref<1x1x128xi32, #tpu.memory_space<vmem>>
        %dma_wait3A_410 = tpu.memref_squeeze %dma_wait3A_409 : memref<1x1x128xi32, #tpu.memory_space<vmem>> -> memref<128xi32, #tpu.memory_space<vmem>>
        %dma_wait3A_411 = arith.constant 0 : i32
        %dma_wait3A_412 = arith.constant 0 : i32
        %dma_wait3A_413 = tpu.memref_slice %arg10[%dma_wait3A_411, %dma_wait3A_412] : memref<10240x128xf32, #tpu.memory_space<vmem_shared>> -> memref<10240x128xf32, #tpu.memory_space<vmem_shared>>
        tpu.wait_indirect_dma semaphore(%run_scoped3A_401 : memref<!tpu.dma_semaphore, #tpu.memory_space<semaphore_mem>>) src(%arg9 : memref<128x128xf32, #tpu.memory_space<vmem>>) dst(%dma_wait3A_413 : memref<10240x128xf32, #tpu.memory_space<vmem_shared>>)
        tpu.yield
      }) : () -> ()
      %dma_start3A_103 = arith.constant 3 : i32
      %dma_start3A_104 = arith.constant 0 : i32
      %dma_start3A_105 = arith.constant 0 : i32
      %dma_start3A_106 = tpu.memref_slice %arg6[%dma_start3A_103, %dma_start3A_104, %dma_start3A_105] : memref<8x2x128xi32, #tpu.memory_space<vmem>> -> memref<1x1x128xi32, #tpu.memory_space<vmem>>
      %dma_start3A_107 = tpu.memref_squeeze %dma_start3A_106 : memref<1x1x128xi32, #tpu.memory_space<vmem>> -> memref<128xi32, #tpu.memory_space<vmem>>
      %dma_start3A_108 = arith.constant 0 : i32
      %dma_start3A_109 = arith.constant 0 : i32
      %dma_start3A_110 = tpu.memref_slice %arg2[%dma_start3A_108, %dma_start3A_109] : memref<20000x128xf32, #tpu.memory_space<hbm>> -> memref<20000x128xf32, #tpu.memory_space<hbm>>
      tpu.enqueue_indirect_dma source(%dma_start3A_110 : memref<20000x128xf32, #tpu.memory_space<hbm>>) target(%arg9 : memref<128x128xf32, #tpu.memory_space<vmem>>) offsets(%dma_start3A_107 : memref<128xi32, #tpu.memory_space<vmem>>) semaphore(%arg14 : memref<!tpu.dma_semaphore, #tpu.memory_space<semaphore_mem>>)
      %dma_wait3A_111 = arith.constant 0 : i32
      %dma_wait3A_112 = arith.constant 0 : i32
      %dma_wait3A_113 = arith.constant 0 : i32
      %dma_wait3A_114 = tpu.memref_slice %arg6[%dma_wait3A_111, %dma_wait3A_112, %dma_wait3A_113] : memref<8x2x128xi32, #tpu.memory_space<vmem>> -> memref<1x1x128xi32, #tpu.memory_space<vmem>>
      %dma_wait3A_115 = tpu.memref_squeeze %dma_wait3A_114 : memref<1x1x128xi32, #tpu.memory_space<vmem>> -> memref<128xi32, #tpu.memory_space<vmem>>
      %dma_wait3A_116 = arith.constant 0 : i32
      %dma_wait3A_117 = arith.constant 0 : i32
      %dma_wait3A_118 = tpu.memref_slice %arg2[%dma_wait3A_116, %dma_wait3A_117] : memref<20000x128xf32, #tpu.memory_space<hbm>> -> memref<20000x128xf32, #tpu.memory_space<hbm>>
      tpu.wait_indirect_dma semaphore(%arg13 : memref<!tpu.dma_semaphore, #tpu.memory_space<semaphore_mem>>) src(%dma_wait3A_118 : memref<20000x128xf32, #tpu.memory_space<hbm>>) dst(%arg8 : memref<128x128xf32, #tpu.memory_space<vmem>>)
      %run_scoped3A_119 = arith.constant 2 : i32
      %run_scoped3A_120 = arith.constant 1 : i32
      "tpu.region"() ({
        %run_scoped3A_401 = tpu.sem_alloc : memref<!tpu.dma_semaphore, #tpu.memory_space<semaphore_mem>>
        %dma_start3A_402 = arith.constant 0 : i32
        %dma_start3A_403 = tpu.memref_slice %arg6[%run_scoped3A_119, %run_scoped3A_120, %dma_start3A_402] : memref<8x2x128xi32, #tpu.memory_space<vmem>> -> memref<1x1x128xi32, #tpu.memory_space<vmem>>
        %dma_start3A_404 = tpu.memref_squeeze %dma_start3A_403 : memref<1x1x128xi32, #tpu.memory_space<vmem>> -> memref<128xi32, #tpu.memory_space<vmem>>
        %dma_start3A_405 = arith.constant 0 : i32
        %dma_start3A_406 = arith.constant 0 : i32
        %dma_start3A_407 = tpu.memref_slice %arg10[%dma_start3A_405, %dma_start3A_406] : memref<10240x128xf32, #tpu.memory_space<vmem_shared>> -> memref<10240x128xf32, #tpu.memory_space<vmem_shared>>
        tpu.enqueue_indirect_dma source(%arg8 : memref<128x128xf32, #tpu.memory_space<vmem>>) target(%dma_start3A_407 : memref<10240x128xf32, #tpu.memory_space<vmem_shared>>) offsets(%dma_start3A_404 : memref<128xi32, #tpu.memory_space<vmem>>) semaphore(%run_scoped3A_401 : memref<!tpu.dma_semaphore, #tpu.memory_space<semaphore_mem>>) {add = true}
        %dma_wait3A_408 = arith.constant 0 : i32
        %dma_wait3A_409 = tpu.memref_slice %arg6[%run_scoped3A_119, %run_scoped3A_120, %dma_wait3A_408] : memref<8x2x128xi32, #tpu.memory_space<vmem>> -> memref<1x1x128xi32, #tpu.memory_space<vmem>>
        %dma_wait3A_410 = tpu.memref_squeeze %dma_wait3A_409 : memref<1x1x128xi32, #tpu.memory_space<vmem>> -> memref<128xi32, #tpu.memory_space<vmem>>
        %dma_wait3A_411 = arith.constant 0 : i32
        %dma_wait3A_412 = arith.constant 0 : i32
        %dma_wait3A_413 = tpu.memref_slice %arg10[%dma_wait3A_411, %dma_wait3A_412] : memref<10240x128xf32, #tpu.memory_space<vmem_shared>> -> memref<10240x128xf32, #tpu.memory_space<vmem_shared>>
        tpu.wait_indirect_dma semaphore(%run_scoped3A_401 : memref<!tpu.dma_semaphore, #tpu.memory_space<semaphore_mem>>) src(%arg8 : memref<128x128xf32, #tpu.memory_space<vmem>>) dst(%dma_wait3A_413 : memref<10240x128xf32, #tpu.memory_space<vmem_shared>>)
        tpu.yield
      }) : () -> ()
      %dma_start3A_121 = arith.constant 4 : i32
      %dma_start3A_122 = arith.constant 0 : i32
      %dma_start3A_123 = arith.constant 0 : i32
      %dma_start3A_124 = tpu.memref_slice %arg6[%dma_start3A_121, %dma_start3A_122, %dma_start3A_123] : memref<8x2x128xi32, #tpu.memory_space<vmem>> -> memref<1x1x128xi32, #tpu.memory_space<vmem>>
      %dma_start3A_125 = tpu.memref_squeeze %dma_start3A_124 : memref<1x1x128xi32, #tpu.memory_space<vmem>> -> memref<128xi32, #tpu.memory_space<vmem>>
      %dma_start3A_126 = arith.constant 0 : i32
      %dma_start3A_127 = arith.constant 0 : i32
      %dma_start3A_128 = tpu.memref_slice %arg2[%dma_start3A_126, %dma_start3A_127] : memref<20000x128xf32, #tpu.memory_space<hbm>> -> memref<20000x128xf32, #tpu.memory_space<hbm>>
      tpu.enqueue_indirect_dma source(%dma_start3A_128 : memref<20000x128xf32, #tpu.memory_space<hbm>>) target(%arg8 : memref<128x128xf32, #tpu.memory_space<vmem>>) offsets(%dma_start3A_125 : memref<128xi32, #tpu.memory_space<vmem>>) semaphore(%arg13 : memref<!tpu.dma_semaphore, #tpu.memory_space<semaphore_mem>>)
      %dma_wait3A_129 = arith.constant 0 : i32
      %dma_wait3A_130 = arith.constant 0 : i32
      %dma_wait3A_131 = arith.constant 0 : i32
      %dma_wait3A_132 = tpu.memref_slice %arg6[%dma_wait3A_129, %dma_wait3A_130, %dma_wait3A_131] : memref<8x2x128xi32, #tpu.memory_space<vmem>> -> memref<1x1x128xi32, #tpu.memory_space<vmem>>
      %dma_wait3A_133 = tpu.memref_squeeze %dma_wait3A_132 : memref<1x1x128xi32, #tpu.memory_space<vmem>> -> memref<128xi32, #tpu.memory_space<vmem>>
      %dma_wait3A_134 = arith.constant 0 : i32
      %dma_wait3A_135 = arith.constant 0 : i32
      %dma_wait3A_136 = tpu.memref_slice %arg2[%dma_wait3A_134, %dma_wait3A_135] : memref<20000x128xf32, #tpu.memory_space<hbm>> -> memref<20000x128xf32, #tpu.memory_space<hbm>>
      tpu.wait_indirect_dma semaphore(%arg14 : memref<!tpu.dma_semaphore, #tpu.memory_space<semaphore_mem>>) src(%dma_wait3A_136 : memref<20000x128xf32, #tpu.memory_space<hbm>>) dst(%arg9 : memref<128x128xf32, #tpu.memory_space<vmem>>)
      %run_scoped3A_137 = arith.constant 3 : i32
      %run_scoped3A_138 = arith.constant 1 : i32
      "tpu.region"() ({
        %run_scoped3A_401 = tpu.sem_alloc : memref<!tpu.dma_semaphore, #tpu.memory_space<semaphore_mem>>
        %dma_start3A_402 = arith.constant 0 : i32
        %dma_start3A_403 = tpu.memref_slice %arg6[%run_scoped3A_137, %run_scoped3A_138, %dma_start3A_402] : memref<8x2x128xi32, #tpu.memory_space<vmem>> -> memref<1x1x128xi32, #tpu.memory_space<vmem>>
        %dma_start3A_404 = tpu.memref_squeeze %dma_start3A_403 : memref<1x1x128xi32, #tpu.memory_space<vmem>> -> memref<128xi32, #tpu.memory_space<vmem>>
        %dma_start3A_405 = arith.constant 0 : i32
        %dma_start3A_406 = arith.constant 0 : i32
        %dma_start3A_407 = tpu.memref_slice %arg10[%dma_start3A_405, %dma_start3A_406] : memref<10240x128xf32, #tpu.memory_space<vmem_shared>> -> memref<10240x128xf32, #tpu.memory_space<vmem_shared>>
        tpu.enqueue_indirect_dma source(%arg9 : memref<128x128xf32, #tpu.memory_space<vmem>>) target(%dma_start3A_407 : memref<10240x128xf32, #tpu.memory_space<vmem_shared>>) offsets(%dma_start3A_404 : memref<128xi32, #tpu.memory_space<vmem>>) semaphore(%run_scoped3A_401 : memref<!tpu.dma_semaphore, #tpu.memory_space<semaphore_mem>>) {add = true}
        %dma_wait3A_408 = arith.constant 0 : i32
        %dma_wait3A_409 = tpu.memref_slice %arg6[%run_scoped3A_137, %run_scoped3A_138, %dma_wait3A_408] : memref<8x2x128xi32, #tpu.memory_space<vmem>> -> memref<1x1x128xi32, #tpu.memory_space<vmem>>
        %dma_wait3A_410 = tpu.memref_squeeze %dma_wait3A_409 : memref<1x1x128xi32, #tpu.memory_space<vmem>> -> memref<128xi32, #tpu.memory_space<vmem>>
        %dma_wait3A_411 = arith.constant 0 : i32
        %dma_wait3A_412 = arith.constant 0 : i32
        %dma_wait3A_413 = tpu.memref_slice %arg10[%dma_wait3A_411, %dma_wait3A_412] : memref<10240x128xf32, #tpu.memory_space<vmem_shared>> -> memref<10240x128xf32, #tpu.memory_space<vmem_shared>>
        tpu.wait_indirect_dma semaphore(%run_scoped3A_401 : memref<!tpu.dma_semaphore, #tpu.memory_space<semaphore_mem>>) src(%arg9 : memref<128x128xf32, #tpu.memory_space<vmem>>) dst(%dma_wait3A_413 : memref<10240x128xf32, #tpu.memory_space<vmem_shared>>)
        tpu.yield
      }) : () -> ()
      %dma_start3A_139 = arith.constant 5 : i32
      %dma_start3A_140 = arith.constant 0 : i32
      %dma_start3A_141 = arith.constant 0 : i32
      %dma_start3A_142 = tpu.memref_slice %arg6[%dma_start3A_139, %dma_start3A_140, %dma_start3A_141] : memref<8x2x128xi32, #tpu.memory_space<vmem>> -> memref<1x1x128xi32, #tpu.memory_space<vmem>>
      %dma_start3A_143 = tpu.memref_squeeze %dma_start3A_142 : memref<1x1x128xi32, #tpu.memory_space<vmem>> -> memref<128xi32, #tpu.memory_space<vmem>>
      %dma_start3A_144 = arith.constant 0 : i32
      %dma_start3A_145 = arith.constant 0 : i32
      %dma_start3A_146 = tpu.memref_slice %arg2[%dma_start3A_144, %dma_start3A_145] : memref<20000x128xf32, #tpu.memory_space<hbm>> -> memref<20000x128xf32, #tpu.memory_space<hbm>>
      tpu.enqueue_indirect_dma source(%dma_start3A_146 : memref<20000x128xf32, #tpu.memory_space<hbm>>) target(%arg9 : memref<128x128xf32, #tpu.memory_space<vmem>>) offsets(%dma_start3A_143 : memref<128xi32, #tpu.memory_space<vmem>>) semaphore(%arg14 : memref<!tpu.dma_semaphore, #tpu.memory_space<semaphore_mem>>)
      %dma_wait3A_147 = arith.constant 0 : i32
      %dma_wait3A_148 = arith.constant 0 : i32
      %dma_wait3A_149 = arith.constant 0 : i32
      %dma_wait3A_150 = tpu.memref_slice %arg6[%dma_wait3A_147, %dma_wait3A_148, %dma_wait3A_149] : memref<8x2x128xi32, #tpu.memory_space<vmem>> -> memref<1x1x128xi32, #tpu.memory_space<vmem>>
      %dma_wait3A_151 = tpu.memref_squeeze %dma_wait3A_150 : memref<1x1x128xi32, #tpu.memory_space<vmem>> -> memref<128xi32, #tpu.memory_space<vmem>>
      %dma_wait3A_152 = arith.constant 0 : i32
      %dma_wait3A_153 = arith.constant 0 : i32
      %dma_wait3A_154 = tpu.memref_slice %arg2[%dma_wait3A_152, %dma_wait3A_153] : memref<20000x128xf32, #tpu.memory_space<hbm>> -> memref<20000x128xf32, #tpu.memory_space<hbm>>
      tpu.wait_indirect_dma semaphore(%arg13 : memref<!tpu.dma_semaphore, #tpu.memory_space<semaphore_mem>>) src(%dma_wait3A_154 : memref<20000x128xf32, #tpu.memory_space<hbm>>) dst(%arg8 : memref<128x128xf32, #tpu.memory_space<vmem>>)
      %run_scoped3A_155 = arith.constant 4 : i32
      %run_scoped3A_156 = arith.constant 1 : i32
      "tpu.region"() ({
        %run_scoped3A_401 = tpu.sem_alloc : memref<!tpu.dma_semaphore, #tpu.memory_space<semaphore_mem>>
        %dma_start3A_402 = arith.constant 0 : i32
        %dma_start3A_403 = tpu.memref_slice %arg6[%run_scoped3A_155, %run_scoped3A_156, %dma_start3A_402] : memref<8x2x128xi32, #tpu.memory_space<vmem>> -> memref<1x1x128xi32, #tpu.memory_space<vmem>>
        %dma_start3A_404 = tpu.memref_squeeze %dma_start3A_403 : memref<1x1x128xi32, #tpu.memory_space<vmem>> -> memref<128xi32, #tpu.memory_space<vmem>>
        %dma_start3A_405 = arith.constant 0 : i32
        %dma_start3A_406 = arith.constant 0 : i32
        %dma_start3A_407 = tpu.memref_slice %arg10[%dma_start3A_405, %dma_start3A_406] : memref<10240x128xf32, #tpu.memory_space<vmem_shared>> -> memref<10240x128xf32, #tpu.memory_space<vmem_shared>>
        tpu.enqueue_indirect_dma source(%arg8 : memref<128x128xf32, #tpu.memory_space<vmem>>) target(%dma_start3A_407 : memref<10240x128xf32, #tpu.memory_space<vmem_shared>>) offsets(%dma_start3A_404 : memref<128xi32, #tpu.memory_space<vmem>>) semaphore(%run_scoped3A_401 : memref<!tpu.dma_semaphore, #tpu.memory_space<semaphore_mem>>) {add = true}
        %dma_wait3A_408 = arith.constant 0 : i32
        %dma_wait3A_409 = tpu.memref_slice %arg6[%run_scoped3A_155, %run_scoped3A_156, %dma_wait3A_408] : memref<8x2x128xi32, #tpu.memory_space<vmem>> -> memref<1x1x128xi32, #tpu.memory_space<vmem>>
        %dma_wait3A_410 = tpu.memref_squeeze %dma_wait3A_409 : memref<1x1x128xi32, #tpu.memory_space<vmem>> -> memref<128xi32, #tpu.memory_space<vmem>>
        %dma_wait3A_411 = arith.constant 0 : i32
        %dma_wait3A_412 = arith.constant 0 : i32
        %dma_wait3A_413 = tpu.memref_slice %arg10[%dma_wait3A_411, %dma_wait3A_412] : memref<10240x128xf32, #tpu.memory_space<vmem_shared>> -> memref<10240x128xf32, #tpu.memory_space<vmem_shared>>
        tpu.wait_indirect_dma semaphore(%run_scoped3A_401 : memref<!tpu.dma_semaphore, #tpu.memory_space<semaphore_mem>>) src(%arg8 : memref<128x128xf32, #tpu.memory_space<vmem>>) dst(%dma_wait3A_413 : memref<10240x128xf32, #tpu.memory_space<vmem_shared>>)
        tpu.yield
      }) : () -> ()
      %dma_start3A_157 = arith.constant 6 : i32
      %dma_start3A_158 = arith.constant 0 : i32
      %dma_start3A_159 = arith.constant 0 : i32
      %dma_start3A_160 = tpu.memref_slice %arg6[%dma_start3A_157, %dma_start3A_158, %dma_start3A_159] : memref<8x2x128xi32, #tpu.memory_space<vmem>> -> memref<1x1x128xi32, #tpu.memory_space<vmem>>
      %dma_start3A_161 = tpu.memref_squeeze %dma_start3A_160 : memref<1x1x128xi32, #tpu.memory_space<vmem>> -> memref<128xi32, #tpu.memory_space<vmem>>
      %dma_start3A_162 = arith.constant 0 : i32
      %dma_start3A_163 = arith.constant 0 : i32
      %dma_start3A_164 = tpu.memref_slice %arg2[%dma_start3A_162, %dma_start3A_163] : memref<20000x128xf32, #tpu.memory_space<hbm>> -> memref<20000x128xf32, #tpu.memory_space<hbm>>
      tpu.enqueue_indirect_dma source(%dma_start3A_164 : memref<20000x128xf32, #tpu.memory_space<hbm>>) target(%arg8 : memref<128x128xf32, #tpu.memory_space<vmem>>) offsets(%dma_start3A_161 : memref<128xi32, #tpu.memory_space<vmem>>) semaphore(%arg13 : memref<!tpu.dma_semaphore, #tpu.memory_space<semaphore_mem>>)
      %dma_wait3A_165 = arith.constant 0 : i32
      %dma_wait3A_166 = arith.constant 0 : i32
      %dma_wait3A_167 = arith.constant 0 : i32
      %dma_wait3A_168 = tpu.memref_slice %arg6[%dma_wait3A_165, %dma_wait3A_166, %dma_wait3A_167] : memref<8x2x128xi32, #tpu.memory_space<vmem>> -> memref<1x1x128xi32, #tpu.memory_space<vmem>>
      %dma_wait3A_169 = tpu.memref_squeeze %dma_wait3A_168 : memref<1x1x128xi32, #tpu.memory_space<vmem>> -> memref<128xi32, #tpu.memory_space<vmem>>
      %dma_wait3A_170 = arith.constant 0 : i32
      %dma_wait3A_171 = arith.constant 0 : i32
      %dma_wait3A_172 = tpu.memref_slice %arg2[%dma_wait3A_170, %dma_wait3A_171] : memref<20000x128xf32, #tpu.memory_space<hbm>> -> memref<20000x128xf32, #tpu.memory_space<hbm>>
      tpu.wait_indirect_dma semaphore(%arg14 : memref<!tpu.dma_semaphore, #tpu.memory_space<semaphore_mem>>) src(%dma_wait3A_172 : memref<20000x128xf32, #tpu.memory_space<hbm>>) dst(%arg9 : memref<128x128xf32, #tpu.memory_space<vmem>>)
      %run_scoped3A_173 = arith.constant 5 : i32
      %run_scoped3A_174 = arith.constant 1 : i32
      "tpu.region"() ({
        %run_scoped3A_401 = tpu.sem_alloc : memref<!tpu.dma_semaphore, #tpu.memory_space<semaphore_mem>>
        %dma_start3A_402 = arith.constant 0 : i32
        %dma_start3A_403 = tpu.memref_slice %arg6[%run_scoped3A_173, %run_scoped3A_174, %dma_start3A_402] : memref<8x2x128xi32, #tpu.memory_space<vmem>> -> memref<1x1x128xi32, #tpu.memory_space<vmem>>
        %dma_start3A_404 = tpu.memref_squeeze %dma_start3A_403 : memref<1x1x128xi32, #tpu.memory_space<vmem>> -> memref<128xi32, #tpu.memory_space<vmem>>
        %dma_start3A_405 = arith.constant 0 : i32
        %dma_start3A_406 = arith.constant 0 : i32
        %dma_start3A_407 = tpu.memref_slice %arg10[%dma_start3A_405, %dma_start3A_406] : memref<10240x128xf32, #tpu.memory_space<vmem_shared>> -> memref<10240x128xf32, #tpu.memory_space<vmem_shared>>
        tpu.enqueue_indirect_dma source(%arg9 : memref<128x128xf32, #tpu.memory_space<vmem>>) target(%dma_start3A_407 : memref<10240x128xf32, #tpu.memory_space<vmem_shared>>) offsets(%dma_start3A_404 : memref<128xi32, #tpu.memory_space<vmem>>) semaphore(%run_scoped3A_401 : memref<!tpu.dma_semaphore, #tpu.memory_space<semaphore_mem>>) {add = true}
        %dma_wait3A_408 = arith.constant 0 : i32
        %dma_wait3A_409 = tpu.memref_slice %arg6[%run_scoped3A_173, %run_scoped3A_174, %dma_wait3A_408] : memref<8x2x128xi32, #tpu.memory_space<vmem>> -> memref<1x1x128xi32, #tpu.memory_space<vmem>>
        %dma_wait3A_410 = tpu.memref_squeeze %dma_wait3A_409 : memref<1x1x128xi32, #tpu.memory_space<vmem>> -> memref<128xi32, #tpu.memory_space<vmem>>
        %dma_wait3A_411 = arith.constant 0 : i32
        %dma_wait3A_412 = arith.constant 0 : i32
        %dma_wait3A_413 = tpu.memref_slice %arg10[%dma_wait3A_411, %dma_wait3A_412] : memref<10240x128xf32, #tpu.memory_space<vmem_shared>> -> memref<10240x128xf32, #tpu.memory_space<vmem_shared>>
        tpu.wait_indirect_dma semaphore(%run_scoped3A_401 : memref<!tpu.dma_semaphore, #tpu.memory_space<semaphore_mem>>) src(%arg9 : memref<128x128xf32, #tpu.memory_space<vmem>>) dst(%dma_wait3A_413 : memref<10240x128xf32, #tpu.memory_space<vmem_shared>>)
        tpu.yield
      }) : () -> ()
      %dma_start3A_175 = arith.constant 7 : i32
      %dma_start3A_176 = arith.constant 0 : i32
      %dma_start3A_177 = arith.constant 0 : i32
      %dma_start3A_178 = tpu.memref_slice %arg6[%dma_start3A_175, %dma_start3A_176, %dma_start3A_177] : memref<8x2x128xi32, #tpu.memory_space<vmem>> -> memref<1x1x128xi32, #tpu.memory_space<vmem>>
      %dma_start3A_179 = tpu.memref_squeeze %dma_start3A_178 : memref<1x1x128xi32, #tpu.memory_space<vmem>> -> memref<128xi32, #tpu.memory_space<vmem>>
      %dma_start3A_180 = arith.constant 0 : i32
      %dma_start3A_181 = arith.constant 0 : i32
      %dma_start3A_182 = tpu.memref_slice %arg2[%dma_start3A_180, %dma_start3A_181] : memref<20000x128xf32, #tpu.memory_space<hbm>> -> memref<20000x128xf32, #tpu.memory_space<hbm>>
      tpu.enqueue_indirect_dma source(%dma_start3A_182 : memref<20000x128xf32, #tpu.memory_space<hbm>>) target(%arg9 : memref<128x128xf32, #tpu.memory_space<vmem>>) offsets(%dma_start3A_179 : memref<128xi32, #tpu.memory_space<vmem>>) semaphore(%arg14 : memref<!tpu.dma_semaphore, #tpu.memory_space<semaphore_mem>>)
      %dma_wait3A_183 = arith.constant 0 : i32
      %dma_wait3A_184 = arith.constant 0 : i32
      %dma_wait3A_185 = arith.constant 0 : i32
      %dma_wait3A_186 = tpu.memref_slice %arg6[%dma_wait3A_183, %dma_wait3A_184, %dma_wait3A_185] : memref<8x2x128xi32, #tpu.memory_space<vmem>> -> memref<1x1x128xi32, #tpu.memory_space<vmem>>
      %dma_wait3A_187 = tpu.memref_squeeze %dma_wait3A_186 : memref<1x1x128xi32, #tpu.memory_space<vmem>> -> memref<128xi32, #tpu.memory_space<vmem>>
      %dma_wait3A_188 = arith.constant 0 : i32
      %dma_wait3A_189 = arith.constant 0 : i32
      %dma_wait3A_190 = tpu.memref_slice %arg2[%dma_wait3A_188, %dma_wait3A_189] : memref<20000x128xf32, #tpu.memory_space<hbm>> -> memref<20000x128xf32, #tpu.memory_space<hbm>>
      tpu.wait_indirect_dma semaphore(%arg13 : memref<!tpu.dma_semaphore, #tpu.memory_space<semaphore_mem>>) src(%dma_wait3A_190 : memref<20000x128xf32, #tpu.memory_space<hbm>>) dst(%arg8 : memref<128x128xf32, #tpu.memory_space<vmem>>)
      %run_scoped3A_191 = arith.constant 6 : i32
      %run_scoped3A_192 = arith.constant 1 : i32
      "tpu.region"() ({
        %run_scoped3A_401 = tpu.sem_alloc : memref<!tpu.dma_semaphore, #tpu.memory_space<semaphore_mem>>
        %dma_start3A_402 = arith.constant 0 : i32
        %dma_start3A_403 = tpu.memref_slice %arg6[%run_scoped3A_191, %run_scoped3A_192, %dma_start3A_402] : memref<8x2x128xi32, #tpu.memory_space<vmem>> -> memref<1x1x128xi32, #tpu.memory_space<vmem>>
        %dma_start3A_404 = tpu.memref_squeeze %dma_start3A_403 : memref<1x1x128xi32, #tpu.memory_space<vmem>> -> memref<128xi32, #tpu.memory_space<vmem>>
        %dma_start3A_405 = arith.constant 0 : i32
        %dma_start3A_406 = arith.constant 0 : i32
        %dma_start3A_407 = tpu.memref_slice %arg10[%dma_start3A_405, %dma_start3A_406] : memref<10240x128xf32, #tpu.memory_space<vmem_shared>> -> memref<10240x128xf32, #tpu.memory_space<vmem_shared>>
        tpu.enqueue_indirect_dma source(%arg8 : memref<128x128xf32, #tpu.memory_space<vmem>>) target(%dma_start3A_407 : memref<10240x128xf32, #tpu.memory_space<vmem_shared>>) offsets(%dma_start3A_404 : memref<128xi32, #tpu.memory_space<vmem>>) semaphore(%run_scoped3A_401 : memref<!tpu.dma_semaphore, #tpu.memory_space<semaphore_mem>>) {add = true}
        %dma_wait3A_408 = arith.constant 0 : i32
        %dma_wait3A_409 = tpu.memref_slice %arg6[%run_scoped3A_191, %run_scoped3A_192, %dma_wait3A_408] : memref<8x2x128xi32, #tpu.memory_space<vmem>> -> memref<1x1x128xi32, #tpu.memory_space<vmem>>
        %dma_wait3A_410 = tpu.memref_squeeze %dma_wait3A_409 : memref<1x1x128xi32, #tpu.memory_space<vmem>> -> memref<128xi32, #tpu.memory_space<vmem>>
        %dma_wait3A_411 = arith.constant 0 : i32
        %dma_wait3A_412 = arith.constant 0 : i32
        %dma_wait3A_413 = tpu.memref_slice %arg10[%dma_wait3A_411, %dma_wait3A_412] : memref<10240x128xf32, #tpu.memory_space<vmem_shared>> -> memref<10240x128xf32, #tpu.memory_space<vmem_shared>>
        tpu.wait_indirect_dma semaphore(%run_scoped3A_401 : memref<!tpu.dma_semaphore, #tpu.memory_space<semaphore_mem>>) src(%arg8 : memref<128x128xf32, #tpu.memory_space<vmem>>) dst(%dma_wait3A_413 : memref<10240x128xf32, #tpu.memory_space<vmem_shared>>)
        tpu.yield
      }) : () -> ()
      %dma_wait3A_193 = arith.constant 0 : i32
      %dma_wait3A_194 = arith.constant 0 : i32
      %dma_wait3A_195 = arith.constant 0 : i32
      %dma_wait3A_196 = tpu.memref_slice %arg3[%arg0, %arg1, %dma_wait3A_193, %dma_wait3A_194, %dma_wait3A_195] : memref<2x16x160x2x128xi32, #tpu.memory_space<hbm>> -> memref<1x1x8x2x128xi32, #tpu.memory_space<hbm>>
      %dma_wait3A_197 = tpu.memref_squeeze %dma_wait3A_196 : memref<1x1x8x2x128xi32, #tpu.memory_space<hbm>> -> memref<8x2x128xi32, #tpu.memory_space<hbm>>
      %dma_wait3A_198 = arith.constant 0 : i32
      %dma_wait3A_199 = arith.constant 0 : i32
      %dma_wait3A_200 = arith.constant 0 : i32
      %dma_wait3A_201 = tpu.memref_slice %arg3[%arg0, %arg1, %dma_wait3A_198, %dma_wait3A_199, %dma_wait3A_200] : memref<2x16x160x2x128xi32, #tpu.memory_space<hbm>> -> memref<1x1x8x2x128xi32, #tpu.memory_space<hbm>>
      %dma_wait3A_202 = tpu.memref_squeeze %dma_wait3A_201 : memref<1x1x8x2x128xi32, #tpu.memory_space<hbm>> -> memref<8x2x128xi32, #tpu.memory_space<hbm>>
      tpu.wait_dma2 semaphore(%arg12 : memref<!tpu.dma_semaphore, #tpu.memory_space<semaphore_mem>>) src(%dma_wait3A_202 : memref<8x2x128xi32, #tpu.memory_space<hbm>>) dst(%arg7 : memref<8x2x128xi32, #tpu.memory_space<vmem>>)
      %dma_start3A_203 = arith.constant 0 : i32
      %dma_start3A_204 = arith.constant 0 : i32
      %dma_start3A_205 = arith.constant 0 : i32
      %dma_start3A_206 = tpu.memref_slice %arg7[%dma_start3A_203, %dma_start3A_204, %dma_start3A_205] : memref<8x2x128xi32, #tpu.memory_space<vmem>> -> memref<1x1x128xi32, #tpu.memory_space<vmem>>
      %dma_start3A_207 = tpu.memref_squeeze %dma_start3A_206 : memref<1x1x128xi32, #tpu.memory_space<vmem>> -> memref<128xi32, #tpu.memory_space<vmem>>
      %dma_start3A_208 = arith.constant 0 : i32
      %dma_start3A_209 = arith.constant 0 : i32
      %dma_start3A_210 = tpu.memref_slice %arg2[%dma_start3A_208, %dma_start3A_209] : memref<20000x128xf32, #tpu.memory_space<hbm>> -> memref<20000x128xf32, #tpu.memory_space<hbm>>
      tpu.enqueue_indirect_dma source(%dma_start3A_210 : memref<20000x128xf32, #tpu.memory_space<hbm>>) target(%arg8 : memref<128x128xf32, #tpu.memory_space<vmem>>) offsets(%dma_start3A_207 : memref<128xi32, #tpu.memory_space<vmem>>) semaphore(%arg13 : memref<!tpu.dma_semaphore, #tpu.memory_space<semaphore_mem>>)
      %dma_wait3A_211 = arith.constant 0 : i32
      %dma_wait3A_212 = arith.constant 0 : i32
      %dma_wait3A_213 = arith.constant 0 : i32
      %dma_wait3A_214 = tpu.memref_slice %arg6[%dma_wait3A_211, %dma_wait3A_212, %dma_wait3A_213] : memref<8x2x128xi32, #tpu.memory_space<vmem>> -> memref<1x1x128xi32, #tpu.memory_space<vmem>>
      %dma_wait3A_215 = tpu.memref_squeeze %dma_wait3A_214 : memref<1x1x128xi32, #tpu.memory_space<vmem>> -> memref<128xi32, #tpu.memory_space<vmem>>
      %dma_wait3A_216 = arith.constant 0 : i32
      %dma_wait3A_217 = arith.constant 0 : i32
      %dma_wait3A_218 = tpu.memref_slice %arg2[%dma_wait3A_216, %dma_wait3A_217] : memref<20000x128xf32, #tpu.memory_space<hbm>> -> memref<20000x128xf32, #tpu.memory_space<hbm>>
      tpu.wait_indirect_dma semaphore(%arg14 : memref<!tpu.dma_semaphore, #tpu.memory_space<semaphore_mem>>) src(%dma_wait3A_218 : memref<20000x128xf32, #tpu.memory_space<hbm>>) dst(%arg9 : memref<128x128xf32, #tpu.memory_space<vmem>>)
      %run_scoped3A_219 = arith.constant 7 : i32
      %run_scoped3A_220 = arith.constant 1 : i32
      "tpu.region"() ({
        %run_scoped3A_401 = tpu.sem_alloc : memref<!tpu.dma_semaphore, #tpu.memory_space<semaphore_mem>>
        %dma_start3A_402 = arith.constant 0 : i32
        %dma_start3A_403 = tpu.memref_slice %arg6[%run_scoped3A_219, %run_scoped3A_220, %dma_start3A_402] : memref<8x2x128xi32, #tpu.memory_space<vmem>> -> memref<1x1x128xi32, #tpu.memory_space<vmem>>
        %dma_start3A_404 = tpu.memref_squeeze %dma_start3A_403 : memref<1x1x128xi32, #tpu.memory_space<vmem>> -> memref<128xi32, #tpu.memory_space<vmem>>
        %dma_start3A_405 = arith.constant 0 : i32
        %dma_start3A_406 = arith.constant 0 : i32
        %dma_start3A_407 = tpu.memref_slice %arg10[%dma_start3A_405, %dma_start3A_406] : memref<10240x128xf32, #tpu.memory_space<vmem_shared>> -> memref<10240x128xf32, #tpu.memory_space<vmem_shared>>
        tpu.enqueue_indirect_dma source(%arg9 : memref<128x128xf32, #tpu.memory_space<vmem>>) target(%dma_start3A_407 : memref<10240x128xf32, #tpu.memory_space<vmem_shared>>) offsets(%dma_start3A_404 : memref<128xi32, #tpu.memory_space<vmem>>) semaphore(%run_scoped3A_401 : memref<!tpu.dma_semaphore, #tpu.memory_space<semaphore_mem>>) {add = true}
        %dma_wait3A_408 = arith.constant 0 : i32
        %dma_wait3A_409 = tpu.memref_slice %arg6[%run_scoped3A_219, %run_scoped3A_220, %dma_wait3A_408] : memref<8x2x128xi32, #tpu.memory_space<vmem>> -> memref<1x1x128xi32, #tpu.memory_space<vmem>>
        %dma_wait3A_410 = tpu.memref_squeeze %dma_wait3A_409 : memref<1x1x128xi32, #tpu.memory_space<vmem>> -> memref<128xi32, #tpu.memory_space<vmem>>
        %dma_wait3A_411 = arith.constant 0 : i32
        %dma_wait3A_412 = arith.constant 0 : i32
        %dma_wait3A_413 = tpu.memref_slice %arg10[%dma_wait3A_411, %dma_wait3A_412] : memref<10240x128xf32, #tpu.memory_space<vmem_shared>> -> memref<10240x128xf32, #tpu.memory_space<vmem_shared>>
        tpu.wait_indirect_dma semaphore(%run_scoped3A_401 : memref<!tpu.dma_semaphore, #tpu.memory_space<semaphore_mem>>) src(%arg9 : memref<128x128xf32, #tpu.memory_space<vmem>>) dst(%dma_wait3A_413 : memref<10240x128xf32, #tpu.memory_space<vmem_shared>>)
        tpu.yield
      }) : () -> ()
      %add3A = arith.constant 2 : i32
      %add3A_221 = arith.addi %mul3A_67, %add3A : i32
      %min3A = arith.constant 19 : i32
      %min3A_222 = arith.minsi %add3A_221, %min3A : i32
      %mul3A_223 = arith.constant 8 : i32
      %mul3A_224 = arith.muli %min3A_222, %mul3A_223 : i32
      %dma_start3A_225 = arith.constant 0 : i32
      %dma_start3A_226 = arith.constant 0 : i32
      %dma_start3A_227 = tpu.memref_slice %arg3[%arg0, %arg1, %mul3A_224, %dma_start3A_225, %dma_start3A_226] : memref<2x16x160x2x128xi32, #tpu.memory_space<hbm>> -> memref<1x1x8x2x128xi32, #tpu.memory_space<hbm>>
      %dma_start3A_228 = tpu.memref_squeeze %dma_start3A_227 : memref<1x1x8x2x128xi32, #tpu.memory_space<hbm>> -> memref<8x2x128xi32, #tpu.memory_space<hbm>>
      %dma_start3A_229 = arith.constant 0 : i32
      %dma_start3A_230 = arith.constant 0 : i32
      %dma_start3A_231 = tpu.memref_slice %arg3[%arg0, %arg1, %mul3A_224, %dma_start3A_229, %dma_start3A_230] : memref<2x16x160x2x128xi32, #tpu.memory_space<hbm>> -> memref<1x1x8x2x128xi32, #tpu.memory_space<hbm>>
      %dma_start3A_232 = tpu.memref_squeeze %dma_start3A_231 : memref<1x1x8x2x128xi32, #tpu.memory_space<hbm>> -> memref<8x2x128xi32, #tpu.memory_space<hbm>>
      tpu.enqueue_dma source(%dma_start3A_232 : memref<8x2x128xi32, #tpu.memory_space<hbm>>) target(%arg6 : memref<8x2x128xi32, #tpu.memory_space<vmem>>) target_semaphore(%arg11 : memref<!tpu.dma_semaphore, #tpu.memory_space<semaphore_mem>>)
      %dma_start3A_233 = arith.constant 1 : i32
      %dma_start3A_234 = arith.constant 0 : i32
      %dma_start3A_235 = arith.constant 0 : i32
      %dma_start3A_236 = tpu.memref_slice %arg7[%dma_start3A_233, %dma_start3A_234, %dma_start3A_235] : memref<8x2x128xi32, #tpu.memory_space<vmem>> -> memref<1x1x128xi32, #tpu.memory_space<vmem>>
      %dma_start3A_237 = tpu.memref_squeeze %dma_start3A_236 : memref<1x1x128xi32, #tpu.memory_space<vmem>> -> memref<128xi32, #tpu.memory_space<vmem>>
      %dma_start3A_238 = arith.constant 0 : i32
      %dma_start3A_239 = arith.constant 0 : i32
      %dma_start3A_240 = tpu.memref_slice %arg2[%dma_start3A_238, %dma_start3A_239] : memref<20000x128xf32, #tpu.memory_space<hbm>> -> memref<20000x128xf32, #tpu.memory_space<hbm>>
      tpu.enqueue_indirect_dma source(%dma_start3A_240 : memref<20000x128xf32, #tpu.memory_space<hbm>>) target(%arg9 : memref<128x128xf32, #tpu.memory_space<vmem>>) offsets(%dma_start3A_237 : memref<128xi32, #tpu.memory_space<vmem>>) semaphore(%arg14 : memref<!tpu.dma_semaphore, #tpu.memory_space<semaphore_mem>>)
      %dma_wait3A_241 = arith.constant 0 : i32
      %dma_wait3A_242 = arith.constant 0 : i32
      %dma_wait3A_243 = arith.constant 0 : i32
      %dma_wait3A_244 = tpu.memref_slice %arg6[%dma_wait3A_241, %dma_wait3A_242, %dma_wait3A_243] : memref<8x2x128xi32, #tpu.memory_space<vmem>> -> memref<1x1x128xi32, #tpu.memory_space<vmem>>
      %dma_wait3A_245 = tpu.memref_squeeze %dma_wait3A_244 : memref<1x1x128xi32, #tpu.memory_space<vmem>> -> memref<128xi32, #tpu.memory_space<vmem>>
      %dma_wait3A_246 = arith.constant 0 : i32
      %dma_wait3A_247 = arith.constant 0 : i32
      %dma_wait3A_248 = tpu.memref_slice %arg2[%dma_wait3A_246, %dma_wait3A_247] : memref<20000x128xf32, #tpu.memory_space<hbm>> -> memref<20000x128xf32, #tpu.memory_space<hbm>>
      tpu.wait_indirect_dma semaphore(%arg13 : memref<!tpu.dma_semaphore, #tpu.memory_space<semaphore_mem>>) src(%dma_wait3A_248 : memref<20000x128xf32, #tpu.memory_space<hbm>>) dst(%arg8 : memref<128x128xf32, #tpu.memory_space<vmem>>)
      %run_scoped3A_249 = arith.constant 0 : i32
      %run_scoped3A_250 = arith.constant 1 : i32
      "tpu.region"() ({
        %run_scoped3A_401 = tpu.sem_alloc : memref<!tpu.dma_semaphore, #tpu.memory_space<semaphore_mem>>
        %dma_start3A_402 = arith.constant 0 : i32
        %dma_start3A_403 = tpu.memref_slice %arg7[%run_scoped3A_249, %run_scoped3A_250, %dma_start3A_402] : memref<8x2x128xi32, #tpu.memory_space<vmem>> -> memref<1x1x128xi32, #tpu.memory_space<vmem>>
        %dma_start3A_404 = tpu.memref_squeeze %dma_start3A_403 : memref<1x1x128xi32, #tpu.memory_space<vmem>> -> memref<128xi32, #tpu.memory_space<vmem>>
        %dma_start3A_405 = arith.constant 0 : i32
        %dma_start3A_406 = arith.constant 0 : i32
        %dma_start3A_407 = tpu.memref_slice %arg10[%dma_start3A_405, %dma_start3A_406] : memref<10240x128xf32, #tpu.memory_space<vmem_shared>> -> memref<10240x128xf32, #tpu.memory_space<vmem_shared>>
        tpu.enqueue_indirect_dma source(%arg8 : memref<128x128xf32, #tpu.memory_space<vmem>>) target(%dma_start3A_407 : memref<10240x128xf32, #tpu.memory_space<vmem_shared>>) offsets(%dma_start3A_404 : memref<128xi32, #tpu.memory_space<vmem>>) semaphore(%run_scoped3A_401 : memref<!tpu.dma_semaphore, #tpu.memory_space<semaphore_mem>>) {add = true}
        %dma_wait3A_408 = arith.constant 0 : i32
        %dma_wait3A_409 = tpu.memref_slice %arg7[%run_scoped3A_249, %run_scoped3A_250, %dma_wait3A_408] : memref<8x2x128xi32, #tpu.memory_space<vmem>> -> memref<1x1x128xi32, #tpu.memory_space<vmem>>
        %dma_wait3A_410 = tpu.memref_squeeze %dma_wait3A_409 : memref<1x1x128xi32, #tpu.memory_space<vmem>> -> memref<128xi32, #tpu.memory_space<vmem>>
        %dma_wait3A_411 = arith.constant 0 : i32
        %dma_wait3A_412 = arith.constant 0 : i32
        %dma_wait3A_413 = tpu.memref_slice %arg10[%dma_wait3A_411, %dma_wait3A_412] : memref<10240x128xf32, #tpu.memory_space<vmem_shared>> -> memref<10240x128xf32, #tpu.memory_space<vmem_shared>>
        tpu.wait_indirect_dma semaphore(%run_scoped3A_401 : memref<!tpu.dma_semaphore, #tpu.memory_space<semaphore_mem>>) src(%arg8 : memref<128x128xf32, #tpu.memory_space<vmem>>) dst(%dma_wait3A_413 : memref<10240x128xf32, #tpu.memory_space<vmem_shared>>)
        tpu.yield
      }) : () -> ()
      %dma_start3A_251 = arith.constant 2 : i32
      %dma_start3A_252 = arith.constant 0 : i32
      %dma_start3A_253 = arith.constant 0 : i32
      %dma_start3A_254 = tpu.memref_slice %arg7[%dma_start3A_251, %dma_start3A_252, %dma_start3A_253] : memref<8x2x128xi32, #tpu.memory_space<vmem>> -> memref<1x1x128xi32, #tpu.memory_space<vmem>>
      %dma_start3A_255 = tpu.memref_squeeze %dma_start3A_254 : memref<1x1x128xi32, #tpu.memory_space<vmem>> -> memref<128xi32, #tpu.memory_space<vmem>>
      %dma_start3A_256 = arith.constant 0 : i32
      %dma_start3A_257 = arith.constant 0 : i32
      %dma_start3A_258 = tpu.memref_slice %arg2[%dma_start3A_256, %dma_start3A_257] : memref<20000x128xf32, #tpu.memory_space<hbm>> -> memref<20000x128xf32, #tpu.memory_space<hbm>>
      tpu.enqueue_indirect_dma source(%dma_start3A_258 : memref<20000x128xf32, #tpu.memory_space<hbm>>) target(%arg8 : memref<128x128xf32, #tpu.memory_space<vmem>>) offsets(%dma_start3A_255 : memref<128xi32, #tpu.memory_space<vmem>>) semaphore(%arg13 : memref<!tpu.dma_semaphore, #tpu.memory_space<semaphore_mem>>)
      %dma_wait3A_259 = arith.constant 0 : i32
      %dma_wait3A_260 = arith.constant 0 : i32
      %dma_wait3A_261 = arith.constant 0 : i32
      %dma_wait3A_262 = tpu.memref_slice %arg6[%dma_wait3A_259, %dma_wait3A_260, %dma_wait3A_261] : memref<8x2x128xi32, #tpu.memory_space<vmem>> -> memref<1x1x128xi32, #tpu.memory_space<vmem>>
      %dma_wait3A_263 = tpu.memref_squeeze %dma_wait3A_262 : memref<1x1x128xi32, #tpu.memory_space<vmem>> -> memref<128xi32, #tpu.memory_space<vmem>>
      %dma_wait3A_264 = arith.constant 0 : i32
      %dma_wait3A_265 = arith.constant 0 : i32
      %dma_wait3A_266 = tpu.memref_slice %arg2[%dma_wait3A_264, %dma_wait3A_265] : memref<20000x128xf32, #tpu.memory_space<hbm>> -> memref<20000x128xf32, #tpu.memory_space<hbm>>
      tpu.wait_indirect_dma semaphore(%arg14 : memref<!tpu.dma_semaphore, #tpu.memory_space<semaphore_mem>>) src(%dma_wait3A_266 : memref<20000x128xf32, #tpu.memory_space<hbm>>) dst(%arg9 : memref<128x128xf32, #tpu.memory_space<vmem>>)
      %run_scoped3A_267 = arith.constant 1 : i32
      %run_scoped3A_268 = arith.constant 1 : i32
      "tpu.region"() ({
        %run_scoped3A_401 = tpu.sem_alloc : memref<!tpu.dma_semaphore, #tpu.memory_space<semaphore_mem>>
        %dma_start3A_402 = arith.constant 0 : i32
        %dma_start3A_403 = tpu.memref_slice %arg7[%run_scoped3A_267, %run_scoped3A_268, %dma_start3A_402] : memref<8x2x128xi32, #tpu.memory_space<vmem>> -> memref<1x1x128xi32, #tpu.memory_space<vmem>>
        %dma_start3A_404 = tpu.memref_squeeze %dma_start3A_403 : memref<1x1x128xi32, #tpu.memory_space<vmem>> -> memref<128xi32, #tpu.memory_space<vmem>>
        %dma_start3A_405 = arith.constant 0 : i32
        %dma_start3A_406 = arith.constant 0 : i32
        %dma_start3A_407 = tpu.memref_slice %arg10[%dma_start3A_405, %dma_start3A_406] : memref<10240x128xf32, #tpu.memory_space<vmem_shared>> -> memref<10240x128xf32, #tpu.memory_space<vmem_shared>>
        tpu.enqueue_indirect_dma source(%arg9 : memref<128x128xf32, #tpu.memory_space<vmem>>) target(%dma_start3A_407 : memref<10240x128xf32, #tpu.memory_space<vmem_shared>>) offsets(%dma_start3A_404 : memref<128xi32, #tpu.memory_space<vmem>>) semaphore(%run_scoped3A_401 : memref<!tpu.dma_semaphore, #tpu.memory_space<semaphore_mem>>) {add = true}
        %dma_wait3A_408 = arith.constant 0 : i32
        %dma_wait3A_409 = tpu.memref_slice %arg7[%run_scoped3A_267, %run_scoped3A_268, %dma_wait3A_408] : memref<8x2x128xi32, #tpu.memory_space<vmem>> -> memref<1x1x128xi32, #tpu.memory_space<vmem>>
        %dma_wait3A_410 = tpu.memref_squeeze %dma_wait3A_409 : memref<1x1x128xi32, #tpu.memory_space<vmem>> -> memref<128xi32, #tpu.memory_space<vmem>>
        %dma_wait3A_411 = arith.constant 0 : i32
        %dma_wait3A_412 = arith.constant 0 : i32
        %dma_wait3A_413 = tpu.memref_slice %arg10[%dma_wait3A_411, %dma_wait3A_412] : memref<10240x128xf32, #tpu.memory_space<vmem_shared>> -> memref<10240x128xf32, #tpu.memory_space<vmem_shared>>
        tpu.wait_indirect_dma semaphore(%run_scoped3A_401 : memref<!tpu.dma_semaphore, #tpu.memory_space<semaphore_mem>>) src(%arg9 : memref<128x128xf32, #tpu.memory_space<vmem>>) dst(%dma_wait3A_413 : memref<10240x128xf32, #tpu.memory_space<vmem_shared>>)
        tpu.yield
      }) : () -> ()
      %dma_start3A_269 = arith.constant 3 : i32
      %dma_start3A_270 = arith.constant 0 : i32
      %dma_start3A_271 = arith.constant 0 : i32
      %dma_start3A_272 = tpu.memref_slice %arg7[%dma_start3A_269, %dma_start3A_270, %dma_start3A_271] : memref<8x2x128xi32, #tpu.memory_space<vmem>> -> memref<1x1x128xi32, #tpu.memory_space<vmem>>
      %dma_start3A_273 = tpu.memref_squeeze %dma_start3A_272 : memref<1x1x128xi32, #tpu.memory_space<vmem>> -> memref<128xi32, #tpu.memory_space<vmem>>
      %dma_start3A_274 = arith.constant 0 : i32
      %dma_start3A_275 = arith.constant 0 : i32
      %dma_start3A_276 = tpu.memref_slice %arg2[%dma_start3A_274, %dma_start3A_275] : memref<20000x128xf32, #tpu.memory_space<hbm>> -> memref<20000x128xf32, #tpu.memory_space<hbm>>
      tpu.enqueue_indirect_dma source(%dma_start3A_276 : memref<20000x128xf32, #tpu.memory_space<hbm>>) target(%arg9 : memref<128x128xf32, #tpu.memory_space<vmem>>) offsets(%dma_start3A_273 : memref<128xi32, #tpu.memory_space<vmem>>) semaphore(%arg14 : memref<!tpu.dma_semaphore, #tpu.memory_space<semaphore_mem>>)
      %dma_wait3A_277 = arith.constant 0 : i32
      %dma_wait3A_278 = arith.constant 0 : i32
      %dma_wait3A_279 = arith.constant 0 : i32
      %dma_wait3A_280 = tpu.memref_slice %arg6[%dma_wait3A_277, %dma_wait3A_278, %dma_wait3A_279] : memref<8x2x128xi32, #tpu.memory_space<vmem>> -> memref<1x1x128xi32, #tpu.memory_space<vmem>>
      %dma_wait3A_281 = tpu.memref_squeeze %dma_wait3A_280 : memref<1x1x128xi32, #tpu.memory_space<vmem>> -> memref<128xi32, #tpu.memory_space<vmem>>
      %dma_wait3A_282 = arith.constant 0 : i32
      %dma_wait3A_283 = arith.constant 0 : i32
      %dma_wait3A_284 = tpu.memref_slice %arg2[%dma_wait3A_282, %dma_wait3A_283] : memref<20000x128xf32, #tpu.memory_space<hbm>> -> memref<20000x128xf32, #tpu.memory_space<hbm>>
      tpu.wait_indirect_dma semaphore(%arg13 : memref<!tpu.dma_semaphore, #tpu.memory_space<semaphore_mem>>) src(%dma_wait3A_284 : memref<20000x128xf32, #tpu.memory_space<hbm>>) dst(%arg8 : memref<128x128xf32, #tpu.memory_space<vmem>>)
      %run_scoped3A_285 = arith.constant 2 : i32
      %run_scoped3A_286 = arith.constant 1 : i32
      "tpu.region"() ({
        %run_scoped3A_401 = tpu.sem_alloc : memref<!tpu.dma_semaphore, #tpu.memory_space<semaphore_mem>>
        %dma_start3A_402 = arith.constant 0 : i32
        %dma_start3A_403 = tpu.memref_slice %arg7[%run_scoped3A_285, %run_scoped3A_286, %dma_start3A_402] : memref<8x2x128xi32, #tpu.memory_space<vmem>> -> memref<1x1x128xi32, #tpu.memory_space<vmem>>
        %dma_start3A_404 = tpu.memref_squeeze %dma_start3A_403 : memref<1x1x128xi32, #tpu.memory_space<vmem>> -> memref<128xi32, #tpu.memory_space<vmem>>
        %dma_start3A_405 = arith.constant 0 : i32
        %dma_start3A_406 = arith.constant 0 : i32
        %dma_start3A_407 = tpu.memref_slice %arg10[%dma_start3A_405, %dma_start3A_406] : memref<10240x128xf32, #tpu.memory_space<vmem_shared>> -> memref<10240x128xf32, #tpu.memory_space<vmem_shared>>
        tpu.enqueue_indirect_dma source(%arg8 : memref<128x128xf32, #tpu.memory_space<vmem>>) target(%dma_start3A_407 : memref<10240x128xf32, #tpu.memory_space<vmem_shared>>) offsets(%dma_start3A_404 : memref<128xi32, #tpu.memory_space<vmem>>) semaphore(%run_scoped3A_401 : memref<!tpu.dma_semaphore, #tpu.memory_space<semaphore_mem>>) {add = true}
        %dma_wait3A_408 = arith.constant 0 : i32
        %dma_wait3A_409 = tpu.memref_slice %arg7[%run_scoped3A_285, %run_scoped3A_286, %dma_wait3A_408] : memref<8x2x128xi32, #tpu.memory_space<vmem>> -> memref<1x1x128xi32, #tpu.memory_space<vmem>>
        %dma_wait3A_410 = tpu.memref_squeeze %dma_wait3A_409 : memref<1x1x128xi32, #tpu.memory_space<vmem>> -> memref<128xi32, #tpu.memory_space<vmem>>
        %dma_wait3A_411 = arith.constant 0 : i32
        %dma_wait3A_412 = arith.constant 0 : i32
        %dma_wait3A_413 = tpu.memref_slice %arg10[%dma_wait3A_411, %dma_wait3A_412] : memref<10240x128xf32, #tpu.memory_space<vmem_shared>> -> memref<10240x128xf32, #tpu.memory_space<vmem_shared>>
        tpu.wait_indirect_dma semaphore(%run_scoped3A_401 : memref<!tpu.dma_semaphore, #tpu.memory_space<semaphore_mem>>) src(%arg8 : memref<128x128xf32, #tpu.memory_space<vmem>>) dst(%dma_wait3A_413 : memref<10240x128xf32, #tpu.memory_space<vmem_shared>>)
        tpu.yield
      }) : () -> ()
      %dma_start3A_287 = arith.constant 4 : i32
      %dma_start3A_288 = arith.constant 0 : i32
      %dma_start3A_289 = arith.constant 0 : i32
      %dma_start3A_290 = tpu.memref_slice %arg7[%dma_start3A_287, %dma_start3A_288, %dma_start3A_289] : memref<8x2x128xi32, #tpu.memory_space<vmem>> -> memref<1x1x128xi32, #tpu.memory_space<vmem>>
      %dma_start3A_291 = tpu.memref_squeeze %dma_start3A_290 : memref<1x1x128xi32, #tpu.memory_space<vmem>> -> memref<128xi32, #tpu.memory_space<vmem>>
      %dma_start3A_292 = arith.constant 0 : i32
      %dma_start3A_293 = arith.constant 0 : i32
      %dma_start3A_294 = tpu.memref_slice %arg2[%dma_start3A_292, %dma_start3A_293] : memref<20000x128xf32, #tpu.memory_space<hbm>> -> memref<20000x128xf32, #tpu.memory_space<hbm>>
      tpu.enqueue_indirect_dma source(%dma_start3A_294 : memref<20000x128xf32, #tpu.memory_space<hbm>>) target(%arg8 : memref<128x128xf32, #tpu.memory_space<vmem>>) offsets(%dma_start3A_291 : memref<128xi32, #tpu.memory_space<vmem>>) semaphore(%arg13 : memref<!tpu.dma_semaphore, #tpu.memory_space<semaphore_mem>>)
      %dma_wait3A_295 = arith.constant 0 : i32
      %dma_wait3A_296 = arith.constant 0 : i32
      %dma_wait3A_297 = arith.constant 0 : i32
      %dma_wait3A_298 = tpu.memref_slice %arg6[%dma_wait3A_295, %dma_wait3A_296, %dma_wait3A_297] : memref<8x2x128xi32, #tpu.memory_space<vmem>> -> memref<1x1x128xi32, #tpu.memory_space<vmem>>
      %dma_wait3A_299 = tpu.memref_squeeze %dma_wait3A_298 : memref<1x1x128xi32, #tpu.memory_space<vmem>> -> memref<128xi32, #tpu.memory_space<vmem>>
      %dma_wait3A_300 = arith.constant 0 : i32
      %dma_wait3A_301 = arith.constant 0 : i32
      %dma_wait3A_302 = tpu.memref_slice %arg2[%dma_wait3A_300, %dma_wait3A_301] : memref<20000x128xf32, #tpu.memory_space<hbm>> -> memref<20000x128xf32, #tpu.memory_space<hbm>>
      tpu.wait_indirect_dma semaphore(%arg14 : memref<!tpu.dma_semaphore, #tpu.memory_space<semaphore_mem>>) src(%dma_wait3A_302 : memref<20000x128xf32, #tpu.memory_space<hbm>>) dst(%arg9 : memref<128x128xf32, #tpu.memory_space<vmem>>)
      %run_scoped3A_303 = arith.constant 3 : i32
      %run_scoped3A_304 = arith.constant 1 : i32
      "tpu.region"() ({
        %run_scoped3A_401 = tpu.sem_alloc : memref<!tpu.dma_semaphore, #tpu.memory_space<semaphore_mem>>
        %dma_start3A_402 = arith.constant 0 : i32
        %dma_start3A_403 = tpu.memref_slice %arg7[%run_scoped3A_303, %run_scoped3A_304, %dma_start3A_402] : memref<8x2x128xi32, #tpu.memory_space<vmem>> -> memref<1x1x128xi32, #tpu.memory_space<vmem>>
        %dma_start3A_404 = tpu.memref_squeeze %dma_start3A_403 : memref<1x1x128xi32, #tpu.memory_space<vmem>> -> memref<128xi32, #tpu.memory_space<vmem>>
        %dma_start3A_405 = arith.constant 0 : i32
        %dma_start3A_406 = arith.constant 0 : i32
        %dma_start3A_407 = tpu.memref_slice %arg10[%dma_start3A_405, %dma_start3A_406] : memref<10240x128xf32, #tpu.memory_space<vmem_shared>> -> memref<10240x128xf32, #tpu.memory_space<vmem_shared>>
        tpu.enqueue_indirect_dma source(%arg9 : memref<128x128xf32, #tpu.memory_space<vmem>>) target(%dma_start3A_407 : memref<10240x128xf32, #tpu.memory_space<vmem_shared>>) offsets(%dma_start3A_404 : memref<128xi32, #tpu.memory_space<vmem>>) semaphore(%run_scoped3A_401 : memref<!tpu.dma_semaphore, #tpu.memory_space<semaphore_mem>>) {add = true}
        %dma_wait3A_408 = arith.constant 0 : i32
        %dma_wait3A_409 = tpu.memref_slice %arg7[%run_scoped3A_303, %run_scoped3A_304, %dma_wait3A_408] : memref<8x2x128xi32, #tpu.memory_space<vmem>> -> memref<1x1x128xi32, #tpu.memory_space<vmem>>
        %dma_wait3A_410 = tpu.memref_squeeze %dma_wait3A_409 : memref<1x1x128xi32, #tpu.memory_space<vmem>> -> memref<128xi32, #tpu.memory_space<vmem>>
        %dma_wait3A_411 = arith.constant 0 : i32
        %dma_wait3A_412 = arith.constant 0 : i32
        %dma_wait3A_413 = tpu.memref_slice %arg10[%dma_wait3A_411, %dma_wait3A_412] : memref<10240x128xf32, #tpu.memory_space<vmem_shared>> -> memref<10240x128xf32, #tpu.memory_space<vmem_shared>>
        tpu.wait_indirect_dma semaphore(%run_scoped3A_401 : memref<!tpu.dma_semaphore, #tpu.memory_space<semaphore_mem>>) src(%arg9 : memref<128x128xf32, #tpu.memory_space<vmem>>) dst(%dma_wait3A_413 : memref<10240x128xf32, #tpu.memory_space<vmem_shared>>)
        tpu.yield
      }) : () -> ()
      %dma_start3A_305 = arith.constant 5 : i32
      %dma_start3A_306 = arith.constant 0 : i32
      %dma_start3A_307 = arith.constant 0 : i32
      %dma_start3A_308 = tpu.memref_slice %arg7[%dma_start3A_305, %dma_start3A_306, %dma_start3A_307] : memref<8x2x128xi32, #tpu.memory_space<vmem>> -> memref<1x1x128xi32, #tpu.memory_space<vmem>>
      %dma_start3A_309 = tpu.memref_squeeze %dma_start3A_308 : memref<1x1x128xi32, #tpu.memory_space<vmem>> -> memref<128xi32, #tpu.memory_space<vmem>>
      %dma_start3A_310 = arith.constant 0 : i32
      %dma_start3A_311 = arith.constant 0 : i32
      %dma_start3A_312 = tpu.memref_slice %arg2[%dma_start3A_310, %dma_start3A_311] : memref<20000x128xf32, #tpu.memory_space<hbm>> -> memref<20000x128xf32, #tpu.memory_space<hbm>>
      tpu.enqueue_indirect_dma source(%dma_start3A_312 : memref<20000x128xf32, #tpu.memory_space<hbm>>) target(%arg9 : memref<128x128xf32, #tpu.memory_space<vmem>>) offsets(%dma_start3A_309 : memref<128xi32, #tpu.memory_space<vmem>>) semaphore(%arg14 : memref<!tpu.dma_semaphore, #tpu.memory_space<semaphore_mem>>)
      %dma_wait3A_313 = arith.constant 0 : i32
      %dma_wait3A_314 = arith.constant 0 : i32
      %dma_wait3A_315 = arith.constant 0 : i32
      %dma_wait3A_316 = tpu.memref_slice %arg6[%dma_wait3A_313, %dma_wait3A_314, %dma_wait3A_315] : memref<8x2x128xi32, #tpu.memory_space<vmem>> -> memref<1x1x128xi32, #tpu.memory_space<vmem>>
      %dma_wait3A_317 = tpu.memref_squeeze %dma_wait3A_316 : memref<1x1x128xi32, #tpu.memory_space<vmem>> -> memref<128xi32, #tpu.memory_space<vmem>>
      %dma_wait3A_318 = arith.constant 0 : i32
      %dma_wait3A_319 = arith.constant 0 : i32
      %dma_wait3A_320 = tpu.memref_slice %arg2[%dma_wait3A_318, %dma_wait3A_319] : memref<20000x128xf32, #tpu.memory_space<hbm>> -> memref<20000x128xf32, #tpu.memory_space<hbm>>
      tpu.wait_indirect_dma semaphore(%arg13 : memref<!tpu.dma_semaphore, #tpu.memory_space<semaphore_mem>>) src(%dma_wait3A_320 : memref<20000x128xf32, #tpu.memory_space<hbm>>) dst(%arg8 : memref<128x128xf32, #tpu.memory_space<vmem>>)
      %run_scoped3A_321 = arith.constant 4 : i32
      %run_scoped3A_322 = arith.constant 1 : i32
      "tpu.region"() ({
        %run_scoped3A_401 = tpu.sem_alloc : memref<!tpu.dma_semaphore, #tpu.memory_space<semaphore_mem>>
        %dma_start3A_402 = arith.constant 0 : i32
        %dma_start3A_403 = tpu.memref_slice %arg7[%run_scoped3A_321, %run_scoped3A_322, %dma_start3A_402] : memref<8x2x128xi32, #tpu.memory_space<vmem>> -> memref<1x1x128xi32, #tpu.memory_space<vmem>>
        %dma_start3A_404 = tpu.memref_squeeze %dma_start3A_403 : memref<1x1x128xi32, #tpu.memory_space<vmem>> -> memref<128xi32, #tpu.memory_space<vmem>>
        %dma_start3A_405 = arith.constant 0 : i32
        %dma_start3A_406 = arith.constant 0 : i32
        %dma_start3A_407 = tpu.memref_slice %arg10[%dma_start3A_405, %dma_start3A_406] : memref<10240x128xf32, #tpu.memory_space<vmem_shared>> -> memref<10240x128xf32, #tpu.memory_space<vmem_shared>>
        tpu.enqueue_indirect_dma source(%arg8 : memref<128x128xf32, #tpu.memory_space<vmem>>) target(%dma_start3A_407 : memref<10240x128xf32, #tpu.memory_space<vmem_shared>>) offsets(%dma_start3A_404 : memref<128xi32, #tpu.memory_space<vmem>>) semaphore(%run_scoped3A_401 : memref<!tpu.dma_semaphore, #tpu.memory_space<semaphore_mem>>) {add = true}
        %dma_wait3A_408 = arith.constant 0 : i32
        %dma_wait3A_409 = tpu.memref_slice %arg7[%run_scoped3A_321, %run_scoped3A_322, %dma_wait3A_408] : memref<8x2x128xi32, #tpu.memory_space<vmem>> -> memref<1x1x128xi32, #tpu.memory_space<vmem>>
        %dma_wait3A_410 = tpu.memref_squeeze %dma_wait3A_409 : memref<1x1x128xi32, #tpu.memory_space<vmem>> -> memref<128xi32, #tpu.memory_space<vmem>>
        %dma_wait3A_411 = arith.constant 0 : i32
        %dma_wait3A_412 = arith.constant 0 : i32
        %dma_wait3A_413 = tpu.memref_slice %arg10[%dma_wait3A_411, %dma_wait3A_412] : memref<10240x128xf32, #tpu.memory_space<vmem_shared>> -> memref<10240x128xf32, #tpu.memory_space<vmem_shared>>
        tpu.wait_indirect_dma semaphore(%run_scoped3A_401 : memref<!tpu.dma_semaphore, #tpu.memory_space<semaphore_mem>>) src(%arg8 : memref<128x128xf32, #tpu.memory_space<vmem>>) dst(%dma_wait3A_413 : memref<10240x128xf32, #tpu.memory_space<vmem_shared>>)
        tpu.yield
      }) : () -> ()
      %dma_start3A_323 = arith.constant 6 : i32
      %dma_start3A_324 = arith.constant 0 : i32
      %dma_start3A_325 = arith.constant 0 : i32
      %dma_start3A_326 = tpu.memref_slice %arg7[%dma_start3A_323, %dma_start3A_324, %dma_start3A_325] : memref<8x2x128xi32, #tpu.memory_space<vmem>> -> memref<1x1x128xi32, #tpu.memory_space<vmem>>
      %dma_start3A_327 = tpu.memref_squeeze %dma_start3A_326 : memref<1x1x128xi32, #tpu.memory_space<vmem>> -> memref<128xi32, #tpu.memory_space<vmem>>
      %dma_start3A_328 = arith.constant 0 : i32
      %dma_start3A_329 = arith.constant 0 : i32
      %dma_start3A_330 = tpu.memref_slice %arg2[%dma_start3A_328, %dma_start3A_329] : memref<20000x128xf32, #tpu.memory_space<hbm>> -> memref<20000x128xf32, #tpu.memory_space<hbm>>
      tpu.enqueue_indirect_dma source(%dma_start3A_330 : memref<20000x128xf32, #tpu.memory_space<hbm>>) target(%arg8 : memref<128x128xf32, #tpu.memory_space<vmem>>) offsets(%dma_start3A_327 : memref<128xi32, #tpu.memory_space<vmem>>) semaphore(%arg13 : memref<!tpu.dma_semaphore, #tpu.memory_space<semaphore_mem>>)
      %dma_wait3A_331 = arith.constant 0 : i32
      %dma_wait3A_332 = arith.constant 0 : i32
      %dma_wait3A_333 = arith.constant 0 : i32
      %dma_wait3A_334 = tpu.memref_slice %arg6[%dma_wait3A_331, %dma_wait3A_332, %dma_wait3A_333] : memref<8x2x128xi32, #tpu.memory_space<vmem>> -> memref<1x1x128xi32, #tpu.memory_space<vmem>>
      %dma_wait3A_335 = tpu.memref_squeeze %dma_wait3A_334 : memref<1x1x128xi32, #tpu.memory_space<vmem>> -> memref<128xi32, #tpu.memory_space<vmem>>
      %dma_wait3A_336 = arith.constant 0 : i32
      %dma_wait3A_337 = arith.constant 0 : i32
      %dma_wait3A_338 = tpu.memref_slice %arg2[%dma_wait3A_336, %dma_wait3A_337] : memref<20000x128xf32, #tpu.memory_space<hbm>> -> memref<20000x128xf32, #tpu.memory_space<hbm>>
      tpu.wait_indirect_dma semaphore(%arg14 : memref<!tpu.dma_semaphore, #tpu.memory_space<semaphore_mem>>) src(%dma_wait3A_338 : memref<20000x128xf32, #tpu.memory_space<hbm>>) dst(%arg9 : memref<128x128xf32, #tpu.memory_space<vmem>>)
      %run_scoped3A_339 = arith.constant 5 : i32
      %run_scoped3A_340 = arith.constant 1 : i32
      "tpu.region"() ({
        %run_scoped3A_401 = tpu.sem_alloc : memref<!tpu.dma_semaphore, #tpu.memory_space<semaphore_mem>>
        %dma_start3A_402 = arith.constant 0 : i32
        %dma_start3A_403 = tpu.memref_slice %arg7[%run_scoped3A_339, %run_scoped3A_340, %dma_start3A_402] : memref<8x2x128xi32, #tpu.memory_space<vmem>> -> memref<1x1x128xi32, #tpu.memory_space<vmem>>
        %dma_start3A_404 = tpu.memref_squeeze %dma_start3A_403 : memref<1x1x128xi32, #tpu.memory_space<vmem>> -> memref<128xi32, #tpu.memory_space<vmem>>
        %dma_start3A_405 = arith.constant 0 : i32
        %dma_start3A_406 = arith.constant 0 : i32
        %dma_start3A_407 = tpu.memref_slice %arg10[%dma_start3A_405, %dma_start3A_406] : memref<10240x128xf32, #tpu.memory_space<vmem_shared>> -> memref<10240x128xf32, #tpu.memory_space<vmem_shared>>
        tpu.enqueue_indirect_dma source(%arg9 : memref<128x128xf32, #tpu.memory_space<vmem>>) target(%dma_start3A_407 : memref<10240x128xf32, #tpu.memory_space<vmem_shared>>) offsets(%dma_start3A_404 : memref<128xi32, #tpu.memory_space<vmem>>) semaphore(%run_scoped3A_401 : memref<!tpu.dma_semaphore, #tpu.memory_space<semaphore_mem>>) {add = true}
        %dma_wait3A_408 = arith.constant 0 : i32
        %dma_wait3A_409 = tpu.memref_slice %arg7[%run_scoped3A_339, %run_scoped3A_340, %dma_wait3A_408] : memref<8x2x128xi32, #tpu.memory_space<vmem>> -> memref<1x1x128xi32, #tpu.memory_space<vmem>>
        %dma_wait3A_410 = tpu.memref_squeeze %dma_wait3A_409 : memref<1x1x128xi32, #tpu.memory_space<vmem>> -> memref<128xi32, #tpu.memory_space<vmem>>
        %dma_wait3A_411 = arith.constant 0 : i32
        %dma_wait3A_412 = arith.constant 0 : i32
        %dma_wait3A_413 = tpu.memref_slice %arg10[%dma_wait3A_411, %dma_wait3A_412] : memref<10240x128xf32, #tpu.memory_space<vmem_shared>> -> memref<10240x128xf32, #tpu.memory_space<vmem_shared>>
        tpu.wait_indirect_dma semaphore(%run_scoped3A_401 : memref<!tpu.dma_semaphore, #tpu.memory_space<semaphore_mem>>) src(%arg9 : memref<128x128xf32, #tpu.memory_space<vmem>>) dst(%dma_wait3A_413 : memref<10240x128xf32, #tpu.memory_space<vmem_shared>>)
        tpu.yield
      }) : () -> ()
      %dma_start3A_341 = arith.constant 7 : i32
      %dma_start3A_342 = arith.constant 0 : i32
      %dma_start3A_343 = arith.constant 0 : i32
      %dma_start3A_344 = tpu.memref_slice %arg7[%dma_start3A_341, %dma_start3A_342, %dma_start3A_343] : memref<8x2x128xi32, #tpu.memory_space<vmem>> -> memref<1x1x128xi32, #tpu.memory_space<vmem>>
      %dma_start3A_345 = tpu.memref_squeeze %dma_start3A_344 : memref<1x1x128xi32, #tpu.memory_space<vmem>> -> memref<128xi32, #tpu.memory_space<vmem>>
      %dma_start3A_346 = arith.constant 0 : i32
      %dma_start3A_347 = arith.constant 0 : i32
      %dma_start3A_348 = tpu.memref_slice %arg2[%dma_start3A_346, %dma_start3A_347] : memref<20000x128xf32, #tpu.memory_space<hbm>> -> memref<20000x128xf32, #tpu.memory_space<hbm>>
      tpu.enqueue_indirect_dma source(%dma_start3A_348 : memref<20000x128xf32, #tpu.memory_space<hbm>>) target(%arg9 : memref<128x128xf32, #tpu.memory_space<vmem>>) offsets(%dma_start3A_345 : memref<128xi32, #tpu.memory_space<vmem>>) semaphore(%arg14 : memref<!tpu.dma_semaphore, #tpu.memory_space<semaphore_mem>>)
      %dma_wait3A_349 = arith.constant 0 : i32
      %dma_wait3A_350 = arith.constant 0 : i32
      %dma_wait3A_351 = arith.constant 0 : i32
      %dma_wait3A_352 = tpu.memref_slice %arg6[%dma_wait3A_349, %dma_wait3A_350, %dma_wait3A_351] : memref<8x2x128xi32, #tpu.memory_space<vmem>> -> memref<1x1x128xi32, #tpu.memory_space<vmem>>
      %dma_wait3A_353 = tpu.memref_squeeze %dma_wait3A_352 : memref<1x1x128xi32, #tpu.memory_space<vmem>> -> memref<128xi32, #tpu.memory_space<vmem>>
      %dma_wait3A_354 = arith.constant 0 : i32
      %dma_wait3A_355 = arith.constant 0 : i32
      %dma_wait3A_356 = tpu.memref_slice %arg2[%dma_wait3A_354, %dma_wait3A_355] : memref<20000x128xf32, #tpu.memory_space<hbm>> -> memref<20000x128xf32, #tpu.memory_space<hbm>>
      tpu.wait_indirect_dma semaphore(%arg13 : memref<!tpu.dma_semaphore, #tpu.memory_space<semaphore_mem>>) src(%dma_wait3A_356 : memref<20000x128xf32, #tpu.memory_space<hbm>>) dst(%arg8 : memref<128x128xf32, #tpu.memory_space<vmem>>)
      %run_scoped3A_357 = arith.constant 6 : i32
      %run_scoped3A_358 = arith.constant 1 : i32
      "tpu.region"() ({
        %run_scoped3A_401 = tpu.sem_alloc : memref<!tpu.dma_semaphore, #tpu.memory_space<semaphore_mem>>
        %dma_start3A_402 = arith.constant 0 : i32
        %dma_start3A_403 = tpu.memref_slice %arg7[%run_scoped3A_357, %run_scoped3A_358, %dma_start3A_402] : memref<8x2x128xi32, #tpu.memory_space<vmem>> -> memref<1x1x128xi32, #tpu.memory_space<vmem>>
        %dma_start3A_404 = tpu.memref_squeeze %dma_start3A_403 : memref<1x1x128xi32, #tpu.memory_space<vmem>> -> memref<128xi32, #tpu.memory_space<vmem>>
        %dma_start3A_405 = arith.constant 0 : i32
        %dma_start3A_406 = arith.constant 0 : i32
        %dma_start3A_407 = tpu.memref_slice %arg10[%dma_start3A_405, %dma_start3A_406] : memref<10240x128xf32, #tpu.memory_space<vmem_shared>> -> memref<10240x128xf32, #tpu.memory_space<vmem_shared>>
        tpu.enqueue_indirect_dma source(%arg8 : memref<128x128xf32, #tpu.memory_space<vmem>>) target(%dma_start3A_407 : memref<10240x128xf32, #tpu.memory_space<vmem_shared>>) offsets(%dma_start3A_404 : memref<128xi32, #tpu.memory_space<vmem>>) semaphore(%run_scoped3A_401 : memref<!tpu.dma_semaphore, #tpu.memory_space<semaphore_mem>>) {add = true}
        %dma_wait3A_408 = arith.constant 0 : i32
        %dma_wait3A_409 = tpu.memref_slice %arg7[%run_scoped3A_357, %run_scoped3A_358, %dma_wait3A_408] : memref<8x2x128xi32, #tpu.memory_space<vmem>> -> memref<1x1x128xi32, #tpu.memory_space<vmem>>
        %dma_wait3A_410 = tpu.memref_squeeze %dma_wait3A_409 : memref<1x1x128xi32, #tpu.memory_space<vmem>> -> memref<128xi32, #tpu.memory_space<vmem>>
        %dma_wait3A_411 = arith.constant 0 : i32
        %dma_wait3A_412 = arith.constant 0 : i32
        %dma_wait3A_413 = tpu.memref_slice %arg10[%dma_wait3A_411, %dma_wait3A_412] : memref<10240x128xf32, #tpu.memory_space<vmem_shared>> -> memref<10240x128xf32, #tpu.memory_space<vmem_shared>>
        tpu.wait_indirect_dma semaphore(%run_scoped3A_401 : memref<!tpu.dma_semaphore, #tpu.memory_space<semaphore_mem>>) src(%arg8 : memref<128x128xf32, #tpu.memory_space<vmem>>) dst(%dma_wait3A_413 : memref<10240x128xf32, #tpu.memory_space<vmem_shared>>)
        tpu.yield
      }) : () -> ()
      %dma_wait3A_359 = arith.constant 0 : i32
      %dma_wait3A_360 = arith.constant 0 : i32
      %dma_wait3A_361 = arith.constant 0 : i32
      %dma_wait3A_362 = tpu.memref_slice %arg3[%arg0, %arg1, %dma_wait3A_359, %dma_wait3A_360, %dma_wait3A_361] : memref<2x16x160x2x128xi32, #tpu.memory_space<hbm>> -> memref<1x1x8x2x128xi32, #tpu.memory_space<hbm>>
      %dma_wait3A_363 = tpu.memref_squeeze %dma_wait3A_362 : memref<1x1x8x2x128xi32, #tpu.memory_space<hbm>> -> memref<8x2x128xi32, #tpu.memory_space<hbm>>
      %dma_wait3A_364 = arith.constant 0 : i32
      %dma_wait3A_365 = arith.constant 0 : i32
      %dma_wait3A_366 = arith.constant 0 : i32
      %dma_wait3A_367 = tpu.memref_slice %arg3[%arg0, %arg1, %dma_wait3A_364, %dma_wait3A_365, %dma_wait3A_366] : memref<2x16x160x2x128xi32, #tpu.memory_space<hbm>> -> memref<1x1x8x2x128xi32, #tpu.memory_space<hbm>>
      %dma_wait3A_368 = tpu.memref_squeeze %dma_wait3A_367 : memref<1x1x8x2x128xi32, #tpu.memory_space<hbm>> -> memref<8x2x128xi32, #tpu.memory_space<hbm>>
      tpu.wait_dma2 semaphore(%arg11 : memref<!tpu.dma_semaphore, #tpu.memory_space<semaphore_mem>>) src(%dma_wait3A_368 : memref<8x2x128xi32, #tpu.memory_space<hbm>>) dst(%arg6 : memref<8x2x128xi32, #tpu.memory_space<vmem>>)
      %dma_start3A_369 = arith.constant 0 : i32
      %dma_start3A_370 = arith.constant 0 : i32
      %dma_start3A_371 = arith.constant 0 : i32
      %dma_start3A_372 = tpu.memref_slice %arg6[%dma_start3A_369, %dma_start3A_370, %dma_start3A_371] : memref<8x2x128xi32, #tpu.memory_space<vmem>> -> memref<1x1x128xi32, #tpu.memory_space<vmem>>
      %dma_start3A_373 = tpu.memref_squeeze %dma_start3A_372 : memref<1x1x128xi32, #tpu.memory_space<vmem>> -> memref<128xi32, #tpu.memory_space<vmem>>
      %dma_start3A_374 = arith.constant 0 : i32
      %dma_start3A_375 = arith.constant 0 : i32
      %dma_start3A_376 = tpu.memref_slice %arg2[%dma_start3A_374, %dma_start3A_375] : memref<20000x128xf32, #tpu.memory_space<hbm>> -> memref<20000x128xf32, #tpu.memory_space<hbm>>
      tpu.enqueue_indirect_dma source(%dma_start3A_376 : memref<20000x128xf32, #tpu.memory_space<hbm>>) target(%arg8 : memref<128x128xf32, #tpu.memory_space<vmem>>) offsets(%dma_start3A_373 : memref<128xi32, #tpu.memory_space<vmem>>) semaphore(%arg13 : memref<!tpu.dma_semaphore, #tpu.memory_space<semaphore_mem>>)
      %dma_wait3A_377 = arith.constant 0 : i32
      %dma_wait3A_378 = arith.constant 0 : i32
      %dma_wait3A_379 = arith.constant 0 : i32
      %dma_wait3A_380 = tpu.memref_slice %arg6[%dma_wait3A_377, %dma_wait3A_378, %dma_wait3A_379] : memref<8x2x128xi32, #tpu.memory_space<vmem>> -> memref<1x1x128xi32, #tpu.memory_space<vmem>>
      %dma_wait3A_381 = tpu.memref_squeeze %dma_wait3A_380 : memref<1x1x128xi32, #tpu.memory_space<vmem>> -> memref<128xi32, #tpu.memory_space<vmem>>
      %dma_wait3A_382 = arith.constant 0 : i32
      %dma_wait3A_383 = arith.constant 0 : i32
      %dma_wait3A_384 = tpu.memref_slice %arg2[%dma_wait3A_382, %dma_wait3A_383] : memref<20000x128xf32, #tpu.memory_space<hbm>> -> memref<20000x128xf32, #tpu.memory_space<hbm>>
      tpu.wait_indirect_dma semaphore(%arg14 : memref<!tpu.dma_semaphore, #tpu.memory_space<semaphore_mem>>) src(%dma_wait3A_384 : memref<20000x128xf32, #tpu.memory_space<hbm>>) dst(%arg9 : memref<128x128xf32, #tpu.memory_space<vmem>>)
      %run_scoped3A_385 = arith.constant 7 : i32
      %run_scoped3A_386 = arith.constant 1 : i32
      "tpu.region"() ({
        %run_scoped3A_401 = tpu.sem_alloc : memref<!tpu.dma_semaphore, #tpu.memory_space<semaphore_mem>>
        %dma_start3A_402 = arith.constant 0 : i32
        %dma_start3A_403 = tpu.memref_slice %arg7[%run_scoped3A_385, %run_scoped3A_386, %dma_start3A_402] : memref<8x2x128xi32, #tpu.memory_space<vmem>> -> memref<1x1x128xi32, #tpu.memory_space<vmem>>
        %dma_start3A_404 = tpu.memref_squeeze %dma_start3A_403 : memref<1x1x128xi32, #tpu.memory_space<vmem>> -> memref<128xi32, #tpu.memory_space<vmem>>
        %dma_start3A_405 = arith.constant 0 : i32
        %dma_start3A_406 = arith.constant 0 : i32
        %dma_start3A_407 = tpu.memref_slice %arg10[%dma_start3A_405, %dma_start3A_406] : memref<10240x128xf32, #tpu.memory_space<vmem_shared>> -> memref<10240x128xf32, #tpu.memory_space<vmem_shared>>
        tpu.enqueue_indirect_dma source(%arg9 : memref<128x128xf32, #tpu.memory_space<vmem>>) target(%dma_start3A_407 : memref<10240x128xf32, #tpu.memory_space<vmem_shared>>) offsets(%dma_start3A_404 : memref<128xi32, #tpu.memory_space<vmem>>) semaphore(%run_scoped3A_401 : memref<!tpu.dma_semaphore, #tpu.memory_space<semaphore_mem>>) {add = true}
        %dma_wait3A_408 = arith.constant 0 : i32
        %dma_wait3A_409 = tpu.memref_slice %arg7[%run_scoped3A_385, %run_scoped3A_386, %dma_wait3A_408] : memref<8x2x128xi32, #tpu.memory_space<vmem>> -> memref<1x1x128xi32, #tpu.memory_space<vmem>>
        %dma_wait3A_410 = tpu.memref_squeeze %dma_wait3A_409 : memref<1x1x128xi32, #tpu.memory_space<vmem>> -> memref<128xi32, #tpu.memory_space<vmem>>
        %dma_wait3A_411 = arith.constant 0 : i32
        %dma_wait3A_412 = arith.constant 0 : i32
        %dma_wait3A_413 = tpu.memref_slice %arg10[%dma_wait3A_411, %dma_wait3A_412] : memref<10240x128xf32, #tpu.memory_space<vmem_shared>> -> memref<10240x128xf32, #tpu.memory_space<vmem_shared>>
        tpu.wait_indirect_dma semaphore(%run_scoped3A_401 : memref<!tpu.dma_semaphore, #tpu.memory_space<semaphore_mem>>) src(%arg9 : memref<128x128xf32, #tpu.memory_space<vmem>>) dst(%dma_wait3A_413 : memref<10240x128xf32, #tpu.memory_space<vmem_shared>>)
        tpu.yield
      }) : () -> ()
      %add3A_387 = arith.constant 3 : i32
      %add3A_388 = arith.addi %mul3A_67, %add3A_387 : i32
      %min3A_389 = arith.constant 19 : i32
      %min3A_390 = arith.minsi %add3A_388, %min3A_389 : i32
      %mul3A_391 = arith.constant 8 : i32
      %mul3A_392 = arith.muli %min3A_390, %mul3A_391 : i32
      %dma_start3A_393 = arith.constant 0 : i32
      %dma_start3A_394 = arith.constant 0 : i32
      %dma_start3A_395 = tpu.memref_slice %arg3[%arg0, %arg1, %mul3A_392, %dma_start3A_393, %dma_start3A_394] : memref<2x16x160x2x128xi32, #tpu.memory_space<hbm>> -> memref<1x1x8x2x128xi32, #tpu.memory_space<hbm>>
      %dma_start3A_396 = tpu.memref_squeeze %dma_start3A_395 : memref<1x1x8x2x128xi32, #tpu.memory_space<hbm>> -> memref<8x2x128xi32, #tpu.memory_space<hbm>>
      %dma_start3A_397 = arith.constant 0 : i32
      %dma_start3A_398 = arith.constant 0 : i32
      %dma_start3A_399 = tpu.memref_slice %arg3[%arg0, %arg1, %mul3A_392, %dma_start3A_397, %dma_start3A_398] : memref<2x16x160x2x128xi32, #tpu.memory_space<hbm>> -> memref<1x1x8x2x128xi32, #tpu.memory_space<hbm>>
      %dma_start3A_400 = tpu.memref_squeeze %dma_start3A_399 : memref<1x1x8x2x128xi32, #tpu.memory_space<hbm>> -> memref<8x2x128xi32, #tpu.memory_space<hbm>>
      tpu.enqueue_dma source(%dma_start3A_400 : memref<8x2x128xi32, #tpu.memory_space<hbm>>) target(%arg7 : memref<8x2x128xi32, #tpu.memory_space<vmem>>) target_semaphore(%arg12 : memref<!tpu.dma_semaphore, #tpu.memory_space<semaphore_mem>>)
    }
    %scan3A_41 = arith.constant 10 : i32
    %dma_wait3A_42 = arith.constant 0 : i32
    %dma_wait3A_43 = arith.constant 0 : i32
    %dma_wait3A_44 = arith.constant 0 : i32
    %dma_wait3A_45 = tpu.memref_slice %arg6[%dma_wait3A_42, %dma_wait3A_43, %dma_wait3A_44] : memref<8x2x128xi32, #tpu.memory_space<vmem>> -> memref<1x1x128xi32, #tpu.memory_space<vmem>>
    %dma_wait3A_46 = tpu.memref_squeeze %dma_wait3A_45 : memref<1x1x128xi32, #tpu.memory_space<vmem>> -> memref<128xi32, #tpu.memory_space<vmem>>
    %dma_wait3A_47 = arith.constant 0 : i32
    %dma_wait3A_48 = arith.constant 0 : i32
    %dma_wait3A_49 = tpu.memref_slice %arg2[%dma_wait3A_47, %dma_wait3A_48] : memref<20000x128xf32, #tpu.memory_space<hbm>> -> memref<20000x128xf32, #tpu.memory_space<hbm>>
    tpu.wait_indirect_dma semaphore(%arg13 : memref<!tpu.dma_semaphore, #tpu.memory_space<semaphore_mem>>) src(%dma_wait3A_49 : memref<20000x128xf32, #tpu.memory_space<hbm>>) dst(%arg8 : memref<128x128xf32, #tpu.memory_space<vmem>>)
    %dma_wait3A_50 = arith.constant 0 : i32
    %dma_wait3A_51 = arith.constant 0 : i32
    %dma_wait3A_52 = arith.constant 0 : i32
    %dma_wait3A_53 = tpu.memref_slice %arg3[%arg0, %arg1, %dma_wait3A_50, %dma_wait3A_51, %dma_wait3A_52] : memref<2x16x160x2x128xi32, #tpu.memory_space<hbm>> -> memref<1x1x8x2x128xi32, #tpu.memory_space<hbm>>
    %dma_wait3A_54 = tpu.memref_squeeze %dma_wait3A_53 : memref<1x1x8x2x128xi32, #tpu.memory_space<hbm>> -> memref<8x2x128xi32, #tpu.memory_space<hbm>>
    %dma_wait3A_55 = arith.constant 0 : i32
    %dma_wait3A_56 = arith.constant 0 : i32
    %dma_wait3A_57 = arith.constant 0 : i32
    %dma_wait3A_58 = tpu.memref_slice %arg3[%arg0, %arg1, %dma_wait3A_55, %dma_wait3A_56, %dma_wait3A_57] : memref<2x16x160x2x128xi32, #tpu.memory_space<hbm>> -> memref<1x1x8x2x128xi32, #tpu.memory_space<hbm>>
    %dma_wait3A_59 = tpu.memref_squeeze %dma_wait3A_58 : memref<1x1x8x2x128xi32, #tpu.memory_space<hbm>> -> memref<8x2x128xi32, #tpu.memory_space<hbm>>
    tpu.wait_dma2 semaphore(%arg12 : memref<!tpu.dma_semaphore, #tpu.memory_space<semaphore_mem>>) src(%dma_wait3A_59 : memref<8x2x128xi32, #tpu.memory_space<hbm>>) dst(%arg7 : memref<8x2x128xi32, #tpu.memory_space<vmem>>)
    %barrier3A_60 = arith.constant 0 : index
    tpu.barrier barrier_id(%barrier3A_60)
    %mul3A_61 = arith.constant 640 : i32
    %mul3A_62 = arith.muli %arg1, %mul3A_61 : i32
    %mul3A_63 = arith.constant 640 : i32
    %mul3A_64 = arith.muli %arg1, %mul3A_63 : i32
    "tpu.region"() ({
      %run_scoped3A = tpu.sem_alloc : memref<!tpu.dma_semaphore, #tpu.memory_space<semaphore_mem>>
      %dma_start3A_65 = arith.constant 0 : i32
      %dma_start3A_66 = tpu.memref_slice %arg5[%arg0, %mul3A_64, %dma_start3A_65] : memref<2x10240x128xf32, #tpu.memory_space<hbm>> -> memref<1x640x128xf32, #tpu.memory_space<hbm>>
      %dma_start3A_67 = tpu.memref_squeeze %dma_start3A_66 : memref<1x640x128xf32, #tpu.memory_space<hbm>> -> memref<640x128xf32, #tpu.memory_space<hbm>>
      %dma_start3A_68 = arith.constant 0 : i32
      %dma_start3A_69 = tpu.memref_slice %arg10[%mul3A_62, %dma_start3A_68] : memref<10240x128xf32, #tpu.memory_space<vmem_shared>> -> memref<640x128xf32, #tpu.memory_space<vmem_shared>>
      tpu.enqueue_dma source(%dma_start3A_69 : memref<640x128xf32, #tpu.memory_space<vmem_shared>>) target(%dma_start3A_67 : memref<640x128xf32, #tpu.memory_space<hbm>>) target_semaphore(%run_scoped3A : memref<!tpu.dma_semaphore, #tpu.memory_space<semaphore_mem>>)
      %dma_wait3A_70 = arith.constant 0 : i32
      %dma_wait3A_71 = tpu.memref_slice %arg5[%arg0, %mul3A_64, %dma_wait3A_70] : memref<2x10240x128xf32, #tpu.memory_space<hbm>> -> memref<1x640x128xf32, #tpu.memory_space<hbm>>
      %dma_wait3A_72 = tpu.memref_squeeze %dma_wait3A_71 : memref<1x640x128xf32, #tpu.memory_space<hbm>> -> memref<640x128xf32, #tpu.memory_space<hbm>>
      %dma_wait3A_73 = arith.constant 0 : i32
      %dma_wait3A_74 = tpu.memref_slice %arg10[%mul3A_62, %dma_wait3A_73] : memref<10240x128xf32, #tpu.memory_space<vmem_shared>> -> memref<640x128xf32, #tpu.memory_space<vmem_shared>>
      tpu.wait_dma2 semaphore(%run_scoped3A : memref<!tpu.dma_semaphore, #tpu.memory_space<semaphore_mem>>) src(%dma_wait3A_74 : memref<640x128xf32, #tpu.memory_space<vmem_shared>>) dst(%dma_wait3A_72 : memref<640x128xf32, #tpu.memory_space<hbm>>)
      tpu.yield
    }) : () -> ()
    return
  }
}

#map = affine_map<(d0, d1) -> (0, 0)>
#map1 = affine_map<(d0, d1) -> (0, 0, 0, 0, 0)>
#map2 = affine_map<(d0, d1) -> (0, 0, 0)>
module attributes {stable_mosaic.version = 14 : i64} {
  func.func @_edge_body(%arg0: i32, %arg1: i32, %arg2: memref<20000x128xf32, #tpu.memory_space<hbm>>, %arg3: memref<2x16x160x2x128xi32, #tpu.memory_space<hbm>>, %arg4: memref<640x128xf32, #tpu.memory_space<hbm>>, %arg5: memref<2x10240x128xf32, #tpu.memory_space<hbm>>, %arg6: memref<8x2x128xi32, #tpu.memory_space<vmem>>, %arg7: memref<8x2x128xi32, #tpu.memory_space<vmem>>, %arg8: memref<128x128xf32, #tpu.memory_space<vmem>>, %arg9: memref<128x128xf32, #tpu.memory_space<vmem>>, %arg10: memref<10240x128xf32, #tpu.memory_space<vmem_shared>>, %arg11: memref<!tpu.dma_semaphore, #tpu.memory_space<semaphore_mem>>, %arg12: memref<!tpu.dma_semaphore, #tpu.memory_space<semaphore_mem>>, %arg13: memref<!tpu.dma_semaphore, #tpu.memory_space<semaphore_mem>>, %arg14: memref<!tpu.dma_semaphore, #tpu.memory_space<semaphore_mem>>) attributes {dimension_semantics = [#tpu.dimension_semantics<core_parallel>, #tpu.dimension_semantics<subcore_parallel>], iteration_bounds = array<i64: 2, 16>, scalar_prefetch = 0 : i64, scratch_operands = 9 : i64, tpu.core_type = #tpu.core_type<sc_vector_subcore>, window_params = [{transform_indices = #map}, {transform_indices = #map1}, {transform_indices = #map}, {transform_indices = #map2}]} {
    %dma_start3A = arith.constant 0 : i32
    %dma_start3A_0 = arith.constant 0 : i32
    %dma_start3A_1 = arith.constant 0 : i32
    %dma_start3A_2 = tpu.memref_slice %arg3[%arg0, %arg1, %dma_start3A, %dma_start3A_0, %dma_start3A_1] : memref<2x16x160x2x128xi32, #tpu.memory_space<hbm>> -> memref<1x1x8x2x128xi32, #tpu.memory_space<hbm>>
    %dma_start3A_3 = tpu.memref_squeeze %dma_start3A_2 : memref<1x1x8x2x128xi32, #tpu.memory_space<hbm>> -> memref<8x2x128xi32, #tpu.memory_space<hbm>>
    %dma_start3A_4 = arith.constant 0 : i32
    %dma_start3A_5 = arith.constant 0 : i32
    %dma_start3A_6 = arith.constant 0 : i32
    %dma_start3A_7 = tpu.memref_slice %arg3[%arg0, %arg1, %dma_start3A_4, %dma_start3A_5, %dma_start3A_6] : memref<2x16x160x2x128xi32, #tpu.memory_space<hbm>> -> memref<1x1x8x2x128xi32, #tpu.memory_space<hbm>>
    %dma_start3A_8 = tpu.memref_squeeze %dma_start3A_7 : memref<1x1x8x2x128xi32, #tpu.memory_space<hbm>> -> memref<8x2x128xi32, #tpu.memory_space<hbm>>
    tpu.enqueue_dma source(%dma_start3A_8 : memref<8x2x128xi32, #tpu.memory_space<hbm>>) target(%arg6 : memref<8x2x128xi32, #tpu.memory_space<vmem>>) target_semaphore(%arg11 : memref<!tpu.dma_semaphore, #tpu.memory_space<semaphore_mem>>)
    %mul3A = arith.constant 640 : i32
    %mul3A_9 = arith.muli %arg1, %mul3A : i32
    "tpu.region"() ({
      %run_scoped3A = tpu.sem_alloc : memref<!tpu.dma_semaphore, #tpu.memory_space<semaphore_mem>>
      %dma_start3A_65 = arith.constant 0 : i32
      %dma_start3A_66 = tpu.memref_slice %arg10[%mul3A_9, %dma_start3A_65] : memref<10240x128xf32, #tpu.memory_space<vmem_shared>> -> memref<640x128xf32, #tpu.memory_space<vmem_shared>>
      tpu.enqueue_dma source(%arg4 : memref<640x128xf32, #tpu.memory_space<hbm>>) target(%dma_start3A_66 : memref<640x128xf32, #tpu.memory_space<vmem_shared>>) target_semaphore(%run_scoped3A : memref<!tpu.dma_semaphore, #tpu.memory_space<semaphore_mem>>)
      %dma_wait3A_67 = arith.constant 0 : i32
      %dma_wait3A_68 = tpu.memref_slice %arg10[%mul3A_9, %dma_wait3A_67] : memref<10240x128xf32, #tpu.memory_space<vmem_shared>> -> memref<640x128xf32, #tpu.memory_space<vmem_shared>>
      tpu.wait_dma2 semaphore(%run_scoped3A : memref<!tpu.dma_semaphore, #tpu.memory_space<semaphore_mem>>) src(%arg4 : memref<640x128xf32, #tpu.memory_space<hbm>>) dst(%dma_wait3A_68 : memref<640x128xf32, #tpu.memory_space<vmem_shared>>)
      tpu.yield
    }) : () -> ()
    %dma_wait3A = arith.constant 0 : i32
    %dma_wait3A_10 = arith.constant 0 : i32
    %dma_wait3A_11 = arith.constant 0 : i32
    %dma_wait3A_12 = tpu.memref_slice %arg3[%arg0, %arg1, %dma_wait3A, %dma_wait3A_10, %dma_wait3A_11] : memref<2x16x160x2x128xi32, #tpu.memory_space<hbm>> -> memref<1x1x8x2x128xi32, #tpu.memory_space<hbm>>
    %dma_wait3A_13 = tpu.memref_squeeze %dma_wait3A_12 : memref<1x1x8x2x128xi32, #tpu.memory_space<hbm>> -> memref<8x2x128xi32, #tpu.memory_space<hbm>>
    %dma_wait3A_14 = arith.constant 0 : i32
    %dma_wait3A_15 = arith.constant 0 : i32
    %dma_wait3A_16 = arith.constant 0 : i32
    %dma_wait3A_17 = tpu.memref_slice %arg3[%arg0, %arg1, %dma_wait3A_14, %dma_wait3A_15, %dma_wait3A_16] : memref<2x16x160x2x128xi32, #tpu.memory_space<hbm>> -> memref<1x1x8x2x128xi32, #tpu.memory_space<hbm>>
    %dma_wait3A_18 = tpu.memref_squeeze %dma_wait3A_17 : memref<1x1x8x2x128xi32, #tpu.memory_space<hbm>> -> memref<8x2x128xi32, #tpu.memory_space<hbm>>
    tpu.wait_dma2 semaphore(%arg11 : memref<!tpu.dma_semaphore, #tpu.memory_space<semaphore_mem>>) src(%dma_wait3A_18 : memref<8x2x128xi32, #tpu.memory_space<hbm>>) dst(%arg6 : memref<8x2x128xi32, #tpu.memory_space<vmem>>)
    %barrier3A = arith.constant 0 : index
    tpu.barrier barrier_id(%barrier3A)
    %dma_start3A_19 = arith.constant 0 : i32
    %dma_start3A_20 = arith.constant 0 : i32
    %dma_start3A_21 = arith.constant 0 : i32
    %dma_start3A_22 = tpu.memref_slice %arg6[%dma_start3A_19, %dma_start3A_20, %dma_start3A_21] : memref<8x2x128xi32, #tpu.memory_space<vmem>> -> memref<1x1x128xi32, #tpu.memory_space<vmem>>
    %dma_start3A_23 = tpu.memref_squeeze %dma_start3A_22 : memref<1x1x128xi32, #tpu.memory_space<vmem>> -> memref<128xi32, #tpu.memory_space<vmem>>
    %dma_start3A_24 = arith.constant 0 : i32
    %dma_start3A_25 = arith.constant 0 : i32
    %dma_start3A_26 = tpu.memref_slice %arg2[%dma_start3A_24, %dma_start3A_25] : memref<20000x128xf32, #tpu.memory_space<hbm>> -> memref<20000x128xf32, #tpu.memory_space<hbm>>
    tpu.enqueue_indirect_dma source(%dma_start3A_26 : memref<20000x128xf32, #tpu.memory_space<hbm>>) target(%arg8 : memref<128x128xf32, #tpu.memory_space<vmem>>) offsets(%dma_start3A_23 : memref<128xi32, #tpu.memory_space<vmem>>) semaphore(%arg13 : memref<!tpu.dma_semaphore, #tpu.memory_space<semaphore_mem>>)
    %dma_start3A_27 = arith.constant 8 : i32
    %dma_start3A_28 = arith.constant 0 : i32
    %dma_start3A_29 = arith.constant 0 : i32
    %dma_start3A_30 = tpu.memref_slice %arg3[%arg0, %arg1, %dma_start3A_27, %dma_start3A_28, %dma_start3A_29] : memref<2x16x160x2x128xi32, #tpu.memory_space<hbm>> -> memref<1x1x8x2x128xi32, #tpu.memory_space<hbm>>
    %dma_start3A_31 = tpu.memref_squeeze %dma_start3A_30 : memref<1x1x8x2x128xi32, #tpu.memory_space<hbm>> -> memref<8x2x128xi32, #tpu.memory_space<hbm>>
    %dma_start3A_32 = arith.constant 8 : i32
    %dma_start3A_33 = arith.constant 0 : i32
    %dma_start3A_34 = arith.constant 0 : i32
    %dma_start3A_35 = tpu.memref_slice %arg3[%arg0, %arg1, %dma_start3A_32, %dma_start3A_33, %dma_start3A_34] : memref<2x16x160x2x128xi32, #tpu.memory_space<hbm>> -> memref<1x1x8x2x128xi32, #tpu.memory_space<hbm>>
    %dma_start3A_36 = tpu.memref_squeeze %dma_start3A_35 : memref<1x1x8x2x128xi32, #tpu.memory_space<hbm>> -> memref<8x2x128xi32, #tpu.memory_space<hbm>>
    tpu.enqueue_dma source(%dma_start3A_36 : memref<8x2x128xi32, #tpu.memory_space<hbm>>) target(%arg7 : memref<8x2x128xi32, #tpu.memory_space<vmem>>) target_semaphore(%arg12 : memref<!tpu.dma_semaphore, #tpu.memory_space<semaphore_mem>>)
    %scan3A = arith.constant 0 : i32
    %scan3A_37 = arith.constant 0 : i32
    %scan3A_38 = arith.constant 10 : i32
    %scan3A_39 = arith.addi %scan3A_37, %scan3A_38 : i32
    %scan3A_40 = arith.constant 1 : i32
    scf.for %scan3A_65 = %scan3A_37 to %scan3A_39 step %scan3A_40  : i32 {
      %mul3A_66 = arith.constant 2 : i32
      %mul3A_67 = arith.muli %mul3A_66, %scan3A_65 : i32
      %dma_start3A_68 = arith.constant 1 : i32
      %dma_start3A_69 = arith.constant 0 : i32
      %dma_start3A_70 = arith.constant 0 : i32
      %dma_start3A_71 = tpu.memref_slice %arg6[%dma_start3A_68, %dma_start3A_69, %dma_start3A_70] : memref<8x2x128xi32, #tpu.memory_space<vmem>> -> memref<1x1x128xi32, #tpu.memory_space<vmem>>
      %dma_start3A_72 = tpu.memref_squeeze %dma_start3A_71 : memref<1x1x128xi32, #tpu.memory_space<vmem>> -> memref<128xi32, #tpu.memory_space<vmem>>
      %dma_start3A_73 = arith.constant 0 : i32
      %dma_start3A_74 = arith.constant 0 : i32
      %dma_start3A_75 = tpu.memref_slice %arg2[%dma_start3A_73, %dma_start3A_74] : memref<20000x128xf32, #tpu.memory_space<hbm>> -> memref<20000x128xf32, #tpu.memory_space<hbm>>
      tpu.enqueue_indirect_dma source(%dma_start3A_75 : memref<20000x128xf32, #tpu.memory_space<hbm>>) target(%arg9 : memref<128x128xf32, #tpu.memory_space<vmem>>) offsets(%dma_start3A_72 : memref<128xi32, #tpu.memory_space<vmem>>) semaphore(%arg14 : memref<!tpu.dma_semaphore, #tpu.memory_space<semaphore_mem>>)
      %dma_wait3A_76 = arith.constant 0 : i32
      %dma_wait3A_77 = arith.constant 0 : i32
      %dma_wait3A_78 = arith.constant 0 : i32
      %dma_wait3A_79 = tpu.memref_slice %arg6[%dma_wait3A_76, %dma_wait3A_77, %dma_wait3A_78] : memref<8x2x128xi32, #tpu.memory_space<vmem>> -> memref<1x1x128xi32, #tpu.memory_space<vmem>>
      %dma_wait3A_80 = tpu.memref_squeeze %dma_wait3A_79 : memref<1x1x128xi32, #tpu.memory_space<vmem>> -> memref<128xi32, #tpu.memory_space<vmem>>
      %dma_wait3A_81 = arith.constant 0 : i32
      %dma_wait3A_82 = arith.constant 0 : i32
      %dma_wait3A_83 = tpu.memref_slice %arg2[%dma_wait3A_81, %dma_wait3A_82] : memref<20000x128xf32, #tpu.memory_space<hbm>> -> memref<20000x128xf32, #tpu.memory_space<hbm>>
      tpu.wait_indirect_dma semaphore(%arg13 : memref<!tpu.dma_semaphore, #tpu.memory_space<semaphore_mem>>) src(%dma_wait3A_83 : memref<20000x128xf32, #tpu.memory_space<hbm>>) dst(%arg8 : memref<128x128xf32, #tpu.memory_space<vmem>>)
      %run_scoped3A = arith.constant 0 : i32
      %run_scoped3A_84 = arith.constant 1 : i32
      "tpu.region"() ({
        %run_scoped3A_401 = tpu.sem_alloc : memref<!tpu.dma_semaphore, #tpu.memory_space<semaphore_mem>>
        %dma_start3A_402 = arith.constant 0 : i32
        %dma_start3A_403 = tpu.memref_slice %arg6[%run_scoped3A, %run_scoped3A_84, %dma_start3A_402] : memref<8x2x128xi32, #tpu.memory_space<vmem>> -> memref<1x1x128xi32, #tpu.memory_space<vmem>>
        %dma_start3A_404 = tpu.memref_squeeze %dma_start3A_403 : memref<1x1x128xi32, #tpu.memory_space<vmem>> -> memref<128xi32, #tpu.memory_space<vmem>>
        %dma_start3A_405 = arith.constant 0 : i32
        %dma_start3A_406 = arith.constant 0 : i32
        %dma_start3A_407 = tpu.memref_slice %arg10[%dma_start3A_405, %dma_start3A_406] : memref<10240x128xf32, #tpu.memory_space<vmem_shared>> -> memref<10240x128xf32, #tpu.memory_space<vmem_shared>>
        tpu.enqueue_indirect_dma source(%arg8 : memref<128x128xf32, #tpu.memory_space<vmem>>) target(%dma_start3A_407 : memref<10240x128xf32, #tpu.memory_space<vmem_shared>>) offsets(%dma_start3A_404 : memref<128xi32, #tpu.memory_space<vmem>>) semaphore(%run_scoped3A_401 : memref<!tpu.dma_semaphore, #tpu.memory_space<semaphore_mem>>) {add = true}
        %dma_wait3A_408 = arith.constant 0 : i32
        %dma_wait3A_409 = tpu.memref_slice %arg6[%run_scoped3A, %run_scoped3A_84, %dma_wait3A_408] : memref<8x2x128xi32, #tpu.memory_space<vmem>> -> memref<1x1x128xi32, #tpu.memory_space<vmem>>
        %dma_wait3A_410 = tpu.memref_squeeze %dma_wait3A_409 : memref<1x1x128xi32, #tpu.memory_space<vmem>> -> memref<128xi32, #tpu.memory_space<vmem>>
        %dma_wait3A_411 = arith.constant 0 : i32
        %dma_wait3A_412 = arith.constant 0 : i32
        %dma_wait3A_413 = tpu.memref_slice %arg10[%dma_wait3A_411, %dma_wait3A_412] : memref<10240x128xf32, #tpu.memory_space<vmem_shared>> -> memref<10240x128xf32, #tpu.memory_space<vmem_shared>>
        tpu.wait_indirect_dma semaphore(%run_scoped3A_401 : memref<!tpu.dma_semaphore, #tpu.memory_space<semaphore_mem>>) src(%arg8 : memref<128x128xf32, #tpu.memory_space<vmem>>) dst(%dma_wait3A_413 : memref<10240x128xf32, #tpu.memory_space<vmem_shared>>)
        tpu.yield
      }) : () -> ()
      %dma_start3A_85 = arith.constant 2 : i32
      %dma_start3A_86 = arith.constant 0 : i32
      %dma_start3A_87 = arith.constant 0 : i32
      %dma_start3A_88 = tpu.memref_slice %arg6[%dma_start3A_85, %dma_start3A_86, %dma_start3A_87] : memref<8x2x128xi32, #tpu.memory_space<vmem>> -> memref<1x1x128xi32, #tpu.memory_space<vmem>>
      %dma_start3A_89 = tpu.memref_squeeze %dma_start3A_88 : memref<1x1x128xi32, #tpu.memory_space<vmem>> -> memref<128xi32, #tpu.memory_space<vmem>>
      %dma_start3A_90 = arith.constant 0 : i32
      %dma_start3A_91 = arith.constant 0 : i32
      %dma_start3A_92 = tpu.memref_slice %arg2[%dma_start3A_90, %dma_start3A_91] : memref<20000x128xf32, #tpu.memory_space<hbm>> -> memref<20000x128xf32, #tpu.memory_space<hbm>>
      tpu.enqueue_indirect_dma source(%dma_start3A_92 : memref<20000x128xf32, #tpu.memory_space<hbm>>) target(%arg8 : memref<128x128xf32, #tpu.memory_space<vmem>>) offsets(%dma_start3A_89 : memref<128xi32, #tpu.memory_space<vmem>>) semaphore(%arg13 : memref<!tpu.dma_semaphore, #tpu.memory_space<semaphore_mem>>)
      %dma_wait3A_93 = arith.constant 0 : i32
      %dma_wait3A_94 = arith.constant 0 : i32
      %dma_wait3A_95 = arith.constant 0 : i32
      %dma_wait3A_96 = tpu.memref_slice %arg6[%dma_wait3A_93, %dma_wait3A_94, %dma_wait3A_95] : memref<8x2x128xi32, #tpu.memory_space<vmem>> -> memref<1x1x128xi32, #tpu.memory_space<vmem>>
      %dma_wait3A_97 = tpu.memref_squeeze %dma_wait3A_96 : memref<1x1x128xi32, #tpu.memory_space<vmem>> -> memref<128xi32, #tpu.memory_space<vmem>>
      %dma_wait3A_98 = arith.constant 0 : i32
      %dma_wait3A_99 = arith.constant 0 : i32
      %dma_wait3A_100 = tpu.memref_slice %arg2[%dma_wait3A_98, %dma_wait3A_99] : memref<20000x128xf32, #tpu.memory_space<hbm>> -> memref<20000x128xf32, #tpu.memory_space<hbm>>
      tpu.wait_indirect_dma semaphore(%arg14 : memref<!tpu.dma_semaphore, #tpu.memory_space<semaphore_mem>>) src(%dma_wait3A_100 : memref<20000x128xf32, #tpu.memory_space<hbm>>) dst(%arg9 : memref<128x128xf32, #tpu.memory_space<vmem>>)
      %run_scoped3A_101 = arith.constant 1 : i32
      %run_scoped3A_102 = arith.constant 1 : i32
      "tpu.region"() ({
        %run_scoped3A_401 = tpu.sem_alloc : memref<!tpu.dma_semaphore, #tpu.memory_space<semaphore_mem>>
        %dma_start3A_402 = arith.constant 0 : i32
        %dma_start3A_403 = tpu.memref_slice %arg6[%run_scoped3A_101, %run_scoped3A_102, %dma_start3A_402] : memref<8x2x128xi32, #tpu.memory_space<vmem>> -> memref<1x1x128xi32, #tpu.memory_space<vmem>>
        %dma_start3A_404 = tpu.memref_squeeze %dma_start3A_403 : memref<1x1x128xi32, #tpu.memory_space<vmem>> -> memref<128xi32, #tpu.memory_space<vmem>>
        %dma_start3A_405 = arith.constant 0 : i32
        %dma_start3A_406 = arith.constant 0 : i32
        %dma_start3A_407 = tpu.memref_slice %arg10[%dma_start3A_405, %dma_start3A_406] : memref<10240x128xf32, #tpu.memory_space<vmem_shared>> -> memref<10240x128xf32, #tpu.memory_space<vmem_shared>>
        tpu.enqueue_indirect_dma source(%arg9 : memref<128x128xf32, #tpu.memory_space<vmem>>) target(%dma_start3A_407 : memref<10240x128xf32, #tpu.memory_space<vmem_shared>>) offsets(%dma_start3A_404 : memref<128xi32, #tpu.memory_space<vmem>>) semaphore(%run_scoped3A_401 : memref<!tpu.dma_semaphore, #tpu.memory_space<semaphore_mem>>) {add = true}
        %dma_wait3A_408 = arith.constant 0 : i32
        %dma_wait3A_409 = tpu.memref_slice %arg6[%run_scoped3A_101, %run_scoped3A_102, %dma_wait3A_408] : memref<8x2x128xi32, #tpu.memory_space<vmem>> -> memref<1x1x128xi32, #tpu.memory_space<vmem>>
        %dma_wait3A_410 = tpu.memref_squeeze %dma_wait3A_409 : memref<1x1x128xi32, #tpu.memory_space<vmem>> -> memref<128xi32, #tpu.memory_space<vmem>>
        %dma_wait3A_411 = arith.constant 0 : i32
        %dma_wait3A_412 = arith.constant 0 : i32
        %dma_wait3A_413 = tpu.memref_slice %arg10[%dma_wait3A_411, %dma_wait3A_412] : memref<10240x128xf32, #tpu.memory_space<vmem_shared>> -> memref<10240x128xf32, #tpu.memory_space<vmem_shared>>
        tpu.wait_indirect_dma semaphore(%run_scoped3A_401 : memref<!tpu.dma_semaphore, #tpu.memory_space<semaphore_mem>>) src(%arg9 : memref<128x128xf32, #tpu.memory_space<vmem>>) dst(%dma_wait3A_413 : memref<10240x128xf32, #tpu.memory_space<vmem_shared>>)
        tpu.yield
      }) : () -> ()
      %dma_start3A_103 = arith.constant 3 : i32
      %dma_start3A_104 = arith.constant 0 : i32
      %dma_start3A_105 = arith.constant 0 : i32
      %dma_start3A_106 = tpu.memref_slice %arg6[%dma_start3A_103, %dma_start3A_104, %dma_start3A_105] : memref<8x2x128xi32, #tpu.memory_space<vmem>> -> memref<1x1x128xi32, #tpu.memory_space<vmem>>
      %dma_start3A_107 = tpu.memref_squeeze %dma_start3A_106 : memref<1x1x128xi32, #tpu.memory_space<vmem>> -> memref<128xi32, #tpu.memory_space<vmem>>
      %dma_start3A_108 = arith.constant 0 : i32
      %dma_start3A_109 = arith.constant 0 : i32
      %dma_start3A_110 = tpu.memref_slice %arg2[%dma_start3A_108, %dma_start3A_109] : memref<20000x128xf32, #tpu.memory_space<hbm>> -> memref<20000x128xf32, #tpu.memory_space<hbm>>
      tpu.enqueue_indirect_dma source(%dma_start3A_110 : memref<20000x128xf32, #tpu.memory_space<hbm>>) target(%arg9 : memref<128x128xf32, #tpu.memory_space<vmem>>) offsets(%dma_start3A_107 : memref<128xi32, #tpu.memory_space<vmem>>) semaphore(%arg14 : memref<!tpu.dma_semaphore, #tpu.memory_space<semaphore_mem>>)
      %dma_wait3A_111 = arith.constant 0 : i32
      %dma_wait3A_112 = arith.constant 0 : i32
      %dma_wait3A_113 = arith.constant 0 : i32
      %dma_wait3A_114 = tpu.memref_slice %arg6[%dma_wait3A_111, %dma_wait3A_112, %dma_wait3A_113] : memref<8x2x128xi32, #tpu.memory_space<vmem>> -> memref<1x1x128xi32, #tpu.memory_space<vmem>>
      %dma_wait3A_115 = tpu.memref_squeeze %dma_wait3A_114 : memref<1x1x128xi32, #tpu.memory_space<vmem>> -> memref<128xi32, #tpu.memory_space<vmem>>
      %dma_wait3A_116 = arith.constant 0 : i32
      %dma_wait3A_117 = arith.constant 0 : i32
      %dma_wait3A_118 = tpu.memref_slice %arg2[%dma_wait3A_116, %dma_wait3A_117] : memref<20000x128xf32, #tpu.memory_space<hbm>> -> memref<20000x128xf32, #tpu.memory_space<hbm>>
      tpu.wait_indirect_dma semaphore(%arg13 : memref<!tpu.dma_semaphore, #tpu.memory_space<semaphore_mem>>) src(%dma_wait3A_118 : memref<20000x128xf32, #tpu.memory_space<hbm>>) dst(%arg8 : memref<128x128xf32, #tpu.memory_space<vmem>>)
      %run_scoped3A_119 = arith.constant 2 : i32
      %run_scoped3A_120 = arith.constant 1 : i32
      "tpu.region"() ({
        %run_scoped3A_401 = tpu.sem_alloc : memref<!tpu.dma_semaphore, #tpu.memory_space<semaphore_mem>>
        %dma_start3A_402 = arith.constant 0 : i32
        %dma_start3A_403 = tpu.memref_slice %arg6[%run_scoped3A_119, %run_scoped3A_120, %dma_start3A_402] : memref<8x2x128xi32, #tpu.memory_space<vmem>> -> memref<1x1x128xi32, #tpu.memory_space<vmem>>
        %dma_start3A_404 = tpu.memref_squeeze %dma_start3A_403 : memref<1x1x128xi32, #tpu.memory_space<vmem>> -> memref<128xi32, #tpu.memory_space<vmem>>
        %dma_start3A_405 = arith.constant 0 : i32
        %dma_start3A_406 = arith.constant 0 : i32
        %dma_start3A_407 = tpu.memref_slice %arg10[%dma_start3A_405, %dma_start3A_406] : memref<10240x128xf32, #tpu.memory_space<vmem_shared>> -> memref<10240x128xf32, #tpu.memory_space<vmem_shared>>
        tpu.enqueue_indirect_dma source(%arg8 : memref<128x128xf32, #tpu.memory_space<vmem>>) target(%dma_start3A_407 : memref<10240x128xf32, #tpu.memory_space<vmem_shared>>) offsets(%dma_start3A_404 : memref<128xi32, #tpu.memory_space<vmem>>) semaphore(%run_scoped3A_401 : memref<!tpu.dma_semaphore, #tpu.memory_space<semaphore_mem>>) {add = true}
        %dma_wait3A_408 = arith.constant 0 : i32
        %dma_wait3A_409 = tpu.memref_slice %arg6[%run_scoped3A_119, %run_scoped3A_120, %dma_wait3A_408] : memref<8x2x128xi32, #tpu.memory_space<vmem>> -> memref<1x1x128xi32, #tpu.memory_space<vmem>>
        %dma_wait3A_410 = tpu.memref_squeeze %dma_wait3A_409 : memref<1x1x128xi32, #tpu.memory_space<vmem>> -> memref<128xi32, #tpu.memory_space<vmem>>
        %dma_wait3A_411 = arith.constant 0 : i32
        %dma_wait3A_412 = arith.constant 0 : i32
        %dma_wait3A_413 = tpu.memref_slice %arg10[%dma_wait3A_411, %dma_wait3A_412] : memref<10240x128xf32, #tpu.memory_space<vmem_shared>> -> memref<10240x128xf32, #tpu.memory_space<vmem_shared>>
        tpu.wait_indirect_dma semaphore(%run_scoped3A_401 : memref<!tpu.dma_semaphore, #tpu.memory_space<semaphore_mem>>) src(%arg8 : memref<128x128xf32, #tpu.memory_space<vmem>>) dst(%dma_wait3A_413 : memref<10240x128xf32, #tpu.memory_space<vmem_shared>>)
        tpu.yield
      }) : () -> ()
      %dma_start3A_121 = arith.constant 4 : i32
      %dma_start3A_122 = arith.constant 0 : i32
      %dma_start3A_123 = arith.constant 0 : i32
      %dma_start3A_124 = tpu.memref_slice %arg6[%dma_start3A_121, %dma_start3A_122, %dma_start3A_123] : memref<8x2x128xi32, #tpu.memory_space<vmem>> -> memref<1x1x128xi32, #tpu.memory_space<vmem>>
      %dma_start3A_125 = tpu.memref_squeeze %dma_start3A_124 : memref<1x1x128xi32, #tpu.memory_space<vmem>> -> memref<128xi32, #tpu.memory_space<vmem>>
      %dma_start3A_126 = arith.constant 0 : i32
      %dma_start3A_127 = arith.constant 0 : i32
      %dma_start3A_128 = tpu.memref_slice %arg2[%dma_start3A_126, %dma_start3A_127] : memref<20000x128xf32, #tpu.memory_space<hbm>> -> memref<20000x128xf32, #tpu.memory_space<hbm>>
      tpu.enqueue_indirect_dma source(%dma_start3A_128 : memref<20000x128xf32, #tpu.memory_space<hbm>>) target(%arg8 : memref<128x128xf32, #tpu.memory_space<vmem>>) offsets(%dma_start3A_125 : memref<128xi32, #tpu.memory_space<vmem>>) semaphore(%arg13 : memref<!tpu.dma_semaphore, #tpu.memory_space<semaphore_mem>>)
      %dma_wait3A_129 = arith.constant 0 : i32
      %dma_wait3A_130 = arith.constant 0 : i32
      %dma_wait3A_131 = arith.constant 0 : i32
      %dma_wait3A_132 = tpu.memref_slice %arg6[%dma_wait3A_129, %dma_wait3A_130, %dma_wait3A_131] : memref<8x2x128xi32, #tpu.memory_space<vmem>> -> memref<1x1x128xi32, #tpu.memory_space<vmem>>
      %dma_wait3A_133 = tpu.memref_squeeze %dma_wait3A_132 : memref<1x1x128xi32, #tpu.memory_space<vmem>> -> memref<128xi32, #tpu.memory_space<vmem>>
      %dma_wait3A_134 = arith.constant 0 : i32
      %dma_wait3A_135 = arith.constant 0 : i32
      %dma_wait3A_136 = tpu.memref_slice %arg2[%dma_wait3A_134, %dma_wait3A_135] : memref<20000x128xf32, #tpu.memory_space<hbm>> -> memref<20000x128xf32, #tpu.memory_space<hbm>>
      tpu.wait_indirect_dma semaphore(%arg14 : memref<!tpu.dma_semaphore, #tpu.memory_space<semaphore_mem>>) src(%dma_wait3A_136 : memref<20000x128xf32, #tpu.memory_space<hbm>>) dst(%arg9 : memref<128x128xf32, #tpu.memory_space<vmem>>)
      %run_scoped3A_137 = arith.constant 3 : i32
      %run_scoped3A_138 = arith.constant 1 : i32
      "tpu.region"() ({
        %run_scoped3A_401 = tpu.sem_alloc : memref<!tpu.dma_semaphore, #tpu.memory_space<semaphore_mem>>
        %dma_start3A_402 = arith.constant 0 : i32
        %dma_start3A_403 = tpu.memref_slice %arg6[%run_scoped3A_137, %run_scoped3A_138, %dma_start3A_402] : memref<8x2x128xi32, #tpu.memory_space<vmem>> -> memref<1x1x128xi32, #tpu.memory_space<vmem>>
        %dma_start3A_404 = tpu.memref_squeeze %dma_start3A_403 : memref<1x1x128xi32, #tpu.memory_space<vmem>> -> memref<128xi32, #tpu.memory_space<vmem>>
        %dma_start3A_405 = arith.constant 0 : i32
        %dma_start3A_406 = arith.constant 0 : i32
        %dma_start3A_407 = tpu.memref_slice %arg10[%dma_start3A_405, %dma_start3A_406] : memref<10240x128xf32, #tpu.memory_space<vmem_shared>> -> memref<10240x128xf32, #tpu.memory_space<vmem_shared>>
        tpu.enqueue_indirect_dma source(%arg9 : memref<128x128xf32, #tpu.memory_space<vmem>>) target(%dma_start3A_407 : memref<10240x128xf32, #tpu.memory_space<vmem_shared>>) offsets(%dma_start3A_404 : memref<128xi32, #tpu.memory_space<vmem>>) semaphore(%run_scoped3A_401 : memref<!tpu.dma_semaphore, #tpu.memory_space<semaphore_mem>>) {add = true}
        %dma_wait3A_408 = arith.constant 0 : i32
        %dma_wait3A_409 = tpu.memref_slice %arg6[%run_scoped3A_137, %run_scoped3A_138, %dma_wait3A_408] : memref<8x2x128xi32, #tpu.memory_space<vmem>> -> memref<1x1x128xi32, #tpu.memory_space<vmem>>
        %dma_wait3A_410 = tpu.memref_squeeze %dma_wait3A_409 : memref<1x1x128xi32, #tpu.memory_space<vmem>> -> memref<128xi32, #tpu.memory_space<vmem>>
        %dma_wait3A_411 = arith.constant 0 : i32
        %dma_wait3A_412 = arith.constant 0 : i32
        %dma_wait3A_413 = tpu.memref_slice %arg10[%dma_wait3A_411, %dma_wait3A_412] : memref<10240x128xf32, #tpu.memory_space<vmem_shared>> -> memref<10240x128xf32, #tpu.memory_space<vmem_shared>>
        tpu.wait_indirect_dma semaphore(%run_scoped3A_401 : memref<!tpu.dma_semaphore, #tpu.memory_space<semaphore_mem>>) src(%arg9 : memref<128x128xf32, #tpu.memory_space<vmem>>) dst(%dma_wait3A_413 : memref<10240x128xf32, #tpu.memory_space<vmem_shared>>)
        tpu.yield
      }) : () -> ()
      %dma_start3A_139 = arith.constant 5 : i32
      %dma_start3A_140 = arith.constant 0 : i32
      %dma_start3A_141 = arith.constant 0 : i32
      %dma_start3A_142 = tpu.memref_slice %arg6[%dma_start3A_139, %dma_start3A_140, %dma_start3A_141] : memref<8x2x128xi32, #tpu.memory_space<vmem>> -> memref<1x1x128xi32, #tpu.memory_space<vmem>>
      %dma_start3A_143 = tpu.memref_squeeze %dma_start3A_142 : memref<1x1x128xi32, #tpu.memory_space<vmem>> -> memref<128xi32, #tpu.memory_space<vmem>>
      %dma_start3A_144 = arith.constant 0 : i32
      %dma_start3A_145 = arith.constant 0 : i32
      %dma_start3A_146 = tpu.memref_slice %arg2[%dma_start3A_144, %dma_start3A_145] : memref<20000x128xf32, #tpu.memory_space<hbm>> -> memref<20000x128xf32, #tpu.memory_space<hbm>>
      tpu.enqueue_indirect_dma source(%dma_start3A_146 : memref<20000x128xf32, #tpu.memory_space<hbm>>) target(%arg9 : memref<128x128xf32, #tpu.memory_space<vmem>>) offsets(%dma_start3A_143 : memref<128xi32, #tpu.memory_space<vmem>>) semaphore(%arg14 : memref<!tpu.dma_semaphore, #tpu.memory_space<semaphore_mem>>)
      %dma_wait3A_147 = arith.constant 0 : i32
      %dma_wait3A_148 = arith.constant 0 : i32
      %dma_wait3A_149 = arith.constant 0 : i32
      %dma_wait3A_150 = tpu.memref_slice %arg6[%dma_wait3A_147, %dma_wait3A_148, %dma_wait3A_149] : memref<8x2x128xi32, #tpu.memory_space<vmem>> -> memref<1x1x128xi32, #tpu.memory_space<vmem>>
      %dma_wait3A_151 = tpu.memref_squeeze %dma_wait3A_150 : memref<1x1x128xi32, #tpu.memory_space<vmem>> -> memref<128xi32, #tpu.memory_space<vmem>>
      %dma_wait3A_152 = arith.constant 0 : i32
      %dma_wait3A_153 = arith.constant 0 : i32
      %dma_wait3A_154 = tpu.memref_slice %arg2[%dma_wait3A_152, %dma_wait3A_153] : memref<20000x128xf32, #tpu.memory_space<hbm>> -> memref<20000x128xf32, #tpu.memory_space<hbm>>
      tpu.wait_indirect_dma semaphore(%arg13 : memref<!tpu.dma_semaphore, #tpu.memory_space<semaphore_mem>>) src(%dma_wait3A_154 : memref<20000x128xf32, #tpu.memory_space<hbm>>) dst(%arg8 : memref<128x128xf32, #tpu.memory_space<vmem>>)
      %run_scoped3A_155 = arith.constant 4 : i32
      %run_scoped3A_156 = arith.constant 1 : i32
      "tpu.region"() ({
        %run_scoped3A_401 = tpu.sem_alloc : memref<!tpu.dma_semaphore, #tpu.memory_space<semaphore_mem>>
        %dma_start3A_402 = arith.constant 0 : i32
        %dma_start3A_403 = tpu.memref_slice %arg6[%run_scoped3A_155, %run_scoped3A_156, %dma_start3A_402] : memref<8x2x128xi32, #tpu.memory_space<vmem>> -> memref<1x1x128xi32, #tpu.memory_space<vmem>>
        %dma_start3A_404 = tpu.memref_squeeze %dma_start3A_403 : memref<1x1x128xi32, #tpu.memory_space<vmem>> -> memref<128xi32, #tpu.memory_space<vmem>>
        %dma_start3A_405 = arith.constant 0 : i32
        %dma_start3A_406 = arith.constant 0 : i32
        %dma_start3A_407 = tpu.memref_slice %arg10[%dma_start3A_405, %dma_start3A_406] : memref<10240x128xf32, #tpu.memory_space<vmem_shared>> -> memref<10240x128xf32, #tpu.memory_space<vmem_shared>>
        tpu.enqueue_indirect_dma source(%arg8 : memref<128x128xf32, #tpu.memory_space<vmem>>) target(%dma_start3A_407 : memref<10240x128xf32, #tpu.memory_space<vmem_shared>>) offsets(%dma_start3A_404 : memref<128xi32, #tpu.memory_space<vmem>>) semaphore(%run_scoped3A_401 : memref<!tpu.dma_semaphore, #tpu.memory_space<semaphore_mem>>) {add = true}
        %dma_wait3A_408 = arith.constant 0 : i32
        %dma_wait3A_409 = tpu.memref_slice %arg6[%run_scoped3A_155, %run_scoped3A_156, %dma_wait3A_408] : memref<8x2x128xi32, #tpu.memory_space<vmem>> -> memref<1x1x128xi32, #tpu.memory_space<vmem>>
        %dma_wait3A_410 = tpu.memref_squeeze %dma_wait3A_409 : memref<1x1x128xi32, #tpu.memory_space<vmem>> -> memref<128xi32, #tpu.memory_space<vmem>>
        %dma_wait3A_411 = arith.constant 0 : i32
        %dma_wait3A_412 = arith.constant 0 : i32
        %dma_wait3A_413 = tpu.memref_slice %arg10[%dma_wait3A_411, %dma_wait3A_412] : memref<10240x128xf32, #tpu.memory_space<vmem_shared>> -> memref<10240x128xf32, #tpu.memory_space<vmem_shared>>
        tpu.wait_indirect_dma semaphore(%run_scoped3A_401 : memref<!tpu.dma_semaphore, #tpu.memory_space<semaphore_mem>>) src(%arg8 : memref<128x128xf32, #tpu.memory_space<vmem>>) dst(%dma_wait3A_413 : memref<10240x128xf32, #tpu.memory_space<vmem_shared>>)
        tpu.yield
      }) : () -> ()
      %dma_start3A_157 = arith.constant 6 : i32
      %dma_start3A_158 = arith.constant 0 : i32
      %dma_start3A_159 = arith.constant 0 : i32
      %dma_start3A_160 = tpu.memref_slice %arg6[%dma_start3A_157, %dma_start3A_158, %dma_start3A_159] : memref<8x2x128xi32, #tpu.memory_space<vmem>> -> memref<1x1x128xi32, #tpu.memory_space<vmem>>
      %dma_start3A_161 = tpu.memref_squeeze %dma_start3A_160 : memref<1x1x128xi32, #tpu.memory_space<vmem>> -> memref<128xi32, #tpu.memory_space<vmem>>
      %dma_start3A_162 = arith.constant 0 : i32
      %dma_start3A_163 = arith.constant 0 : i32
      %dma_start3A_164 = tpu.memref_slice %arg2[%dma_start3A_162, %dma_start3A_163] : memref<20000x128xf32, #tpu.memory_space<hbm>> -> memref<20000x128xf32, #tpu.memory_space<hbm>>
      tpu.enqueue_indirect_dma source(%dma_start3A_164 : memref<20000x128xf32, #tpu.memory_space<hbm>>) target(%arg8 : memref<128x128xf32, #tpu.memory_space<vmem>>) offsets(%dma_start3A_161 : memref<128xi32, #tpu.memory_space<vmem>>) semaphore(%arg13 : memref<!tpu.dma_semaphore, #tpu.memory_space<semaphore_mem>>)
      %dma_wait3A_165 = arith.constant 0 : i32
      %dma_wait3A_166 = arith.constant 0 : i32
      %dma_wait3A_167 = arith.constant 0 : i32
      %dma_wait3A_168 = tpu.memref_slice %arg6[%dma_wait3A_165, %dma_wait3A_166, %dma_wait3A_167] : memref<8x2x128xi32, #tpu.memory_space<vmem>> -> memref<1x1x128xi32, #tpu.memory_space<vmem>>
      %dma_wait3A_169 = tpu.memref_squeeze %dma_wait3A_168 : memref<1x1x128xi32, #tpu.memory_space<vmem>> -> memref<128xi32, #tpu.memory_space<vmem>>
      %dma_wait3A_170 = arith.constant 0 : i32
      %dma_wait3A_171 = arith.constant 0 : i32
      %dma_wait3A_172 = tpu.memref_slice %arg2[%dma_wait3A_170, %dma_wait3A_171] : memref<20000x128xf32, #tpu.memory_space<hbm>> -> memref<20000x128xf32, #tpu.memory_space<hbm>>
      tpu.wait_indirect_dma semaphore(%arg14 : memref<!tpu.dma_semaphore, #tpu.memory_space<semaphore_mem>>) src(%dma_wait3A_172 : memref<20000x128xf32, #tpu.memory_space<hbm>>) dst(%arg9 : memref<128x128xf32, #tpu.memory_space<vmem>>)
      %run_scoped3A_173 = arith.constant 5 : i32
      %run_scoped3A_174 = arith.constant 1 : i32
      "tpu.region"() ({
        %run_scoped3A_401 = tpu.sem_alloc : memref<!tpu.dma_semaphore, #tpu.memory_space<semaphore_mem>>
        %dma_start3A_402 = arith.constant 0 : i32
        %dma_start3A_403 = tpu.memref_slice %arg6[%run_scoped3A_173, %run_scoped3A_174, %dma_start3A_402] : memref<8x2x128xi32, #tpu.memory_space<vmem>> -> memref<1x1x128xi32, #tpu.memory_space<vmem>>
        %dma_start3A_404 = tpu.memref_squeeze %dma_start3A_403 : memref<1x1x128xi32, #tpu.memory_space<vmem>> -> memref<128xi32, #tpu.memory_space<vmem>>
        %dma_start3A_405 = arith.constant 0 : i32
        %dma_start3A_406 = arith.constant 0 : i32
        %dma_start3A_407 = tpu.memref_slice %arg10[%dma_start3A_405, %dma_start3A_406] : memref<10240x128xf32, #tpu.memory_space<vmem_shared>> -> memref<10240x128xf32, #tpu.memory_space<vmem_shared>>
        tpu.enqueue_indirect_dma source(%arg9 : memref<128x128xf32, #tpu.memory_space<vmem>>) target(%dma_start3A_407 : memref<10240x128xf32, #tpu.memory_space<vmem_shared>>) offsets(%dma_start3A_404 : memref<128xi32, #tpu.memory_space<vmem>>) semaphore(%run_scoped3A_401 : memref<!tpu.dma_semaphore, #tpu.memory_space<semaphore_mem>>) {add = true}
        %dma_wait3A_408 = arith.constant 0 : i32
        %dma_wait3A_409 = tpu.memref_slice %arg6[%run_scoped3A_173, %run_scoped3A_174, %dma_wait3A_408] : memref<8x2x128xi32, #tpu.memory_space<vmem>> -> memref<1x1x128xi32, #tpu.memory_space<vmem>>
        %dma_wait3A_410 = tpu.memref_squeeze %dma_wait3A_409 : memref<1x1x128xi32, #tpu.memory_space<vmem>> -> memref<128xi32, #tpu.memory_space<vmem>>
        %dma_wait3A_411 = arith.constant 0 : i32
        %dma_wait3A_412 = arith.constant 0 : i32
        %dma_wait3A_413 = tpu.memref_slice %arg10[%dma_wait3A_411, %dma_wait3A_412] : memref<10240x128xf32, #tpu.memory_space<vmem_shared>> -> memref<10240x128xf32, #tpu.memory_space<vmem_shared>>
        tpu.wait_indirect_dma semaphore(%run_scoped3A_401 : memref<!tpu.dma_semaphore, #tpu.memory_space<semaphore_mem>>) src(%arg9 : memref<128x128xf32, #tpu.memory_space<vmem>>) dst(%dma_wait3A_413 : memref<10240x128xf32, #tpu.memory_space<vmem_shared>>)
        tpu.yield
      }) : () -> ()
      %dma_start3A_175 = arith.constant 7 : i32
      %dma_start3A_176 = arith.constant 0 : i32
      %dma_start3A_177 = arith.constant 0 : i32
      %dma_start3A_178 = tpu.memref_slice %arg6[%dma_start3A_175, %dma_start3A_176, %dma_start3A_177] : memref<8x2x128xi32, #tpu.memory_space<vmem>> -> memref<1x1x128xi32, #tpu.memory_space<vmem>>
      %dma_start3A_179 = tpu.memref_squeeze %dma_start3A_178 : memref<1x1x128xi32, #tpu.memory_space<vmem>> -> memref<128xi32, #tpu.memory_space<vmem>>
      %dma_start3A_180 = arith.constant 0 : i32
      %dma_start3A_181 = arith.constant 0 : i32
      %dma_start3A_182 = tpu.memref_slice %arg2[%dma_start3A_180, %dma_start3A_181] : memref<20000x128xf32, #tpu.memory_space<hbm>> -> memref<20000x128xf32, #tpu.memory_space<hbm>>
      tpu.enqueue_indirect_dma source(%dma_start3A_182 : memref<20000x128xf32, #tpu.memory_space<hbm>>) target(%arg9 : memref<128x128xf32, #tpu.memory_space<vmem>>) offsets(%dma_start3A_179 : memref<128xi32, #tpu.memory_space<vmem>>) semaphore(%arg14 : memref<!tpu.dma_semaphore, #tpu.memory_space<semaphore_mem>>)
      %dma_wait3A_183 = arith.constant 0 : i32
      %dma_wait3A_184 = arith.constant 0 : i32
      %dma_wait3A_185 = arith.constant 0 : i32
      %dma_wait3A_186 = tpu.memref_slice %arg6[%dma_wait3A_183, %dma_wait3A_184, %dma_wait3A_185] : memref<8x2x128xi32, #tpu.memory_space<vmem>> -> memref<1x1x128xi32, #tpu.memory_space<vmem>>
      %dma_wait3A_187 = tpu.memref_squeeze %dma_wait3A_186 : memref<1x1x128xi32, #tpu.memory_space<vmem>> -> memref<128xi32, #tpu.memory_space<vmem>>
      %dma_wait3A_188 = arith.constant 0 : i32
      %dma_wait3A_189 = arith.constant 0 : i32
      %dma_wait3A_190 = tpu.memref_slice %arg2[%dma_wait3A_188, %dma_wait3A_189] : memref<20000x128xf32, #tpu.memory_space<hbm>> -> memref<20000x128xf32, #tpu.memory_space<hbm>>
      tpu.wait_indirect_dma semaphore(%arg13 : memref<!tpu.dma_semaphore, #tpu.memory_space<semaphore_mem>>) src(%dma_wait3A_190 : memref<20000x128xf32, #tpu.memory_space<hbm>>) dst(%arg8 : memref<128x128xf32, #tpu.memory_space<vmem>>)
      %run_scoped3A_191 = arith.constant 6 : i32
      %run_scoped3A_192 = arith.constant 1 : i32
      "tpu.region"() ({
        %run_scoped3A_401 = tpu.sem_alloc : memref<!tpu.dma_semaphore, #tpu.memory_space<semaphore_mem>>
        %dma_start3A_402 = arith.constant 0 : i32
        %dma_start3A_403 = tpu.memref_slice %arg6[%run_scoped3A_191, %run_scoped3A_192, %dma_start3A_402] : memref<8x2x128xi32, #tpu.memory_space<vmem>> -> memref<1x1x128xi32, #tpu.memory_space<vmem>>
        %dma_start3A_404 = tpu.memref_squeeze %dma_start3A_403 : memref<1x1x128xi32, #tpu.memory_space<vmem>> -> memref<128xi32, #tpu.memory_space<vmem>>
        %dma_start3A_405 = arith.constant 0 : i32
        %dma_start3A_406 = arith.constant 0 : i32
        %dma_start3A_407 = tpu.memref_slice %arg10[%dma_start3A_405, %dma_start3A_406] : memref<10240x128xf32, #tpu.memory_space<vmem_shared>> -> memref<10240x128xf32, #tpu.memory_space<vmem_shared>>
        tpu.enqueue_indirect_dma source(%arg8 : memref<128x128xf32, #tpu.memory_space<vmem>>) target(%dma_start3A_407 : memref<10240x128xf32, #tpu.memory_space<vmem_shared>>) offsets(%dma_start3A_404 : memref<128xi32, #tpu.memory_space<vmem>>) semaphore(%run_scoped3A_401 : memref<!tpu.dma_semaphore, #tpu.memory_space<semaphore_mem>>) {add = true}
        %dma_wait3A_408 = arith.constant 0 : i32
        %dma_wait3A_409 = tpu.memref_slice %arg6[%run_scoped3A_191, %run_scoped3A_192, %dma_wait3A_408] : memref<8x2x128xi32, #tpu.memory_space<vmem>> -> memref<1x1x128xi32, #tpu.memory_space<vmem>>
        %dma_wait3A_410 = tpu.memref_squeeze %dma_wait3A_409 : memref<1x1x128xi32, #tpu.memory_space<vmem>> -> memref<128xi32, #tpu.memory_space<vmem>>
        %dma_wait3A_411 = arith.constant 0 : i32
        %dma_wait3A_412 = arith.constant 0 : i32
        %dma_wait3A_413 = tpu.memref_slice %arg10[%dma_wait3A_411, %dma_wait3A_412] : memref<10240x128xf32, #tpu.memory_space<vmem_shared>> -> memref<10240x128xf32, #tpu.memory_space<vmem_shared>>
        tpu.wait_indirect_dma semaphore(%run_scoped3A_401 : memref<!tpu.dma_semaphore, #tpu.memory_space<semaphore_mem>>) src(%arg8 : memref<128x128xf32, #tpu.memory_space<vmem>>) dst(%dma_wait3A_413 : memref<10240x128xf32, #tpu.memory_space<vmem_shared>>)
        tpu.yield
      }) : () -> ()
      %dma_wait3A_193 = arith.constant 0 : i32
      %dma_wait3A_194 = arith.constant 0 : i32
      %dma_wait3A_195 = arith.constant 0 : i32
      %dma_wait3A_196 = tpu.memref_slice %arg3[%arg0, %arg1, %dma_wait3A_193, %dma_wait3A_194, %dma_wait3A_195] : memref<2x16x160x2x128xi32, #tpu.memory_space<hbm>> -> memref<1x1x8x2x128xi32, #tpu.memory_space<hbm>>
      %dma_wait3A_197 = tpu.memref_squeeze %dma_wait3A_196 : memref<1x1x8x2x128xi32, #tpu.memory_space<hbm>> -> memref<8x2x128xi32, #tpu.memory_space<hbm>>
      %dma_wait3A_198 = arith.constant 0 : i32
      %dma_wait3A_199 = arith.constant 0 : i32
      %dma_wait3A_200 = arith.constant 0 : i32
      %dma_wait3A_201 = tpu.memref_slice %arg3[%arg0, %arg1, %dma_wait3A_198, %dma_wait3A_199, %dma_wait3A_200] : memref<2x16x160x2x128xi32, #tpu.memory_space<hbm>> -> memref<1x1x8x2x128xi32, #tpu.memory_space<hbm>>
      %dma_wait3A_202 = tpu.memref_squeeze %dma_wait3A_201 : memref<1x1x8x2x128xi32, #tpu.memory_space<hbm>> -> memref<8x2x128xi32, #tpu.memory_space<hbm>>
      tpu.wait_dma2 semaphore(%arg12 : memref<!tpu.dma_semaphore, #tpu.memory_space<semaphore_mem>>) src(%dma_wait3A_202 : memref<8x2x128xi32, #tpu.memory_space<hbm>>) dst(%arg7 : memref<8x2x128xi32, #tpu.memory_space<vmem>>)
      %dma_start3A_203 = arith.constant 0 : i32
      %dma_start3A_204 = arith.constant 0 : i32
      %dma_start3A_205 = arith.constant 0 : i32
      %dma_start3A_206 = tpu.memref_slice %arg7[%dma_start3A_203, %dma_start3A_204, %dma_start3A_205] : memref<8x2x128xi32, #tpu.memory_space<vmem>> -> memref<1x1x128xi32, #tpu.memory_space<vmem>>
      %dma_start3A_207 = tpu.memref_squeeze %dma_start3A_206 : memref<1x1x128xi32, #tpu.memory_space<vmem>> -> memref<128xi32, #tpu.memory_space<vmem>>
      %dma_start3A_208 = arith.constant 0 : i32
      %dma_start3A_209 = arith.constant 0 : i32
      %dma_start3A_210 = tpu.memref_slice %arg2[%dma_start3A_208, %dma_start3A_209] : memref<20000x128xf32, #tpu.memory_space<hbm>> -> memref<20000x128xf32, #tpu.memory_space<hbm>>
      tpu.enqueue_indirect_dma source(%dma_start3A_210 : memref<20000x128xf32, #tpu.memory_space<hbm>>) target(%arg8 : memref<128x128xf32, #tpu.memory_space<vmem>>) offsets(%dma_start3A_207 : memref<128xi32, #tpu.memory_space<vmem>>) semaphore(%arg13 : memref<!tpu.dma_semaphore, #tpu.memory_space<semaphore_mem>>)
      %dma_wait3A_211 = arith.constant 0 : i32
      %dma_wait3A_212 = arith.constant 0 : i32
      %dma_wait3A_213 = arith.constant 0 : i32
      %dma_wait3A_214 = tpu.memref_slice %arg6[%dma_wait3A_211, %dma_wait3A_212, %dma_wait3A_213] : memref<8x2x128xi32, #tpu.memory_space<vmem>> -> memref<1x1x128xi32, #tpu.memory_space<vmem>>
      %dma_wait3A_215 = tpu.memref_squeeze %dma_wait3A_214 : memref<1x1x128xi32, #tpu.memory_space<vmem>> -> memref<128xi32, #tpu.memory_space<vmem>>
      %dma_wait3A_216 = arith.constant 0 : i32
      %dma_wait3A_217 = arith.constant 0 : i32
      %dma_wait3A_218 = tpu.memref_slice %arg2[%dma_wait3A_216, %dma_wait3A_217] : memref<20000x128xf32, #tpu.memory_space<hbm>> -> memref<20000x128xf32, #tpu.memory_space<hbm>>
      tpu.wait_indirect_dma semaphore(%arg14 : memref<!tpu.dma_semaphore, #tpu.memory_space<semaphore_mem>>) src(%dma_wait3A_218 : memref<20000x128xf32, #tpu.memory_space<hbm>>) dst(%arg9 : memref<128x128xf32, #tpu.memory_space<vmem>>)
      %run_scoped3A_219 = arith.constant 7 : i32
      %run_scoped3A_220 = arith.constant 1 : i32
      "tpu.region"() ({
        %run_scoped3A_401 = tpu.sem_alloc : memref<!tpu.dma_semaphore, #tpu.memory_space<semaphore_mem>>
        %dma_start3A_402 = arith.constant 0 : i32
        %dma_start3A_403 = tpu.memref_slice %arg6[%run_scoped3A_219, %run_scoped3A_220, %dma_start3A_402] : memref<8x2x128xi32, #tpu.memory_space<vmem>> -> memref<1x1x128xi32, #tpu.memory_space<vmem>>
        %dma_start3A_404 = tpu.memref_squeeze %dma_start3A_403 : memref<1x1x128xi32, #tpu.memory_space<vmem>> -> memref<128xi32, #tpu.memory_space<vmem>>
        %dma_start3A_405 = arith.constant 0 : i32
        %dma_start3A_406 = arith.constant 0 : i32
        %dma_start3A_407 = tpu.memref_slice %arg10[%dma_start3A_405, %dma_start3A_406] : memref<10240x128xf32, #tpu.memory_space<vmem_shared>> -> memref<10240x128xf32, #tpu.memory_space<vmem_shared>>
        tpu.enqueue_indirect_dma source(%arg9 : memref<128x128xf32, #tpu.memory_space<vmem>>) target(%dma_start3A_407 : memref<10240x128xf32, #tpu.memory_space<vmem_shared>>) offsets(%dma_start3A_404 : memref<128xi32, #tpu.memory_space<vmem>>) semaphore(%run_scoped3A_401 : memref<!tpu.dma_semaphore, #tpu.memory_space<semaphore_mem>>) {add = true}
        %dma_wait3A_408 = arith.constant 0 : i32
        %dma_wait3A_409 = tpu.memref_slice %arg6[%run_scoped3A_219, %run_scoped3A_220, %dma_wait3A_408] : memref<8x2x128xi32, #tpu.memory_space<vmem>> -> memref<1x1x128xi32, #tpu.memory_space<vmem>>
        %dma_wait3A_410 = tpu.memref_squeeze %dma_wait3A_409 : memref<1x1x128xi32, #tpu.memory_space<vmem>> -> memref<128xi32, #tpu.memory_space<vmem>>
        %dma_wait3A_411 = arith.constant 0 : i32
        %dma_wait3A_412 = arith.constant 0 : i32
        %dma_wait3A_413 = tpu.memref_slice %arg10[%dma_wait3A_411, %dma_wait3A_412] : memref<10240x128xf32, #tpu.memory_space<vmem_shared>> -> memref<10240x128xf32, #tpu.memory_space<vmem_shared>>
        tpu.wait_indirect_dma semaphore(%run_scoped3A_401 : memref<!tpu.dma_semaphore, #tpu.memory_space<semaphore_mem>>) src(%arg9 : memref<128x128xf32, #tpu.memory_space<vmem>>) dst(%dma_wait3A_413 : memref<10240x128xf32, #tpu.memory_space<vmem_shared>>)
        tpu.yield
      }) : () -> ()
      %add3A = arith.constant 2 : i32
      %add3A_221 = arith.addi %mul3A_67, %add3A : i32
      %min3A = arith.constant 19 : i32
      %min3A_222 = arith.minsi %add3A_221, %min3A : i32
      %mul3A_223 = arith.constant 8 : i32
      %mul3A_224 = arith.muli %min3A_222, %mul3A_223 : i32
      %dma_start3A_225 = arith.constant 0 : i32
      %dma_start3A_226 = arith.constant 0 : i32
      %dma_start3A_227 = tpu.memref_slice %arg3[%arg0, %arg1, %mul3A_224, %dma_start3A_225, %dma_start3A_226] : memref<2x16x160x2x128xi32, #tpu.memory_space<hbm>> -> memref<1x1x8x2x128xi32, #tpu.memory_space<hbm>>
      %dma_start3A_228 = tpu.memref_squeeze %dma_start3A_227 : memref<1x1x8x2x128xi32, #tpu.memory_space<hbm>> -> memref<8x2x128xi32, #tpu.memory_space<hbm>>
      %dma_start3A_229 = arith.constant 0 : i32
      %dma_start3A_230 = arith.constant 0 : i32
      %dma_start3A_231 = tpu.memref_slice %arg3[%arg0, %arg1, %mul3A_224, %dma_start3A_229, %dma_start3A_230] : memref<2x16x160x2x128xi32, #tpu.memory_space<hbm>> -> memref<1x1x8x2x128xi32, #tpu.memory_space<hbm>>
      %dma_start3A_232 = tpu.memref_squeeze %dma_start3A_231 : memref<1x1x8x2x128xi32, #tpu.memory_space<hbm>> -> memref<8x2x128xi32, #tpu.memory_space<hbm>>
      tpu.enqueue_dma source(%dma_start3A_232 : memref<8x2x128xi32, #tpu.memory_space<hbm>>) target(%arg6 : memref<8x2x128xi32, #tpu.memory_space<vmem>>) target_semaphore(%arg11 : memref<!tpu.dma_semaphore, #tpu.memory_space<semaphore_mem>>)
      %dma_start3A_233 = arith.constant 1 : i32
      %dma_start3A_234 = arith.constant 0 : i32
      %dma_start3A_235 = arith.constant 0 : i32
      %dma_start3A_236 = tpu.memref_slice %arg7[%dma_start3A_233, %dma_start3A_234, %dma_start3A_235] : memref<8x2x128xi32, #tpu.memory_space<vmem>> -> memref<1x1x128xi32, #tpu.memory_space<vmem>>
      %dma_start3A_237 = tpu.memref_squeeze %dma_start3A_236 : memref<1x1x128xi32, #tpu.memory_space<vmem>> -> memref<128xi32, #tpu.memory_space<vmem>>
      %dma_start3A_238 = arith.constant 0 : i32
      %dma_start3A_239 = arith.constant 0 : i32
      %dma_start3A_240 = tpu.memref_slice %arg2[%dma_start3A_238, %dma_start3A_239] : memref<20000x128xf32, #tpu.memory_space<hbm>> -> memref<20000x128xf32, #tpu.memory_space<hbm>>
      tpu.enqueue_indirect_dma source(%dma_start3A_240 : memref<20000x128xf32, #tpu.memory_space<hbm>>) target(%arg9 : memref<128x128xf32, #tpu.memory_space<vmem>>) offsets(%dma_start3A_237 : memref<128xi32, #tpu.memory_space<vmem>>) semaphore(%arg14 : memref<!tpu.dma_semaphore, #tpu.memory_space<semaphore_mem>>)
      %dma_wait3A_241 = arith.constant 0 : i32
      %dma_wait3A_242 = arith.constant 0 : i32
      %dma_wait3A_243 = arith.constant 0 : i32
      %dma_wait3A_244 = tpu.memref_slice %arg6[%dma_wait3A_241, %dma_wait3A_242, %dma_wait3A_243] : memref<8x2x128xi32, #tpu.memory_space<vmem>> -> memref<1x1x128xi32, #tpu.memory_space<vmem>>
      %dma_wait3A_245 = tpu.memref_squeeze %dma_wait3A_244 : memref<1x1x128xi32, #tpu.memory_space<vmem>> -> memref<128xi32, #tpu.memory_space<vmem>>
      %dma_wait3A_246 = arith.constant 0 : i32
      %dma_wait3A_247 = arith.constant 0 : i32
      %dma_wait3A_248 = tpu.memref_slice %arg2[%dma_wait3A_246, %dma_wait3A_247] : memref<20000x128xf32, #tpu.memory_space<hbm>> -> memref<20000x128xf32, #tpu.memory_space<hbm>>
      tpu.wait_indirect_dma semaphore(%arg13 : memref<!tpu.dma_semaphore, #tpu.memory_space<semaphore_mem>>) src(%dma_wait3A_248 : memref<20000x128xf32, #tpu.memory_space<hbm>>) dst(%arg8 : memref<128x128xf32, #tpu.memory_space<vmem>>)
      %run_scoped3A_249 = arith.constant 0 : i32
      %run_scoped3A_250 = arith.constant 1 : i32
      "tpu.region"() ({
        %run_scoped3A_401 = tpu.sem_alloc : memref<!tpu.dma_semaphore, #tpu.memory_space<semaphore_mem>>
        %dma_start3A_402 = arith.constant 0 : i32
        %dma_start3A_403 = tpu.memref_slice %arg7[%run_scoped3A_249, %run_scoped3A_250, %dma_start3A_402] : memref<8x2x128xi32, #tpu.memory_space<vmem>> -> memref<1x1x128xi32, #tpu.memory_space<vmem>>
        %dma_start3A_404 = tpu.memref_squeeze %dma_start3A_403 : memref<1x1x128xi32, #tpu.memory_space<vmem>> -> memref<128xi32, #tpu.memory_space<vmem>>
        %dma_start3A_405 = arith.constant 0 : i32
        %dma_start3A_406 = arith.constant 0 : i32
        %dma_start3A_407 = tpu.memref_slice %arg10[%dma_start3A_405, %dma_start3A_406] : memref<10240x128xf32, #tpu.memory_space<vmem_shared>> -> memref<10240x128xf32, #tpu.memory_space<vmem_shared>>
        tpu.enqueue_indirect_dma source(%arg8 : memref<128x128xf32, #tpu.memory_space<vmem>>) target(%dma_start3A_407 : memref<10240x128xf32, #tpu.memory_space<vmem_shared>>) offsets(%dma_start3A_404 : memref<128xi32, #tpu.memory_space<vmem>>) semaphore(%run_scoped3A_401 : memref<!tpu.dma_semaphore, #tpu.memory_space<semaphore_mem>>) {add = true}
        %dma_wait3A_408 = arith.constant 0 : i32
        %dma_wait3A_409 = tpu.memref_slice %arg7[%run_scoped3A_249, %run_scoped3A_250, %dma_wait3A_408] : memref<8x2x128xi32, #tpu.memory_space<vmem>> -> memref<1x1x128xi32, #tpu.memory_space<vmem>>
        %dma_wait3A_410 = tpu.memref_squeeze %dma_wait3A_409 : memref<1x1x128xi32, #tpu.memory_space<vmem>> -> memref<128xi32, #tpu.memory_space<vmem>>
        %dma_wait3A_411 = arith.constant 0 : i32
        %dma_wait3A_412 = arith.constant 0 : i32
        %dma_wait3A_413 = tpu.memref_slice %arg10[%dma_wait3A_411, %dma_wait3A_412] : memref<10240x128xf32, #tpu.memory_space<vmem_shared>> -> memref<10240x128xf32, #tpu.memory_space<vmem_shared>>
        tpu.wait_indirect_dma semaphore(%run_scoped3A_401 : memref<!tpu.dma_semaphore, #tpu.memory_space<semaphore_mem>>) src(%arg8 : memref<128x128xf32, #tpu.memory_space<vmem>>) dst(%dma_wait3A_413 : memref<10240x128xf32, #tpu.memory_space<vmem_shared>>)
        tpu.yield
      }) : () -> ()
      %dma_start3A_251 = arith.constant 2 : i32
      %dma_start3A_252 = arith.constant 0 : i32
      %dma_start3A_253 = arith.constant 0 : i32
      %dma_start3A_254 = tpu.memref_slice %arg7[%dma_start3A_251, %dma_start3A_252, %dma_start3A_253] : memref<8x2x128xi32, #tpu.memory_space<vmem>> -> memref<1x1x128xi32, #tpu.memory_space<vmem>>
      %dma_start3A_255 = tpu.memref_squeeze %dma_start3A_254 : memref<1x1x128xi32, #tpu.memory_space<vmem>> -> memref<128xi32, #tpu.memory_space<vmem>>
      %dma_start3A_256 = arith.constant 0 : i32
      %dma_start3A_257 = arith.constant 0 : i32
      %dma_start3A_258 = tpu.memref_slice %arg2[%dma_start3A_256, %dma_start3A_257] : memref<20000x128xf32, #tpu.memory_space<hbm>> -> memref<20000x128xf32, #tpu.memory_space<hbm>>
      tpu.enqueue_indirect_dma source(%dma_start3A_258 : memref<20000x128xf32, #tpu.memory_space<hbm>>) target(%arg8 : memref<128x128xf32, #tpu.memory_space<vmem>>) offsets(%dma_start3A_255 : memref<128xi32, #tpu.memory_space<vmem>>) semaphore(%arg13 : memref<!tpu.dma_semaphore, #tpu.memory_space<semaphore_mem>>)
      %dma_wait3A_259 = arith.constant 0 : i32
      %dma_wait3A_260 = arith.constant 0 : i32
      %dma_wait3A_261 = arith.constant 0 : i32
      %dma_wait3A_262 = tpu.memref_slice %arg6[%dma_wait3A_259, %dma_wait3A_260, %dma_wait3A_261] : memref<8x2x128xi32, #tpu.memory_space<vmem>> -> memref<1x1x128xi32, #tpu.memory_space<vmem>>
      %dma_wait3A_263 = tpu.memref_squeeze %dma_wait3A_262 : memref<1x1x128xi32, #tpu.memory_space<vmem>> -> memref<128xi32, #tpu.memory_space<vmem>>
      %dma_wait3A_264 = arith.constant 0 : i32
      %dma_wait3A_265 = arith.constant 0 : i32
      %dma_wait3A_266 = tpu.memref_slice %arg2[%dma_wait3A_264, %dma_wait3A_265] : memref<20000x128xf32, #tpu.memory_space<hbm>> -> memref<20000x128xf32, #tpu.memory_space<hbm>>
      tpu.wait_indirect_dma semaphore(%arg14 : memref<!tpu.dma_semaphore, #tpu.memory_space<semaphore_mem>>) src(%dma_wait3A_266 : memref<20000x128xf32, #tpu.memory_space<hbm>>) dst(%arg9 : memref<128x128xf32, #tpu.memory_space<vmem>>)
      %run_scoped3A_267 = arith.constant 1 : i32
      %run_scoped3A_268 = arith.constant 1 : i32
      "tpu.region"() ({
        %run_scoped3A_401 = tpu.sem_alloc : memref<!tpu.dma_semaphore, #tpu.memory_space<semaphore_mem>>
        %dma_start3A_402 = arith.constant 0 : i32
        %dma_start3A_403 = tpu.memref_slice %arg7[%run_scoped3A_267, %run_scoped3A_268, %dma_start3A_402] : memref<8x2x128xi32, #tpu.memory_space<vmem>> -> memref<1x1x128xi32, #tpu.memory_space<vmem>>
        %dma_start3A_404 = tpu.memref_squeeze %dma_start3A_403 : memref<1x1x128xi32, #tpu.memory_space<vmem>> -> memref<128xi32, #tpu.memory_space<vmem>>
        %dma_start3A_405 = arith.constant 0 : i32
        %dma_start3A_406 = arith.constant 0 : i32
        %dma_start3A_407 = tpu.memref_slice %arg10[%dma_start3A_405, %dma_start3A_406] : memref<10240x128xf32, #tpu.memory_space<vmem_shared>> -> memref<10240x128xf32, #tpu.memory_space<vmem_shared>>
        tpu.enqueue_indirect_dma source(%arg9 : memref<128x128xf32, #tpu.memory_space<vmem>>) target(%dma_start3A_407 : memref<10240x128xf32, #tpu.memory_space<vmem_shared>>) offsets(%dma_start3A_404 : memref<128xi32, #tpu.memory_space<vmem>>) semaphore(%run_scoped3A_401 : memref<!tpu.dma_semaphore, #tpu.memory_space<semaphore_mem>>) {add = true}
        %dma_wait3A_408 = arith.constant 0 : i32
        %dma_wait3A_409 = tpu.memref_slice %arg7[%run_scoped3A_267, %run_scoped3A_268, %dma_wait3A_408] : memref<8x2x128xi32, #tpu.memory_space<vmem>> -> memref<1x1x128xi32, #tpu.memory_space<vmem>>
        %dma_wait3A_410 = tpu.memref_squeeze %dma_wait3A_409 : memref<1x1x128xi32, #tpu.memory_space<vmem>> -> memref<128xi32, #tpu.memory_space<vmem>>
        %dma_wait3A_411 = arith.constant 0 : i32
        %dma_wait3A_412 = arith.constant 0 : i32
        %dma_wait3A_413 = tpu.memref_slice %arg10[%dma_wait3A_411, %dma_wait3A_412] : memref<10240x128xf32, #tpu.memory_space<vmem_shared>> -> memref<10240x128xf32, #tpu.memory_space<vmem_shared>>
        tpu.wait_indirect_dma semaphore(%run_scoped3A_401 : memref<!tpu.dma_semaphore, #tpu.memory_space<semaphore_mem>>) src(%arg9 : memref<128x128xf32, #tpu.memory_space<vmem>>) dst(%dma_wait3A_413 : memref<10240x128xf32, #tpu.memory_space<vmem_shared>>)
        tpu.yield
      }) : () -> ()
      %dma_start3A_269 = arith.constant 3 : i32
      %dma_start3A_270 = arith.constant 0 : i32
      %dma_start3A_271 = arith.constant 0 : i32
      %dma_start3A_272 = tpu.memref_slice %arg7[%dma_start3A_269, %dma_start3A_270, %dma_start3A_271] : memref<8x2x128xi32, #tpu.memory_space<vmem>> -> memref<1x1x128xi32, #tpu.memory_space<vmem>>
      %dma_start3A_273 = tpu.memref_squeeze %dma_start3A_272 : memref<1x1x128xi32, #tpu.memory_space<vmem>> -> memref<128xi32, #tpu.memory_space<vmem>>
      %dma_start3A_274 = arith.constant 0 : i32
      %dma_start3A_275 = arith.constant 0 : i32
      %dma_start3A_276 = tpu.memref_slice %arg2[%dma_start3A_274, %dma_start3A_275] : memref<20000x128xf32, #tpu.memory_space<hbm>> -> memref<20000x128xf32, #tpu.memory_space<hbm>>
      tpu.enqueue_indirect_dma source(%dma_start3A_276 : memref<20000x128xf32, #tpu.memory_space<hbm>>) target(%arg9 : memref<128x128xf32, #tpu.memory_space<vmem>>) offsets(%dma_start3A_273 : memref<128xi32, #tpu.memory_space<vmem>>) semaphore(%arg14 : memref<!tpu.dma_semaphore, #tpu.memory_space<semaphore_mem>>)
      %dma_wait3A_277 = arith.constant 0 : i32
      %dma_wait3A_278 = arith.constant 0 : i32
      %dma_wait3A_279 = arith.constant 0 : i32
      %dma_wait3A_280 = tpu.memref_slice %arg6[%dma_wait3A_277, %dma_wait3A_278, %dma_wait3A_279] : memref<8x2x128xi32, #tpu.memory_space<vmem>> -> memref<1x1x128xi32, #tpu.memory_space<vmem>>
      %dma_wait3A_281 = tpu.memref_squeeze %dma_wait3A_280 : memref<1x1x128xi32, #tpu.memory_space<vmem>> -> memref<128xi32, #tpu.memory_space<vmem>>
      %dma_wait3A_282 = arith.constant 0 : i32
      %dma_wait3A_283 = arith.constant 0 : i32
      %dma_wait3A_284 = tpu.memref_slice %arg2[%dma_wait3A_282, %dma_wait3A_283] : memref<20000x128xf32, #tpu.memory_space<hbm>> -> memref<20000x128xf32, #tpu.memory_space<hbm>>
      tpu.wait_indirect_dma semaphore(%arg13 : memref<!tpu.dma_semaphore, #tpu.memory_space<semaphore_mem>>) src(%dma_wait3A_284 : memref<20000x128xf32, #tpu.memory_space<hbm>>) dst(%arg8 : memref<128x128xf32, #tpu.memory_space<vmem>>)
      %run_scoped3A_285 = arith.constant 2 : i32
      %run_scoped3A_286 = arith.constant 1 : i32
      "tpu.region"() ({
        %run_scoped3A_401 = tpu.sem_alloc : memref<!tpu.dma_semaphore, #tpu.memory_space<semaphore_mem>>
        %dma_start3A_402 = arith.constant 0 : i32
        %dma_start3A_403 = tpu.memref_slice %arg7[%run_scoped3A_285, %run_scoped3A_286, %dma_start3A_402] : memref<8x2x128xi32, #tpu.memory_space<vmem>> -> memref<1x1x128xi32, #tpu.memory_space<vmem>>
        %dma_start3A_404 = tpu.memref_squeeze %dma_start3A_403 : memref<1x1x128xi32, #tpu.memory_space<vmem>> -> memref<128xi32, #tpu.memory_space<vmem>>
        %dma_start3A_405 = arith.constant 0 : i32
        %dma_start3A_406 = arith.constant 0 : i32
        %dma_start3A_407 = tpu.memref_slice %arg10[%dma_start3A_405, %dma_start3A_406] : memref<10240x128xf32, #tpu.memory_space<vmem_shared>> -> memref<10240x128xf32, #tpu.memory_space<vmem_shared>>
        tpu.enqueue_indirect_dma source(%arg8 : memref<128x128xf32, #tpu.memory_space<vmem>>) target(%dma_start3A_407 : memref<10240x128xf32, #tpu.memory_space<vmem_shared>>) offsets(%dma_start3A_404 : memref<128xi32, #tpu.memory_space<vmem>>) semaphore(%run_scoped3A_401 : memref<!tpu.dma_semaphore, #tpu.memory_space<semaphore_mem>>) {add = true}
        %dma_wait3A_408 = arith.constant 0 : i32
        %dma_wait3A_409 = tpu.memref_slice %arg7[%run_scoped3A_285, %run_scoped3A_286, %dma_wait3A_408] : memref<8x2x128xi32, #tpu.memory_space<vmem>> -> memref<1x1x128xi32, #tpu.memory_space<vmem>>
        %dma_wait3A_410 = tpu.memref_squeeze %dma_wait3A_409 : memref<1x1x128xi32, #tpu.memory_space<vmem>> -> memref<128xi32, #tpu.memory_space<vmem>>
        %dma_wait3A_411 = arith.constant 0 : i32
        %dma_wait3A_412 = arith.constant 0 : i32
        %dma_wait3A_413 = tpu.memref_slice %arg10[%dma_wait3A_411, %dma_wait3A_412] : memref<10240x128xf32, #tpu.memory_space<vmem_shared>> -> memref<10240x128xf32, #tpu.memory_space<vmem_shared>>
        tpu.wait_indirect_dma semaphore(%run_scoped3A_401 : memref<!tpu.dma_semaphore, #tpu.memory_space<semaphore_mem>>) src(%arg8 : memref<128x128xf32, #tpu.memory_space<vmem>>) dst(%dma_wait3A_413 : memref<10240x128xf32, #tpu.memory_space<vmem_shared>>)
        tpu.yield
      }) : () -> ()
      %dma_start3A_287 = arith.constant 4 : i32
      %dma_start3A_288 = arith.constant 0 : i32
      %dma_start3A_289 = arith.constant 0 : i32
      %dma_start3A_290 = tpu.memref_slice %arg7[%dma_start3A_287, %dma_start3A_288, %dma_start3A_289] : memref<8x2x128xi32, #tpu.memory_space<vmem>> -> memref<1x1x128xi32, #tpu.memory_space<vmem>>
      %dma_start3A_291 = tpu.memref_squeeze %dma_start3A_290 : memref<1x1x128xi32, #tpu.memory_space<vmem>> -> memref<128xi32, #tpu.memory_space<vmem>>
      %dma_start3A_292 = arith.constant 0 : i32
      %dma_start3A_293 = arith.constant 0 : i32
      %dma_start3A_294 = tpu.memref_slice %arg2[%dma_start3A_292, %dma_start3A_293] : memref<20000x128xf32, #tpu.memory_space<hbm>> -> memref<20000x128xf32, #tpu.memory_space<hbm>>
      tpu.enqueue_indirect_dma source(%dma_start3A_294 : memref<20000x128xf32, #tpu.memory_space<hbm>>) target(%arg8 : memref<128x128xf32, #tpu.memory_space<vmem>>) offsets(%dma_start3A_291 : memref<128xi32, #tpu.memory_space<vmem>>) semaphore(%arg13 : memref<!tpu.dma_semaphore, #tpu.memory_space<semaphore_mem>>)
      %dma_wait3A_295 = arith.constant 0 : i32
      %dma_wait3A_296 = arith.constant 0 : i32
      %dma_wait3A_297 = arith.constant 0 : i32
      %dma_wait3A_298 = tpu.memref_slice %arg6[%dma_wait3A_295, %dma_wait3A_296, %dma_wait3A_297] : memref<8x2x128xi32, #tpu.memory_space<vmem>> -> memref<1x1x128xi32, #tpu.memory_space<vmem>>
      %dma_wait3A_299 = tpu.memref_squeeze %dma_wait3A_298 : memref<1x1x128xi32, #tpu.memory_space<vmem>> -> memref<128xi32, #tpu.memory_space<vmem>>
      %dma_wait3A_300 = arith.constant 0 : i32
      %dma_wait3A_301 = arith.constant 0 : i32
      %dma_wait3A_302 = tpu.memref_slice %arg2[%dma_wait3A_300, %dma_wait3A_301] : memref<20000x128xf32, #tpu.memory_space<hbm>> -> memref<20000x128xf32, #tpu.memory_space<hbm>>
      tpu.wait_indirect_dma semaphore(%arg14 : memref<!tpu.dma_semaphore, #tpu.memory_space<semaphore_mem>>) src(%dma_wait3A_302 : memref<20000x128xf32, #tpu.memory_space<hbm>>) dst(%arg9 : memref<128x128xf32, #tpu.memory_space<vmem>>)
      %run_scoped3A_303 = arith.constant 3 : i32
      %run_scoped3A_304 = arith.constant 1 : i32
      "tpu.region"() ({
        %run_scoped3A_401 = tpu.sem_alloc : memref<!tpu.dma_semaphore, #tpu.memory_space<semaphore_mem>>
        %dma_start3A_402 = arith.constant 0 : i32
        %dma_start3A_403 = tpu.memref_slice %arg7[%run_scoped3A_303, %run_scoped3A_304, %dma_start3A_402] : memref<8x2x128xi32, #tpu.memory_space<vmem>> -> memref<1x1x128xi32, #tpu.memory_space<vmem>>
        %dma_start3A_404 = tpu.memref_squeeze %dma_start3A_403 : memref<1x1x128xi32, #tpu.memory_space<vmem>> -> memref<128xi32, #tpu.memory_space<vmem>>
        %dma_start3A_405 = arith.constant 0 : i32
        %dma_start3A_406 = arith.constant 0 : i32
        %dma_start3A_407 = tpu.memref_slice %arg10[%dma_start3A_405, %dma_start3A_406] : memref<10240x128xf32, #tpu.memory_space<vmem_shared>> -> memref<10240x128xf32, #tpu.memory_space<vmem_shared>>
        tpu.enqueue_indirect_dma source(%arg9 : memref<128x128xf32, #tpu.memory_space<vmem>>) target(%dma_start3A_407 : memref<10240x128xf32, #tpu.memory_space<vmem_shared>>) offsets(%dma_start3A_404 : memref<128xi32, #tpu.memory_space<vmem>>) semaphore(%run_scoped3A_401 : memref<!tpu.dma_semaphore, #tpu.memory_space<semaphore_mem>>) {add = true}
        %dma_wait3A_408 = arith.constant 0 : i32
        %dma_wait3A_409 = tpu.memref_slice %arg7[%run_scoped3A_303, %run_scoped3A_304, %dma_wait3A_408] : memref<8x2x128xi32, #tpu.memory_space<vmem>> -> memref<1x1x128xi32, #tpu.memory_space<vmem>>
        %dma_wait3A_410 = tpu.memref_squeeze %dma_wait3A_409 : memref<1x1x128xi32, #tpu.memory_space<vmem>> -> memref<128xi32, #tpu.memory_space<vmem>>
        %dma_wait3A_411 = arith.constant 0 : i32
        %dma_wait3A_412 = arith.constant 0 : i32
        %dma_wait3A_413 = tpu.memref_slice %arg10[%dma_wait3A_411, %dma_wait3A_412] : memref<10240x128xf32, #tpu.memory_space<vmem_shared>> -> memref<10240x128xf32, #tpu.memory_space<vmem_shared>>
        tpu.wait_indirect_dma semaphore(%run_scoped3A_401 : memref<!tpu.dma_semaphore, #tpu.memory_space<semaphore_mem>>) src(%arg9 : memref<128x128xf32, #tpu.memory_space<vmem>>) dst(%dma_wait3A_413 : memref<10240x128xf32, #tpu.memory_space<vmem_shared>>)
        tpu.yield
      }) : () -> ()
      %dma_start3A_305 = arith.constant 5 : i32
      %dma_start3A_306 = arith.constant 0 : i32
      %dma_start3A_307 = arith.constant 0 : i32
      %dma_start3A_308 = tpu.memref_slice %arg7[%dma_start3A_305, %dma_start3A_306, %dma_start3A_307] : memref<8x2x128xi32, #tpu.memory_space<vmem>> -> memref<1x1x128xi32, #tpu.memory_space<vmem>>
      %dma_start3A_309 = tpu.memref_squeeze %dma_start3A_308 : memref<1x1x128xi32, #tpu.memory_space<vmem>> -> memref<128xi32, #tpu.memory_space<vmem>>
      %dma_start3A_310 = arith.constant 0 : i32
      %dma_start3A_311 = arith.constant 0 : i32
      %dma_start3A_312 = tpu.memref_slice %arg2[%dma_start3A_310, %dma_start3A_311] : memref<20000x128xf32, #tpu.memory_space<hbm>> -> memref<20000x128xf32, #tpu.memory_space<hbm>>
      tpu.enqueue_indirect_dma source(%dma_start3A_312 : memref<20000x128xf32, #tpu.memory_space<hbm>>) target(%arg9 : memref<128x128xf32, #tpu.memory_space<vmem>>) offsets(%dma_start3A_309 : memref<128xi32, #tpu.memory_space<vmem>>) semaphore(%arg14 : memref<!tpu.dma_semaphore, #tpu.memory_space<semaphore_mem>>)
      %dma_wait3A_313 = arith.constant 0 : i32
      %dma_wait3A_314 = arith.constant 0 : i32
      %dma_wait3A_315 = arith.constant 0 : i32
      %dma_wait3A_316 = tpu.memref_slice %arg6[%dma_wait3A_313, %dma_wait3A_314, %dma_wait3A_315] : memref<8x2x128xi32, #tpu.memory_space<vmem>> -> memref<1x1x128xi32, #tpu.memory_space<vmem>>
      %dma_wait3A_317 = tpu.memref_squeeze %dma_wait3A_316 : memref<1x1x128xi32, #tpu.memory_space<vmem>> -> memref<128xi32, #tpu.memory_space<vmem>>
      %dma_wait3A_318 = arith.constant 0 : i32
      %dma_wait3A_319 = arith.constant 0 : i32
      %dma_wait3A_320 = tpu.memref_slice %arg2[%dma_wait3A_318, %dma_wait3A_319] : memref<20000x128xf32, #tpu.memory_space<hbm>> -> memref<20000x128xf32, #tpu.memory_space<hbm>>
      tpu.wait_indirect_dma semaphore(%arg13 : memref<!tpu.dma_semaphore, #tpu.memory_space<semaphore_mem>>) src(%dma_wait3A_320 : memref<20000x128xf32, #tpu.memory_space<hbm>>) dst(%arg8 : memref<128x128xf32, #tpu.memory_space<vmem>>)
      %run_scoped3A_321 = arith.constant 4 : i32
      %run_scoped3A_322 = arith.constant 1 : i32
      "tpu.region"() ({
        %run_scoped3A_401 = tpu.sem_alloc : memref<!tpu.dma_semaphore, #tpu.memory_space<semaphore_mem>>
        %dma_start3A_402 = arith.constant 0 : i32
        %dma_start3A_403 = tpu.memref_slice %arg7[%run_scoped3A_321, %run_scoped3A_322, %dma_start3A_402] : memref<8x2x128xi32, #tpu.memory_space<vmem>> -> memref<1x1x128xi32, #tpu.memory_space<vmem>>
        %dma_start3A_404 = tpu.memref_squeeze %dma_start3A_403 : memref<1x1x128xi32, #tpu.memory_space<vmem>> -> memref<128xi32, #tpu.memory_space<vmem>>
        %dma_start3A_405 = arith.constant 0 : i32
        %dma_start3A_406 = arith.constant 0 : i32
        %dma_start3A_407 = tpu.memref_slice %arg10[%dma_start3A_405, %dma_start3A_406] : memref<10240x128xf32, #tpu.memory_space<vmem_shared>> -> memref<10240x128xf32, #tpu.memory_space<vmem_shared>>
        tpu.enqueue_indirect_dma source(%arg8 : memref<128x128xf32, #tpu.memory_space<vmem>>) target(%dma_start3A_407 : memref<10240x128xf32, #tpu.memory_space<vmem_shared>>) offsets(%dma_start3A_404 : memref<128xi32, #tpu.memory_space<vmem>>) semaphore(%run_scoped3A_401 : memref<!tpu.dma_semaphore, #tpu.memory_space<semaphore_mem>>) {add = true}
        %dma_wait3A_408 = arith.constant 0 : i32
        %dma_wait3A_409 = tpu.memref_slice %arg7[%run_scoped3A_321, %run_scoped3A_322, %dma_wait3A_408] : memref<8x2x128xi32, #tpu.memory_space<vmem>> -> memref<1x1x128xi32, #tpu.memory_space<vmem>>
        %dma_wait3A_410 = tpu.memref_squeeze %dma_wait3A_409 : memref<1x1x128xi32, #tpu.memory_space<vmem>> -> memref<128xi32, #tpu.memory_space<vmem>>
        %dma_wait3A_411 = arith.constant 0 : i32
        %dma_wait3A_412 = arith.constant 0 : i32
        %dma_wait3A_413 = tpu.memref_slice %arg10[%dma_wait3A_411, %dma_wait3A_412] : memref<10240x128xf32, #tpu.memory_space<vmem_shared>> -> memref<10240x128xf32, #tpu.memory_space<vmem_shared>>
        tpu.wait_indirect_dma semaphore(%run_scoped3A_401 : memref<!tpu.dma_semaphore, #tpu.memory_space<semaphore_mem>>) src(%arg8 : memref<128x128xf32, #tpu.memory_space<vmem>>) dst(%dma_wait3A_413 : memref<10240x128xf32, #tpu.memory_space<vmem_shared>>)
        tpu.yield
      }) : () -> ()
      %dma_start3A_323 = arith.constant 6 : i32
      %dma_start3A_324 = arith.constant 0 : i32
      %dma_start3A_325 = arith.constant 0 : i32
      %dma_start3A_326 = tpu.memref_slice %arg7[%dma_start3A_323, %dma_start3A_324, %dma_start3A_325] : memref<8x2x128xi32, #tpu.memory_space<vmem>> -> memref<1x1x128xi32, #tpu.memory_space<vmem>>
      %dma_start3A_327 = tpu.memref_squeeze %dma_start3A_326 : memref<1x1x128xi32, #tpu.memory_space<vmem>> -> memref<128xi32, #tpu.memory_space<vmem>>
      %dma_start3A_328 = arith.constant 0 : i32
      %dma_start3A_329 = arith.constant 0 : i32
      %dma_start3A_330 = tpu.memref_slice %arg2[%dma_start3A_328, %dma_start3A_329] : memref<20000x128xf32, #tpu.memory_space<hbm>> -> memref<20000x128xf32, #tpu.memory_space<hbm>>
      tpu.enqueue_indirect_dma source(%dma_start3A_330 : memref<20000x128xf32, #tpu.memory_space<hbm>>) target(%arg8 : memref<128x128xf32, #tpu.memory_space<vmem>>) offsets(%dma_start3A_327 : memref<128xi32, #tpu.memory_space<vmem>>) semaphore(%arg13 : memref<!tpu.dma_semaphore, #tpu.memory_space<semaphore_mem>>)
      %dma_wait3A_331 = arith.constant 0 : i32
      %dma_wait3A_332 = arith.constant 0 : i32
      %dma_wait3A_333 = arith.constant 0 : i32
      %dma_wait3A_334 = tpu.memref_slice %arg6[%dma_wait3A_331, %dma_wait3A_332, %dma_wait3A_333] : memref<8x2x128xi32, #tpu.memory_space<vmem>> -> memref<1x1x128xi32, #tpu.memory_space<vmem>>
      %dma_wait3A_335 = tpu.memref_squeeze %dma_wait3A_334 : memref<1x1x128xi32, #tpu.memory_space<vmem>> -> memref<128xi32, #tpu.memory_space<vmem>>
      %dma_wait3A_336 = arith.constant 0 : i32
      %dma_wait3A_337 = arith.constant 0 : i32
      %dma_wait3A_338 = tpu.memref_slice %arg2[%dma_wait3A_336, %dma_wait3A_337] : memref<20000x128xf32, #tpu.memory_space<hbm>> -> memref<20000x128xf32, #tpu.memory_space<hbm>>
      tpu.wait_indirect_dma semaphore(%arg14 : memref<!tpu.dma_semaphore, #tpu.memory_space<semaphore_mem>>) src(%dma_wait3A_338 : memref<20000x128xf32, #tpu.memory_space<hbm>>) dst(%arg9 : memref<128x128xf32, #tpu.memory_space<vmem>>)
      %run_scoped3A_339 = arith.constant 5 : i32
      %run_scoped3A_340 = arith.constant 1 : i32
      "tpu.region"() ({
        %run_scoped3A_401 = tpu.sem_alloc : memref<!tpu.dma_semaphore, #tpu.memory_space<semaphore_mem>>
        %dma_start3A_402 = arith.constant 0 : i32
        %dma_start3A_403 = tpu.memref_slice %arg7[%run_scoped3A_339, %run_scoped3A_340, %dma_start3A_402] : memref<8x2x128xi32, #tpu.memory_space<vmem>> -> memref<1x1x128xi32, #tpu.memory_space<vmem>>
        %dma_start3A_404 = tpu.memref_squeeze %dma_start3A_403 : memref<1x1x128xi32, #tpu.memory_space<vmem>> -> memref<128xi32, #tpu.memory_space<vmem>>
        %dma_start3A_405 = arith.constant 0 : i32
        %dma_start3A_406 = arith.constant 0 : i32
        %dma_start3A_407 = tpu.memref_slice %arg10[%dma_start3A_405, %dma_start3A_406] : memref<10240x128xf32, #tpu.memory_space<vmem_shared>> -> memref<10240x128xf32, #tpu.memory_space<vmem_shared>>
        tpu.enqueue_indirect_dma source(%arg9 : memref<128x128xf32, #tpu.memory_space<vmem>>) target(%dma_start3A_407 : memref<10240x128xf32, #tpu.memory_space<vmem_shared>>) offsets(%dma_start3A_404 : memref<128xi32, #tpu.memory_space<vmem>>) semaphore(%run_scoped3A_401 : memref<!tpu.dma_semaphore, #tpu.memory_space<semaphore_mem>>) {add = true}
        %dma_wait3A_408 = arith.constant 0 : i32
        %dma_wait3A_409 = tpu.memref_slice %arg7[%run_scoped3A_339, %run_scoped3A_340, %dma_wait3A_408] : memref<8x2x128xi32, #tpu.memory_space<vmem>> -> memref<1x1x128xi32, #tpu.memory_space<vmem>>
        %dma_wait3A_410 = tpu.memref_squeeze %dma_wait3A_409 : memref<1x1x128xi32, #tpu.memory_space<vmem>> -> memref<128xi32, #tpu.memory_space<vmem>>
        %dma_wait3A_411 = arith.constant 0 : i32
        %dma_wait3A_412 = arith.constant 0 : i32
        %dma_wait3A_413 = tpu.memref_slice %arg10[%dma_wait3A_411, %dma_wait3A_412] : memref<10240x128xf32, #tpu.memory_space<vmem_shared>> -> memref<10240x128xf32, #tpu.memory_space<vmem_shared>>
        tpu.wait_indirect_dma semaphore(%run_scoped3A_401 : memref<!tpu.dma_semaphore, #tpu.memory_space<semaphore_mem>>) src(%arg9 : memref<128x128xf32, #tpu.memory_space<vmem>>) dst(%dma_wait3A_413 : memref<10240x128xf32, #tpu.memory_space<vmem_shared>>)
        tpu.yield
      }) : () -> ()
      %dma_start3A_341 = arith.constant 7 : i32
      %dma_start3A_342 = arith.constant 0 : i32
      %dma_start3A_343 = arith.constant 0 : i32
      %dma_start3A_344 = tpu.memref_slice %arg7[%dma_start3A_341, %dma_start3A_342, %dma_start3A_343] : memref<8x2x128xi32, #tpu.memory_space<vmem>> -> memref<1x1x128xi32, #tpu.memory_space<vmem>>
      %dma_start3A_345 = tpu.memref_squeeze %dma_start3A_344 : memref<1x1x128xi32, #tpu.memory_space<vmem>> -> memref<128xi32, #tpu.memory_space<vmem>>
      %dma_start3A_346 = arith.constant 0 : i32
      %dma_start3A_347 = arith.constant 0 : i32
      %dma_start3A_348 = tpu.memref_slice %arg2[%dma_start3A_346, %dma_start3A_347] : memref<20000x128xf32, #tpu.memory_space<hbm>> -> memref<20000x128xf32, #tpu.memory_space<hbm>>
      tpu.enqueue_indirect_dma source(%dma_start3A_348 : memref<20000x128xf32, #tpu.memory_space<hbm>>) target(%arg9 : memref<128x128xf32, #tpu.memory_space<vmem>>) offsets(%dma_start3A_345 : memref<128xi32, #tpu.memory_space<vmem>>) semaphore(%arg14 : memref<!tpu.dma_semaphore, #tpu.memory_space<semaphore_mem>>)
      %dma_wait3A_349 = arith.constant 0 : i32
      %dma_wait3A_350 = arith.constant 0 : i32
      %dma_wait3A_351 = arith.constant 0 : i32
      %dma_wait3A_352 = tpu.memref_slice %arg6[%dma_wait3A_349, %dma_wait3A_350, %dma_wait3A_351] : memref<8x2x128xi32, #tpu.memory_space<vmem>> -> memref<1x1x128xi32, #tpu.memory_space<vmem>>
      %dma_wait3A_353 = tpu.memref_squeeze %dma_wait3A_352 : memref<1x1x128xi32, #tpu.memory_space<vmem>> -> memref<128xi32, #tpu.memory_space<vmem>>
      %dma_wait3A_354 = arith.constant 0 : i32
      %dma_wait3A_355 = arith.constant 0 : i32
      %dma_wait3A_356 = tpu.memref_slice %arg2[%dma_wait3A_354, %dma_wait3A_355] : memref<20000x128xf32, #tpu.memory_space<hbm>> -> memref<20000x128xf32, #tpu.memory_space<hbm>>
      tpu.wait_indirect_dma semaphore(%arg13 : memref<!tpu.dma_semaphore, #tpu.memory_space<semaphore_mem>>) src(%dma_wait3A_356 : memref<20000x128xf32, #tpu.memory_space<hbm>>) dst(%arg8 : memref<128x128xf32, #tpu.memory_space<vmem>>)
      %run_scoped3A_357 = arith.constant 6 : i32
      %run_scoped3A_358 = arith.constant 1 : i32
      "tpu.region"() ({
        %run_scoped3A_401 = tpu.sem_alloc : memref<!tpu.dma_semaphore, #tpu.memory_space<semaphore_mem>>
        %dma_start3A_402 = arith.constant 0 : i32
        %dma_start3A_403 = tpu.memref_slice %arg7[%run_scoped3A_357, %run_scoped3A_358, %dma_start3A_402] : memref<8x2x128xi32, #tpu.memory_space<vmem>> -> memref<1x1x128xi32, #tpu.memory_space<vmem>>
        %dma_start3A_404 = tpu.memref_squeeze %dma_start3A_403 : memref<1x1x128xi32, #tpu.memory_space<vmem>> -> memref<128xi32, #tpu.memory_space<vmem>>
        %dma_start3A_405 = arith.constant 0 : i32
        %dma_start3A_406 = arith.constant 0 : i32
        %dma_start3A_407 = tpu.memref_slice %arg10[%dma_start3A_405, %dma_start3A_406] : memref<10240x128xf32, #tpu.memory_space<vmem_shared>> -> memref<10240x128xf32, #tpu.memory_space<vmem_shared>>
        tpu.enqueue_indirect_dma source(%arg8 : memref<128x128xf32, #tpu.memory_space<vmem>>) target(%dma_start3A_407 : memref<10240x128xf32, #tpu.memory_space<vmem_shared>>) offsets(%dma_start3A_404 : memref<128xi32, #tpu.memory_space<vmem>>) semaphore(%run_scoped3A_401 : memref<!tpu.dma_semaphore, #tpu.memory_space<semaphore_mem>>) {add = true}
        %dma_wait3A_408 = arith.constant 0 : i32
        %dma_wait3A_409 = tpu.memref_slice %arg7[%run_scoped3A_357, %run_scoped3A_358, %dma_wait3A_408] : memref<8x2x128xi32, #tpu.memory_space<vmem>> -> memref<1x1x128xi32, #tpu.memory_space<vmem>>
        %dma_wait3A_410 = tpu.memref_squeeze %dma_wait3A_409 : memref<1x1x128xi32, #tpu.memory_space<vmem>> -> memref<128xi32, #tpu.memory_space<vmem>>
        %dma_wait3A_411 = arith.constant 0 : i32
        %dma_wait3A_412 = arith.constant 0 : i32
        %dma_wait3A_413 = tpu.memref_slice %arg10[%dma_wait3A_411, %dma_wait3A_412] : memref<10240x128xf32, #tpu.memory_space<vmem_shared>> -> memref<10240x128xf32, #tpu.memory_space<vmem_shared>>
        tpu.wait_indirect_dma semaphore(%run_scoped3A_401 : memref<!tpu.dma_semaphore, #tpu.memory_space<semaphore_mem>>) src(%arg8 : memref<128x128xf32, #tpu.memory_space<vmem>>) dst(%dma_wait3A_413 : memref<10240x128xf32, #tpu.memory_space<vmem_shared>>)
        tpu.yield
      }) : () -> ()
      %dma_wait3A_359 = arith.constant 0 : i32
      %dma_wait3A_360 = arith.constant 0 : i32
      %dma_wait3A_361 = arith.constant 0 : i32
      %dma_wait3A_362 = tpu.memref_slice %arg3[%arg0, %arg1, %dma_wait3A_359, %dma_wait3A_360, %dma_wait3A_361] : memref<2x16x160x2x128xi32, #tpu.memory_space<hbm>> -> memref<1x1x8x2x128xi32, #tpu.memory_space<hbm>>
      %dma_wait3A_363 = tpu.memref_squeeze %dma_wait3A_362 : memref<1x1x8x2x128xi32, #tpu.memory_space<hbm>> -> memref<8x2x128xi32, #tpu.memory_space<hbm>>
      %dma_wait3A_364 = arith.constant 0 : i32
      %dma_wait3A_365 = arith.constant 0 : i32
      %dma_wait3A_366 = arith.constant 0 : i32
      %dma_wait3A_367 = tpu.memref_slice %arg3[%arg0, %arg1, %dma_wait3A_364, %dma_wait3A_365, %dma_wait3A_366] : memref<2x16x160x2x128xi32, #tpu.memory_space<hbm>> -> memref<1x1x8x2x128xi32, #tpu.memory_space<hbm>>
      %dma_wait3A_368 = tpu.memref_squeeze %dma_wait3A_367 : memref<1x1x8x2x128xi32, #tpu.memory_space<hbm>> -> memref<8x2x128xi32, #tpu.memory_space<hbm>>
      tpu.wait_dma2 semaphore(%arg11 : memref<!tpu.dma_semaphore, #tpu.memory_space<semaphore_mem>>) src(%dma_wait3A_368 : memref<8x2x128xi32, #tpu.memory_space<hbm>>) dst(%arg6 : memref<8x2x128xi32, #tpu.memory_space<vmem>>)
      %dma_start3A_369 = arith.constant 0 : i32
      %dma_start3A_370 = arith.constant 0 : i32
      %dma_start3A_371 = arith.constant 0 : i32
      %dma_start3A_372 = tpu.memref_slice %arg6[%dma_start3A_369, %dma_start3A_370, %dma_start3A_371] : memref<8x2x128xi32, #tpu.memory_space<vmem>> -> memref<1x1x128xi32, #tpu.memory_space<vmem>>
      %dma_start3A_373 = tpu.memref_squeeze %dma_start3A_372 : memref<1x1x128xi32, #tpu.memory_space<vmem>> -> memref<128xi32, #tpu.memory_space<vmem>>
      %dma_start3A_374 = arith.constant 0 : i32
      %dma_start3A_375 = arith.constant 0 : i32
      %dma_start3A_376 = tpu.memref_slice %arg2[%dma_start3A_374, %dma_start3A_375] : memref<20000x128xf32, #tpu.memory_space<hbm>> -> memref<20000x128xf32, #tpu.memory_space<hbm>>
      tpu.enqueue_indirect_dma source(%dma_start3A_376 : memref<20000x128xf32, #tpu.memory_space<hbm>>) target(%arg8 : memref<128x128xf32, #tpu.memory_space<vmem>>) offsets(%dma_start3A_373 : memref<128xi32, #tpu.memory_space<vmem>>) semaphore(%arg13 : memref<!tpu.dma_semaphore, #tpu.memory_space<semaphore_mem>>)
      %dma_wait3A_377 = arith.constant 0 : i32
      %dma_wait3A_378 = arith.constant 0 : i32
      %dma_wait3A_379 = arith.constant 0 : i32
      %dma_wait3A_380 = tpu.memref_slice %arg6[%dma_wait3A_377, %dma_wait3A_378, %dma_wait3A_379] : memref<8x2x128xi32, #tpu.memory_space<vmem>> -> memref<1x1x128xi32, #tpu.memory_space<vmem>>
      %dma_wait3A_381 = tpu.memref_squeeze %dma_wait3A_380 : memref<1x1x128xi32, #tpu.memory_space<vmem>> -> memref<128xi32, #tpu.memory_space<vmem>>
      %dma_wait3A_382 = arith.constant 0 : i32
      %dma_wait3A_383 = arith.constant 0 : i32
      %dma_wait3A_384 = tpu.memref_slice %arg2[%dma_wait3A_382, %dma_wait3A_383] : memref<20000x128xf32, #tpu.memory_space<hbm>> -> memref<20000x128xf32, #tpu.memory_space<hbm>>
      tpu.wait_indirect_dma semaphore(%arg14 : memref<!tpu.dma_semaphore, #tpu.memory_space<semaphore_mem>>) src(%dma_wait3A_384 : memref<20000x128xf32, #tpu.memory_space<hbm>>) dst(%arg9 : memref<128x128xf32, #tpu.memory_space<vmem>>)
      %run_scoped3A_385 = arith.constant 7 : i32
      %run_scoped3A_386 = arith.constant 1 : i32
      "tpu.region"() ({
        %run_scoped3A_401 = tpu.sem_alloc : memref<!tpu.dma_semaphore, #tpu.memory_space<semaphore_mem>>
        %dma_start3A_402 = arith.constant 0 : i32
        %dma_start3A_403 = tpu.memref_slice %arg7[%run_scoped3A_385, %run_scoped3A_386, %dma_start3A_402] : memref<8x2x128xi32, #tpu.memory_space<vmem>> -> memref<1x1x128xi32, #tpu.memory_space<vmem>>
        %dma_start3A_404 = tpu.memref_squeeze %dma_start3A_403 : memref<1x1x128xi32, #tpu.memory_space<vmem>> -> memref<128xi32, #tpu.memory_space<vmem>>
        %dma_start3A_405 = arith.constant 0 : i32
        %dma_start3A_406 = arith.constant 0 : i32
        %dma_start3A_407 = tpu.memref_slice %arg10[%dma_start3A_405, %dma_start3A_406] : memref<10240x128xf32, #tpu.memory_space<vmem_shared>> -> memref<10240x128xf32, #tpu.memory_space<vmem_shared>>
        tpu.enqueue_indirect_dma source(%arg9 : memref<128x128xf32, #tpu.memory_space<vmem>>) target(%dma_start3A_407 : memref<10240x128xf32, #tpu.memory_space<vmem_shared>>) offsets(%dma_start3A_404 : memref<128xi32, #tpu.memory_space<vmem>>) semaphore(%run_scoped3A_401 : memref<!tpu.dma_semaphore, #tpu.memory_space<semaphore_mem>>) {add = true}
        %dma_wait3A_408 = arith.constant 0 : i32
        %dma_wait3A_409 = tpu.memref_slice %arg7[%run_scoped3A_385, %run_scoped3A_386, %dma_wait3A_408] : memref<8x2x128xi32, #tpu.memory_space<vmem>> -> memref<1x1x128xi32, #tpu.memory_space<vmem>>
        %dma_wait3A_410 = tpu.memref_squeeze %dma_wait3A_409 : memref<1x1x128xi32, #tpu.memory_space<vmem>> -> memref<128xi32, #tpu.memory_space<vmem>>
        %dma_wait3A_411 = arith.constant 0 : i32
        %dma_wait3A_412 = arith.constant 0 : i32
        %dma_wait3A_413 = tpu.memref_slice %arg10[%dma_wait3A_411, %dma_wait3A_412] : memref<10240x128xf32, #tpu.memory_space<vmem_shared>> -> memref<10240x128xf32, #tpu.memory_space<vmem_shared>>
        tpu.wait_indirect_dma semaphore(%run_scoped3A_401 : memref<!tpu.dma_semaphore, #tpu.memory_space<semaphore_mem>>) src(%arg9 : memref<128x128xf32, #tpu.memory_space<vmem>>) dst(%dma_wait3A_413 : memref<10240x128xf32, #tpu.memory_space<vmem_shared>>)
        tpu.yield
      }) : () -> ()
      %add3A_387 = arith.constant 3 : i32
      %add3A_388 = arith.addi %mul3A_67, %add3A_387 : i32
      %min3A_389 = arith.constant 19 : i32
      %min3A_390 = arith.minsi %add3A_388, %min3A_389 : i32
      %mul3A_391 = arith.constant 8 : i32
      %mul3A_392 = arith.muli %min3A_390, %mul3A_391 : i32
      %dma_start3A_393 = arith.constant 0 : i32
      %dma_start3A_394 = arith.constant 0 : i32
      %dma_start3A_395 = tpu.memref_slice %arg3[%arg0, %arg1, %mul3A_392, %dma_start3A_393, %dma_start3A_394] : memref<2x16x160x2x128xi32, #tpu.memory_space<hbm>> -> memref<1x1x8x2x128xi32, #tpu.memory_space<hbm>>
      %dma_start3A_396 = tpu.memref_squeeze %dma_start3A_395 : memref<1x1x8x2x128xi32, #tpu.memory_space<hbm>> -> memref<8x2x128xi32, #tpu.memory_space<hbm>>
      %dma_start3A_397 = arith.constant 0 : i32
      %dma_start3A_398 = arith.constant 0 : i32
      %dma_start3A_399 = tpu.memref_slice %arg3[%arg0, %arg1, %mul3A_392, %dma_start3A_397, %dma_start3A_398] : memref<2x16x160x2x128xi32, #tpu.memory_space<hbm>> -> memref<1x1x8x2x128xi32, #tpu.memory_space<hbm>>
      %dma_start3A_400 = tpu.memref_squeeze %dma_start3A_399 : memref<1x1x8x2x128xi32, #tpu.memory_space<hbm>> -> memref<8x2x128xi32, #tpu.memory_space<hbm>>
      tpu.enqueue_dma source(%dma_start3A_400 : memref<8x2x128xi32, #tpu.memory_space<hbm>>) target(%arg7 : memref<8x2x128xi32, #tpu.memory_space<vmem>>) target_semaphore(%arg12 : memref<!tpu.dma_semaphore, #tpu.memory_space<semaphore_mem>>)
    }
    %scan3A_41 = arith.constant 10 : i32
    %dma_wait3A_42 = arith.constant 0 : i32
    %dma_wait3A_43 = arith.constant 0 : i32
    %dma_wait3A_44 = arith.constant 0 : i32
    %dma_wait3A_45 = tpu.memref_slice %arg6[%dma_wait3A_42, %dma_wait3A_43, %dma_wait3A_44] : memref<8x2x128xi32, #tpu.memory_space<vmem>> -> memref<1x1x128xi32, #tpu.memory_space<vmem>>
    %dma_wait3A_46 = tpu.memref_squeeze %dma_wait3A_45 : memref<1x1x128xi32, #tpu.memory_space<vmem>> -> memref<128xi32, #tpu.memory_space<vmem>>
    %dma_wait3A_47 = arith.constant 0 : i32
    %dma_wait3A_48 = arith.constant 0 : i32
    %dma_wait3A_49 = tpu.memref_slice %arg2[%dma_wait3A_47, %dma_wait3A_48] : memref<20000x128xf32, #tpu.memory_space<hbm>> -> memref<20000x128xf32, #tpu.memory_space<hbm>>
    tpu.wait_indirect_dma semaphore(%arg13 : memref<!tpu.dma_semaphore, #tpu.memory_space<semaphore_mem>>) src(%dma_wait3A_49 : memref<20000x128xf32, #tpu.memory_space<hbm>>) dst(%arg8 : memref<128x128xf32, #tpu.memory_space<vmem>>)
    %dma_wait3A_50 = arith.constant 0 : i32
    %dma_wait3A_51 = arith.constant 0 : i32
    %dma_wait3A_52 = arith.constant 0 : i32
    %dma_wait3A_53 = tpu.memref_slice %arg3[%arg0, %arg1, %dma_wait3A_50, %dma_wait3A_51, %dma_wait3A_52] : memref<2x16x160x2x128xi32, #tpu.memory_space<hbm>> -> memref<1x1x8x2x128xi32, #tpu.memory_space<hbm>>
    %dma_wait3A_54 = tpu.memref_squeeze %dma_wait3A_53 : memref<1x1x8x2x128xi32, #tpu.memory_space<hbm>> -> memref<8x2x128xi32, #tpu.memory_space<hbm>>
    %dma_wait3A_55 = arith.constant 0 : i32
    %dma_wait3A_56 = arith.constant 0 : i32
    %dma_wait3A_57 = arith.constant 0 : i32
    %dma_wait3A_58 = tpu.memref_slice %arg3[%arg0, %arg1, %dma_wait3A_55, %dma_wait3A_56, %dma_wait3A_57] : memref<2x16x160x2x128xi32, #tpu.memory_space<hbm>> -> memref<1x1x8x2x128xi32, #tpu.memory_space<hbm>>
    %dma_wait3A_59 = tpu.memref_squeeze %dma_wait3A_58 : memref<1x1x8x2x128xi32, #tpu.memory_space<hbm>> -> memref<8x2x128xi32, #tpu.memory_space<hbm>>
    tpu.wait_dma2 semaphore(%arg12 : memref<!tpu.dma_semaphore, #tpu.memory_space<semaphore_mem>>) src(%dma_wait3A_59 : memref<8x2x128xi32, #tpu.memory_space<hbm>>) dst(%arg7 : memref<8x2x128xi32, #tpu.memory_space<vmem>>)
    %barrier3A_60 = arith.constant 0 : index
    tpu.barrier barrier_id(%barrier3A_60)
    %mul3A_61 = arith.constant 640 : i32
    %mul3A_62 = arith.muli %arg1, %mul3A_61 : i32
    %mul3A_63 = arith.constant 640 : i32
    %mul3A_64 = arith.muli %arg1, %mul3A_63 : i32
    "tpu.region"() ({
      %run_scoped3A = tpu.sem_alloc : memref<!tpu.dma_semaphore, #tpu.memory_space<semaphore_mem>>
      %dma_start3A_65 = arith.constant 0 : i32
      %dma_start3A_66 = tpu.memref_slice %arg5[%arg0, %mul3A_64, %dma_start3A_65] : memref<2x10240x128xf32, #tpu.memory_space<hbm>> -> memref<1x640x128xf32, #tpu.memory_space<hbm>>
      %dma_start3A_67 = tpu.memref_squeeze %dma_start3A_66 : memref<1x640x128xf32, #tpu.memory_space<hbm>> -> memref<640x128xf32, #tpu.memory_space<hbm>>
      %dma_start3A_68 = arith.constant 0 : i32
      %dma_start3A_69 = tpu.memref_slice %arg10[%mul3A_62, %dma_start3A_68] : memref<10240x128xf32, #tpu.memory_space<vmem_shared>> -> memref<640x128xf32, #tpu.memory_space<vmem_shared>>
      tpu.enqueue_dma source(%dma_start3A_69 : memref<640x128xf32, #tpu.memory_space<vmem_shared>>) target(%dma_start3A_67 : memref<640x128xf32, #tpu.memory_space<hbm>>) target_semaphore(%run_scoped3A : memref<!tpu.dma_semaphore, #tpu.memory_space<semaphore_mem>>)
      %dma_wait3A_70 = arith.constant 0 : i32
      %dma_wait3A_71 = tpu.memref_slice %arg5[%arg0, %mul3A_64, %dma_wait3A_70] : memref<2x10240x128xf32, #tpu.memory_space<hbm>> -> memref<1x640x128xf32, #tpu.memory_space<hbm>>
      %dma_wait3A_72 = tpu.memref_squeeze %dma_wait3A_71 : memref<1x640x128xf32, #tpu.memory_space<hbm>> -> memref<640x128xf32, #tpu.memory_space<hbm>>
      %dma_wait3A_73 = arith.constant 0 : i32
      %dma_wait3A_74 = tpu.memref_slice %arg10[%mul3A_62, %dma_wait3A_73] : memref<10240x128xf32, #tpu.memory_space<vmem_shared>> -> memref<640x128xf32, #tpu.memory_space<vmem_shared>>
      tpu.wait_dma2 semaphore(%run_scoped3A : memref<!tpu.dma_semaphore, #tpu.memory_space<semaphore_mem>>) src(%dma_wait3A_74 : memref<640x128xf32, #tpu.memory_space<vmem_shared>>) dst(%dma_wait3A_72 : memref<640x128xf32, #tpu.memory_space<hbm>>)
      tpu.yield
    }) : () -> ()
    return
  }
}

#map = affine_map<(d0, d1) -> (0, 0)>
#map1 = affine_map<(d0, d1) -> (0, 0, 0, 0, 0)>
#map2 = affine_map<(d0, d1) -> (0, 0, 0)>
module attributes {stable_mosaic.version = 14 : i64} {
  func.func @_edge_body(%arg0: i32, %arg1: i32, %arg2: memref<20000x128xf32, #tpu.memory_space<hbm>>, %arg3: memref<2x16x160x2x128xi32, #tpu.memory_space<hbm>>, %arg4: memref<640x128xf32, #tpu.memory_space<hbm>>, %arg5: memref<2x10240x128xf32, #tpu.memory_space<hbm>>, %arg6: memref<8x2x128xi32, #tpu.memory_space<vmem>>, %arg7: memref<8x2x128xi32, #tpu.memory_space<vmem>>, %arg8: memref<128x128xf32, #tpu.memory_space<vmem>>, %arg9: memref<128x128xf32, #tpu.memory_space<vmem>>, %arg10: memref<10240x128xf32, #tpu.memory_space<vmem_shared>>, %arg11: memref<!tpu.dma_semaphore, #tpu.memory_space<semaphore_mem>>, %arg12: memref<!tpu.dma_semaphore, #tpu.memory_space<semaphore_mem>>, %arg13: memref<!tpu.dma_semaphore, #tpu.memory_space<semaphore_mem>>, %arg14: memref<!tpu.dma_semaphore, #tpu.memory_space<semaphore_mem>>) attributes {dimension_semantics = [#tpu.dimension_semantics<core_parallel>, #tpu.dimension_semantics<subcore_parallel>], iteration_bounds = array<i64: 2, 16>, scalar_prefetch = 0 : i64, scratch_operands = 9 : i64, tpu.core_type = #tpu.core_type<sc_vector_subcore>, window_params = [{transform_indices = #map}, {transform_indices = #map1}, {transform_indices = #map}, {transform_indices = #map2}]} {
    %dma_start3A = arith.constant 0 : i32
    %dma_start3A_0 = arith.constant 0 : i32
    %dma_start3A_1 = arith.constant 0 : i32
    %dma_start3A_2 = tpu.memref_slice %arg3[%arg0, %arg1, %dma_start3A, %dma_start3A_0, %dma_start3A_1] : memref<2x16x160x2x128xi32, #tpu.memory_space<hbm>> -> memref<1x1x8x2x128xi32, #tpu.memory_space<hbm>>
    %dma_start3A_3 = tpu.memref_squeeze %dma_start3A_2 : memref<1x1x8x2x128xi32, #tpu.memory_space<hbm>> -> memref<8x2x128xi32, #tpu.memory_space<hbm>>
    %dma_start3A_4 = arith.constant 0 : i32
    %dma_start3A_5 = arith.constant 0 : i32
    %dma_start3A_6 = arith.constant 0 : i32
    %dma_start3A_7 = tpu.memref_slice %arg3[%arg0, %arg1, %dma_start3A_4, %dma_start3A_5, %dma_start3A_6] : memref<2x16x160x2x128xi32, #tpu.memory_space<hbm>> -> memref<1x1x8x2x128xi32, #tpu.memory_space<hbm>>
    %dma_start3A_8 = tpu.memref_squeeze %dma_start3A_7 : memref<1x1x8x2x128xi32, #tpu.memory_space<hbm>> -> memref<8x2x128xi32, #tpu.memory_space<hbm>>
    tpu.enqueue_dma source(%dma_start3A_8 : memref<8x2x128xi32, #tpu.memory_space<hbm>>) target(%arg6 : memref<8x2x128xi32, #tpu.memory_space<vmem>>) target_semaphore(%arg11 : memref<!tpu.dma_semaphore, #tpu.memory_space<semaphore_mem>>)
    %mul3A = arith.constant 640 : i32
    %mul3A_9 = arith.muli %arg1, %mul3A : i32
    "tpu.region"() ({
      %run_scoped3A = tpu.sem_alloc : memref<!tpu.dma_semaphore, #tpu.memory_space<semaphore_mem>>
      %dma_start3A_65 = arith.constant 0 : i32
      %dma_start3A_66 = tpu.memref_slice %arg10[%mul3A_9, %dma_start3A_65] : memref<10240x128xf32, #tpu.memory_space<vmem_shared>> -> memref<640x128xf32, #tpu.memory_space<vmem_shared>>
      tpu.enqueue_dma source(%arg4 : memref<640x128xf32, #tpu.memory_space<hbm>>) target(%dma_start3A_66 : memref<640x128xf32, #tpu.memory_space<vmem_shared>>) target_semaphore(%run_scoped3A : memref<!tpu.dma_semaphore, #tpu.memory_space<semaphore_mem>>)
      %dma_wait3A_67 = arith.constant 0 : i32
      %dma_wait3A_68 = tpu.memref_slice %arg10[%mul3A_9, %dma_wait3A_67] : memref<10240x128xf32, #tpu.memory_space<vmem_shared>> -> memref<640x128xf32, #tpu.memory_space<vmem_shared>>
      tpu.wait_dma2 semaphore(%run_scoped3A : memref<!tpu.dma_semaphore, #tpu.memory_space<semaphore_mem>>) src(%arg4 : memref<640x128xf32, #tpu.memory_space<hbm>>) dst(%dma_wait3A_68 : memref<640x128xf32, #tpu.memory_space<vmem_shared>>)
      tpu.yield
    }) : () -> ()
    %dma_wait3A = arith.constant 0 : i32
    %dma_wait3A_10 = arith.constant 0 : i32
    %dma_wait3A_11 = arith.constant 0 : i32
    %dma_wait3A_12 = tpu.memref_slice %arg3[%arg0, %arg1, %dma_wait3A, %dma_wait3A_10, %dma_wait3A_11] : memref<2x16x160x2x128xi32, #tpu.memory_space<hbm>> -> memref<1x1x8x2x128xi32, #tpu.memory_space<hbm>>
    %dma_wait3A_13 = tpu.memref_squeeze %dma_wait3A_12 : memref<1x1x8x2x128xi32, #tpu.memory_space<hbm>> -> memref<8x2x128xi32, #tpu.memory_space<hbm>>
    %dma_wait3A_14 = arith.constant 0 : i32
    %dma_wait3A_15 = arith.constant 0 : i32
    %dma_wait3A_16 = arith.constant 0 : i32
    %dma_wait3A_17 = tpu.memref_slice %arg3[%arg0, %arg1, %dma_wait3A_14, %dma_wait3A_15, %dma_wait3A_16] : memref<2x16x160x2x128xi32, #tpu.memory_space<hbm>> -> memref<1x1x8x2x128xi32, #tpu.memory_space<hbm>>
    %dma_wait3A_18 = tpu.memref_squeeze %dma_wait3A_17 : memref<1x1x8x2x128xi32, #tpu.memory_space<hbm>> -> memref<8x2x128xi32, #tpu.memory_space<hbm>>
    tpu.wait_dma2 semaphore(%arg11 : memref<!tpu.dma_semaphore, #tpu.memory_space<semaphore_mem>>) src(%dma_wait3A_18 : memref<8x2x128xi32, #tpu.memory_space<hbm>>) dst(%arg6 : memref<8x2x128xi32, #tpu.memory_space<vmem>>)
    %barrier3A = arith.constant 0 : index
    tpu.barrier barrier_id(%barrier3A)
    %dma_start3A_19 = arith.constant 0 : i32
    %dma_start3A_20 = arith.constant 0 : i32
    %dma_start3A_21 = arith.constant 0 : i32
    %dma_start3A_22 = tpu.memref_slice %arg6[%dma_start3A_19, %dma_start3A_20, %dma_start3A_21] : memref<8x2x128xi32, #tpu.memory_space<vmem>> -> memref<1x1x128xi32, #tpu.memory_space<vmem>>
    %dma_start3A_23 = tpu.memref_squeeze %dma_start3A_22 : memref<1x1x128xi32, #tpu.memory_space<vmem>> -> memref<128xi32, #tpu.memory_space<vmem>>
    %dma_start3A_24 = arith.constant 0 : i32
    %dma_start3A_25 = arith.constant 0 : i32
    %dma_start3A_26 = tpu.memref_slice %arg2[%dma_start3A_24, %dma_start3A_25] : memref<20000x128xf32, #tpu.memory_space<hbm>> -> memref<20000x128xf32, #tpu.memory_space<hbm>>
    tpu.enqueue_indirect_dma source(%dma_start3A_26 : memref<20000x128xf32, #tpu.memory_space<hbm>>) target(%arg8 : memref<128x128xf32, #tpu.memory_space<vmem>>) offsets(%dma_start3A_23 : memref<128xi32, #tpu.memory_space<vmem>>) semaphore(%arg13 : memref<!tpu.dma_semaphore, #tpu.memory_space<semaphore_mem>>)
    %dma_start3A_27 = arith.constant 8 : i32
    %dma_start3A_28 = arith.constant 0 : i32
    %dma_start3A_29 = arith.constant 0 : i32
    %dma_start3A_30 = tpu.memref_slice %arg3[%arg0, %arg1, %dma_start3A_27, %dma_start3A_28, %dma_start3A_29] : memref<2x16x160x2x128xi32, #tpu.memory_space<hbm>> -> memref<1x1x8x2x128xi32, #tpu.memory_space<hbm>>
    %dma_start3A_31 = tpu.memref_squeeze %dma_start3A_30 : memref<1x1x8x2x128xi32, #tpu.memory_space<hbm>> -> memref<8x2x128xi32, #tpu.memory_space<hbm>>
    %dma_start3A_32 = arith.constant 8 : i32
    %dma_start3A_33 = arith.constant 0 : i32
    %dma_start3A_34 = arith.constant 0 : i32
    %dma_start3A_35 = tpu.memref_slice %arg3[%arg0, %arg1, %dma_start3A_32, %dma_start3A_33, %dma_start3A_34] : memref<2x16x160x2x128xi32, #tpu.memory_space<hbm>> -> memref<1x1x8x2x128xi32, #tpu.memory_space<hbm>>
    %dma_start3A_36 = tpu.memref_squeeze %dma_start3A_35 : memref<1x1x8x2x128xi32, #tpu.memory_space<hbm>> -> memref<8x2x128xi32, #tpu.memory_space<hbm>>
    tpu.enqueue_dma source(%dma_start3A_36 : memref<8x2x128xi32, #tpu.memory_space<hbm>>) target(%arg7 : memref<8x2x128xi32, #tpu.memory_space<vmem>>) target_semaphore(%arg12 : memref<!tpu.dma_semaphore, #tpu.memory_space<semaphore_mem>>)
    %scan3A = arith.constant 0 : i32
    %scan3A_37 = arith.constant 0 : i32
    %scan3A_38 = arith.constant 10 : i32
    %scan3A_39 = arith.addi %scan3A_37, %scan3A_38 : i32
    %scan3A_40 = arith.constant 1 : i32
    scf.for %scan3A_65 = %scan3A_37 to %scan3A_39 step %scan3A_40  : i32 {
      %mul3A_66 = arith.constant 2 : i32
      %mul3A_67 = arith.muli %mul3A_66, %scan3A_65 : i32
      %dma_start3A_68 = arith.constant 1 : i32
      %dma_start3A_69 = arith.constant 0 : i32
      %dma_start3A_70 = arith.constant 0 : i32
      %dma_start3A_71 = tpu.memref_slice %arg6[%dma_start3A_68, %dma_start3A_69, %dma_start3A_70] : memref<8x2x128xi32, #tpu.memory_space<vmem>> -> memref<1x1x128xi32, #tpu.memory_space<vmem>>
      %dma_start3A_72 = tpu.memref_squeeze %dma_start3A_71 : memref<1x1x128xi32, #tpu.memory_space<vmem>> -> memref<128xi32, #tpu.memory_space<vmem>>
      %dma_start3A_73 = arith.constant 0 : i32
      %dma_start3A_74 = arith.constant 0 : i32
      %dma_start3A_75 = tpu.memref_slice %arg2[%dma_start3A_73, %dma_start3A_74] : memref<20000x128xf32, #tpu.memory_space<hbm>> -> memref<20000x128xf32, #tpu.memory_space<hbm>>
      tpu.enqueue_indirect_dma source(%dma_start3A_75 : memref<20000x128xf32, #tpu.memory_space<hbm>>) target(%arg9 : memref<128x128xf32, #tpu.memory_space<vmem>>) offsets(%dma_start3A_72 : memref<128xi32, #tpu.memory_space<vmem>>) semaphore(%arg14 : memref<!tpu.dma_semaphore, #tpu.memory_space<semaphore_mem>>)
      %dma_wait3A_76 = arith.constant 0 : i32
      %dma_wait3A_77 = arith.constant 0 : i32
      %dma_wait3A_78 = arith.constant 0 : i32
      %dma_wait3A_79 = tpu.memref_slice %arg6[%dma_wait3A_76, %dma_wait3A_77, %dma_wait3A_78] : memref<8x2x128xi32, #tpu.memory_space<vmem>> -> memref<1x1x128xi32, #tpu.memory_space<vmem>>
      %dma_wait3A_80 = tpu.memref_squeeze %dma_wait3A_79 : memref<1x1x128xi32, #tpu.memory_space<vmem>> -> memref<128xi32, #tpu.memory_space<vmem>>
      %dma_wait3A_81 = arith.constant 0 : i32
      %dma_wait3A_82 = arith.constant 0 : i32
      %dma_wait3A_83 = tpu.memref_slice %arg2[%dma_wait3A_81, %dma_wait3A_82] : memref<20000x128xf32, #tpu.memory_space<hbm>> -> memref<20000x128xf32, #tpu.memory_space<hbm>>
      tpu.wait_indirect_dma semaphore(%arg13 : memref<!tpu.dma_semaphore, #tpu.memory_space<semaphore_mem>>) src(%dma_wait3A_83 : memref<20000x128xf32, #tpu.memory_space<hbm>>) dst(%arg8 : memref<128x128xf32, #tpu.memory_space<vmem>>)
      %run_scoped3A = arith.constant 0 : i32
      %run_scoped3A_84 = arith.constant 1 : i32
      "tpu.region"() ({
        %run_scoped3A_401 = tpu.sem_alloc : memref<!tpu.dma_semaphore, #tpu.memory_space<semaphore_mem>>
        %dma_start3A_402 = arith.constant 0 : i32
        %dma_start3A_403 = tpu.memref_slice %arg6[%run_scoped3A, %run_scoped3A_84, %dma_start3A_402] : memref<8x2x128xi32, #tpu.memory_space<vmem>> -> memref<1x1x128xi32, #tpu.memory_space<vmem>>
        %dma_start3A_404 = tpu.memref_squeeze %dma_start3A_403 : memref<1x1x128xi32, #tpu.memory_space<vmem>> -> memref<128xi32, #tpu.memory_space<vmem>>
        %dma_start3A_405 = arith.constant 0 : i32
        %dma_start3A_406 = arith.constant 0 : i32
        %dma_start3A_407 = tpu.memref_slice %arg10[%dma_start3A_405, %dma_start3A_406] : memref<10240x128xf32, #tpu.memory_space<vmem_shared>> -> memref<10240x128xf32, #tpu.memory_space<vmem_shared>>
        tpu.enqueue_indirect_dma source(%arg8 : memref<128x128xf32, #tpu.memory_space<vmem>>) target(%dma_start3A_407 : memref<10240x128xf32, #tpu.memory_space<vmem_shared>>) offsets(%dma_start3A_404 : memref<128xi32, #tpu.memory_space<vmem>>) semaphore(%run_scoped3A_401 : memref<!tpu.dma_semaphore, #tpu.memory_space<semaphore_mem>>) {add = true}
        %dma_wait3A_408 = arith.constant 0 : i32
        %dma_wait3A_409 = tpu.memref_slice %arg6[%run_scoped3A, %run_scoped3A_84, %dma_wait3A_408] : memref<8x2x128xi32, #tpu.memory_space<vmem>> -> memref<1x1x128xi32, #tpu.memory_space<vmem>>
        %dma_wait3A_410 = tpu.memref_squeeze %dma_wait3A_409 : memref<1x1x128xi32, #tpu.memory_space<vmem>> -> memref<128xi32, #tpu.memory_space<vmem>>
        %dma_wait3A_411 = arith.constant 0 : i32
        %dma_wait3A_412 = arith.constant 0 : i32
        %dma_wait3A_413 = tpu.memref_slice %arg10[%dma_wait3A_411, %dma_wait3A_412] : memref<10240x128xf32, #tpu.memory_space<vmem_shared>> -> memref<10240x128xf32, #tpu.memory_space<vmem_shared>>
        tpu.wait_indirect_dma semaphore(%run_scoped3A_401 : memref<!tpu.dma_semaphore, #tpu.memory_space<semaphore_mem>>) src(%arg8 : memref<128x128xf32, #tpu.memory_space<vmem>>) dst(%dma_wait3A_413 : memref<10240x128xf32, #tpu.memory_space<vmem_shared>>)
        tpu.yield
      }) : () -> ()
      %dma_start3A_85 = arith.constant 2 : i32
      %dma_start3A_86 = arith.constant 0 : i32
      %dma_start3A_87 = arith.constant 0 : i32
      %dma_start3A_88 = tpu.memref_slice %arg6[%dma_start3A_85, %dma_start3A_86, %dma_start3A_87] : memref<8x2x128xi32, #tpu.memory_space<vmem>> -> memref<1x1x128xi32, #tpu.memory_space<vmem>>
      %dma_start3A_89 = tpu.memref_squeeze %dma_start3A_88 : memref<1x1x128xi32, #tpu.memory_space<vmem>> -> memref<128xi32, #tpu.memory_space<vmem>>
      %dma_start3A_90 = arith.constant 0 : i32
      %dma_start3A_91 = arith.constant 0 : i32
      %dma_start3A_92 = tpu.memref_slice %arg2[%dma_start3A_90, %dma_start3A_91] : memref<20000x128xf32, #tpu.memory_space<hbm>> -> memref<20000x128xf32, #tpu.memory_space<hbm>>
      tpu.enqueue_indirect_dma source(%dma_start3A_92 : memref<20000x128xf32, #tpu.memory_space<hbm>>) target(%arg8 : memref<128x128xf32, #tpu.memory_space<vmem>>) offsets(%dma_start3A_89 : memref<128xi32, #tpu.memory_space<vmem>>) semaphore(%arg13 : memref<!tpu.dma_semaphore, #tpu.memory_space<semaphore_mem>>)
      %dma_wait3A_93 = arith.constant 0 : i32
      %dma_wait3A_94 = arith.constant 0 : i32
      %dma_wait3A_95 = arith.constant 0 : i32
      %dma_wait3A_96 = tpu.memref_slice %arg6[%dma_wait3A_93, %dma_wait3A_94, %dma_wait3A_95] : memref<8x2x128xi32, #tpu.memory_space<vmem>> -> memref<1x1x128xi32, #tpu.memory_space<vmem>>
      %dma_wait3A_97 = tpu.memref_squeeze %dma_wait3A_96 : memref<1x1x128xi32, #tpu.memory_space<vmem>> -> memref<128xi32, #tpu.memory_space<vmem>>
      %dma_wait3A_98 = arith.constant 0 : i32
      %dma_wait3A_99 = arith.constant 0 : i32
      %dma_wait3A_100 = tpu.memref_slice %arg2[%dma_wait3A_98, %dma_wait3A_99] : memref<20000x128xf32, #tpu.memory_space<hbm>> -> memref<20000x128xf32, #tpu.memory_space<hbm>>
      tpu.wait_indirect_dma semaphore(%arg14 : memref<!tpu.dma_semaphore, #tpu.memory_space<semaphore_mem>>) src(%dma_wait3A_100 : memref<20000x128xf32, #tpu.memory_space<hbm>>) dst(%arg9 : memref<128x128xf32, #tpu.memory_space<vmem>>)
      %run_scoped3A_101 = arith.constant 1 : i32
      %run_scoped3A_102 = arith.constant 1 : i32
      "tpu.region"() ({
        %run_scoped3A_401 = tpu.sem_alloc : memref<!tpu.dma_semaphore, #tpu.memory_space<semaphore_mem>>
        %dma_start3A_402 = arith.constant 0 : i32
        %dma_start3A_403 = tpu.memref_slice %arg6[%run_scoped3A_101, %run_scoped3A_102, %dma_start3A_402] : memref<8x2x128xi32, #tpu.memory_space<vmem>> -> memref<1x1x128xi32, #tpu.memory_space<vmem>>
        %dma_start3A_404 = tpu.memref_squeeze %dma_start3A_403 : memref<1x1x128xi32, #tpu.memory_space<vmem>> -> memref<128xi32, #tpu.memory_space<vmem>>
        %dma_start3A_405 = arith.constant 0 : i32
        %dma_start3A_406 = arith.constant 0 : i32
        %dma_start3A_407 = tpu.memref_slice %arg10[%dma_start3A_405, %dma_start3A_406] : memref<10240x128xf32, #tpu.memory_space<vmem_shared>> -> memref<10240x128xf32, #tpu.memory_space<vmem_shared>>
        tpu.enqueue_indirect_dma source(%arg9 : memref<128x128xf32, #tpu.memory_space<vmem>>) target(%dma_start3A_407 : memref<10240x128xf32, #tpu.memory_space<vmem_shared>>) offsets(%dma_start3A_404 : memref<128xi32, #tpu.memory_space<vmem>>) semaphore(%run_scoped3A_401 : memref<!tpu.dma_semaphore, #tpu.memory_space<semaphore_mem>>) {add = true}
        %dma_wait3A_408 = arith.constant 0 : i32
        %dma_wait3A_409 = tpu.memref_slice %arg6[%run_scoped3A_101, %run_scoped3A_102, %dma_wait3A_408] : memref<8x2x128xi32, #tpu.memory_space<vmem>> -> memref<1x1x128xi32, #tpu.memory_space<vmem>>
        %dma_wait3A_410 = tpu.memref_squeeze %dma_wait3A_409 : memref<1x1x128xi32, #tpu.memory_space<vmem>> -> memref<128xi32, #tpu.memory_space<vmem>>
        %dma_wait3A_411 = arith.constant 0 : i32
        %dma_wait3A_412 = arith.constant 0 : i32
        %dma_wait3A_413 = tpu.memref_slice %arg10[%dma_wait3A_411, %dma_wait3A_412] : memref<10240x128xf32, #tpu.memory_space<vmem_shared>> -> memref<10240x128xf32, #tpu.memory_space<vmem_shared>>
        tpu.wait_indirect_dma semaphore(%run_scoped3A_401 : memref<!tpu.dma_semaphore, #tpu.memory_space<semaphore_mem>>) src(%arg9 : memref<128x128xf32, #tpu.memory_space<vmem>>) dst(%dma_wait3A_413 : memref<10240x128xf32, #tpu.memory_space<vmem_shared>>)
        tpu.yield
      }) : () -> ()
      %dma_start3A_103 = arith.constant 3 : i32
      %dma_start3A_104 = arith.constant 0 : i32
      %dma_start3A_105 = arith.constant 0 : i32
      %dma_start3A_106 = tpu.memref_slice %arg6[%dma_start3A_103, %dma_start3A_104, %dma_start3A_105] : memref<8x2x128xi32, #tpu.memory_space<vmem>> -> memref<1x1x128xi32, #tpu.memory_space<vmem>>
      %dma_start3A_107 = tpu.memref_squeeze %dma_start3A_106 : memref<1x1x128xi32, #tpu.memory_space<vmem>> -> memref<128xi32, #tpu.memory_space<vmem>>
      %dma_start3A_108 = arith.constant 0 : i32
      %dma_start3A_109 = arith.constant 0 : i32
      %dma_start3A_110 = tpu.memref_slice %arg2[%dma_start3A_108, %dma_start3A_109] : memref<20000x128xf32, #tpu.memory_space<hbm>> -> memref<20000x128xf32, #tpu.memory_space<hbm>>
      tpu.enqueue_indirect_dma source(%dma_start3A_110 : memref<20000x128xf32, #tpu.memory_space<hbm>>) target(%arg9 : memref<128x128xf32, #tpu.memory_space<vmem>>) offsets(%dma_start3A_107 : memref<128xi32, #tpu.memory_space<vmem>>) semaphore(%arg14 : memref<!tpu.dma_semaphore, #tpu.memory_space<semaphore_mem>>)
      %dma_wait3A_111 = arith.constant 0 : i32
      %dma_wait3A_112 = arith.constant 0 : i32
      %dma_wait3A_113 = arith.constant 0 : i32
      %dma_wait3A_114 = tpu.memref_slice %arg6[%dma_wait3A_111, %dma_wait3A_112, %dma_wait3A_113] : memref<8x2x128xi32, #tpu.memory_space<vmem>> -> memref<1x1x128xi32, #tpu.memory_space<vmem>>
      %dma_wait3A_115 = tpu.memref_squeeze %dma_wait3A_114 : memref<1x1x128xi32, #tpu.memory_space<vmem>> -> memref<128xi32, #tpu.memory_space<vmem>>
      %dma_wait3A_116 = arith.constant 0 : i32
      %dma_wait3A_117 = arith.constant 0 : i32
      %dma_wait3A_118 = tpu.memref_slice %arg2[%dma_wait3A_116, %dma_wait3A_117] : memref<20000x128xf32, #tpu.memory_space<hbm>> -> memref<20000x128xf32, #tpu.memory_space<hbm>>
      tpu.wait_indirect_dma semaphore(%arg13 : memref<!tpu.dma_semaphore, #tpu.memory_space<semaphore_mem>>) src(%dma_wait3A_118 : memref<20000x128xf32, #tpu.memory_space<hbm>>) dst(%arg8 : memref<128x128xf32, #tpu.memory_space<vmem>>)
      %run_scoped3A_119 = arith.constant 2 : i32
      %run_scoped3A_120 = arith.constant 1 : i32
      "tpu.region"() ({
        %run_scoped3A_401 = tpu.sem_alloc : memref<!tpu.dma_semaphore, #tpu.memory_space<semaphore_mem>>
        %dma_start3A_402 = arith.constant 0 : i32
        %dma_start3A_403 = tpu.memref_slice %arg6[%run_scoped3A_119, %run_scoped3A_120, %dma_start3A_402] : memref<8x2x128xi32, #tpu.memory_space<vmem>> -> memref<1x1x128xi32, #tpu.memory_space<vmem>>
        %dma_start3A_404 = tpu.memref_squeeze %dma_start3A_403 : memref<1x1x128xi32, #tpu.memory_space<vmem>> -> memref<128xi32, #tpu.memory_space<vmem>>
        %dma_start3A_405 = arith.constant 0 : i32
        %dma_start3A_406 = arith.constant 0 : i32
        %dma_start3A_407 = tpu.memref_slice %arg10[%dma_start3A_405, %dma_start3A_406] : memref<10240x128xf32, #tpu.memory_space<vmem_shared>> -> memref<10240x128xf32, #tpu.memory_space<vmem_shared>>
        tpu.enqueue_indirect_dma source(%arg8 : memref<128x128xf32, #tpu.memory_space<vmem>>) target(%dma_start3A_407 : memref<10240x128xf32, #tpu.memory_space<vmem_shared>>) offsets(%dma_start3A_404 : memref<128xi32, #tpu.memory_space<vmem>>) semaphore(%run_scoped3A_401 : memref<!tpu.dma_semaphore, #tpu.memory_space<semaphore_mem>>) {add = true}
        %dma_wait3A_408 = arith.constant 0 : i32
        %dma_wait3A_409 = tpu.memref_slice %arg6[%run_scoped3A_119, %run_scoped3A_120, %dma_wait3A_408] : memref<8x2x128xi32, #tpu.memory_space<vmem>> -> memref<1x1x128xi32, #tpu.memory_space<vmem>>
        %dma_wait3A_410 = tpu.memref_squeeze %dma_wait3A_409 : memref<1x1x128xi32, #tpu.memory_space<vmem>> -> memref<128xi32, #tpu.memory_space<vmem>>
        %dma_wait3A_411 = arith.constant 0 : i32
        %dma_wait3A_412 = arith.constant 0 : i32
        %dma_wait3A_413 = tpu.memref_slice %arg10[%dma_wait3A_411, %dma_wait3A_412] : memref<10240x128xf32, #tpu.memory_space<vmem_shared>> -> memref<10240x128xf32, #tpu.memory_space<vmem_shared>>
        tpu.wait_indirect_dma semaphore(%run_scoped3A_401 : memref<!tpu.dma_semaphore, #tpu.memory_space<semaphore_mem>>) src(%arg8 : memref<128x128xf32, #tpu.memory_space<vmem>>) dst(%dma_wait3A_413 : memref<10240x128xf32, #tpu.memory_space<vmem_shared>>)
        tpu.yield
      }) : () -> ()
      %dma_start3A_121 = arith.constant 4 : i32
      %dma_start3A_122 = arith.constant 0 : i32
      %dma_start3A_123 = arith.constant 0 : i32
      %dma_start3A_124 = tpu.memref_slice %arg6[%dma_start3A_121, %dma_start3A_122, %dma_start3A_123] : memref<8x2x128xi32, #tpu.memory_space<vmem>> -> memref<1x1x128xi32, #tpu.memory_space<vmem>>
      %dma_start3A_125 = tpu.memref_squeeze %dma_start3A_124 : memref<1x1x128xi32, #tpu.memory_space<vmem>> -> memref<128xi32, #tpu.memory_space<vmem>>
      %dma_start3A_126 = arith.constant 0 : i32
      %dma_start3A_127 = arith.constant 0 : i32
      %dma_start3A_128 = tpu.memref_slice %arg2[%dma_start3A_126, %dma_start3A_127] : memref<20000x128xf32, #tpu.memory_space<hbm>> -> memref<20000x128xf32, #tpu.memory_space<hbm>>
      tpu.enqueue_indirect_dma source(%dma_start3A_128 : memref<20000x128xf32, #tpu.memory_space<hbm>>) target(%arg8 : memref<128x128xf32, #tpu.memory_space<vmem>>) offsets(%dma_start3A_125 : memref<128xi32, #tpu.memory_space<vmem>>) semaphore(%arg13 : memref<!tpu.dma_semaphore, #tpu.memory_space<semaphore_mem>>)
      %dma_wait3A_129 = arith.constant 0 : i32
      %dma_wait3A_130 = arith.constant 0 : i32
      %dma_wait3A_131 = arith.constant 0 : i32
      %dma_wait3A_132 = tpu.memref_slice %arg6[%dma_wait3A_129, %dma_wait3A_130, %dma_wait3A_131] : memref<8x2x128xi32, #tpu.memory_space<vmem>> -> memref<1x1x128xi32, #tpu.memory_space<vmem>>
      %dma_wait3A_133 = tpu.memref_squeeze %dma_wait3A_132 : memref<1x1x128xi32, #tpu.memory_space<vmem>> -> memref<128xi32, #tpu.memory_space<vmem>>
      %dma_wait3A_134 = arith.constant 0 : i32
      %dma_wait3A_135 = arith.constant 0 : i32
      %dma_wait3A_136 = tpu.memref_slice %arg2[%dma_wait3A_134, %dma_wait3A_135] : memref<20000x128xf32, #tpu.memory_space<hbm>> -> memref<20000x128xf32, #tpu.memory_space<hbm>>
      tpu.wait_indirect_dma semaphore(%arg14 : memref<!tpu.dma_semaphore, #tpu.memory_space<semaphore_mem>>) src(%dma_wait3A_136 : memref<20000x128xf32, #tpu.memory_space<hbm>>) dst(%arg9 : memref<128x128xf32, #tpu.memory_space<vmem>>)
      %run_scoped3A_137 = arith.constant 3 : i32
      %run_scoped3A_138 = arith.constant 1 : i32
      "tpu.region"() ({
        %run_scoped3A_401 = tpu.sem_alloc : memref<!tpu.dma_semaphore, #tpu.memory_space<semaphore_mem>>
        %dma_start3A_402 = arith.constant 0 : i32
        %dma_start3A_403 = tpu.memref_slice %arg6[%run_scoped3A_137, %run_scoped3A_138, %dma_start3A_402] : memref<8x2x128xi32, #tpu.memory_space<vmem>> -> memref<1x1x128xi32, #tpu.memory_space<vmem>>
        %dma_start3A_404 = tpu.memref_squeeze %dma_start3A_403 : memref<1x1x128xi32, #tpu.memory_space<vmem>> -> memref<128xi32, #tpu.memory_space<vmem>>
        %dma_start3A_405 = arith.constant 0 : i32
        %dma_start3A_406 = arith.constant 0 : i32
        %dma_start3A_407 = tpu.memref_slice %arg10[%dma_start3A_405, %dma_start3A_406] : memref<10240x128xf32, #tpu.memory_space<vmem_shared>> -> memref<10240x128xf32, #tpu.memory_space<vmem_shared>>
        tpu.enqueue_indirect_dma source(%arg9 : memref<128x128xf32, #tpu.memory_space<vmem>>) target(%dma_start3A_407 : memref<10240x128xf32, #tpu.memory_space<vmem_shared>>) offsets(%dma_start3A_404 : memref<128xi32, #tpu.memory_space<vmem>>) semaphore(%run_scoped3A_401 : memref<!tpu.dma_semaphore, #tpu.memory_space<semaphore_mem>>) {add = true}
        %dma_wait3A_408 = arith.constant 0 : i32
        %dma_wait3A_409 = tpu.memref_slice %arg6[%run_scoped3A_137, %run_scoped3A_138, %dma_wait3A_408] : memref<8x2x128xi32, #tpu.memory_space<vmem>> -> memref<1x1x128xi32, #tpu.memory_space<vmem>>
        %dma_wait3A_410 = tpu.memref_squeeze %dma_wait3A_409 : memref<1x1x128xi32, #tpu.memory_space<vmem>> -> memref<128xi32, #tpu.memory_space<vmem>>
        %dma_wait3A_411 = arith.constant 0 : i32
        %dma_wait3A_412 = arith.constant 0 : i32
        %dma_wait3A_413 = tpu.memref_slice %arg10[%dma_wait3A_411, %dma_wait3A_412] : memref<10240x128xf32, #tpu.memory_space<vmem_shared>> -> memref<10240x128xf32, #tpu.memory_space<vmem_shared>>
        tpu.wait_indirect_dma semaphore(%run_scoped3A_401 : memref<!tpu.dma_semaphore, #tpu.memory_space<semaphore_mem>>) src(%arg9 : memref<128x128xf32, #tpu.memory_space<vmem>>) dst(%dma_wait3A_413 : memref<10240x128xf32, #tpu.memory_space<vmem_shared>>)
        tpu.yield
      }) : () -> ()
      %dma_start3A_139 = arith.constant 5 : i32
      %dma_start3A_140 = arith.constant 0 : i32
      %dma_start3A_141 = arith.constant 0 : i32
      %dma_start3A_142 = tpu.memref_slice %arg6[%dma_start3A_139, %dma_start3A_140, %dma_start3A_141] : memref<8x2x128xi32, #tpu.memory_space<vmem>> -> memref<1x1x128xi32, #tpu.memory_space<vmem>>
      %dma_start3A_143 = tpu.memref_squeeze %dma_start3A_142 : memref<1x1x128xi32, #tpu.memory_space<vmem>> -> memref<128xi32, #tpu.memory_space<vmem>>
      %dma_start3A_144 = arith.constant 0 : i32
      %dma_start3A_145 = arith.constant 0 : i32
      %dma_start3A_146 = tpu.memref_slice %arg2[%dma_start3A_144, %dma_start3A_145] : memref<20000x128xf32, #tpu.memory_space<hbm>> -> memref<20000x128xf32, #tpu.memory_space<hbm>>
      tpu.enqueue_indirect_dma source(%dma_start3A_146 : memref<20000x128xf32, #tpu.memory_space<hbm>>) target(%arg9 : memref<128x128xf32, #tpu.memory_space<vmem>>) offsets(%dma_start3A_143 : memref<128xi32, #tpu.memory_space<vmem>>) semaphore(%arg14 : memref<!tpu.dma_semaphore, #tpu.memory_space<semaphore_mem>>)
      %dma_wait3A_147 = arith.constant 0 : i32
      %dma_wait3A_148 = arith.constant 0 : i32
      %dma_wait3A_149 = arith.constant 0 : i32
      %dma_wait3A_150 = tpu.memref_slice %arg6[%dma_wait3A_147, %dma_wait3A_148, %dma_wait3A_149] : memref<8x2x128xi32, #tpu.memory_space<vmem>> -> memref<1x1x128xi32, #tpu.memory_space<vmem>>
      %dma_wait3A_151 = tpu.memref_squeeze %dma_wait3A_150 : memref<1x1x128xi32, #tpu.memory_space<vmem>> -> memref<128xi32, #tpu.memory_space<vmem>>
      %dma_wait3A_152 = arith.constant 0 : i32
      %dma_wait3A_153 = arith.constant 0 : i32
      %dma_wait3A_154 = tpu.memref_slice %arg2[%dma_wait3A_152, %dma_wait3A_153] : memref<20000x128xf32, #tpu.memory_space<hbm>> -> memref<20000x128xf32, #tpu.memory_space<hbm>>
      tpu.wait_indirect_dma semaphore(%arg13 : memref<!tpu.dma_semaphore, #tpu.memory_space<semaphore_mem>>) src(%dma_wait3A_154 : memref<20000x128xf32, #tpu.memory_space<hbm>>) dst(%arg8 : memref<128x128xf32, #tpu.memory_space<vmem>>)
      %run_scoped3A_155 = arith.constant 4 : i32
      %run_scoped3A_156 = arith.constant 1 : i32
      "tpu.region"() ({
        %run_scoped3A_401 = tpu.sem_alloc : memref<!tpu.dma_semaphore, #tpu.memory_space<semaphore_mem>>
        %dma_start3A_402 = arith.constant 0 : i32
        %dma_start3A_403 = tpu.memref_slice %arg6[%run_scoped3A_155, %run_scoped3A_156, %dma_start3A_402] : memref<8x2x128xi32, #tpu.memory_space<vmem>> -> memref<1x1x128xi32, #tpu.memory_space<vmem>>
        %dma_start3A_404 = tpu.memref_squeeze %dma_start3A_403 : memref<1x1x128xi32, #tpu.memory_space<vmem>> -> memref<128xi32, #tpu.memory_space<vmem>>
        %dma_start3A_405 = arith.constant 0 : i32
        %dma_start3A_406 = arith.constant 0 : i32
        %dma_start3A_407 = tpu.memref_slice %arg10[%dma_start3A_405, %dma_start3A_406] : memref<10240x128xf32, #tpu.memory_space<vmem_shared>> -> memref<10240x128xf32, #tpu.memory_space<vmem_shared>>
        tpu.enqueue_indirect_dma source(%arg8 : memref<128x128xf32, #tpu.memory_space<vmem>>) target(%dma_start3A_407 : memref<10240x128xf32, #tpu.memory_space<vmem_shared>>) offsets(%dma_start3A_404 : memref<128xi32, #tpu.memory_space<vmem>>) semaphore(%run_scoped3A_401 : memref<!tpu.dma_semaphore, #tpu.memory_space<semaphore_mem>>) {add = true}
        %dma_wait3A_408 = arith.constant 0 : i32
        %dma_wait3A_409 = tpu.memref_slice %arg6[%run_scoped3A_155, %run_scoped3A_156, %dma_wait3A_408] : memref<8x2x128xi32, #tpu.memory_space<vmem>> -> memref<1x1x128xi32, #tpu.memory_space<vmem>>
        %dma_wait3A_410 = tpu.memref_squeeze %dma_wait3A_409 : memref<1x1x128xi32, #tpu.memory_space<vmem>> -> memref<128xi32, #tpu.memory_space<vmem>>
        %dma_wait3A_411 = arith.constant 0 : i32
        %dma_wait3A_412 = arith.constant 0 : i32
        %dma_wait3A_413 = tpu.memref_slice %arg10[%dma_wait3A_411, %dma_wait3A_412] : memref<10240x128xf32, #tpu.memory_space<vmem_shared>> -> memref<10240x128xf32, #tpu.memory_space<vmem_shared>>
        tpu.wait_indirect_dma semaphore(%run_scoped3A_401 : memref<!tpu.dma_semaphore, #tpu.memory_space<semaphore_mem>>) src(%arg8 : memref<128x128xf32, #tpu.memory_space<vmem>>) dst(%dma_wait3A_413 : memref<10240x128xf32, #tpu.memory_space<vmem_shared>>)
        tpu.yield
      }) : () -> ()
      %dma_start3A_157 = arith.constant 6 : i32
      %dma_start3A_158 = arith.constant 0 : i32
      %dma_start3A_159 = arith.constant 0 : i32
      %dma_start3A_160 = tpu.memref_slice %arg6[%dma_start3A_157, %dma_start3A_158, %dma_start3A_159] : memref<8x2x128xi32, #tpu.memory_space<vmem>> -> memref<1x1x128xi32, #tpu.memory_space<vmem>>
      %dma_start3A_161 = tpu.memref_squeeze %dma_start3A_160 : memref<1x1x128xi32, #tpu.memory_space<vmem>> -> memref<128xi32, #tpu.memory_space<vmem>>
      %dma_start3A_162 = arith.constant 0 : i32
      %dma_start3A_163 = arith.constant 0 : i32
      %dma_start3A_164 = tpu.memref_slice %arg2[%dma_start3A_162, %dma_start3A_163] : memref<20000x128xf32, #tpu.memory_space<hbm>> -> memref<20000x128xf32, #tpu.memory_space<hbm>>
      tpu.enqueue_indirect_dma source(%dma_start3A_164 : memref<20000x128xf32, #tpu.memory_space<hbm>>) target(%arg8 : memref<128x128xf32, #tpu.memory_space<vmem>>) offsets(%dma_start3A_161 : memref<128xi32, #tpu.memory_space<vmem>>) semaphore(%arg13 : memref<!tpu.dma_semaphore, #tpu.memory_space<semaphore_mem>>)
      %dma_wait3A_165 = arith.constant 0 : i32
      %dma_wait3A_166 = arith.constant 0 : i32
      %dma_wait3A_167 = arith.constant 0 : i32
      %dma_wait3A_168 = tpu.memref_slice %arg6[%dma_wait3A_165, %dma_wait3A_166, %dma_wait3A_167] : memref<8x2x128xi32, #tpu.memory_space<vmem>> -> memref<1x1x128xi32, #tpu.memory_space<vmem>>
      %dma_wait3A_169 = tpu.memref_squeeze %dma_wait3A_168 : memref<1x1x128xi32, #tpu.memory_space<vmem>> -> memref<128xi32, #tpu.memory_space<vmem>>
      %dma_wait3A_170 = arith.constant 0 : i32
      %dma_wait3A_171 = arith.constant 0 : i32
      %dma_wait3A_172 = tpu.memref_slice %arg2[%dma_wait3A_170, %dma_wait3A_171] : memref<20000x128xf32, #tpu.memory_space<hbm>> -> memref<20000x128xf32, #tpu.memory_space<hbm>>
      tpu.wait_indirect_dma semaphore(%arg14 : memref<!tpu.dma_semaphore, #tpu.memory_space<semaphore_mem>>) src(%dma_wait3A_172 : memref<20000x128xf32, #tpu.memory_space<hbm>>) dst(%arg9 : memref<128x128xf32, #tpu.memory_space<vmem>>)
      %run_scoped3A_173 = arith.constant 5 : i32
      %run_scoped3A_174 = arith.constant 1 : i32
      "tpu.region"() ({
        %run_scoped3A_401 = tpu.sem_alloc : memref<!tpu.dma_semaphore, #tpu.memory_space<semaphore_mem>>
        %dma_start3A_402 = arith.constant 0 : i32
        %dma_start3A_403 = tpu.memref_slice %arg6[%run_scoped3A_173, %run_scoped3A_174, %dma_start3A_402] : memref<8x2x128xi32, #tpu.memory_space<vmem>> -> memref<1x1x128xi32, #tpu.memory_space<vmem>>
        %dma_start3A_404 = tpu.memref_squeeze %dma_start3A_403 : memref<1x1x128xi32, #tpu.memory_space<vmem>> -> memref<128xi32, #tpu.memory_space<vmem>>
        %dma_start3A_405 = arith.constant 0 : i32
        %dma_start3A_406 = arith.constant 0 : i32
        %dma_start3A_407 = tpu.memref_slice %arg10[%dma_start3A_405, %dma_start3A_406] : memref<10240x128xf32, #tpu.memory_space<vmem_shared>> -> memref<10240x128xf32, #tpu.memory_space<vmem_shared>>
        tpu.enqueue_indirect_dma source(%arg9 : memref<128x128xf32, #tpu.memory_space<vmem>>) target(%dma_start3A_407 : memref<10240x128xf32, #tpu.memory_space<vmem_shared>>) offsets(%dma_start3A_404 : memref<128xi32, #tpu.memory_space<vmem>>) semaphore(%run_scoped3A_401 : memref<!tpu.dma_semaphore, #tpu.memory_space<semaphore_mem>>) {add = true}
        %dma_wait3A_408 = arith.constant 0 : i32
        %dma_wait3A_409 = tpu.memref_slice %arg6[%run_scoped3A_173, %run_scoped3A_174, %dma_wait3A_408] : memref<8x2x128xi32, #tpu.memory_space<vmem>> -> memref<1x1x128xi32, #tpu.memory_space<vmem>>
        %dma_wait3A_410 = tpu.memref_squeeze %dma_wait3A_409 : memref<1x1x128xi32, #tpu.memory_space<vmem>> -> memref<128xi32, #tpu.memory_space<vmem>>
        %dma_wait3A_411 = arith.constant 0 : i32
        %dma_wait3A_412 = arith.constant 0 : i32
        %dma_wait3A_413 = tpu.memref_slice %arg10[%dma_wait3A_411, %dma_wait3A_412] : memref<10240x128xf32, #tpu.memory_space<vmem_shared>> -> memref<10240x128xf32, #tpu.memory_space<vmem_shared>>
        tpu.wait_indirect_dma semaphore(%run_scoped3A_401 : memref<!tpu.dma_semaphore, #tpu.memory_space<semaphore_mem>>) src(%arg9 : memref<128x128xf32, #tpu.memory_space<vmem>>) dst(%dma_wait3A_413 : memref<10240x128xf32, #tpu.memory_space<vmem_shared>>)
        tpu.yield
      }) : () -> ()
      %dma_start3A_175 = arith.constant 7 : i32
      %dma_start3A_176 = arith.constant 0 : i32
      %dma_start3A_177 = arith.constant 0 : i32
      %dma_start3A_178 = tpu.memref_slice %arg6[%dma_start3A_175, %dma_start3A_176, %dma_start3A_177] : memref<8x2x128xi32, #tpu.memory_space<vmem>> -> memref<1x1x128xi32, #tpu.memory_space<vmem>>
      %dma_start3A_179 = tpu.memref_squeeze %dma_start3A_178 : memref<1x1x128xi32, #tpu.memory_space<vmem>> -> memref<128xi32, #tpu.memory_space<vmem>>
      %dma_start3A_180 = arith.constant 0 : i32
      %dma_start3A_181 = arith.constant 0 : i32
      %dma_start3A_182 = tpu.memref_slice %arg2[%dma_start3A_180, %dma_start3A_181] : memref<20000x128xf32, #tpu.memory_space<hbm>> -> memref<20000x128xf32, #tpu.memory_space<hbm>>
      tpu.enqueue_indirect_dma source(%dma_start3A_182 : memref<20000x128xf32, #tpu.memory_space<hbm>>) target(%arg9 : memref<128x128xf32, #tpu.memory_space<vmem>>) offsets(%dma_start3A_179 : memref<128xi32, #tpu.memory_space<vmem>>) semaphore(%arg14 : memref<!tpu.dma_semaphore, #tpu.memory_space<semaphore_mem>>)
      %dma_wait3A_183 = arith.constant 0 : i32
      %dma_wait3A_184 = arith.constant 0 : i32
      %dma_wait3A_185 = arith.constant 0 : i32
      %dma_wait3A_186 = tpu.memref_slice %arg6[%dma_wait3A_183, %dma_wait3A_184, %dma_wait3A_185] : memref<8x2x128xi32, #tpu.memory_space<vmem>> -> memref<1x1x128xi32, #tpu.memory_space<vmem>>
      %dma_wait3A_187 = tpu.memref_squeeze %dma_wait3A_186 : memref<1x1x128xi32, #tpu.memory_space<vmem>> -> memref<128xi32, #tpu.memory_space<vmem>>
      %dma_wait3A_188 = arith.constant 0 : i32
      %dma_wait3A_189 = arith.constant 0 : i32
      %dma_wait3A_190 = tpu.memref_slice %arg2[%dma_wait3A_188, %dma_wait3A_189] : memref<20000x128xf32, #tpu.memory_space<hbm>> -> memref<20000x128xf32, #tpu.memory_space<hbm>>
      tpu.wait_indirect_dma semaphore(%arg13 : memref<!tpu.dma_semaphore, #tpu.memory_space<semaphore_mem>>) src(%dma_wait3A_190 : memref<20000x128xf32, #tpu.memory_space<hbm>>) dst(%arg8 : memref<128x128xf32, #tpu.memory_space<vmem>>)
      %run_scoped3A_191 = arith.constant 6 : i32
      %run_scoped3A_192 = arith.constant 1 : i32
      "tpu.region"() ({
        %run_scoped3A_401 = tpu.sem_alloc : memref<!tpu.dma_semaphore, #tpu.memory_space<semaphore_mem>>
        %dma_start3A_402 = arith.constant 0 : i32
        %dma_start3A_403 = tpu.memref_slice %arg6[%run_scoped3A_191, %run_scoped3A_192, %dma_start3A_402] : memref<8x2x128xi32, #tpu.memory_space<vmem>> -> memref<1x1x128xi32, #tpu.memory_space<vmem>>
        %dma_start3A_404 = tpu.memref_squeeze %dma_start3A_403 : memref<1x1x128xi32, #tpu.memory_space<vmem>> -> memref<128xi32, #tpu.memory_space<vmem>>
        %dma_start3A_405 = arith.constant 0 : i32
        %dma_start3A_406 = arith.constant 0 : i32
        %dma_start3A_407 = tpu.memref_slice %arg10[%dma_start3A_405, %dma_start3A_406] : memref<10240x128xf32, #tpu.memory_space<vmem_shared>> -> memref<10240x128xf32, #tpu.memory_space<vmem_shared>>
        tpu.enqueue_indirect_dma source(%arg8 : memref<128x128xf32, #tpu.memory_space<vmem>>) target(%dma_start3A_407 : memref<10240x128xf32, #tpu.memory_space<vmem_shared>>) offsets(%dma_start3A_404 : memref<128xi32, #tpu.memory_space<vmem>>) semaphore(%run_scoped3A_401 : memref<!tpu.dma_semaphore, #tpu.memory_space<semaphore_mem>>) {add = true}
        %dma_wait3A_408 = arith.constant 0 : i32
        %dma_wait3A_409 = tpu.memref_slice %arg6[%run_scoped3A_191, %run_scoped3A_192, %dma_wait3A_408] : memref<8x2x128xi32, #tpu.memory_space<vmem>> -> memref<1x1x128xi32, #tpu.memory_space<vmem>>
        %dma_wait3A_410 = tpu.memref_squeeze %dma_wait3A_409 : memref<1x1x128xi32, #tpu.memory_space<vmem>> -> memref<128xi32, #tpu.memory_space<vmem>>
        %dma_wait3A_411 = arith.constant 0 : i32
        %dma_wait3A_412 = arith.constant 0 : i32
        %dma_wait3A_413 = tpu.memref_slice %arg10[%dma_wait3A_411, %dma_wait3A_412] : memref<10240x128xf32, #tpu.memory_space<vmem_shared>> -> memref<10240x128xf32, #tpu.memory_space<vmem_shared>>
        tpu.wait_indirect_dma semaphore(%run_scoped3A_401 : memref<!tpu.dma_semaphore, #tpu.memory_space<semaphore_mem>>) src(%arg8 : memref<128x128xf32, #tpu.memory_space<vmem>>) dst(%dma_wait3A_413 : memref<10240x128xf32, #tpu.memory_space<vmem_shared>>)
        tpu.yield
      }) : () -> ()
      %dma_wait3A_193 = arith.constant 0 : i32
      %dma_wait3A_194 = arith.constant 0 : i32
      %dma_wait3A_195 = arith.constant 0 : i32
      %dma_wait3A_196 = tpu.memref_slice %arg3[%arg0, %arg1, %dma_wait3A_193, %dma_wait3A_194, %dma_wait3A_195] : memref<2x16x160x2x128xi32, #tpu.memory_space<hbm>> -> memref<1x1x8x2x128xi32, #tpu.memory_space<hbm>>
      %dma_wait3A_197 = tpu.memref_squeeze %dma_wait3A_196 : memref<1x1x8x2x128xi32, #tpu.memory_space<hbm>> -> memref<8x2x128xi32, #tpu.memory_space<hbm>>
      %dma_wait3A_198 = arith.constant 0 : i32
      %dma_wait3A_199 = arith.constant 0 : i32
      %dma_wait3A_200 = arith.constant 0 : i32
      %dma_wait3A_201 = tpu.memref_slice %arg3[%arg0, %arg1, %dma_wait3A_198, %dma_wait3A_199, %dma_wait3A_200] : memref<2x16x160x2x128xi32, #tpu.memory_space<hbm>> -> memref<1x1x8x2x128xi32, #tpu.memory_space<hbm>>
      %dma_wait3A_202 = tpu.memref_squeeze %dma_wait3A_201 : memref<1x1x8x2x128xi32, #tpu.memory_space<hbm>> -> memref<8x2x128xi32, #tpu.memory_space<hbm>>
      tpu.wait_dma2 semaphore(%arg12 : memref<!tpu.dma_semaphore, #tpu.memory_space<semaphore_mem>>) src(%dma_wait3A_202 : memref<8x2x128xi32, #tpu.memory_space<hbm>>) dst(%arg7 : memref<8x2x128xi32, #tpu.memory_space<vmem>>)
      %dma_start3A_203 = arith.constant 0 : i32
      %dma_start3A_204 = arith.constant 0 : i32
      %dma_start3A_205 = arith.constant 0 : i32
      %dma_start3A_206 = tpu.memref_slice %arg7[%dma_start3A_203, %dma_start3A_204, %dma_start3A_205] : memref<8x2x128xi32, #tpu.memory_space<vmem>> -> memref<1x1x128xi32, #tpu.memory_space<vmem>>
      %dma_start3A_207 = tpu.memref_squeeze %dma_start3A_206 : memref<1x1x128xi32, #tpu.memory_space<vmem>> -> memref<128xi32, #tpu.memory_space<vmem>>
      %dma_start3A_208 = arith.constant 0 : i32
      %dma_start3A_209 = arith.constant 0 : i32
      %dma_start3A_210 = tpu.memref_slice %arg2[%dma_start3A_208, %dma_start3A_209] : memref<20000x128xf32, #tpu.memory_space<hbm>> -> memref<20000x128xf32, #tpu.memory_space<hbm>>
      tpu.enqueue_indirect_dma source(%dma_start3A_210 : memref<20000x128xf32, #tpu.memory_space<hbm>>) target(%arg8 : memref<128x128xf32, #tpu.memory_space<vmem>>) offsets(%dma_start3A_207 : memref<128xi32, #tpu.memory_space<vmem>>) semaphore(%arg13 : memref<!tpu.dma_semaphore, #tpu.memory_space<semaphore_mem>>)
      %dma_wait3A_211 = arith.constant 0 : i32
      %dma_wait3A_212 = arith.constant 0 : i32
      %dma_wait3A_213 = arith.constant 0 : i32
      %dma_wait3A_214 = tpu.memref_slice %arg6[%dma_wait3A_211, %dma_wait3A_212, %dma_wait3A_213] : memref<8x2x128xi32, #tpu.memory_space<vmem>> -> memref<1x1x128xi32, #tpu.memory_space<vmem>>
      %dma_wait3A_215 = tpu.memref_squeeze %dma_wait3A_214 : memref<1x1x128xi32, #tpu.memory_space<vmem>> -> memref<128xi32, #tpu.memory_space<vmem>>
      %dma_wait3A_216 = arith.constant 0 : i32
      %dma_wait3A_217 = arith.constant 0 : i32
      %dma_wait3A_218 = tpu.memref_slice %arg2[%dma_wait3A_216, %dma_wait3A_217] : memref<20000x128xf32, #tpu.memory_space<hbm>> -> memref<20000x128xf32, #tpu.memory_space<hbm>>
      tpu.wait_indirect_dma semaphore(%arg14 : memref<!tpu.dma_semaphore, #tpu.memory_space<semaphore_mem>>) src(%dma_wait3A_218 : memref<20000x128xf32, #tpu.memory_space<hbm>>) dst(%arg9 : memref<128x128xf32, #tpu.memory_space<vmem>>)
      %run_scoped3A_219 = arith.constant 7 : i32
      %run_scoped3A_220 = arith.constant 1 : i32
      "tpu.region"() ({
        %run_scoped3A_401 = tpu.sem_alloc : memref<!tpu.dma_semaphore, #tpu.memory_space<semaphore_mem>>
        %dma_start3A_402 = arith.constant 0 : i32
        %dma_start3A_403 = tpu.memref_slice %arg6[%run_scoped3A_219, %run_scoped3A_220, %dma_start3A_402] : memref<8x2x128xi32, #tpu.memory_space<vmem>> -> memref<1x1x128xi32, #tpu.memory_space<vmem>>
        %dma_start3A_404 = tpu.memref_squeeze %dma_start3A_403 : memref<1x1x128xi32, #tpu.memory_space<vmem>> -> memref<128xi32, #tpu.memory_space<vmem>>
        %dma_start3A_405 = arith.constant 0 : i32
        %dma_start3A_406 = arith.constant 0 : i32
        %dma_start3A_407 = tpu.memref_slice %arg10[%dma_start3A_405, %dma_start3A_406] : memref<10240x128xf32, #tpu.memory_space<vmem_shared>> -> memref<10240x128xf32, #tpu.memory_space<vmem_shared>>
        tpu.enqueue_indirect_dma source(%arg9 : memref<128x128xf32, #tpu.memory_space<vmem>>) target(%dma_start3A_407 : memref<10240x128xf32, #tpu.memory_space<vmem_shared>>) offsets(%dma_start3A_404 : memref<128xi32, #tpu.memory_space<vmem>>) semaphore(%run_scoped3A_401 : memref<!tpu.dma_semaphore, #tpu.memory_space<semaphore_mem>>) {add = true}
        %dma_wait3A_408 = arith.constant 0 : i32
        %dma_wait3A_409 = tpu.memref_slice %arg6[%run_scoped3A_219, %run_scoped3A_220, %dma_wait3A_408] : memref<8x2x128xi32, #tpu.memory_space<vmem>> -> memref<1x1x128xi32, #tpu.memory_space<vmem>>
        %dma_wait3A_410 = tpu.memref_squeeze %dma_wait3A_409 : memref<1x1x128xi32, #tpu.memory_space<vmem>> -> memref<128xi32, #tpu.memory_space<vmem>>
        %dma_wait3A_411 = arith.constant 0 : i32
        %dma_wait3A_412 = arith.constant 0 : i32
        %dma_wait3A_413 = tpu.memref_slice %arg10[%dma_wait3A_411, %dma_wait3A_412] : memref<10240x128xf32, #tpu.memory_space<vmem_shared>> -> memref<10240x128xf32, #tpu.memory_space<vmem_shared>>
        tpu.wait_indirect_dma semaphore(%run_scoped3A_401 : memref<!tpu.dma_semaphore, #tpu.memory_space<semaphore_mem>>) src(%arg9 : memref<128x128xf32, #tpu.memory_space<vmem>>) dst(%dma_wait3A_413 : memref<10240x128xf32, #tpu.memory_space<vmem_shared>>)
        tpu.yield
      }) : () -> ()
      %add3A = arith.constant 2 : i32
      %add3A_221 = arith.addi %mul3A_67, %add3A : i32
      %min3A = arith.constant 19 : i32
      %min3A_222 = arith.minsi %add3A_221, %min3A : i32
      %mul3A_223 = arith.constant 8 : i32
      %mul3A_224 = arith.muli %min3A_222, %mul3A_223 : i32
      %dma_start3A_225 = arith.constant 0 : i32
      %dma_start3A_226 = arith.constant 0 : i32
      %dma_start3A_227 = tpu.memref_slice %arg3[%arg0, %arg1, %mul3A_224, %dma_start3A_225, %dma_start3A_226] : memref<2x16x160x2x128xi32, #tpu.memory_space<hbm>> -> memref<1x1x8x2x128xi32, #tpu.memory_space<hbm>>
      %dma_start3A_228 = tpu.memref_squeeze %dma_start3A_227 : memref<1x1x8x2x128xi32, #tpu.memory_space<hbm>> -> memref<8x2x128xi32, #tpu.memory_space<hbm>>
      %dma_start3A_229 = arith.constant 0 : i32
      %dma_start3A_230 = arith.constant 0 : i32
      %dma_start3A_231 = tpu.memref_slice %arg3[%arg0, %arg1, %mul3A_224, %dma_start3A_229, %dma_start3A_230] : memref<2x16x160x2x128xi32, #tpu.memory_space<hbm>> -> memref<1x1x8x2x128xi32, #tpu.memory_space<hbm>>
      %dma_start3A_232 = tpu.memref_squeeze %dma_start3A_231 : memref<1x1x8x2x128xi32, #tpu.memory_space<hbm>> -> memref<8x2x128xi32, #tpu.memory_space<hbm>>
      tpu.enqueue_dma source(%dma_start3A_232 : memref<8x2x128xi32, #tpu.memory_space<hbm>>) target(%arg6 : memref<8x2x128xi32, #tpu.memory_space<vmem>>) target_semaphore(%arg11 : memref<!tpu.dma_semaphore, #tpu.memory_space<semaphore_mem>>)
      %dma_start3A_233 = arith.constant 1 : i32
      %dma_start3A_234 = arith.constant 0 : i32
      %dma_start3A_235 = arith.constant 0 : i32
      %dma_start3A_236 = tpu.memref_slice %arg7[%dma_start3A_233, %dma_start3A_234, %dma_start3A_235] : memref<8x2x128xi32, #tpu.memory_space<vmem>> -> memref<1x1x128xi32, #tpu.memory_space<vmem>>
      %dma_start3A_237 = tpu.memref_squeeze %dma_start3A_236 : memref<1x1x128xi32, #tpu.memory_space<vmem>> -> memref<128xi32, #tpu.memory_space<vmem>>
      %dma_start3A_238 = arith.constant 0 : i32
      %dma_start3A_239 = arith.constant 0 : i32
      %dma_start3A_240 = tpu.memref_slice %arg2[%dma_start3A_238, %dma_start3A_239] : memref<20000x128xf32, #tpu.memory_space<hbm>> -> memref<20000x128xf32, #tpu.memory_space<hbm>>
      tpu.enqueue_indirect_dma source(%dma_start3A_240 : memref<20000x128xf32, #tpu.memory_space<hbm>>) target(%arg9 : memref<128x128xf32, #tpu.memory_space<vmem>>) offsets(%dma_start3A_237 : memref<128xi32, #tpu.memory_space<vmem>>) semaphore(%arg14 : memref<!tpu.dma_semaphore, #tpu.memory_space<semaphore_mem>>)
      %dma_wait3A_241 = arith.constant 0 : i32
      %dma_wait3A_242 = arith.constant 0 : i32
      %dma_wait3A_243 = arith.constant 0 : i32
      %dma_wait3A_244 = tpu.memref_slice %arg6[%dma_wait3A_241, %dma_wait3A_242, %dma_wait3A_243] : memref<8x2x128xi32, #tpu.memory_space<vmem>> -> memref<1x1x128xi32, #tpu.memory_space<vmem>>
      %dma_wait3A_245 = tpu.memref_squeeze %dma_wait3A_244 : memref<1x1x128xi32, #tpu.memory_space<vmem>> -> memref<128xi32, #tpu.memory_space<vmem>>
      %dma_wait3A_246 = arith.constant 0 : i32
      %dma_wait3A_247 = arith.constant 0 : i32
      %dma_wait3A_248 = tpu.memref_slice %arg2[%dma_wait3A_246, %dma_wait3A_247] : memref<20000x128xf32, #tpu.memory_space<hbm>> -> memref<20000x128xf32, #tpu.memory_space<hbm>>
      tpu.wait_indirect_dma semaphore(%arg13 : memref<!tpu.dma_semaphore, #tpu.memory_space<semaphore_mem>>) src(%dma_wait3A_248 : memref<20000x128xf32, #tpu.memory_space<hbm>>) dst(%arg8 : memref<128x128xf32, #tpu.memory_space<vmem>>)
      %run_scoped3A_249 = arith.constant 0 : i32
      %run_scoped3A_250 = arith.constant 1 : i32
      "tpu.region"() ({
        %run_scoped3A_401 = tpu.sem_alloc : memref<!tpu.dma_semaphore, #tpu.memory_space<semaphore_mem>>
        %dma_start3A_402 = arith.constant 0 : i32
        %dma_start3A_403 = tpu.memref_slice %arg7[%run_scoped3A_249, %run_scoped3A_250, %dma_start3A_402] : memref<8x2x128xi32, #tpu.memory_space<vmem>> -> memref<1x1x128xi32, #tpu.memory_space<vmem>>
        %dma_start3A_404 = tpu.memref_squeeze %dma_start3A_403 : memref<1x1x128xi32, #tpu.memory_space<vmem>> -> memref<128xi32, #tpu.memory_space<vmem>>
        %dma_start3A_405 = arith.constant 0 : i32
        %dma_start3A_406 = arith.constant 0 : i32
        %dma_start3A_407 = tpu.memref_slice %arg10[%dma_start3A_405, %dma_start3A_406] : memref<10240x128xf32, #tpu.memory_space<vmem_shared>> -> memref<10240x128xf32, #tpu.memory_space<vmem_shared>>
        tpu.enqueue_indirect_dma source(%arg8 : memref<128x128xf32, #tpu.memory_space<vmem>>) target(%dma_start3A_407 : memref<10240x128xf32, #tpu.memory_space<vmem_shared>>) offsets(%dma_start3A_404 : memref<128xi32, #tpu.memory_space<vmem>>) semaphore(%run_scoped3A_401 : memref<!tpu.dma_semaphore, #tpu.memory_space<semaphore_mem>>) {add = true}
        %dma_wait3A_408 = arith.constant 0 : i32
        %dma_wait3A_409 = tpu.memref_slice %arg7[%run_scoped3A_249, %run_scoped3A_250, %dma_wait3A_408] : memref<8x2x128xi32, #tpu.memory_space<vmem>> -> memref<1x1x128xi32, #tpu.memory_space<vmem>>
        %dma_wait3A_410 = tpu.memref_squeeze %dma_wait3A_409 : memref<1x1x128xi32, #tpu.memory_space<vmem>> -> memref<128xi32, #tpu.memory_space<vmem>>
        %dma_wait3A_411 = arith.constant 0 : i32
        %dma_wait3A_412 = arith.constant 0 : i32
        %dma_wait3A_413 = tpu.memref_slice %arg10[%dma_wait3A_411, %dma_wait3A_412] : memref<10240x128xf32, #tpu.memory_space<vmem_shared>> -> memref<10240x128xf32, #tpu.memory_space<vmem_shared>>
        tpu.wait_indirect_dma semaphore(%run_scoped3A_401 : memref<!tpu.dma_semaphore, #tpu.memory_space<semaphore_mem>>) src(%arg8 : memref<128x128xf32, #tpu.memory_space<vmem>>) dst(%dma_wait3A_413 : memref<10240x128xf32, #tpu.memory_space<vmem_shared>>)
        tpu.yield
      }) : () -> ()
      %dma_start3A_251 = arith.constant 2 : i32
      %dma_start3A_252 = arith.constant 0 : i32
      %dma_start3A_253 = arith.constant 0 : i32
      %dma_start3A_254 = tpu.memref_slice %arg7[%dma_start3A_251, %dma_start3A_252, %dma_start3A_253] : memref<8x2x128xi32, #tpu.memory_space<vmem>> -> memref<1x1x128xi32, #tpu.memory_space<vmem>>
      %dma_start3A_255 = tpu.memref_squeeze %dma_start3A_254 : memref<1x1x128xi32, #tpu.memory_space<vmem>> -> memref<128xi32, #tpu.memory_space<vmem>>
      %dma_start3A_256 = arith.constant 0 : i32
      %dma_start3A_257 = arith.constant 0 : i32
      %dma_start3A_258 = tpu.memref_slice %arg2[%dma_start3A_256, %dma_start3A_257] : memref<20000x128xf32, #tpu.memory_space<hbm>> -> memref<20000x128xf32, #tpu.memory_space<hbm>>
      tpu.enqueue_indirect_dma source(%dma_start3A_258 : memref<20000x128xf32, #tpu.memory_space<hbm>>) target(%arg8 : memref<128x128xf32, #tpu.memory_space<vmem>>) offsets(%dma_start3A_255 : memref<128xi32, #tpu.memory_space<vmem>>) semaphore(%arg13 : memref<!tpu.dma_semaphore, #tpu.memory_space<semaphore_mem>>)
      %dma_wait3A_259 = arith.constant 0 : i32
      %dma_wait3A_260 = arith.constant 0 : i32
      %dma_wait3A_261 = arith.constant 0 : i32
      %dma_wait3A_262 = tpu.memref_slice %arg6[%dma_wait3A_259, %dma_wait3A_260, %dma_wait3A_261] : memref<8x2x128xi32, #tpu.memory_space<vmem>> -> memref<1x1x128xi32, #tpu.memory_space<vmem>>
      %dma_wait3A_263 = tpu.memref_squeeze %dma_wait3A_262 : memref<1x1x128xi32, #tpu.memory_space<vmem>> -> memref<128xi32, #tpu.memory_space<vmem>>
      %dma_wait3A_264 = arith.constant 0 : i32
      %dma_wait3A_265 = arith.constant 0 : i32
      %dma_wait3A_266 = tpu.memref_slice %arg2[%dma_wait3A_264, %dma_wait3A_265] : memref<20000x128xf32, #tpu.memory_space<hbm>> -> memref<20000x128xf32, #tpu.memory_space<hbm>>
      tpu.wait_indirect_dma semaphore(%arg14 : memref<!tpu.dma_semaphore, #tpu.memory_space<semaphore_mem>>) src(%dma_wait3A_266 : memref<20000x128xf32, #tpu.memory_space<hbm>>) dst(%arg9 : memref<128x128xf32, #tpu.memory_space<vmem>>)
      %run_scoped3A_267 = arith.constant 1 : i32
      %run_scoped3A_268 = arith.constant 1 : i32
      "tpu.region"() ({
        %run_scoped3A_401 = tpu.sem_alloc : memref<!tpu.dma_semaphore, #tpu.memory_space<semaphore_mem>>
        %dma_start3A_402 = arith.constant 0 : i32
        %dma_start3A_403 = tpu.memref_slice %arg7[%run_scoped3A_267, %run_scoped3A_268, %dma_start3A_402] : memref<8x2x128xi32, #tpu.memory_space<vmem>> -> memref<1x1x128xi32, #tpu.memory_space<vmem>>
        %dma_start3A_404 = tpu.memref_squeeze %dma_start3A_403 : memref<1x1x128xi32, #tpu.memory_space<vmem>> -> memref<128xi32, #tpu.memory_space<vmem>>
        %dma_start3A_405 = arith.constant 0 : i32
        %dma_start3A_406 = arith.constant 0 : i32
        %dma_start3A_407 = tpu.memref_slice %arg10[%dma_start3A_405, %dma_start3A_406] : memref<10240x128xf32, #tpu.memory_space<vmem_shared>> -> memref<10240x128xf32, #tpu.memory_space<vmem_shared>>
        tpu.enqueue_indirect_dma source(%arg9 : memref<128x128xf32, #tpu.memory_space<vmem>>) target(%dma_start3A_407 : memref<10240x128xf32, #tpu.memory_space<vmem_shared>>) offsets(%dma_start3A_404 : memref<128xi32, #tpu.memory_space<vmem>>) semaphore(%run_scoped3A_401 : memref<!tpu.dma_semaphore, #tpu.memory_space<semaphore_mem>>) {add = true}
        %dma_wait3A_408 = arith.constant 0 : i32
        %dma_wait3A_409 = tpu.memref_slice %arg7[%run_scoped3A_267, %run_scoped3A_268, %dma_wait3A_408] : memref<8x2x128xi32, #tpu.memory_space<vmem>> -> memref<1x1x128xi32, #tpu.memory_space<vmem>>
        %dma_wait3A_410 = tpu.memref_squeeze %dma_wait3A_409 : memref<1x1x128xi32, #tpu.memory_space<vmem>> -> memref<128xi32, #tpu.memory_space<vmem>>
        %dma_wait3A_411 = arith.constant 0 : i32
        %dma_wait3A_412 = arith.constant 0 : i32
        %dma_wait3A_413 = tpu.memref_slice %arg10[%dma_wait3A_411, %dma_wait3A_412] : memref<10240x128xf32, #tpu.memory_space<vmem_shared>> -> memref<10240x128xf32, #tpu.memory_space<vmem_shared>>
        tpu.wait_indirect_dma semaphore(%run_scoped3A_401 : memref<!tpu.dma_semaphore, #tpu.memory_space<semaphore_mem>>) src(%arg9 : memref<128x128xf32, #tpu.memory_space<vmem>>) dst(%dma_wait3A_413 : memref<10240x128xf32, #tpu.memory_space<vmem_shared>>)
        tpu.yield
      }) : () -> ()
      %dma_start3A_269 = arith.constant 3 : i32
      %dma_start3A_270 = arith.constant 0 : i32
      %dma_start3A_271 = arith.constant 0 : i32
      %dma_start3A_272 = tpu.memref_slice %arg7[%dma_start3A_269, %dma_start3A_270, %dma_start3A_271] : memref<8x2x128xi32, #tpu.memory_space<vmem>> -> memref<1x1x128xi32, #tpu.memory_space<vmem>>
      %dma_start3A_273 = tpu.memref_squeeze %dma_start3A_272 : memref<1x1x128xi32, #tpu.memory_space<vmem>> -> memref<128xi32, #tpu.memory_space<vmem>>
      %dma_start3A_274 = arith.constant 0 : i32
      %dma_start3A_275 = arith.constant 0 : i32
      %dma_start3A_276 = tpu.memref_slice %arg2[%dma_start3A_274, %dma_start3A_275] : memref<20000x128xf32, #tpu.memory_space<hbm>> -> memref<20000x128xf32, #tpu.memory_space<hbm>>
      tpu.enqueue_indirect_dma source(%dma_start3A_276 : memref<20000x128xf32, #tpu.memory_space<hbm>>) target(%arg9 : memref<128x128xf32, #tpu.memory_space<vmem>>) offsets(%dma_start3A_273 : memref<128xi32, #tpu.memory_space<vmem>>) semaphore(%arg14 : memref<!tpu.dma_semaphore, #tpu.memory_space<semaphore_mem>>)
      %dma_wait3A_277 = arith.constant 0 : i32
      %dma_wait3A_278 = arith.constant 0 : i32
      %dma_wait3A_279 = arith.constant 0 : i32
      %dma_wait3A_280 = tpu.memref_slice %arg6[%dma_wait3A_277, %dma_wait3A_278, %dma_wait3A_279] : memref<8x2x128xi32, #tpu.memory_space<vmem>> -> memref<1x1x128xi32, #tpu.memory_space<vmem>>
      %dma_wait3A_281 = tpu.memref_squeeze %dma_wait3A_280 : memref<1x1x128xi32, #tpu.memory_space<vmem>> -> memref<128xi32, #tpu.memory_space<vmem>>
      %dma_wait3A_282 = arith.constant 0 : i32
      %dma_wait3A_283 = arith.constant 0 : i32
      %dma_wait3A_284 = tpu.memref_slice %arg2[%dma_wait3A_282, %dma_wait3A_283] : memref<20000x128xf32, #tpu.memory_space<hbm>> -> memref<20000x128xf32, #tpu.memory_space<hbm>>
      tpu.wait_indirect_dma semaphore(%arg13 : memref<!tpu.dma_semaphore, #tpu.memory_space<semaphore_mem>>) src(%dma_wait3A_284 : memref<20000x128xf32, #tpu.memory_space<hbm>>) dst(%arg8 : memref<128x128xf32, #tpu.memory_space<vmem>>)
      %run_scoped3A_285 = arith.constant 2 : i32
      %run_scoped3A_286 = arith.constant 1 : i32
      "tpu.region"() ({
        %run_scoped3A_401 = tpu.sem_alloc : memref<!tpu.dma_semaphore, #tpu.memory_space<semaphore_mem>>
        %dma_start3A_402 = arith.constant 0 : i32
        %dma_start3A_403 = tpu.memref_slice %arg7[%run_scoped3A_285, %run_scoped3A_286, %dma_start3A_402] : memref<8x2x128xi32, #tpu.memory_space<vmem>> -> memref<1x1x128xi32, #tpu.memory_space<vmem>>
        %dma_start3A_404 = tpu.memref_squeeze %dma_start3A_403 : memref<1x1x128xi32, #tpu.memory_space<vmem>> -> memref<128xi32, #tpu.memory_space<vmem>>
        %dma_start3A_405 = arith.constant 0 : i32
        %dma_start3A_406 = arith.constant 0 : i32
        %dma_start3A_407 = tpu.memref_slice %arg10[%dma_start3A_405, %dma_start3A_406] : memref<10240x128xf32, #tpu.memory_space<vmem_shared>> -> memref<10240x128xf32, #tpu.memory_space<vmem_shared>>
        tpu.enqueue_indirect_dma source(%arg8 : memref<128x128xf32, #tpu.memory_space<vmem>>) target(%dma_start3A_407 : memref<10240x128xf32, #tpu.memory_space<vmem_shared>>) offsets(%dma_start3A_404 : memref<128xi32, #tpu.memory_space<vmem>>) semaphore(%run_scoped3A_401 : memref<!tpu.dma_semaphore, #tpu.memory_space<semaphore_mem>>) {add = true}
        %dma_wait3A_408 = arith.constant 0 : i32
        %dma_wait3A_409 = tpu.memref_slice %arg7[%run_scoped3A_285, %run_scoped3A_286, %dma_wait3A_408] : memref<8x2x128xi32, #tpu.memory_space<vmem>> -> memref<1x1x128xi32, #tpu.memory_space<vmem>>
        %dma_wait3A_410 = tpu.memref_squeeze %dma_wait3A_409 : memref<1x1x128xi32, #tpu.memory_space<vmem>> -> memref<128xi32, #tpu.memory_space<vmem>>
        %dma_wait3A_411 = arith.constant 0 : i32
        %dma_wait3A_412 = arith.constant 0 : i32
        %dma_wait3A_413 = tpu.memref_slice %arg10[%dma_wait3A_411, %dma_wait3A_412] : memref<10240x128xf32, #tpu.memory_space<vmem_shared>> -> memref<10240x128xf32, #tpu.memory_space<vmem_shared>>
        tpu.wait_indirect_dma semaphore(%run_scoped3A_401 : memref<!tpu.dma_semaphore, #tpu.memory_space<semaphore_mem>>) src(%arg8 : memref<128x128xf32, #tpu.memory_space<vmem>>) dst(%dma_wait3A_413 : memref<10240x128xf32, #tpu.memory_space<vmem_shared>>)
        tpu.yield
      }) : () -> ()
      %dma_start3A_287 = arith.constant 4 : i32
      %dma_start3A_288 = arith.constant 0 : i32
      %dma_start3A_289 = arith.constant 0 : i32
      %dma_start3A_290 = tpu.memref_slice %arg7[%dma_start3A_287, %dma_start3A_288, %dma_start3A_289] : memref<8x2x128xi32, #tpu.memory_space<vmem>> -> memref<1x1x128xi32, #tpu.memory_space<vmem>>
      %dma_start3A_291 = tpu.memref_squeeze %dma_start3A_290 : memref<1x1x128xi32, #tpu.memory_space<vmem>> -> memref<128xi32, #tpu.memory_space<vmem>>
      %dma_start3A_292 = arith.constant 0 : i32
      %dma_start3A_293 = arith.constant 0 : i32
      %dma_start3A_294 = tpu.memref_slice %arg2[%dma_start3A_292, %dma_start3A_293] : memref<20000x128xf32, #tpu.memory_space<hbm>> -> memref<20000x128xf32, #tpu.memory_space<hbm>>
      tpu.enqueue_indirect_dma source(%dma_start3A_294 : memref<20000x128xf32, #tpu.memory_space<hbm>>) target(%arg8 : memref<128x128xf32, #tpu.memory_space<vmem>>) offsets(%dma_start3A_291 : memref<128xi32, #tpu.memory_space<vmem>>) semaphore(%arg13 : memref<!tpu.dma_semaphore, #tpu.memory_space<semaphore_mem>>)
      %dma_wait3A_295 = arith.constant 0 : i32
      %dma_wait3A_296 = arith.constant 0 : i32
      %dma_wait3A_297 = arith.constant 0 : i32
      %dma_wait3A_298 = tpu.memref_slice %arg6[%dma_wait3A_295, %dma_wait3A_296, %dma_wait3A_297] : memref<8x2x128xi32, #tpu.memory_space<vmem>> -> memref<1x1x128xi32, #tpu.memory_space<vmem>>
      %dma_wait3A_299 = tpu.memref_squeeze %dma_wait3A_298 : memref<1x1x128xi32, #tpu.memory_space<vmem>> -> memref<128xi32, #tpu.memory_space<vmem>>
      %dma_wait3A_300 = arith.constant 0 : i32
      %dma_wait3A_301 = arith.constant 0 : i32
      %dma_wait3A_302 = tpu.memref_slice %arg2[%dma_wait3A_300, %dma_wait3A_301] : memref<20000x128xf32, #tpu.memory_space<hbm>> -> memref<20000x128xf32, #tpu.memory_space<hbm>>
      tpu.wait_indirect_dma semaphore(%arg14 : memref<!tpu.dma_semaphore, #tpu.memory_space<semaphore_mem>>) src(%dma_wait3A_302 : memref<20000x128xf32, #tpu.memory_space<hbm>>) dst(%arg9 : memref<128x128xf32, #tpu.memory_space<vmem>>)
      %run_scoped3A_303 = arith.constant 3 : i32
      %run_scoped3A_304 = arith.constant 1 : i32
      "tpu.region"() ({
        %run_scoped3A_401 = tpu.sem_alloc : memref<!tpu.dma_semaphore, #tpu.memory_space<semaphore_mem>>
        %dma_start3A_402 = arith.constant 0 : i32
        %dma_start3A_403 = tpu.memref_slice %arg7[%run_scoped3A_303, %run_scoped3A_304, %dma_start3A_402] : memref<8x2x128xi32, #tpu.memory_space<vmem>> -> memref<1x1x128xi32, #tpu.memory_space<vmem>>
        %dma_start3A_404 = tpu.memref_squeeze %dma_start3A_403 : memref<1x1x128xi32, #tpu.memory_space<vmem>> -> memref<128xi32, #tpu.memory_space<vmem>>
        %dma_start3A_405 = arith.constant 0 : i32
        %dma_start3A_406 = arith.constant 0 : i32
        %dma_start3A_407 = tpu.memref_slice %arg10[%dma_start3A_405, %dma_start3A_406] : memref<10240x128xf32, #tpu.memory_space<vmem_shared>> -> memref<10240x128xf32, #tpu.memory_space<vmem_shared>>
        tpu.enqueue_indirect_dma source(%arg9 : memref<128x128xf32, #tpu.memory_space<vmem>>) target(%dma_start3A_407 : memref<10240x128xf32, #tpu.memory_space<vmem_shared>>) offsets(%dma_start3A_404 : memref<128xi32, #tpu.memory_space<vmem>>) semaphore(%run_scoped3A_401 : memref<!tpu.dma_semaphore, #tpu.memory_space<semaphore_mem>>) {add = true}
        %dma_wait3A_408 = arith.constant 0 : i32
        %dma_wait3A_409 = tpu.memref_slice %arg7[%run_scoped3A_303, %run_scoped3A_304, %dma_wait3A_408] : memref<8x2x128xi32, #tpu.memory_space<vmem>> -> memref<1x1x128xi32, #tpu.memory_space<vmem>>
        %dma_wait3A_410 = tpu.memref_squeeze %dma_wait3A_409 : memref<1x1x128xi32, #tpu.memory_space<vmem>> -> memref<128xi32, #tpu.memory_space<vmem>>
        %dma_wait3A_411 = arith.constant 0 : i32
        %dma_wait3A_412 = arith.constant 0 : i32
        %dma_wait3A_413 = tpu.memref_slice %arg10[%dma_wait3A_411, %dma_wait3A_412] : memref<10240x128xf32, #tpu.memory_space<vmem_shared>> -> memref<10240x128xf32, #tpu.memory_space<vmem_shared>>
        tpu.wait_indirect_dma semaphore(%run_scoped3A_401 : memref<!tpu.dma_semaphore, #tpu.memory_space<semaphore_mem>>) src(%arg9 : memref<128x128xf32, #tpu.memory_space<vmem>>) dst(%dma_wait3A_413 : memref<10240x128xf32, #tpu.memory_space<vmem_shared>>)
        tpu.yield
      }) : () -> ()
      %dma_start3A_305 = arith.constant 5 : i32
      %dma_start3A_306 = arith.constant 0 : i32
      %dma_start3A_307 = arith.constant 0 : i32
      %dma_start3A_308 = tpu.memref_slice %arg7[%dma_start3A_305, %dma_start3A_306, %dma_start3A_307] : memref<8x2x128xi32, #tpu.memory_space<vmem>> -> memref<1x1x128xi32, #tpu.memory_space<vmem>>
      %dma_start3A_309 = tpu.memref_squeeze %dma_start3A_308 : memref<1x1x128xi32, #tpu.memory_space<vmem>> -> memref<128xi32, #tpu.memory_space<vmem>>
      %dma_start3A_310 = arith.constant 0 : i32
      %dma_start3A_311 = arith.constant 0 : i32
      %dma_start3A_312 = tpu.memref_slice %arg2[%dma_start3A_310, %dma_start3A_311] : memref<20000x128xf32, #tpu.memory_space<hbm>> -> memref<20000x128xf32, #tpu.memory_space<hbm>>
      tpu.enqueue_indirect_dma source(%dma_start3A_312 : memref<20000x128xf32, #tpu.memory_space<hbm>>) target(%arg9 : memref<128x128xf32, #tpu.memory_space<vmem>>) offsets(%dma_start3A_309 : memref<128xi32, #tpu.memory_space<vmem>>) semaphore(%arg14 : memref<!tpu.dma_semaphore, #tpu.memory_space<semaphore_mem>>)
      %dma_wait3A_313 = arith.constant 0 : i32
      %dma_wait3A_314 = arith.constant 0 : i32
      %dma_wait3A_315 = arith.constant 0 : i32
      %dma_wait3A_316 = tpu.memref_slice %arg6[%dma_wait3A_313, %dma_wait3A_314, %dma_wait3A_315] : memref<8x2x128xi32, #tpu.memory_space<vmem>> -> memref<1x1x128xi32, #tpu.memory_space<vmem>>
      %dma_wait3A_317 = tpu.memref_squeeze %dma_wait3A_316 : memref<1x1x128xi32, #tpu.memory_space<vmem>> -> memref<128xi32, #tpu.memory_space<vmem>>
      %dma_wait3A_318 = arith.constant 0 : i32
      %dma_wait3A_319 = arith.constant 0 : i32
      %dma_wait3A_320 = tpu.memref_slice %arg2[%dma_wait3A_318, %dma_wait3A_319] : memref<20000x128xf32, #tpu.memory_space<hbm>> -> memref<20000x128xf32, #tpu.memory_space<hbm>>
      tpu.wait_indirect_dma semaphore(%arg13 : memref<!tpu.dma_semaphore, #tpu.memory_space<semaphore_mem>>) src(%dma_wait3A_320 : memref<20000x128xf32, #tpu.memory_space<hbm>>) dst(%arg8 : memref<128x128xf32, #tpu.memory_space<vmem>>)
      %run_scoped3A_321 = arith.constant 4 : i32
      %run_scoped3A_322 = arith.constant 1 : i32
      "tpu.region"() ({
        %run_scoped3A_401 = tpu.sem_alloc : memref<!tpu.dma_semaphore, #tpu.memory_space<semaphore_mem>>
        %dma_start3A_402 = arith.constant 0 : i32
        %dma_start3A_403 = tpu.memref_slice %arg7[%run_scoped3A_321, %run_scoped3A_322, %dma_start3A_402] : memref<8x2x128xi32, #tpu.memory_space<vmem>> -> memref<1x1x128xi32, #tpu.memory_space<vmem>>
        %dma_start3A_404 = tpu.memref_squeeze %dma_start3A_403 : memref<1x1x128xi32, #tpu.memory_space<vmem>> -> memref<128xi32, #tpu.memory_space<vmem>>
        %dma_start3A_405 = arith.constant 0 : i32
        %dma_start3A_406 = arith.constant 0 : i32
        %dma_start3A_407 = tpu.memref_slice %arg10[%dma_start3A_405, %dma_start3A_406] : memref<10240x128xf32, #tpu.memory_space<vmem_shared>> -> memref<10240x128xf32, #tpu.memory_space<vmem_shared>>
        tpu.enqueue_indirect_dma source(%arg8 : memref<128x128xf32, #tpu.memory_space<vmem>>) target(%dma_start3A_407 : memref<10240x128xf32, #tpu.memory_space<vmem_shared>>) offsets(%dma_start3A_404 : memref<128xi32, #tpu.memory_space<vmem>>) semaphore(%run_scoped3A_401 : memref<!tpu.dma_semaphore, #tpu.memory_space<semaphore_mem>>) {add = true}
        %dma_wait3A_408 = arith.constant 0 : i32
        %dma_wait3A_409 = tpu.memref_slice %arg7[%run_scoped3A_321, %run_scoped3A_322, %dma_wait3A_408] : memref<8x2x128xi32, #tpu.memory_space<vmem>> -> memref<1x1x128xi32, #tpu.memory_space<vmem>>
        %dma_wait3A_410 = tpu.memref_squeeze %dma_wait3A_409 : memref<1x1x128xi32, #tpu.memory_space<vmem>> -> memref<128xi32, #tpu.memory_space<vmem>>
        %dma_wait3A_411 = arith.constant 0 : i32
        %dma_wait3A_412 = arith.constant 0 : i32
        %dma_wait3A_413 = tpu.memref_slice %arg10[%dma_wait3A_411, %dma_wait3A_412] : memref<10240x128xf32, #tpu.memory_space<vmem_shared>> -> memref<10240x128xf32, #tpu.memory_space<vmem_shared>>
        tpu.wait_indirect_dma semaphore(%run_scoped3A_401 : memref<!tpu.dma_semaphore, #tpu.memory_space<semaphore_mem>>) src(%arg8 : memref<128x128xf32, #tpu.memory_space<vmem>>) dst(%dma_wait3A_413 : memref<10240x128xf32, #tpu.memory_space<vmem_shared>>)
        tpu.yield
      }) : () -> ()
      %dma_start3A_323 = arith.constant 6 : i32
      %dma_start3A_324 = arith.constant 0 : i32
      %dma_start3A_325 = arith.constant 0 : i32
      %dma_start3A_326 = tpu.memref_slice %arg7[%dma_start3A_323, %dma_start3A_324, %dma_start3A_325] : memref<8x2x128xi32, #tpu.memory_space<vmem>> -> memref<1x1x128xi32, #tpu.memory_space<vmem>>
      %dma_start3A_327 = tpu.memref_squeeze %dma_start3A_326 : memref<1x1x128xi32, #tpu.memory_space<vmem>> -> memref<128xi32, #tpu.memory_space<vmem>>
      %dma_start3A_328 = arith.constant 0 : i32
      %dma_start3A_329 = arith.constant 0 : i32
      %dma_start3A_330 = tpu.memref_slice %arg2[%dma_start3A_328, %dma_start3A_329] : memref<20000x128xf32, #tpu.memory_space<hbm>> -> memref<20000x128xf32, #tpu.memory_space<hbm>>
      tpu.enqueue_indirect_dma source(%dma_start3A_330 : memref<20000x128xf32, #tpu.memory_space<hbm>>) target(%arg8 : memref<128x128xf32, #tpu.memory_space<vmem>>) offsets(%dma_start3A_327 : memref<128xi32, #tpu.memory_space<vmem>>) semaphore(%arg13 : memref<!tpu.dma_semaphore, #tpu.memory_space<semaphore_mem>>)
      %dma_wait3A_331 = arith.constant 0 : i32
      %dma_wait3A_332 = arith.constant 0 : i32
      %dma_wait3A_333 = arith.constant 0 : i32
      %dma_wait3A_334 = tpu.memref_slice %arg6[%dma_wait3A_331, %dma_wait3A_332, %dma_wait3A_333] : memref<8x2x128xi32, #tpu.memory_space<vmem>> -> memref<1x1x128xi32, #tpu.memory_space<vmem>>
      %dma_wait3A_335 = tpu.memref_squeeze %dma_wait3A_334 : memref<1x1x128xi32, #tpu.memory_space<vmem>> -> memref<128xi32, #tpu.memory_space<vmem>>
      %dma_wait3A_336 = arith.constant 0 : i32
      %dma_wait3A_337 = arith.constant 0 : i32
      %dma_wait3A_338 = tpu.memref_slice %arg2[%dma_wait3A_336, %dma_wait3A_337] : memref<20000x128xf32, #tpu.memory_space<hbm>> -> memref<20000x128xf32, #tpu.memory_space<hbm>>
      tpu.wait_indirect_dma semaphore(%arg14 : memref<!tpu.dma_semaphore, #tpu.memory_space<semaphore_mem>>) src(%dma_wait3A_338 : memref<20000x128xf32, #tpu.memory_space<hbm>>) dst(%arg9 : memref<128x128xf32, #tpu.memory_space<vmem>>)
      %run_scoped3A_339 = arith.constant 5 : i32
      %run_scoped3A_340 = arith.constant 1 : i32
      "tpu.region"() ({
        %run_scoped3A_401 = tpu.sem_alloc : memref<!tpu.dma_semaphore, #tpu.memory_space<semaphore_mem>>
        %dma_start3A_402 = arith.constant 0 : i32
        %dma_start3A_403 = tpu.memref_slice %arg7[%run_scoped3A_339, %run_scoped3A_340, %dma_start3A_402] : memref<8x2x128xi32, #tpu.memory_space<vmem>> -> memref<1x1x128xi32, #tpu.memory_space<vmem>>
        %dma_start3A_404 = tpu.memref_squeeze %dma_start3A_403 : memref<1x1x128xi32, #tpu.memory_space<vmem>> -> memref<128xi32, #tpu.memory_space<vmem>>
        %dma_start3A_405 = arith.constant 0 : i32
        %dma_start3A_406 = arith.constant 0 : i32
        %dma_start3A_407 = tpu.memref_slice %arg10[%dma_start3A_405, %dma_start3A_406] : memref<10240x128xf32, #tpu.memory_space<vmem_shared>> -> memref<10240x128xf32, #tpu.memory_space<vmem_shared>>
        tpu.enqueue_indirect_dma source(%arg9 : memref<128x128xf32, #tpu.memory_space<vmem>>) target(%dma_start3A_407 : memref<10240x128xf32, #tpu.memory_space<vmem_shared>>) offsets(%dma_start3A_404 : memref<128xi32, #tpu.memory_space<vmem>>) semaphore(%run_scoped3A_401 : memref<!tpu.dma_semaphore, #tpu.memory_space<semaphore_mem>>) {add = true}
        %dma_wait3A_408 = arith.constant 0 : i32
        %dma_wait3A_409 = tpu.memref_slice %arg7[%run_scoped3A_339, %run_scoped3A_340, %dma_wait3A_408] : memref<8x2x128xi32, #tpu.memory_space<vmem>> -> memref<1x1x128xi32, #tpu.memory_space<vmem>>
        %dma_wait3A_410 = tpu.memref_squeeze %dma_wait3A_409 : memref<1x1x128xi32, #tpu.memory_space<vmem>> -> memref<128xi32, #tpu.memory_space<vmem>>
        %dma_wait3A_411 = arith.constant 0 : i32
        %dma_wait3A_412 = arith.constant 0 : i32
        %dma_wait3A_413 = tpu.memref_slice %arg10[%dma_wait3A_411, %dma_wait3A_412] : memref<10240x128xf32, #tpu.memory_space<vmem_shared>> -> memref<10240x128xf32, #tpu.memory_space<vmem_shared>>
        tpu.wait_indirect_dma semaphore(%run_scoped3A_401 : memref<!tpu.dma_semaphore, #tpu.memory_space<semaphore_mem>>) src(%arg9 : memref<128x128xf32, #tpu.memory_space<vmem>>) dst(%dma_wait3A_413 : memref<10240x128xf32, #tpu.memory_space<vmem_shared>>)
        tpu.yield
      }) : () -> ()
      %dma_start3A_341 = arith.constant 7 : i32
      %dma_start3A_342 = arith.constant 0 : i32
      %dma_start3A_343 = arith.constant 0 : i32
      %dma_start3A_344 = tpu.memref_slice %arg7[%dma_start3A_341, %dma_start3A_342, %dma_start3A_343] : memref<8x2x128xi32, #tpu.memory_space<vmem>> -> memref<1x1x128xi32, #tpu.memory_space<vmem>>
      %dma_start3A_345 = tpu.memref_squeeze %dma_start3A_344 : memref<1x1x128xi32, #tpu.memory_space<vmem>> -> memref<128xi32, #tpu.memory_space<vmem>>
      %dma_start3A_346 = arith.constant 0 : i32
      %dma_start3A_347 = arith.constant 0 : i32
      %dma_start3A_348 = tpu.memref_slice %arg2[%dma_start3A_346, %dma_start3A_347] : memref<20000x128xf32, #tpu.memory_space<hbm>> -> memref<20000x128xf32, #tpu.memory_space<hbm>>
      tpu.enqueue_indirect_dma source(%dma_start3A_348 : memref<20000x128xf32, #tpu.memory_space<hbm>>) target(%arg9 : memref<128x128xf32, #tpu.memory_space<vmem>>) offsets(%dma_start3A_345 : memref<128xi32, #tpu.memory_space<vmem>>) semaphore(%arg14 : memref<!tpu.dma_semaphore, #tpu.memory_space<semaphore_mem>>)
      %dma_wait3A_349 = arith.constant 0 : i32
      %dma_wait3A_350 = arith.constant 0 : i32
      %dma_wait3A_351 = arith.constant 0 : i32
      %dma_wait3A_352 = tpu.memref_slice %arg6[%dma_wait3A_349, %dma_wait3A_350, %dma_wait3A_351] : memref<8x2x128xi32, #tpu.memory_space<vmem>> -> memref<1x1x128xi32, #tpu.memory_space<vmem>>
      %dma_wait3A_353 = tpu.memref_squeeze %dma_wait3A_352 : memref<1x1x128xi32, #tpu.memory_space<vmem>> -> memref<128xi32, #tpu.memory_space<vmem>>
      %dma_wait3A_354 = arith.constant 0 : i32
      %dma_wait3A_355 = arith.constant 0 : i32
      %dma_wait3A_356 = tpu.memref_slice %arg2[%dma_wait3A_354, %dma_wait3A_355] : memref<20000x128xf32, #tpu.memory_space<hbm>> -> memref<20000x128xf32, #tpu.memory_space<hbm>>
      tpu.wait_indirect_dma semaphore(%arg13 : memref<!tpu.dma_semaphore, #tpu.memory_space<semaphore_mem>>) src(%dma_wait3A_356 : memref<20000x128xf32, #tpu.memory_space<hbm>>) dst(%arg8 : memref<128x128xf32, #tpu.memory_space<vmem>>)
      %run_scoped3A_357 = arith.constant 6 : i32
      %run_scoped3A_358 = arith.constant 1 : i32
      "tpu.region"() ({
        %run_scoped3A_401 = tpu.sem_alloc : memref<!tpu.dma_semaphore, #tpu.memory_space<semaphore_mem>>
        %dma_start3A_402 = arith.constant 0 : i32
        %dma_start3A_403 = tpu.memref_slice %arg7[%run_scoped3A_357, %run_scoped3A_358, %dma_start3A_402] : memref<8x2x128xi32, #tpu.memory_space<vmem>> -> memref<1x1x128xi32, #tpu.memory_space<vmem>>
        %dma_start3A_404 = tpu.memref_squeeze %dma_start3A_403 : memref<1x1x128xi32, #tpu.memory_space<vmem>> -> memref<128xi32, #tpu.memory_space<vmem>>
        %dma_start3A_405 = arith.constant 0 : i32
        %dma_start3A_406 = arith.constant 0 : i32
        %dma_start3A_407 = tpu.memref_slice %arg10[%dma_start3A_405, %dma_start3A_406] : memref<10240x128xf32, #tpu.memory_space<vmem_shared>> -> memref<10240x128xf32, #tpu.memory_space<vmem_shared>>
        tpu.enqueue_indirect_dma source(%arg8 : memref<128x128xf32, #tpu.memory_space<vmem>>) target(%dma_start3A_407 : memref<10240x128xf32, #tpu.memory_space<vmem_shared>>) offsets(%dma_start3A_404 : memref<128xi32, #tpu.memory_space<vmem>>) semaphore(%run_scoped3A_401 : memref<!tpu.dma_semaphore, #tpu.memory_space<semaphore_mem>>) {add = true}
        %dma_wait3A_408 = arith.constant 0 : i32
        %dma_wait3A_409 = tpu.memref_slice %arg7[%run_scoped3A_357, %run_scoped3A_358, %dma_wait3A_408] : memref<8x2x128xi32, #tpu.memory_space<vmem>> -> memref<1x1x128xi32, #tpu.memory_space<vmem>>
        %dma_wait3A_410 = tpu.memref_squeeze %dma_wait3A_409 : memref<1x1x128xi32, #tpu.memory_space<vmem>> -> memref<128xi32, #tpu.memory_space<vmem>>
        %dma_wait3A_411 = arith.constant 0 : i32
        %dma_wait3A_412 = arith.constant 0 : i32
        %dma_wait3A_413 = tpu.memref_slice %arg10[%dma_wait3A_411, %dma_wait3A_412] : memref<10240x128xf32, #tpu.memory_space<vmem_shared>> -> memref<10240x128xf32, #tpu.memory_space<vmem_shared>>
        tpu.wait_indirect_dma semaphore(%run_scoped3A_401 : memref<!tpu.dma_semaphore, #tpu.memory_space<semaphore_mem>>) src(%arg8 : memref<128x128xf32, #tpu.memory_space<vmem>>) dst(%dma_wait3A_413 : memref<10240x128xf32, #tpu.memory_space<vmem_shared>>)
        tpu.yield
      }) : () -> ()
      %dma_wait3A_359 = arith.constant 0 : i32
      %dma_wait3A_360 = arith.constant 0 : i32
      %dma_wait3A_361 = arith.constant 0 : i32
      %dma_wait3A_362 = tpu.memref_slice %arg3[%arg0, %arg1, %dma_wait3A_359, %dma_wait3A_360, %dma_wait3A_361] : memref<2x16x160x2x128xi32, #tpu.memory_space<hbm>> -> memref<1x1x8x2x128xi32, #tpu.memory_space<hbm>>
      %dma_wait3A_363 = tpu.memref_squeeze %dma_wait3A_362 : memref<1x1x8x2x128xi32, #tpu.memory_space<hbm>> -> memref<8x2x128xi32, #tpu.memory_space<hbm>>
      %dma_wait3A_364 = arith.constant 0 : i32
      %dma_wait3A_365 = arith.constant 0 : i32
      %dma_wait3A_366 = arith.constant 0 : i32
      %dma_wait3A_367 = tpu.memref_slice %arg3[%arg0, %arg1, %dma_wait3A_364, %dma_wait3A_365, %dma_wait3A_366] : memref<2x16x160x2x128xi32, #tpu.memory_space<hbm>> -> memref<1x1x8x2x128xi32, #tpu.memory_space<hbm>>
      %dma_wait3A_368 = tpu.memref_squeeze %dma_wait3A_367 : memref<1x1x8x2x128xi32, #tpu.memory_space<hbm>> -> memref<8x2x128xi32, #tpu.memory_space<hbm>>
      tpu.wait_dma2 semaphore(%arg11 : memref<!tpu.dma_semaphore, #tpu.memory_space<semaphore_mem>>) src(%dma_wait3A_368 : memref<8x2x128xi32, #tpu.memory_space<hbm>>) dst(%arg6 : memref<8x2x128xi32, #tpu.memory_space<vmem>>)
      %dma_start3A_369 = arith.constant 0 : i32
      %dma_start3A_370 = arith.constant 0 : i32
      %dma_start3A_371 = arith.constant 0 : i32
      %dma_start3A_372 = tpu.memref_slice %arg6[%dma_start3A_369, %dma_start3A_370, %dma_start3A_371] : memref<8x2x128xi32, #tpu.memory_space<vmem>> -> memref<1x1x128xi32, #tpu.memory_space<vmem>>
      %dma_start3A_373 = tpu.memref_squeeze %dma_start3A_372 : memref<1x1x128xi32, #tpu.memory_space<vmem>> -> memref<128xi32, #tpu.memory_space<vmem>>
      %dma_start3A_374 = arith.constant 0 : i32
      %dma_start3A_375 = arith.constant 0 : i32
      %dma_start3A_376 = tpu.memref_slice %arg2[%dma_start3A_374, %dma_start3A_375] : memref<20000x128xf32, #tpu.memory_space<hbm>> -> memref<20000x128xf32, #tpu.memory_space<hbm>>
      tpu.enqueue_indirect_dma source(%dma_start3A_376 : memref<20000x128xf32, #tpu.memory_space<hbm>>) target(%arg8 : memref<128x128xf32, #tpu.memory_space<vmem>>) offsets(%dma_start3A_373 : memref<128xi32, #tpu.memory_space<vmem>>) semaphore(%arg13 : memref<!tpu.dma_semaphore, #tpu.memory_space<semaphore_mem>>)
      %dma_wait3A_377 = arith.constant 0 : i32
      %dma_wait3A_378 = arith.constant 0 : i32
      %dma_wait3A_379 = arith.constant 0 : i32
      %dma_wait3A_380 = tpu.memref_slice %arg6[%dma_wait3A_377, %dma_wait3A_378, %dma_wait3A_379] : memref<8x2x128xi32, #tpu.memory_space<vmem>> -> memref<1x1x128xi32, #tpu.memory_space<vmem>>
      %dma_wait3A_381 = tpu.memref_squeeze %dma_wait3A_380 : memref<1x1x128xi32, #tpu.memory_space<vmem>> -> memref<128xi32, #tpu.memory_space<vmem>>
      %dma_wait3A_382 = arith.constant 0 : i32
      %dma_wait3A_383 = arith.constant 0 : i32
      %dma_wait3A_384 = tpu.memref_slice %arg2[%dma_wait3A_382, %dma_wait3A_383] : memref<20000x128xf32, #tpu.memory_space<hbm>> -> memref<20000x128xf32, #tpu.memory_space<hbm>>
      tpu.wait_indirect_dma semaphore(%arg14 : memref<!tpu.dma_semaphore, #tpu.memory_space<semaphore_mem>>) src(%dma_wait3A_384 : memref<20000x128xf32, #tpu.memory_space<hbm>>) dst(%arg9 : memref<128x128xf32, #tpu.memory_space<vmem>>)
      %run_scoped3A_385 = arith.constant 7 : i32
      %run_scoped3A_386 = arith.constant 1 : i32
      "tpu.region"() ({
        %run_scoped3A_401 = tpu.sem_alloc : memref<!tpu.dma_semaphore, #tpu.memory_space<semaphore_mem>>
        %dma_start3A_402 = arith.constant 0 : i32
        %dma_start3A_403 = tpu.memref_slice %arg7[%run_scoped3A_385, %run_scoped3A_386, %dma_start3A_402] : memref<8x2x128xi32, #tpu.memory_space<vmem>> -> memref<1x1x128xi32, #tpu.memory_space<vmem>>
        %dma_start3A_404 = tpu.memref_squeeze %dma_start3A_403 : memref<1x1x128xi32, #tpu.memory_space<vmem>> -> memref<128xi32, #tpu.memory_space<vmem>>
        %dma_start3A_405 = arith.constant 0 : i32
        %dma_start3A_406 = arith.constant 0 : i32
        %dma_start3A_407 = tpu.memref_slice %arg10[%dma_start3A_405, %dma_start3A_406] : memref<10240x128xf32, #tpu.memory_space<vmem_shared>> -> memref<10240x128xf32, #tpu.memory_space<vmem_shared>>
        tpu.enqueue_indirect_dma source(%arg9 : memref<128x128xf32, #tpu.memory_space<vmem>>) target(%dma_start3A_407 : memref<10240x128xf32, #tpu.memory_space<vmem_shared>>) offsets(%dma_start3A_404 : memref<128xi32, #tpu.memory_space<vmem>>) semaphore(%run_scoped3A_401 : memref<!tpu.dma_semaphore, #tpu.memory_space<semaphore_mem>>) {add = true}
        %dma_wait3A_408 = arith.constant 0 : i32
        %dma_wait3A_409 = tpu.memref_slice %arg7[%run_scoped3A_385, %run_scoped3A_386, %dma_wait3A_408] : memref<8x2x128xi32, #tpu.memory_space<vmem>> -> memref<1x1x128xi32, #tpu.memory_space<vmem>>
        %dma_wait3A_410 = tpu.memref_squeeze %dma_wait3A_409 : memref<1x1x128xi32, #tpu.memory_space<vmem>> -> memref<128xi32, #tpu.memory_space<vmem>>
        %dma_wait3A_411 = arith.constant 0 : i32
        %dma_wait3A_412 = arith.constant 0 : i32
        %dma_wait3A_413 = tpu.memref_slice %arg10[%dma_wait3A_411, %dma_wait3A_412] : memref<10240x128xf32, #tpu.memory_space<vmem_shared>> -> memref<10240x128xf32, #tpu.memory_space<vmem_shared>>
        tpu.wait_indirect_dma semaphore(%run_scoped3A_401 : memref<!tpu.dma_semaphore, #tpu.memory_space<semaphore_mem>>) src(%arg9 : memref<128x128xf32, #tpu.memory_space<vmem>>) dst(%dma_wait3A_413 : memref<10240x128xf32, #tpu.memory_space<vmem_shared>>)
        tpu.yield
      }) : () -> ()
      %add3A_387 = arith.constant 3 : i32
      %add3A_388 = arith.addi %mul3A_67, %add3A_387 : i32
      %min3A_389 = arith.constant 19 : i32
      %min3A_390 = arith.minsi %add3A_388, %min3A_389 : i32
      %mul3A_391 = arith.constant 8 : i32
      %mul3A_392 = arith.muli %min3A_390, %mul3A_391 : i32
      %dma_start3A_393 = arith.constant 0 : i32
      %dma_start3A_394 = arith.constant 0 : i32
      %dma_start3A_395 = tpu.memref_slice %arg3[%arg0, %arg1, %mul3A_392, %dma_start3A_393, %dma_start3A_394] : memref<2x16x160x2x128xi32, #tpu.memory_space<hbm>> -> memref<1x1x8x2x128xi32, #tpu.memory_space<hbm>>
      %dma_start3A_396 = tpu.memref_squeeze %dma_start3A_395 : memref<1x1x8x2x128xi32, #tpu.memory_space<hbm>> -> memref<8x2x128xi32, #tpu.memory_space<hbm>>
      %dma_start3A_397 = arith.constant 0 : i32
      %dma_start3A_398 = arith.constant 0 : i32
      %dma_start3A_399 = tpu.memref_slice %arg3[%arg0, %arg1, %mul3A_392, %dma_start3A_397, %dma_start3A_398] : memref<2x16x160x2x128xi32, #tpu.memory_space<hbm>> -> memref<1x1x8x2x128xi32, #tpu.memory_space<hbm>>
      %dma_start3A_400 = tpu.memref_squeeze %dma_start3A_399 : memref<1x1x8x2x128xi32, #tpu.memory_space<hbm>> -> memref<8x2x128xi32, #tpu.memory_space<hbm>>
      tpu.enqueue_dma source(%dma_start3A_400 : memref<8x2x128xi32, #tpu.memory_space<hbm>>) target(%arg7 : memref<8x2x128xi32, #tpu.memory_space<vmem>>) target_semaphore(%arg12 : memref<!tpu.dma_semaphore, #tpu.memory_space<semaphore_mem>>)
    }
    %scan3A_41 = arith.constant 10 : i32
    %dma_wait3A_42 = arith.constant 0 : i32
    %dma_wait3A_43 = arith.constant 0 : i32
    %dma_wait3A_44 = arith.constant 0 : i32
    %dma_wait3A_45 = tpu.memref_slice %arg6[%dma_wait3A_42, %dma_wait3A_43, %dma_wait3A_44] : memref<8x2x128xi32, #tpu.memory_space<vmem>> -> memref<1x1x128xi32, #tpu.memory_space<vmem>>
    %dma_wait3A_46 = tpu.memref_squeeze %dma_wait3A_45 : memref<1x1x128xi32, #tpu.memory_space<vmem>> -> memref<128xi32, #tpu.memory_space<vmem>>
    %dma_wait3A_47 = arith.constant 0 : i32
    %dma_wait3A_48 = arith.constant 0 : i32
    %dma_wait3A_49 = tpu.memref_slice %arg2[%dma_wait3A_47, %dma_wait3A_48] : memref<20000x128xf32, #tpu.memory_space<hbm>> -> memref<20000x128xf32, #tpu.memory_space<hbm>>
    tpu.wait_indirect_dma semaphore(%arg13 : memref<!tpu.dma_semaphore, #tpu.memory_space<semaphore_mem>>) src(%dma_wait3A_49 : memref<20000x128xf32, #tpu.memory_space<hbm>>) dst(%arg8 : memref<128x128xf32, #tpu.memory_space<vmem>>)
    %dma_wait3A_50 = arith.constant 0 : i32
    %dma_wait3A_51 = arith.constant 0 : i32
    %dma_wait3A_52 = arith.constant 0 : i32
    %dma_wait3A_53 = tpu.memref_slice %arg3[%arg0, %arg1, %dma_wait3A_50, %dma_wait3A_51, %dma_wait3A_52] : memref<2x16x160x2x128xi32, #tpu.memory_space<hbm>> -> memref<1x1x8x2x128xi32, #tpu.memory_space<hbm>>
    %dma_wait3A_54 = tpu.memref_squeeze %dma_wait3A_53 : memref<1x1x8x2x128xi32, #tpu.memory_space<hbm>> -> memref<8x2x128xi32, #tpu.memory_space<hbm>>
    %dma_wait3A_55 = arith.constant 0 : i32
    %dma_wait3A_56 = arith.constant 0 : i32
    %dma_wait3A_57 = arith.constant 0 : i32
    %dma_wait3A_58 = tpu.memref_slice %arg3[%arg0, %arg1, %dma_wait3A_55, %dma_wait3A_56, %dma_wait3A_57] : memref<2x16x160x2x128xi32, #tpu.memory_space<hbm>> -> memref<1x1x8x2x128xi32, #tpu.memory_space<hbm>>
    %dma_wait3A_59 = tpu.memref_squeeze %dma_wait3A_58 : memref<1x1x8x2x128xi32, #tpu.memory_space<hbm>> -> memref<8x2x128xi32, #tpu.memory_space<hbm>>
    tpu.wait_dma2 semaphore(%arg12 : memref<!tpu.dma_semaphore, #tpu.memory_space<semaphore_mem>>) src(%dma_wait3A_59 : memref<8x2x128xi32, #tpu.memory_space<hbm>>) dst(%arg7 : memref<8x2x128xi32, #tpu.memory_space<vmem>>)
    %barrier3A_60 = arith.constant 0 : index
    tpu.barrier barrier_id(%barrier3A_60)
    %mul3A_61 = arith.constant 640 : i32
    %mul3A_62 = arith.muli %arg1, %mul3A_61 : i32
    %mul3A_63 = arith.constant 640 : i32
    %mul3A_64 = arith.muli %arg1, %mul3A_63 : i32
    "tpu.region"() ({
      %run_scoped3A = tpu.sem_alloc : memref<!tpu.dma_semaphore, #tpu.memory_space<semaphore_mem>>
      %dma_start3A_65 = arith.constant 0 : i32
      %dma_start3A_66 = tpu.memref_slice %arg5[%arg0, %mul3A_64, %dma_start3A_65] : memref<2x10240x128xf32, #tpu.memory_space<hbm>> -> memref<1x640x128xf32, #tpu.memory_space<hbm>>
      %dma_start3A_67 = tpu.memref_squeeze %dma_start3A_66 : memref<1x640x128xf32, #tpu.memory_space<hbm>> -> memref<640x128xf32, #tpu.memory_space<hbm>>
      %dma_start3A_68 = arith.constant 0 : i32
      %dma_start3A_69 = tpu.memref_slice %arg10[%mul3A_62, %dma_start3A_68] : memref<10240x128xf32, #tpu.memory_space<vmem_shared>> -> memref<640x128xf32, #tpu.memory_space<vmem_shared>>
      tpu.enqueue_dma source(%dma_start3A_69 : memref<640x128xf32, #tpu.memory_space<vmem_shared>>) target(%dma_start3A_67 : memref<640x128xf32, #tpu.memory_space<hbm>>) target_semaphore(%run_scoped3A : memref<!tpu.dma_semaphore, #tpu.memory_space<semaphore_mem>>)
      %dma_wait3A_70 = arith.constant 0 : i32
      %dma_wait3A_71 = tpu.memref_slice %arg5[%arg0, %mul3A_64, %dma_wait3A_70] : memref<2x10240x128xf32, #tpu.memory_space<hbm>> -> memref<1x640x128xf32, #tpu.memory_space<hbm>>
      %dma_wait3A_72 = tpu.memref_squeeze %dma_wait3A_71 : memref<1x640x128xf32, #tpu.memory_space<hbm>> -> memref<640x128xf32, #tpu.memory_space<hbm>>
      %dma_wait3A_73 = arith.constant 0 : i32
      %dma_wait3A_74 = tpu.memref_slice %arg10[%mul3A_62, %dma_wait3A_73] : memref<10240x128xf32, #tpu.memory_space<vmem_shared>> -> memref<640x128xf32, #tpu.memory_space<vmem_shared>>
      tpu.wait_dma2 semaphore(%run_scoped3A : memref<!tpu.dma_semaphore, #tpu.memory_space<semaphore_mem>>) src(%dma_wait3A_74 : memref<640x128xf32, #tpu.memory_space<vmem_shared>>) dst(%dma_wait3A_72 : memref<640x128xf32, #tpu.memory_space<hbm>>)
      tpu.yield
    }) : () -> ()
    return
  }
}

module attributes {stable_mosaic.version = 14 : i64} {
  func.func @_mlp0_body(%arg0: memref<10000x128xf32, #tpu.memory_space<vmem>>, %arg1: memref<128x256xf32, #tpu.memory_space<vmem>>, %arg2: memref<1x256xf32, #tpu.memory_space<vmem>>, %arg3: memref<1x256xf32, #tpu.memory_space<vmem>>, %arg4: memref<1x256xf32, #tpu.memory_space<vmem>>, %arg5: memref<256x256xf32, #tpu.memory_space<vmem>>, %arg6: memref<1x256xf32, #tpu.memory_space<vmem>>, %arg7: memref<1x256xf32, #tpu.memory_space<vmem>>, %arg8: memref<1x256xf32, #tpu.memory_space<vmem>>, %arg9: memref<1x10000xi32, #tpu.memory_space<vmem>>, %arg10: memref<256x128xf32, #tpu.memory_space<vmem>>, %arg11: memref<1x128xf32, #tpu.memory_space<vmem>>, %arg12: memref<2x10000x128xf32, #tpu.memory_space<vmem>>, %arg13: memref<64x128xf32, #tpu.memory_space<vmem>>) attributes {dimension_semantics = [], scalar_prefetch = 0 : i64, scratch_operands = 0 : i64, tpu.core_type = #tpu.core_type<tc>} {
    %get3A = arith.constant 0 : index
    %get3A_0 = arith.constant 0 : index
    %get3A_1 = vector.load %arg0[%get3A, %get3A_0] : memref<10000x128xf32, #tpu.memory_space<vmem>>, vector<10000x128xf32>
    %get3A_2 = arith.constant 0 : index
    %get3A_3 = arith.constant 0 : index
    %get3A_4 = vector.load %arg1[%get3A_2, %get3A_3] : memref<128x256xf32, #tpu.memory_space<vmem>>, vector<128x256xf32>
    %get3A_5 = arith.constant 0 : index
    %get3A_6 = arith.constant 0 : index
    %get3A_7 = vector.load %arg2[%get3A_5, %get3A_6] : memref<1x256xf32, #tpu.memory_space<vmem>>, vector<1x256xf32>
    %get3A_8 = arith.constant 0 : index
    %get3A_9 = arith.constant 0 : index
    %get3A_10 = vector.load %arg3[%get3A_8, %get3A_9] : memref<1x256xf32, #tpu.memory_space<vmem>>, vector<1x256xf32>
    %get3A_11 = arith.constant 0 : index
    %get3A_12 = arith.constant 0 : index
    %get3A_13 = vector.load %arg4[%get3A_11, %get3A_12] : memref<1x256xf32, #tpu.memory_space<vmem>>, vector<1x256xf32>
    %get3A_14 = arith.constant 0 : index
    %get3A_15 = arith.constant 0 : index
    %get3A_16 = vector.load %arg5[%get3A_14, %get3A_15] : memref<256x256xf32, #tpu.memory_space<vmem>>, vector<256x256xf32>
    %get3A_17 = arith.constant 0 : index
    %get3A_18 = arith.constant 0 : index
    %get3A_19 = vector.load %arg6[%get3A_17, %get3A_18] : memref<1x256xf32, #tpu.memory_space<vmem>>, vector<1x256xf32>
    %get3A_20 = arith.constant 0 : index
    %get3A_21 = arith.constant 0 : index
    %get3A_22 = vector.load %arg7[%get3A_20, %get3A_21] : memref<1x256xf32, #tpu.memory_space<vmem>>, vector<1x256xf32>
    %get3A_23 = arith.constant 0 : index
    %get3A_24 = arith.constant 0 : index
    %get3A_25 = vector.load %arg8[%get3A_23, %get3A_24] : memref<1x256xf32, #tpu.memory_space<vmem>>, vector<1x256xf32>
    %get3A_26 = arith.constant 0 : index
    %get3A_27 = arith.constant 0 : index
    %get3A_28 = vector.load %arg9[%get3A_26, %get3A_27] : memref<1x10000xi32, #tpu.memory_space<vmem>>, vector<1x10000xi32>
    %get3A_29 = arith.constant 0 : index
    %get3A_30 = arith.constant 0 : index
    %get3A_31 = vector.load %arg10[%get3A_29, %get3A_30] : memref<256x128xf32, #tpu.memory_space<vmem>>, vector<256x128xf32>
    %get3A_32 = arith.constant 0 : index
    %get3A_33 = arith.constant 0 : index
    %get3A_34 = vector.load %arg11[%get3A_32, %get3A_33] : memref<1x128xf32, #tpu.memory_space<vmem>>, vector<1x128xf32>
    %dot_general3A = arith.constant dense<0.000000e+00> : vector<10000x256xf32>
    %dot_general3A_35 = tpu.matmul %get3A_1, %get3A_4, %dot_general3A {dimension_numbers = #tpu.dot_dimension_numbers<[1], [0], [0], [1], [0, 0, 1, 1], [], []>, transpose_lhs_hint = false} : vector<10000x128xf32>, vector<128x256xf32>, vector<10000x256xf32> -> vector<10000x256xf32>
    %add3A = vector.broadcast %get3A_7 : vector<1x256xf32> to vector<10000x256xf32>
    %add3A_36 = arith.addf %dot_general3A_35, %add3A : vector<10000x256xf32>
    %reduce_sum3A = arith.constant dense<0.000000e+00> : vector<256xf32>
    %reduce_sum3A_37 = vector.multi_reduction <add>, %add3A_36, %reduce_sum3A [0] : vector<10000x256xf32> to vector<256xf32>
    %broadcast_in_dim3A = vector.shape_cast %reduce_sum3A_37 : vector<256xf32> to vector<1x256xf32>
    %div3A = arith.constant 1.000000e+04 : f32
    %div3A_38 = vector.broadcast %div3A : f32 to vector<1x256xf32>
    %div3A_39 = arith.divf %broadcast_in_dim3A, %div3A_38 : vector<1x256xf32>
    %sub3A = vector.broadcast %div3A_39 : vector<1x256xf32> to vector<10000x256xf32>
    %sub3A_40 = arith.subf %add3A_36, %sub3A : vector<10000x256xf32>
    %mul3A = arith.mulf %sub3A_40, %sub3A_40 : vector<10000x256xf32>
    %reduce_sum3A_41 = arith.constant dense<0.000000e+00> : vector<256xf32>
    %reduce_sum3A_42 = vector.multi_reduction <add>, %mul3A, %reduce_sum3A_41 [0] : vector<10000x256xf32> to vector<256xf32>
    %broadcast_in_dim3A_43 = vector.shape_cast %reduce_sum3A_42 : vector<256xf32> to vector<1x256xf32>
    %div3A_44 = arith.constant 1.000000e+04 : f32
    %div3A_45 = vector.broadcast %div3A_44 : f32 to vector<1x256xf32>
    %div3A_46 = arith.divf %broadcast_in_dim3A_43, %div3A_45 : vector<1x256xf32>
    %add3A_47 = arith.constant 9.99999974E-6 : f32
    %add3A_48 = vector.broadcast %add3A_47 : f32 to vector<1x256xf32>
    %add3A_49 = arith.addf %div3A_46, %add3A_48 : vector<1x256xf32>
    %rsqrt3A = math.rsqrt %add3A_49 : vector<1x256xf32>
    %mul3A_50 = vector.broadcast %rsqrt3A : vector<1x256xf32> to vector<10000x256xf32>
    %mul3A_51 = arith.mulf %sub3A_40, %mul3A_50 : vector<10000x256xf32>
    %mul3A_52 = vector.broadcast %get3A_10 : vector<1x256xf32> to vector<10000x256xf32>
    %mul3A_53 = arith.mulf %mul3A_51, %mul3A_52 : vector<10000x256xf32>
    %add3A_54 = vector.broadcast %get3A_13 : vector<1x256xf32> to vector<10000x256xf32>
    %add3A_55 = arith.addf %mul3A_53, %add3A_54 : vector<10000x256xf32>
    %max3A = arith.constant 0.000000e+00 : f32
    %max3A_56 = vector.broadcast %max3A : f32 to vector<10000x256xf32>
    %max3A_57 = arith.maximumf %add3A_55, %max3A_56 : vector<10000x256xf32>
    %dot_general3A_58 = arith.constant dense<0.000000e+00> : vector<10000x256xf32>
    %dot_general3A_59 = tpu.matmul %max3A_57, %get3A_16, %dot_general3A_58 {dimension_numbers = #tpu.dot_dimension_numbers<[1], [0], [0], [1], [0, 0, 1, 1], [], []>, transpose_lhs_hint = false} : vector<10000x256xf32>, vector<256x256xf32>, vector<10000x256xf32> -> vector<10000x256xf32>
    %add3A_60 = vector.broadcast %get3A_19 : vector<1x256xf32> to vector<10000x256xf32>
    %add3A_61 = arith.addf %dot_general3A_59, %add3A_60 : vector<10000x256xf32>
    %reduce_sum3A_62 = arith.constant dense<0.000000e+00> : vector<256xf32>
    %reduce_sum3A_63 = vector.multi_reduction <add>, %add3A_61, %reduce_sum3A_62 [0] : vector<10000x256xf32> to vector<256xf32>
    %broadcast_in_dim3A_64 = vector.shape_cast %reduce_sum3A_63 : vector<256xf32> to vector<1x256xf32>
    %div3A_65 = arith.constant 1.000000e+04 : f32
    %div3A_66 = vector.broadcast %div3A_65 : f32 to vector<1x256xf32>
    %div3A_67 = arith.divf %broadcast_in_dim3A_64, %div3A_66 : vector<1x256xf32>
    %sub3A_68 = vector.broadcast %div3A_67 : vector<1x256xf32> to vector<10000x256xf32>
    %sub3A_69 = arith.subf %add3A_61, %sub3A_68 : vector<10000x256xf32>
    %mul3A_70 = arith.mulf %sub3A_69, %sub3A_69 : vector<10000x256xf32>
    %reduce_sum3A_71 = arith.constant dense<0.000000e+00> : vector<256xf32>
    %reduce_sum3A_72 = vector.multi_reduction <add>, %mul3A_70, %reduce_sum3A_71 [0] : vector<10000x256xf32> to vector<256xf32>
    %broadcast_in_dim3A_73 = vector.shape_cast %reduce_sum3A_72 : vector<256xf32> to vector<1x256xf32>
    %div3A_74 = arith.constant 1.000000e+04 : f32
    %div3A_75 = vector.broadcast %div3A_74 : f32 to vector<1x256xf32>
    %div3A_76 = arith.divf %broadcast_in_dim3A_73, %div3A_75 : vector<1x256xf32>
    %add3A_77 = arith.constant 9.99999974E-6 : f32
    %add3A_78 = vector.broadcast %add3A_77 : f32 to vector<1x256xf32>
    %add3A_79 = arith.addf %div3A_76, %add3A_78 : vector<1x256xf32>
    %rsqrt3A_80 = math.rsqrt %add3A_79 : vector<1x256xf32>
    %mul3A_81 = vector.broadcast %rsqrt3A_80 : vector<1x256xf32> to vector<10000x256xf32>
    %mul3A_82 = arith.mulf %sub3A_69, %mul3A_81 : vector<10000x256xf32>
    %mul3A_83 = vector.broadcast %get3A_22 : vector<1x256xf32> to vector<10000x256xf32>
    %mul3A_84 = arith.mulf %mul3A_82, %mul3A_83 : vector<10000x256xf32>
    %add3A_85 = vector.broadcast %get3A_25 : vector<1x256xf32> to vector<10000x256xf32>
    %add3A_86 = arith.addf %mul3A_84, %add3A_85 : vector<10000x256xf32>
    %max3A_87 = arith.constant 0.000000e+00 : f32
    %max3A_88 = vector.broadcast %max3A_87 : f32 to vector<10000x256xf32>
    %max3A_89 = arith.maximumf %add3A_86, %max3A_88 : vector<10000x256xf32>
    %iota3A = tpu.iota {dimensions = array<i32: 0>} : vector<64x10000xi32>
    %eq3A = vector.broadcast %get3A_28 : vector<1x10000xi32> to vector<64x10000xi32>
    %eq3A_90 = arith.cmpi eq, %iota3A, %eq3A : vector<64x10000xi32>
    %convert_element_type3A = arith.extui %eq3A_90 : vector<64x10000xi1> to vector<64x10000xi32>
    %convert_element_type3A_91 = arith.sitofp %convert_element_type3A : vector<64x10000xi32> to vector<64x10000xf32>
    %reduce_sum3A_92 = arith.constant dense<0.000000e+00> : vector<64xf32>
    %reduce_sum3A_93 = vector.multi_reduction <add>, %convert_element_type3A_91, %reduce_sum3A_92 [1] : vector<64x10000xf32> to vector<64xf32>
    %broadcast_in_dim3A_94 = vector.shape_cast %reduce_sum3A_93 : vector<64xf32> to vector<64x1xf32>
    %max3A_95 = arith.constant 1.000000e+00 : f32
    %max3A_96 = vector.broadcast %max3A_95 : f32 to vector<64x1xf32>
    %max3A_97 = arith.maximumf %broadcast_in_dim3A_94, %max3A_96 : vector<64x1xf32>
    %dot_general3A_98 = arith.constant dense<0.000000e+00> : vector<64x256xf32>
    %dot_general3A_99 = tpu.matmul %convert_element_type3A_91, %max3A_89, %dot_general3A_98 {dimension_numbers = #tpu.dot_dimension_numbers<[1], [0], [0], [1], [0, 0, 1, 1], [], []>, transpose_lhs_hint = false} : vector<64x10000xf32>, vector<10000x256xf32>, vector<64x256xf32> -> vector<64x256xf32>
    %div3A_100 = vector.broadcast %max3A_97 : vector<64x1xf32> to vector<64x256xf32>
    %div3A_101 = arith.divf %dot_general3A_99, %div3A_100 : vector<64x256xf32>
    %dot_general3A_102 = arith.constant dense<0.000000e+00> : vector<64x128xf32>
    %dot_general3A_103 = tpu.matmul %div3A_101, %get3A_31, %dot_general3A_102 {dimension_numbers = #tpu.dot_dimension_numbers<[1], [0], [0], [1], [0, 0, 1, 1], [], []>, transpose_lhs_hint = false} : vector<64x256xf32>, vector<256x128xf32>, vector<64x128xf32> -> vector<64x128xf32>
    %add3A_104 = vector.broadcast %get3A_34 : vector<1x128xf32> to vector<64x128xf32>
    %add3A_105 = arith.addf %dot_general3A_103, %add3A_104 : vector<64x128xf32>
    %swap3A = arith.constant 0 : index
    %swap3A_106 = arith.constant 0 : index
    %swap3A_107 = vector.load %arg13[%swap3A, %swap3A_106] : memref<64x128xf32, #tpu.memory_space<vmem>>, vector<64x128xf32>
    tpu.vector_store %arg13[%swap3A, %swap3A_106], %add3A_105 {strides = array<i32>} : memref<64x128xf32, #tpu.memory_space<vmem>>, vector<64x128xf32>,
    %slice3A = vector.extract_strided_slice %max3A_89 {offsets = [0, 0], sizes = [10000, 128], strides = [1, 1]} : vector<10000x256xf32> to vector<10000x128xf32>
    %swap3A_108 = arith.constant 0 : index
    %swap3A_109 = arith.constant 0 : index
    %swap3A_110 = arith.constant 0 : index
    %swap3A_111 = vector.load %arg12[%swap3A_108, %swap3A_109, %swap3A_110] : memref<2x10000x128xf32, #tpu.memory_space<vmem>>, vector<1x10000x128xf32>
    %swap3A_112 = vector.shape_cast %swap3A_111 : vector<1x10000x128xf32> to vector<10000x128xf32>
    %swap3A_113 = vector.shape_cast %slice3A : vector<10000x128xf32> to vector<1x10000x128xf32>
    tpu.vector_store %arg12[%swap3A_108, %swap3A_109, %swap3A_110], %swap3A_113 {strides = array<i32>} : memref<2x10000x128xf32, #tpu.memory_space<vmem>>, vector<1x10000x128xf32>,
    %slice3A_114 = vector.extract_strided_slice %max3A_89 {offsets = [0, 128], sizes = [10000, 128], strides = [1, 1]} : vector<10000x256xf32> to vector<10000x128xf32>
    %swap3A_115 = arith.constant 1 : index
    %swap3A_116 = arith.constant 0 : index
    %swap3A_117 = arith.constant 0 : index
    %swap3A_118 = vector.load %arg12[%swap3A_115, %swap3A_116, %swap3A_117] : memref<2x10000x128xf32, #tpu.memory_space<vmem>>, vector<1x10000x128xf32>
    %swap3A_119 = vector.shape_cast %swap3A_118 : vector<1x10000x128xf32> to vector<10000x128xf32>
    %swap3A_120 = vector.shape_cast %slice3A_114 : vector<10000x128xf32> to vector<1x10000x128xf32>
    tpu.vector_store %arg12[%swap3A_115, %swap3A_116, %swap3A_117], %swap3A_120 {strides = array<i32>} : memref<2x10000x128xf32, #tpu.memory_space<vmem>>, vector<1x10000x128xf32>,
    return
  }
}

module attributes {stable_mosaic.version = 14 : i64} {
  func.func @_gin_body(%arg0: memref<2x10000x128xf32, #tpu.memory_space<vmem>>, %arg1: memref<2x10240x128xf32, #tpu.memory_space<vmem>>, %arg2: memref<1x1xf32, #tpu.memory_space<vmem>>, %arg3: memref<256x256xf32, #tpu.memory_space<vmem>>, %arg4: memref<1x256xf32, #tpu.memory_space<vmem>>, %arg5: memref<1x256xf32, #tpu.memory_space<vmem>>, %arg6: memref<1x256xf32, #tpu.memory_space<vmem>>, %arg7: memref<256x256xf32, #tpu.memory_space<vmem>>, %arg8: memref<1x256xf32, #tpu.memory_space<vmem>>, %arg9: memref<1x256xf32, #tpu.memory_space<vmem>>, %arg10: memref<1x256xf32, #tpu.memory_space<vmem>>, %arg11: memref<1x10000xi32, #tpu.memory_space<vmem>>, %arg12: memref<256x128xf32, #tpu.memory_space<vmem>>, %arg13: memref<1x128xf32, #tpu.memory_space<vmem>>, %arg14: memref<2x10000x128xf32, #tpu.memory_space<vmem>>, %arg15: memref<64x128xf32, #tpu.memory_space<vmem>>) attributes {dimension_semantics = [], scalar_prefetch = 0 : i64, scratch_operands = 0 : i64, tpu.core_type = #tpu.core_type<tc>} {
    %get3A = arith.constant 0 : index
    %get3A_0 = arith.constant 0 : index
    %get3A_1 = vector.load %arg2[%get3A, %get3A_0] : memref<1x1xf32, #tpu.memory_space<vmem>>, vector<1x1xf32>
    %add3A = arith.constant 1.000000e+00 : f32
    %add3A_2 = vector.broadcast %add3A : f32 to vector<1x1xf32>
    %add3A_3 = arith.addf %add3A_2, %get3A_1 : vector<1x1xf32>
    %get3A_4 = arith.constant 0 : index
    %get3A_5 = arith.constant 0 : index
    %get3A_6 = arith.constant 0 : index
    %get3A_7 = vector.load %arg0[%get3A_4, %get3A_5, %get3A_6] : memref<2x10000x128xf32, #tpu.memory_space<vmem>>, vector<1x10000x128xf32>
    %get3A_8 = vector.shape_cast %get3A_7 : vector<1x10000x128xf32> to vector<10000x128xf32>
    %mul3A = vector.broadcast %add3A_3 : vector<1x1xf32> to vector<10000x128xf32>
    %mul3A_9 = arith.mulf %get3A_8, %mul3A : vector<10000x128xf32>
    %get3A_10 = arith.constant 0 : index
    %get3A_11 = arith.constant 0 : index
    %get3A_12 = arith.constant 0 : index
    %get3A_13 = vector.load %arg1[%get3A_10, %get3A_11, %get3A_12] : memref<2x10240x128xf32, #tpu.memory_space<vmem>>, vector<1x10000x128xf32>
    %get3A_14 = vector.shape_cast %get3A_13 : vector<1x10000x128xf32> to vector<10000x128xf32>
    %add3A_15 = arith.addf %mul3A_9, %get3A_14 : vector<10000x128xf32>
    %get3A_16 = arith.constant 1 : index
    %get3A_17 = arith.constant 0 : index
    %get3A_18 = arith.constant 0 : index
    %get3A_19 = vector.load %arg0[%get3A_16, %get3A_17, %get3A_18] : memref<2x10000x128xf32, #tpu.memory_space<vmem>>, vector<1x10000x128xf32>
    %get3A_20 = vector.shape_cast %get3A_19 : vector<1x10000x128xf32> to vector<10000x128xf32>
    %mul3A_21 = vector.broadcast %add3A_3 : vector<1x1xf32> to vector<10000x128xf32>
    %mul3A_22 = arith.mulf %get3A_20, %mul3A_21 : vector<10000x128xf32>
    %get3A_23 = arith.constant 1 : index
    %get3A_24 = arith.constant 0 : index
    %get3A_25 = arith.constant 0 : index
    %get3A_26 = vector.load %arg1[%get3A_23, %get3A_24, %get3A_25] : memref<2x10240x128xf32, #tpu.memory_space<vmem>>, vector<1x10000x128xf32>
    %get3A_27 = vector.shape_cast %get3A_26 : vector<1x10000x128xf32> to vector<10000x128xf32>
    %add3A_28 = arith.addf %mul3A_22, %get3A_27 : vector<10000x128xf32>
    %concatenate3A = tpu.concatenate %add3A_15, %add3A_28 in 1 : vector<10000x128xf32>, vector<10000x128xf32> -> vector<10000x256xf32>
    %get3A_29 = arith.constant 0 : index
    %get3A_30 = arith.constant 0 : index
    %get3A_31 = vector.load %arg3[%get3A_29, %get3A_30] : memref<256x256xf32, #tpu.memory_space<vmem>>, vector<256x256xf32>
    %get3A_32 = arith.constant 0 : index
    %get3A_33 = arith.constant 0 : index
    %get3A_34 = vector.load %arg4[%get3A_32, %get3A_33] : memref<1x256xf32, #tpu.memory_space<vmem>>, vector<1x256xf32>
    %get3A_35 = arith.constant 0 : index
    %get3A_36 = arith.constant 0 : index
    %get3A_37 = vector.load %arg5[%get3A_35, %get3A_36] : memref<1x256xf32, #tpu.memory_space<vmem>>, vector<1x256xf32>
    %get3A_38 = arith.constant 0 : index
    %get3A_39 = arith.constant 0 : index
    %get3A_40 = vector.load %arg6[%get3A_38, %get3A_39] : memref<1x256xf32, #tpu.memory_space<vmem>>, vector<1x256xf32>
    %get3A_41 = arith.constant 0 : index
    %get3A_42 = arith.constant 0 : index
    %get3A_43 = vector.load %arg7[%get3A_41, %get3A_42] : memref<256x256xf32, #tpu.memory_space<vmem>>, vector<256x256xf32>
    %get3A_44 = arith.constant 0 : index
    %get3A_45 = arith.constant 0 : index
    %get3A_46 = vector.load %arg8[%get3A_44, %get3A_45] : memref<1x256xf32, #tpu.memory_space<vmem>>, vector<1x256xf32>
    %get3A_47 = arith.constant 0 : index
    %get3A_48 = arith.constant 0 : index
    %get3A_49 = vector.load %arg9[%get3A_47, %get3A_48] : memref<1x256xf32, #tpu.memory_space<vmem>>, vector<1x256xf32>
    %get3A_50 = arith.constant 0 : index
    %get3A_51 = arith.constant 0 : index
    %get3A_52 = vector.load %arg10[%get3A_50, %get3A_51] : memref<1x256xf32, #tpu.memory_space<vmem>>, vector<1x256xf32>
    %get3A_53 = arith.constant 0 : index
    %get3A_54 = arith.constant 0 : index
    %get3A_55 = vector.load %arg11[%get3A_53, %get3A_54] : memref<1x10000xi32, #tpu.memory_space<vmem>>, vector<1x10000xi32>
    %get3A_56 = arith.constant 0 : index
    %get3A_57 = arith.constant 0 : index
    %get3A_58 = vector.load %arg12[%get3A_56, %get3A_57] : memref<256x128xf32, #tpu.memory_space<vmem>>, vector<256x128xf32>
    %get3A_59 = arith.constant 0 : index
    %get3A_60 = arith.constant 0 : index
    %get3A_61 = vector.load %arg13[%get3A_59, %get3A_60] : memref<1x128xf32, #tpu.memory_space<vmem>>, vector<1x128xf32>
    %dot_general3A = arith.constant dense<0.000000e+00> : vector<10000x256xf32>
    %dot_general3A_62 = tpu.matmul %concatenate3A, %get3A_31, %dot_general3A {dimension_numbers = #tpu.dot_dimension_numbers<[1], [0], [0], [1], [0, 0, 1, 1], [], []>, transpose_lhs_hint = false} : vector<10000x256xf32>, vector<256x256xf32>, vector<10000x256xf32> -> vector<10000x256xf32>
    %add3A_63 = vector.broadcast %get3A_34 : vector<1x256xf32> to vector<10000x256xf32>
    %add3A_64 = arith.addf %dot_general3A_62, %add3A_63 : vector<10000x256xf32>
    %reduce_sum3A = arith.constant dense<0.000000e+00> : vector<256xf32>
    %reduce_sum3A_65 = vector.multi_reduction <add>, %add3A_64, %reduce_sum3A [0] : vector<10000x256xf32> to vector<256xf32>
    %broadcast_in_dim3A = vector.shape_cast %reduce_sum3A_65 : vector<256xf32> to vector<1x256xf32>
    %div3A = arith.constant 1.000000e+04 : f32
    %div3A_66 = vector.broadcast %div3A : f32 to vector<1x256xf32>
    %div3A_67 = arith.divf %broadcast_in_dim3A, %div3A_66 : vector<1x256xf32>
    %sub3A = vector.broadcast %div3A_67 : vector<1x256xf32> to vector<10000x256xf32>
    %sub3A_68 = arith.subf %add3A_64, %sub3A : vector<10000x256xf32>
    %mul3A_69 = arith.mulf %sub3A_68, %sub3A_68 : vector<10000x256xf32>
    %reduce_sum3A_70 = arith.constant dense<0.000000e+00> : vector<256xf32>
    %reduce_sum3A_71 = vector.multi_reduction <add>, %mul3A_69, %reduce_sum3A_70 [0] : vector<10000x256xf32> to vector<256xf32>
    %broadcast_in_dim3A_72 = vector.shape_cast %reduce_sum3A_71 : vector<256xf32> to vector<1x256xf32>
    %div3A_73 = arith.constant 1.000000e+04 : f32
    %div3A_74 = vector.broadcast %div3A_73 : f32 to vector<1x256xf32>
    %div3A_75 = arith.divf %broadcast_in_dim3A_72, %div3A_74 : vector<1x256xf32>
    %add3A_76 = arith.constant 9.99999974E-6 : f32
    %add3A_77 = vector.broadcast %add3A_76 : f32 to vector<1x256xf32>
    %add3A_78 = arith.addf %div3A_75, %add3A_77 : vector<1x256xf32>
    %rsqrt3A = math.rsqrt %add3A_78 : vector<1x256xf32>
    %mul3A_79 = vector.broadcast %rsqrt3A : vector<1x256xf32> to vector<10000x256xf32>
    %mul3A_80 = arith.mulf %sub3A_68, %mul3A_79 : vector<10000x256xf32>
    %mul3A_81 = vector.broadcast %get3A_37 : vector<1x256xf32> to vector<10000x256xf32>
    %mul3A_82 = arith.mulf %mul3A_80, %mul3A_81 : vector<10000x256xf32>
    %add3A_83 = vector.broadcast %get3A_40 : vector<1x256xf32> to vector<10000x256xf32>
    %add3A_84 = arith.addf %mul3A_82, %add3A_83 : vector<10000x256xf32>
    %max3A = arith.constant 0.000000e+00 : f32
    %max3A_85 = vector.broadcast %max3A : f32 to vector<10000x256xf32>
    %max3A_86 = arith.maximumf %add3A_84, %max3A_85 : vector<10000x256xf32>
    %dot_general3A_87 = arith.constant dense<0.000000e+00> : vector<10000x256xf32>
    %dot_general3A_88 = tpu.matmul %max3A_86, %get3A_43, %dot_general3A_87 {dimension_numbers = #tpu.dot_dimension_numbers<[1], [0], [0], [1], [0, 0, 1, 1], [], []>, transpose_lhs_hint = false} : vector<10000x256xf32>, vector<256x256xf32>, vector<10000x256xf32> -> vector<10000x256xf32>
    %add3A_89 = vector.broadcast %get3A_46 : vector<1x256xf32> to vector<10000x256xf32>
    %add3A_90 = arith.addf %dot_general3A_88, %add3A_89 : vector<10000x256xf32>
    %reduce_sum3A_91 = arith.constant dense<0.000000e+00> : vector<256xf32>
    %reduce_sum3A_92 = vector.multi_reduction <add>, %add3A_90, %reduce_sum3A_91 [0] : vector<10000x256xf32> to vector<256xf32>
    %broadcast_in_dim3A_93 = vector.shape_cast %reduce_sum3A_92 : vector<256xf32> to vector<1x256xf32>
    %div3A_94 = arith.constant 1.000000e+04 : f32
    %div3A_95 = vector.broadcast %div3A_94 : f32 to vector<1x256xf32>
    %div3A_96 = arith.divf %broadcast_in_dim3A_93, %div3A_95 : vector<1x256xf32>
    %sub3A_97 = vector.broadcast %div3A_96 : vector<1x256xf32> to vector<10000x256xf32>
    %sub3A_98 = arith.subf %add3A_90, %sub3A_97 : vector<10000x256xf32>
    %mul3A_99 = arith.mulf %sub3A_98, %sub3A_98 : vector<10000x256xf32>
    %reduce_sum3A_100 = arith.constant dense<0.000000e+00> : vector<256xf32>
    %reduce_sum3A_101 = vector.multi_reduction <add>, %mul3A_99, %reduce_sum3A_100 [0] : vector<10000x256xf32> to vector<256xf32>
    %broadcast_in_dim3A_102 = vector.shape_cast %reduce_sum3A_101 : vector<256xf32> to vector<1x256xf32>
    %div3A_103 = arith.constant 1.000000e+04 : f32
    %div3A_104 = vector.broadcast %div3A_103 : f32 to vector<1x256xf32>
    %div3A_105 = arith.divf %broadcast_in_dim3A_102, %div3A_104 : vector<1x256xf32>
    %add3A_106 = arith.constant 9.99999974E-6 : f32
    %add3A_107 = vector.broadcast %add3A_106 : f32 to vector<1x256xf32>
    %add3A_108 = arith.addf %div3A_105, %add3A_107 : vector<1x256xf32>
    %rsqrt3A_109 = math.rsqrt %add3A_108 : vector<1x256xf32>
    %mul3A_110 = vector.broadcast %rsqrt3A_109 : vector<1x256xf32> to vector<10000x256xf32>
    %mul3A_111 = arith.mulf %sub3A_98, %mul3A_110 : vector<10000x256xf32>
    %mul3A_112 = vector.broadcast %get3A_49 : vector<1x256xf32> to vector<10000x256xf32>
    %mul3A_113 = arith.mulf %mul3A_111, %mul3A_112 : vector<10000x256xf32>
    %add3A_114 = vector.broadcast %get3A_52 : vector<1x256xf32> to vector<10000x256xf32>
    %add3A_115 = arith.addf %mul3A_113, %add3A_114 : vector<10000x256xf32>
    %max3A_116 = arith.constant 0.000000e+00 : f32
    %max3A_117 = vector.broadcast %max3A_116 : f32 to vector<10000x256xf32>
    %max3A_118 = arith.maximumf %add3A_115, %max3A_117 : vector<10000x256xf32>
    %iota3A = tpu.iota {dimensions = array<i32: 0>} : vector<64x10000xi32>
    %eq3A = vector.broadcast %get3A_55 : vector<1x10000xi32> to vector<64x10000xi32>
    %eq3A_119 = arith.cmpi eq, %iota3A, %eq3A : vector<64x10000xi32>
    %convert_element_type3A = arith.extui %eq3A_119 : vector<64x10000xi1> to vector<64x10000xi32>
    %convert_element_type3A_120 = arith.sitofp %convert_element_type3A : vector<64x10000xi32> to vector<64x10000xf32>
    %reduce_sum3A_121 = arith.constant dense<0.000000e+00> : vector<64xf32>
    %reduce_sum3A_122 = vector.multi_reduction <add>, %convert_element_type3A_120, %reduce_sum3A_121 [1] : vector<64x10000xf32> to vector<64xf32>
    %broadcast_in_dim3A_123 = vector.shape_cast %reduce_sum3A_122 : vector<64xf32> to vector<64x1xf32>
    %max3A_124 = arith.constant 1.000000e+00 : f32
    %max3A_125 = vector.broadcast %max3A_124 : f32 to vector<64x1xf32>
    %max3A_126 = arith.maximumf %broadcast_in_dim3A_123, %max3A_125 : vector<64x1xf32>
    %dot_general3A_127 = arith.constant dense<0.000000e+00> : vector<64x256xf32>
    %dot_general3A_128 = tpu.matmul %convert_element_type3A_120, %max3A_118, %dot_general3A_127 {dimension_numbers = #tpu.dot_dimension_numbers<[1], [0], [0], [1], [0, 0, 1, 1], [], []>, transpose_lhs_hint = false} : vector<64x10000xf32>, vector<10000x256xf32>, vector<64x256xf32> -> vector<64x256xf32>
    %div3A_129 = vector.broadcast %max3A_126 : vector<64x1xf32> to vector<64x256xf32>
    %div3A_130 = arith.divf %dot_general3A_128, %div3A_129 : vector<64x256xf32>
    %dot_general3A_131 = arith.constant dense<0.000000e+00> : vector<64x128xf32>
    %dot_general3A_132 = tpu.matmul %div3A_130, %get3A_58, %dot_general3A_131 {dimension_numbers = #tpu.dot_dimension_numbers<[1], [0], [0], [1], [0, 0, 1, 1], [], []>, transpose_lhs_hint = false} : vector<64x256xf32>, vector<256x128xf32>, vector<64x128xf32> -> vector<64x128xf32>
    %add3A_133 = vector.broadcast %get3A_61 : vector<1x128xf32> to vector<64x128xf32>
    %add3A_134 = arith.addf %dot_general3A_132, %add3A_133 : vector<64x128xf32>
    %swap3A = arith.constant 0 : index
    %swap3A_135 = arith.constant 0 : index
    %swap3A_136 = vector.load %arg15[%swap3A, %swap3A_135] : memref<64x128xf32, #tpu.memory_space<vmem>>, vector<64x128xf32>
    tpu.vector_store %arg15[%swap3A, %swap3A_135], %add3A_134 {strides = array<i32>} : memref<64x128xf32, #tpu.memory_space<vmem>>, vector<64x128xf32>,
    %slice3A = vector.extract_strided_slice %max3A_118 {offsets = [0, 0], sizes = [10000, 128], strides = [1, 1]} : vector<10000x256xf32> to vector<10000x128xf32>
    %swap3A_137 = arith.constant 0 : index
    %swap3A_138 = arith.constant 0 : index
    %swap3A_139 = arith.constant 0 : index
    %swap3A_140 = vector.load %arg14[%swap3A_137, %swap3A_138, %swap3A_139] : memref<2x10000x128xf32, #tpu.memory_space<vmem>>, vector<1x10000x128xf32>
    %swap3A_141 = vector.shape_cast %swap3A_140 : vector<1x10000x128xf32> to vector<10000x128xf32>
    %swap3A_142 = vector.shape_cast %slice3A : vector<10000x128xf32> to vector<1x10000x128xf32>
    tpu.vector_store %arg14[%swap3A_137, %swap3A_138, %swap3A_139], %swap3A_142 {strides = array<i32>} : memref<2x10000x128xf32, #tpu.memory_space<vmem>>, vector<1x10000x128xf32>,
    %slice3A_143 = vector.extract_strided_slice %max3A_118 {offsets = [0, 128], sizes = [10000, 128], strides = [1, 1]} : vector<10000x256xf32> to vector<10000x128xf32>
    %swap3A_144 = arith.constant 1 : index
    %swap3A_145 = arith.constant 0 : index
    %swap3A_146 = arith.constant 0 : index
    %swap3A_147 = vector.load %arg14[%swap3A_144, %swap3A_145, %swap3A_146] : memref<2x10000x128xf32, #tpu.memory_space<vmem>>, vector<1x10000x128xf32>
    %swap3A_148 = vector.shape_cast %swap3A_147 : vector<1x10000x128xf32> to vector<10000x128xf32>
    %swap3A_149 = vector.shape_cast %slice3A_143 : vector<10000x128xf32> to vector<1x10000x128xf32>
    tpu.vector_store %arg14[%swap3A_144, %swap3A_145, %swap3A_146], %swap3A_149 {strides = array<i32>} : memref<2x10000x128xf32, #tpu.memory_space<vmem>>, vector<1x10000x128xf32>,
    return
  }
}

module attributes {stable_mosaic.version = 14 : i64} {
  func.func @_gin_body(%arg0: memref<2x10000x128xf32, #tpu.memory_space<vmem>>, %arg1: memref<2x10240x128xf32, #tpu.memory_space<vmem>>, %arg2: memref<1x1xf32, #tpu.memory_space<vmem>>, %arg3: memref<256x256xf32, #tpu.memory_space<vmem>>, %arg4: memref<1x256xf32, #tpu.memory_space<vmem>>, %arg5: memref<1x256xf32, #tpu.memory_space<vmem>>, %arg6: memref<1x256xf32, #tpu.memory_space<vmem>>, %arg7: memref<256x256xf32, #tpu.memory_space<vmem>>, %arg8: memref<1x256xf32, #tpu.memory_space<vmem>>, %arg9: memref<1x256xf32, #tpu.memory_space<vmem>>, %arg10: memref<1x256xf32, #tpu.memory_space<vmem>>, %arg11: memref<1x10000xi32, #tpu.memory_space<vmem>>, %arg12: memref<256x128xf32, #tpu.memory_space<vmem>>, %arg13: memref<1x128xf32, #tpu.memory_space<vmem>>, %arg14: memref<2x10000x128xf32, #tpu.memory_space<vmem>>, %arg15: memref<64x128xf32, #tpu.memory_space<vmem>>) attributes {dimension_semantics = [], scalar_prefetch = 0 : i64, scratch_operands = 0 : i64, tpu.core_type = #tpu.core_type<tc>} {
    %get3A = arith.constant 0 : index
    %get3A_0 = arith.constant 0 : index
    %get3A_1 = vector.load %arg2[%get3A, %get3A_0] : memref<1x1xf32, #tpu.memory_space<vmem>>, vector<1x1xf32>
    %add3A = arith.constant 1.000000e+00 : f32
    %add3A_2 = vector.broadcast %add3A : f32 to vector<1x1xf32>
    %add3A_3 = arith.addf %add3A_2, %get3A_1 : vector<1x1xf32>
    %get3A_4 = arith.constant 0 : index
    %get3A_5 = arith.constant 0 : index
    %get3A_6 = arith.constant 0 : index
    %get3A_7 = vector.load %arg0[%get3A_4, %get3A_5, %get3A_6] : memref<2x10000x128xf32, #tpu.memory_space<vmem>>, vector<1x10000x128xf32>
    %get3A_8 = vector.shape_cast %get3A_7 : vector<1x10000x128xf32> to vector<10000x128xf32>
    %mul3A = vector.broadcast %add3A_3 : vector<1x1xf32> to vector<10000x128xf32>
    %mul3A_9 = arith.mulf %get3A_8, %mul3A : vector<10000x128xf32>
    %get3A_10 = arith.constant 0 : index
    %get3A_11 = arith.constant 0 : index
    %get3A_12 = arith.constant 0 : index
    %get3A_13 = vector.load %arg1[%get3A_10, %get3A_11, %get3A_12] : memref<2x10240x128xf32, #tpu.memory_space<vmem>>, vector<1x10000x128xf32>
    %get3A_14 = vector.shape_cast %get3A_13 : vector<1x10000x128xf32> to vector<10000x128xf32>
    %add3A_15 = arith.addf %mul3A_9, %get3A_14 : vector<10000x128xf32>
    %get3A_16 = arith.constant 1 : index
    %get3A_17 = arith.constant 0 : index
    %get3A_18 = arith.constant 0 : index
    %get3A_19 = vector.load %arg0[%get3A_16, %get3A_17, %get3A_18] : memref<2x10000x128xf32, #tpu.memory_space<vmem>>, vector<1x10000x128xf32>
    %get3A_20 = vector.shape_cast %get3A_19 : vector<1x10000x128xf32> to vector<10000x128xf32>
    %mul3A_21 = vector.broadcast %add3A_3 : vector<1x1xf32> to vector<10000x128xf32>
    %mul3A_22 = arith.mulf %get3A_20, %mul3A_21 : vector<10000x128xf32>
    %get3A_23 = arith.constant 1 : index
    %get3A_24 = arith.constant 0 : index
    %get3A_25 = arith.constant 0 : index
    %get3A_26 = vector.load %arg1[%get3A_23, %get3A_24, %get3A_25] : memref<2x10240x128xf32, #tpu.memory_space<vmem>>, vector<1x10000x128xf32>
    %get3A_27 = vector.shape_cast %get3A_26 : vector<1x10000x128xf32> to vector<10000x128xf32>
    %add3A_28 = arith.addf %mul3A_22, %get3A_27 : vector<10000x128xf32>
    %concatenate3A = tpu.concatenate %add3A_15, %add3A_28 in 1 : vector<10000x128xf32>, vector<10000x128xf32> -> vector<10000x256xf32>
    %get3A_29 = arith.constant 0 : index
    %get3A_30 = arith.constant 0 : index
    %get3A_31 = vector.load %arg3[%get3A_29, %get3A_30] : memref<256x256xf32, #tpu.memory_space<vmem>>, vector<256x256xf32>
    %get3A_32 = arith.constant 0 : index
    %get3A_33 = arith.constant 0 : index
    %get3A_34 = vector.load %arg4[%get3A_32, %get3A_33] : memref<1x256xf32, #tpu.memory_space<vmem>>, vector<1x256xf32>
    %get3A_35 = arith.constant 0 : index
    %get3A_36 = arith.constant 0 : index
    %get3A_37 = vector.load %arg5[%get3A_35, %get3A_36] : memref<1x256xf32, #tpu.memory_space<vmem>>, vector<1x256xf32>
    %get3A_38 = arith.constant 0 : index
    %get3A_39 = arith.constant 0 : index
    %get3A_40 = vector.load %arg6[%get3A_38, %get3A_39] : memref<1x256xf32, #tpu.memory_space<vmem>>, vector<1x256xf32>
    %get3A_41 = arith.constant 0 : index
    %get3A_42 = arith.constant 0 : index
    %get3A_43 = vector.load %arg7[%get3A_41, %get3A_42] : memref<256x256xf32, #tpu.memory_space<vmem>>, vector<256x256xf32>
    %get3A_44 = arith.constant 0 : index
    %get3A_45 = arith.constant 0 : index
    %get3A_46 = vector.load %arg8[%get3A_44, %get3A_45] : memref<1x256xf32, #tpu.memory_space<vmem>>, vector<1x256xf32>
    %get3A_47 = arith.constant 0 : index
    %get3A_48 = arith.constant 0 : index
    %get3A_49 = vector.load %arg9[%get3A_47, %get3A_48] : memref<1x256xf32, #tpu.memory_space<vmem>>, vector<1x256xf32>
    %get3A_50 = arith.constant 0 : index
    %get3A_51 = arith.constant 0 : index
    %get3A_52 = vector.load %arg10[%get3A_50, %get3A_51] : memref<1x256xf32, #tpu.memory_space<vmem>>, vector<1x256xf32>
    %get3A_53 = arith.constant 0 : index
    %get3A_54 = arith.constant 0 : index
    %get3A_55 = vector.load %arg11[%get3A_53, %get3A_54] : memref<1x10000xi32, #tpu.memory_space<vmem>>, vector<1x10000xi32>
    %get3A_56 = arith.constant 0 : index
    %get3A_57 = arith.constant 0 : index
    %get3A_58 = vector.load %arg12[%get3A_56, %get3A_57] : memref<256x128xf32, #tpu.memory_space<vmem>>, vector<256x128xf32>
    %get3A_59 = arith.constant 0 : index
    %get3A_60 = arith.constant 0 : index
    %get3A_61 = vector.load %arg13[%get3A_59, %get3A_60] : memref<1x128xf32, #tpu.memory_space<vmem>>, vector<1x128xf32>
    %dot_general3A = arith.constant dense<0.000000e+00> : vector<10000x256xf32>
    %dot_general3A_62 = tpu.matmul %concatenate3A, %get3A_31, %dot_general3A {dimension_numbers = #tpu.dot_dimension_numbers<[1], [0], [0], [1], [0, 0, 1, 1], [], []>, transpose_lhs_hint = false} : vector<10000x256xf32>, vector<256x256xf32>, vector<10000x256xf32> -> vector<10000x256xf32>
    %add3A_63 = vector.broadcast %get3A_34 : vector<1x256xf32> to vector<10000x256xf32>
    %add3A_64 = arith.addf %dot_general3A_62, %add3A_63 : vector<10000x256xf32>
    %reduce_sum3A = arith.constant dense<0.000000e+00> : vector<256xf32>
    %reduce_sum3A_65 = vector.multi_reduction <add>, %add3A_64, %reduce_sum3A [0] : vector<10000x256xf32> to vector<256xf32>
    %broadcast_in_dim3A = vector.shape_cast %reduce_sum3A_65 : vector<256xf32> to vector<1x256xf32>
    %div3A = arith.constant 1.000000e+04 : f32
    %div3A_66 = vector.broadcast %div3A : f32 to vector<1x256xf32>
    %div3A_67 = arith.divf %broadcast_in_dim3A, %div3A_66 : vector<1x256xf32>
    %sub3A = vector.broadcast %div3A_67 : vector<1x256xf32> to vector<10000x256xf32>
    %sub3A_68 = arith.subf %add3A_64, %sub3A : vector<10000x256xf32>
    %mul3A_69 = arith.mulf %sub3A_68, %sub3A_68 : vector<10000x256xf32>
    %reduce_sum3A_70 = arith.constant dense<0.000000e+00> : vector<256xf32>
    %reduce_sum3A_71 = vector.multi_reduction <add>, %mul3A_69, %reduce_sum3A_70 [0] : vector<10000x256xf32> to vector<256xf32>
    %broadcast_in_dim3A_72 = vector.shape_cast %reduce_sum3A_71 : vector<256xf32> to vector<1x256xf32>
    %div3A_73 = arith.constant 1.000000e+04 : f32
    %div3A_74 = vector.broadcast %div3A_73 : f32 to vector<1x256xf32>
    %div3A_75 = arith.divf %broadcast_in_dim3A_72, %div3A_74 : vector<1x256xf32>
    %add3A_76 = arith.constant 9.99999974E-6 : f32
    %add3A_77 = vector.broadcast %add3A_76 : f32 to vector<1x256xf32>
    %add3A_78 = arith.addf %div3A_75, %add3A_77 : vector<1x256xf32>
    %rsqrt3A = math.rsqrt %add3A_78 : vector<1x256xf32>
    %mul3A_79 = vector.broadcast %rsqrt3A : vector<1x256xf32> to vector<10000x256xf32>
    %mul3A_80 = arith.mulf %sub3A_68, %mul3A_79 : vector<10000x256xf32>
    %mul3A_81 = vector.broadcast %get3A_37 : vector<1x256xf32> to vector<10000x256xf32>
    %mul3A_82 = arith.mulf %mul3A_80, %mul3A_81 : vector<10000x256xf32>
    %add3A_83 = vector.broadcast %get3A_40 : vector<1x256xf32> to vector<10000x256xf32>
    %add3A_84 = arith.addf %mul3A_82, %add3A_83 : vector<10000x256xf32>
    %max3A = arith.constant 0.000000e+00 : f32
    %max3A_85 = vector.broadcast %max3A : f32 to vector<10000x256xf32>
    %max3A_86 = arith.maximumf %add3A_84, %max3A_85 : vector<10000x256xf32>
    %dot_general3A_87 = arith.constant dense<0.000000e+00> : vector<10000x256xf32>
    %dot_general3A_88 = tpu.matmul %max3A_86, %get3A_43, %dot_general3A_87 {dimension_numbers = #tpu.dot_dimension_numbers<[1], [0], [0], [1], [0, 0, 1, 1], [], []>, transpose_lhs_hint = false} : vector<10000x256xf32>, vector<256x256xf32>, vector<10000x256xf32> -> vector<10000x256xf32>
    %add3A_89 = vector.broadcast %get3A_46 : vector<1x256xf32> to vector<10000x256xf32>
    %add3A_90 = arith.addf %dot_general3A_88, %add3A_89 : vector<10000x256xf32>
    %reduce_sum3A_91 = arith.constant dense<0.000000e+00> : vector<256xf32>
    %reduce_sum3A_92 = vector.multi_reduction <add>, %add3A_90, %reduce_sum3A_91 [0] : vector<10000x256xf32> to vector<256xf32>
    %broadcast_in_dim3A_93 = vector.shape_cast %reduce_sum3A_92 : vector<256xf32> to vector<1x256xf32>
    %div3A_94 = arith.constant 1.000000e+04 : f32
    %div3A_95 = vector.broadcast %div3A_94 : f32 to vector<1x256xf32>
    %div3A_96 = arith.divf %broadcast_in_dim3A_93, %div3A_95 : vector<1x256xf32>
    %sub3A_97 = vector.broadcast %div3A_96 : vector<1x256xf32> to vector<10000x256xf32>
    %sub3A_98 = arith.subf %add3A_90, %sub3A_97 : vector<10000x256xf32>
    %mul3A_99 = arith.mulf %sub3A_98, %sub3A_98 : vector<10000x256xf32>
    %reduce_sum3A_100 = arith.constant dense<0.000000e+00> : vector<256xf32>
    %reduce_sum3A_101 = vector.multi_reduction <add>, %mul3A_99, %reduce_sum3A_100 [0] : vector<10000x256xf32> to vector<256xf32>
    %broadcast_in_dim3A_102 = vector.shape_cast %reduce_sum3A_101 : vector<256xf32> to vector<1x256xf32>
    %div3A_103 = arith.constant 1.000000e+04 : f32
    %div3A_104 = vector.broadcast %div3A_103 : f32 to vector<1x256xf32>
    %div3A_105 = arith.divf %broadcast_in_dim3A_102, %div3A_104 : vector<1x256xf32>
    %add3A_106 = arith.constant 9.99999974E-6 : f32
    %add3A_107 = vector.broadcast %add3A_106 : f32 to vector<1x256xf32>
    %add3A_108 = arith.addf %div3A_105, %add3A_107 : vector<1x256xf32>
    %rsqrt3A_109 = math.rsqrt %add3A_108 : vector<1x256xf32>
    %mul3A_110 = vector.broadcast %rsqrt3A_109 : vector<1x256xf32> to vector<10000x256xf32>
    %mul3A_111 = arith.mulf %sub3A_98, %mul3A_110 : vector<10000x256xf32>
    %mul3A_112 = vector.broadcast %get3A_49 : vector<1x256xf32> to vector<10000x256xf32>
    %mul3A_113 = arith.mulf %mul3A_111, %mul3A_112 : vector<10000x256xf32>
    %add3A_114 = vector.broadcast %get3A_52 : vector<1x256xf32> to vector<10000x256xf32>
    %add3A_115 = arith.addf %mul3A_113, %add3A_114 : vector<10000x256xf32>
    %max3A_116 = arith.constant 0.000000e+00 : f32
    %max3A_117 = vector.broadcast %max3A_116 : f32 to vector<10000x256xf32>
    %max3A_118 = arith.maximumf %add3A_115, %max3A_117 : vector<10000x256xf32>
    %iota3A = tpu.iota {dimensions = array<i32: 0>} : vector<64x10000xi32>
    %eq3A = vector.broadcast %get3A_55 : vector<1x10000xi32> to vector<64x10000xi32>
    %eq3A_119 = arith.cmpi eq, %iota3A, %eq3A : vector<64x10000xi32>
    %convert_element_type3A = arith.extui %eq3A_119 : vector<64x10000xi1> to vector<64x10000xi32>
    %convert_element_type3A_120 = arith.sitofp %convert_element_type3A : vector<64x10000xi32> to vector<64x10000xf32>
    %reduce_sum3A_121 = arith.constant dense<0.000000e+00> : vector<64xf32>
    %reduce_sum3A_122 = vector.multi_reduction <add>, %convert_element_type3A_120, %reduce_sum3A_121 [1] : vector<64x10000xf32> to vector<64xf32>
    %broadcast_in_dim3A_123 = vector.shape_cast %reduce_sum3A_122 : vector<64xf32> to vector<64x1xf32>
    %max3A_124 = arith.constant 1.000000e+00 : f32
    %max3A_125 = vector.broadcast %max3A_124 : f32 to vector<64x1xf32>
    %max3A_126 = arith.maximumf %broadcast_in_dim3A_123, %max3A_125 : vector<64x1xf32>
    %dot_general3A_127 = arith.constant dense<0.000000e+00> : vector<64x256xf32>
    %dot_general3A_128 = tpu.matmul %convert_element_type3A_120, %max3A_118, %dot_general3A_127 {dimension_numbers = #tpu.dot_dimension_numbers<[1], [0], [0], [1], [0, 0, 1, 1], [], []>, transpose_lhs_hint = false} : vector<64x10000xf32>, vector<10000x256xf32>, vector<64x256xf32> -> vector<64x256xf32>
    %div3A_129 = vector.broadcast %max3A_126 : vector<64x1xf32> to vector<64x256xf32>
    %div3A_130 = arith.divf %dot_general3A_128, %div3A_129 : vector<64x256xf32>
    %dot_general3A_131 = arith.constant dense<0.000000e+00> : vector<64x128xf32>
    %dot_general3A_132 = tpu.matmul %div3A_130, %get3A_58, %dot_general3A_131 {dimension_numbers = #tpu.dot_dimension_numbers<[1], [0], [0], [1], [0, 0, 1, 1], [], []>, transpose_lhs_hint = false} : vector<64x256xf32>, vector<256x128xf32>, vector<64x128xf32> -> vector<64x128xf32>
    %add3A_133 = vector.broadcast %get3A_61 : vector<1x128xf32> to vector<64x128xf32>
    %add3A_134 = arith.addf %dot_general3A_132, %add3A_133 : vector<64x128xf32>
    %swap3A = arith.constant 0 : index
    %swap3A_135 = arith.constant 0 : index
    %swap3A_136 = vector.load %arg15[%swap3A, %swap3A_135] : memref<64x128xf32, #tpu.memory_space<vmem>>, vector<64x128xf32>
    tpu.vector_store %arg15[%swap3A, %swap3A_135], %add3A_134 {strides = array<i32>} : memref<64x128xf32, #tpu.memory_space<vmem>>, vector<64x128xf32>,
    %slice3A = vector.extract_strided_slice %max3A_118 {offsets = [0, 0], sizes = [10000, 128], strides = [1, 1]} : vector<10000x256xf32> to vector<10000x128xf32>
    %swap3A_137 = arith.constant 0 : index
    %swap3A_138 = arith.constant 0 : index
    %swap3A_139 = arith.constant 0 : index
    %swap3A_140 = vector.load %arg14[%swap3A_137, %swap3A_138, %swap3A_139] : memref<2x10000x128xf32, #tpu.memory_space<vmem>>, vector<1x10000x128xf32>
    %swap3A_141 = vector.shape_cast %swap3A_140 : vector<1x10000x128xf32> to vector<10000x128xf32>
    %swap3A_142 = vector.shape_cast %slice3A : vector<10000x128xf32> to vector<1x10000x128xf32>
    tpu.vector_store %arg14[%swap3A_137, %swap3A_138, %swap3A_139], %swap3A_142 {strides = array<i32>} : memref<2x10000x128xf32, #tpu.memory_space<vmem>>, vector<1x10000x128xf32>,
    %slice3A_143 = vector.extract_strided_slice %max3A_118 {offsets = [0, 128], sizes = [10000, 128], strides = [1, 1]} : vector<10000x256xf32> to vector<10000x128xf32>
    %swap3A_144 = arith.constant 1 : index
    %swap3A_145 = arith.constant 0 : index
    %swap3A_146 = arith.constant 0 : index
    %swap3A_147 = vector.load %arg14[%swap3A_144, %swap3A_145, %swap3A_146] : memref<2x10000x128xf32, #tpu.memory_space<vmem>>, vector<1x10000x128xf32>
    %swap3A_148 = vector.shape_cast %swap3A_147 : vector<1x10000x128xf32> to vector<10000x128xf32>
    %swap3A_149 = vector.shape_cast %slice3A_143 : vector<10000x128xf32> to vector<1x10000x128xf32>
    tpu.vector_store %arg14[%swap3A_144, %swap3A_145, %swap3A_146], %swap3A_149 {strides = array<i32>} : memref<2x10000x128xf32, #tpu.memory_space<vmem>>, vector<1x10000x128xf32>,
    return
  }
}

</mosaic_0001>

<sc_bundles>
// kernel: kernel.12.cloned.1.call-start
scs
__scs_entry_jumppad:
0x0: {  	(pc) =	sbr.rel $0x88, $3  }
0x1: {  	(tag) =	ssettag $0x0;
	lr =	simm.s32 $0x1  }
0x2: {  	[smem:$0x3F8B] =	sst lr;
	_ =	strace $0xD0000000  }
0x3: {  	_ = 	snop  }
0x4: {  	_ = 	snop  }
0x5: {  	_ = 	snop  }
0x6: {  	_ = 	snop  }
0x7: {  	_ = 	snop  }
__scs_overlays_trampoline_lowered:
0x8: {  	[smem:$0x3F9A] =	sst s0  }
0x9: {  	[smem:$0x3F9B] =	sst s1  }
0xa: {  	[smem:$0x3F9C] =	sst s2  }
0xb: {  	[smem:$0x3F9D] =	sst s3  }
0xc: {  	[smem:$0x3F9E] =	sst s4  }
0xd: {  	[smem:$0x3F9F] =	sst s5  }
0xe: {  	[smem:$0x3FA0] =	sst s6  }
0xf: {  	[smem:$0x3FA1] =	sst s7  }
0x10: {  	[smem:$0x3FA2] =	sst s8  }
0x11: {  	[smem:$0x3FA3] =	sst s9;
	s0 =	simm.s32 @!p0 $0x0  }
0x12: {  	s1 =	sld [smem:$0x3F89];
	s0 =	simm.s32 @p0 $0x1  }
0x13: {  	[smem:$0x3FA4] =	sst s0;
	s0 =	simm.s32 @!p1 $0x0  }
0x14: {  	s2 =	sld [smem:$0x3F88];
	s0 =	simm.s32 @p1 $0x1  }
0x15: {  	[smem:$0x3FA5] =	sst s0;
	s0 =	simm.s32 @!p2 $0x0  }
0x16: {  	s3 =	sld [smem:$0x3FDB];
	s0 =	simm.s32 @p2 $0x1  }
0x17: {  	s4 =	simm.s32 $0x1BF5;
	[smem:$0x3FA7] =	sst s0  }
0x18: {  	s0 =	sld [smem:$0x3F8A];
	_ =	swait.ge [sflag:s4], $0x0  }
0x19: {  	s7 =	sld [smem:$0x3F8B]  }
0x1a: {  	s8 =	sadd.s32 $0xFFFFE003, lr  }
0x1b: {  	s9 =	sadd.s32 $0xFFFFFEF7, lr;
	s5 =	simm.s32 $0xFFFFFFFF;
	p2 =	slt.u32 s8, $0xFFFFF086  }
0x1c: {  	p1 =	slt.u32 s9, $0xF7A;
	s5 =	simm.s32 @!p2 $0x0  }
0x1d: {  	s5 =	simm.s32 @p1 $0x1;
	p0 =	seq.s32 s7, s2  }
0x1e: {  	s7 =	smul.u32 @!p0 $0xF7A, s2;
	p2 =	seq.s32 @!p0 s5, $0x0  }
0x1f: {  	s9 =	smul.u32 $0xF7A, s1;
	s8 =	simm.s32 @!p0 $0x1BF5;
	p2 =	por !p2, p0  }
0x20: {  	[sflag:s8] =	ssyncset.s32 @!p0 $0xFFFFF086;
	s6 =	sadd.s32 @!p0 s3, s7;
	s7 =	simm.s32 @!p0 $0x108  }
0x21: {  	s3 =	sadd.s32 s3, s9;
	s6 =	sadd.s32 @!p0 $0x88, s6;
	s7 =	simm.s32 @p2 $0x1082  }
0x22: {  	[simem:s7], [sflag:s8] =	dma.local @!p0 [hbm:s6], $0xF7A  }
0x23: {  	s9 =	sor.u32 $0xD0000000, s2;
	s6 =	simm.s32 $0x108;
	_ =	swait.ge @!p0 [sflag:s8], $0x0  }
0x24: {  	s3 =	sadd.s32 $0x88, s3;
	s6 =	simm.s32 @!p1 $0x1082;
	[sflag:s4] =	ssyncset.s32 $0xFFFFF086  }
0x25: {  	[simem:s6], [sflag:s4] =	dma.local [hbm:s3], $0xF7A  }
0x26: {  	[smem:$0x3F8B] =	sst s1;
	(tag) =	ssettag s2;
	_ =	strace s9  }
0x27: {  	s1 =	sld [smem:$0x3F9B]  }
0x28: {  	s2 =	sld [smem:$0x3F9C]  }
0x29: {  	s4 =	sld [smem:$0x3F9E]  }
0x2a: {  	p0 =	seq.s32 s5, $0x0;
	s5 =	sld [smem:$0x3F9F]  }
0x2b: {  	s6 =	sld [smem:$0x3FA0]  }
0x2c: {  	s7 =	sld [smem:$0x3FA1]  }
0x2d: {  	s3 =	simm.s32 $0x108;
	s8 =	sld [smem:$0x3FA2]  }
0x2e: {  	s3 =	simm.s32 @!p0 $0x1082;
	s9 =	sld [smem:$0x3FA3]  }
0x2f: {  	lr =	sadd.s32 s0, s3;
	s0 =	sld [smem:$0x3F9A]  }
0x30: {  	s3 =	sld [smem:$0x3F9D]  }
0x31: {  	[smem:$0x3FA6] =	sst s10  }
0x32: {  	s10 =	sld [smem:$0x3FA4];
	_ =	sdelay $0x3  }
0x33: {  	p0 =	seq.s32 s10, $0x1;
	s10 =	sld [smem:$0x3FA6];
	_ =	sdelay $0x3  }
0x34: {  	[smem:$0x3FA6] =	sst s10  }
0x35: {  	s10 =	sld [smem:$0x3FA5];
	_ =	sdelay $0x3  }
0x36: {  	p1 =	seq.s32 s10, $0x1;
	s10 =	sld [smem:$0x3FA6];
	_ =	sdelay $0x3  }
0x37: {  	[smem:$0x3FA6] =	sst s10  }
0x38: {  	s10 =	sld [smem:$0x3FA7]  }
0x39: {  	_ = 	snop;
	(pc) =	sbr.ind lr, $3  }
0x3a: {  	_ = 	snop  }
0x3b: {  	_ = 	snop  }
0x3c: {  	p2 =	seq.s32 s10, $0x1;
	s10 =	sld [smem:$0x3FA6]  }
0x3d: {  	_ =	shalt  }
0x3e: {  	_ =	shalt  }
0x3f: {  	_ =	shalt  }
0x40: {  	_ =	shalt  }
0x41: {  	_ =	shalt  }
0x42: {  	_ =	shalt  }
0x43: {  	_ =	shalt  }
0x44: {  	_ =	shalt  }
0x45: {  	_ =	shalt  }
0x46: {  	_ =	shalt  }
0x47: {  	_ =	shalt  }
0x48: {  	_ =	shalt  }
0x49: {  	_ =	shalt  }
0x4a: {  	_ =	shalt  }
0x4b: {  	_ =	shalt  }
0x4c: {  	_ =	shalt  }
0x4d: {  	_ =	shalt  }
0x4e: {  	_ =	shalt  }
0x4f: {  	_ =	shalt  }
0x50: {  	_ =	shalt  }
0x51: {  	_ =	shalt  }
0x52: {  	_ =	shalt  }
0x53: {  	_ =	shalt  }
0x54: {  	_ =	shalt  }
0x55: {  	_ =	shalt  }
0x56: {  	_ =	shalt  }
0x57: {  	_ =	shalt  }
0x58: {  	_ =	shalt  }
0x59: {  	_ =	shalt  }
0x5a: {  	_ =	shalt  }
0x5b: {  	_ =	shalt  }
0x5c: {  	_ =	shalt  }
0x5d: {  	_ =	shalt  }
0x5e: {  	_ =	shalt  }
0x5f: {  	_ =	shalt  }
0x60: {  	_ =	shalt  }
0x61: {  	_ =	shalt  }
0x62: {  	_ =	shalt  }
0x63: {  	_ =	shalt  }
0x64: {  	_ =	shalt  }
0x65: {  	_ =	shalt  }
0x66: {  	_ =	shalt  }
0x67: {  	_ =	shalt  }
0x68: {  	_ =	shalt  }
0x69: {  	_ =	shalt  }
0x6a: {  	_ =	shalt  }
0x6b: {  	_ =	shalt  }
0x6c: {  	_ =	shalt  }
0x6d: {  	_ =	shalt  }
0x6e: {  	_ =	shalt  }
0x6f: {  	_ =	shalt  }
0x70: {  	_ =	shalt  }
0x71: {  	_ =	shalt  }
0x72: {  	_ =	shalt  }
0x73: {  	_ =	shalt  }
0x74: {  	_ =	shalt  }
0x75: {  	_ =	shalt  }
0x76: {  	_ =	shalt  }
0x77: {  	_ =	shalt  }
0x78: {  	_ =	shalt  }
0x79: {  	_ =	shalt  }
0x7a: {  	_ =	shalt  }
0x7b: {  	_ =	shalt  }
0x7c: {  	_ =	shalt  }
0x7d: {  	_ =	shalt  }
0x7e: {  	_ =	shalt  }
0x7f: {  	_ =	shalt  }
0x80: {  	_ =	shalt  }
0x81: {  	_ =	shalt  }
0x82: {  	_ =	shalt  }
0x83: {  	_ =	shalt  }
0x84: {  	_ =	shalt  }
0x85: {  	_ =	shalt  }
0x86: {  	_ =	shalt  }
0x87: {  	_ =	shalt  }
.Lfunc_end0:
.L_simem_size_0:
called_computation.1_lowered:
.L_overlay_start_0:
0x88: {  	s2 =	sld [smem:$0x3FD9]  }
0x89: {  	s3 =	sld [smem:$0x3FFE];
	_ =	sdelay $0x1  }
0x8a: {  	s1 =	srdreg.scid  }
0x8b: {  	s0 =	sand.u32 $0x1, s1  }
0x8c: {  	s16 =	sshll.u32 s0, $0xA;
	s2 =	sadd.s32 s3, s2  }
0x8d: {  	s2 =	sadd.s32 s2, s16  }
0x8e: {  	[smem:$0x3FB2] =	sst s2  }
0x8f: {  	_ = 	snop  }
0x90: {  	(tm) =	ssettm $0x1  }
0x91: {  	s17 =	sld [smem:$0x3FFB];
	_ =	sdelay $0x3  }
0x92: {  	_ =	strace s17  }
0x93: {  	s2 =	sld [smem:$0x3FFC];
	_ =	sdelay $0x3  }
0x94: {  	_ =	strace s2  }
0x95: {  	s2 =	sld [smem:$0x3FFD];
	_ =	sdelay $0x3  }
0x96: {  	_ =	strace s2  }
0x97: {  	_ =	strace $0x8FFFFFFF  }
0x98: {  	s18 =	sld [smem:$0x3FDB];
	_ =	sdelay $0x1  }
0x99: {  	s19 =	simm.s32 $_scs_section_size  }
0x9a: {  	s4 =	simm.s32 $_size__tile_overlayer_lowered;
	s5 =	simm.s32 $_tile_overlayer_lowered  }
0x9b: {  	s22 =	simm.s32 $0x1BFF;
	s21 =	sshll.u32 s5, $0x1;
	s2 =	sadd.s32 s19, s18  }
0x9c: {  	s6 =	simm.s32 $0x0;
	s20 =	sshll.u32 s4, $0x1;
	s4 =	sadd.s32 s21, s2  }
0x9d: {  	[timem:s6], [sflag:s22] =	dma.local [hbm:s4], s20  }
0x9e: {  	_ =	swait.ge [sflag:s22], s20  }
0x9f: {  	s3 =	ssub.s32 $0x0, s20;
	[sflag:s22] =	ssyncset.done $0x0  }
0xa0: {  	[sflag:s22] =	ssyncadd.s32 s3;
	_ =	sdelay $0x1  }
0xa1: {  	s23 =	simm.s32 $0x1B8B  }
0xa2: {  	_ =	swait.ge [sflag:s23], $0x1  }
0xa3: {  	[sflag:s23] =	ssyncset.done $0x0  }
0xa4: {  	s25 =	simm.s32 $0x1B8E;
	s24 =	sld [smem:$0x3FFE];
	[sflag:s23] =	ssyncadd.s32 $0xFFFFFFFF  }
0xa5: {  	s26 =	simm.s32 $execute0_lowered;
	[smem:$0x3FD2] =	sst s25  }
0xa6: {  	s4 =	sshll.u32 s26, $0x1;
	_ =	strace $0x80000049;
	[dreg:$0x1] =	wrdreg $0xFFFFFFFF  }
0xa7: {  	s28 =	simm.s32 $_size_execute0_lowered;
	s2 =	sadd.s32 s2, s4;
	[dreg:$0x0] =	wrdreg $0x0  }
0xa8: {  	s4 =	sshll.u32 s28, $0x1;
	[dreg:$0x2] =	wrdreg s2  }
0xa9: {  	[dreg:$0x3] =	wrdreg s4  }
0xaa: {  	[dreg:$0x4] =	wrdreg $0xC0  }
0xab: {  	_ =	task [dreg:s6], $0x5FFFF  }
0xac: {  	[dreg:$0x1] =	wrdreg $0xFFFFFFFF  }
0xad: {  	[dreg:$0x0] =	wrdreg $0x60  }
0xae: {  	[dreg:$0x2] =	wrdreg s24  }
0xaf: {  	[dreg:$0x3] =	wrdreg $0x90000  }
0xb0: {  	[dreg:$0x4] =	wrdreg $0x9  }
0xb1: {  	_ =	task.clear_ibuf [dreg:s6], $0x5FFFF;
	_ =	strace $0x90000049  }
0xb2: {  	s29 =	simm.s32 $0x9;
	_ =	strace $0x8000004B  }
0xb3: {  	_ =	swait.ge [sflag:s29], $0x1  }
0xb4: {  	[sflag:s29] =	ssyncadd.s32 $0xFFFFFFFF  }
0xb5: {  	_ =	strace $0x9000004B  }
0xb6: {  	_ =	sfence  }
0xb7: {  	s30 =	sld [smem:$0x0];
	_ =	sdelay $0x2  }
0xb8: {  	s31 =	sshll.u32 s1, $0xD;
	s1 =	sshrl.u32 s1, $0x2  }
0xb9: {  	s3 =	sand.u32 $0x4000, s31;
	s1 =	sadd.s32 s1, s30  }
0xba: {  	s0 =	sor.u32 s3, s0;
	s1 =	sshll.u32 s1, $0x11  }
0xbb: {  	s0 =	sor.u32 s1, s0  }
0xbc: {  	s0 =	sadd.s32 $0x8F2B, s0  }
0xbd: {  	[sflag:s0] =	ssyncadd.remote.s32 $0x1  }
0xbe: {  	_ =	sfence.sel $0xFFFF  }
0xbf: {  	[dreg:$0x0] =	wrdreg $0xFFFFFFFF;
	(pc) =	sbr.abs _section_cstart, $3  }
0xc0: {  	[dreg:$0x1] =	wrdreg $0xFFFFFFFF  }
0xc1: {  	_ =	task.clear_ibuf [dreg:s6], $0x2FFFF;
	_ =	strace $0x9FFFFFFF  }
0xc2: {  	(tm) =	ssettm $0x7FFFFFFF  }
0xc3: {  	_ =	shalt  }
tec
execute0_lowered:
.L_overlay_start_1:
0x0: {  	(tag) =	ssettag $0x1  }
0x1: {  	s0 =	srdreg.scid;
	s1 =	rddreg [dreg:$0x0]  }
0x2: {  	s10 =	stileid.u32;
	s2 =	rddreg [dreg:$0x1]  }
0x3: {  	s3 =	simm.s32 $0x0;
	s17 =	simm.s32 $0x100;
	s19 =	simm.s32 $0x200  }
0x4: {  	s20 =	simm.s32 $0x180;
	[smem:$0x7FF] =	sst s3;
	s14 =	sadd.s32 $0x7D200, s1  }
0x5: {  	s21 =	simm.s32 $0x300;
	_ =	strace $0x8000004A;
	[dreg:$0x1a] =	wrdreg s14  }
0x6: {  	s23 =	simm.s32 $0x280;
	s24 =	simm.s32 $0x400;
	[dreg:$0x5] =	wrdreg s17  }
0x7: {  	s25 =	simm.s32 $0x380;
	s11 =	simm.s32 $0x500;
	[dreg:$0x6] =	wrdreg s19  }
0x8: {  	s28 =	simm.s32 $0xF00;
	s29 =	simm.s32 $0xE80;
	[dreg:$0x7] =	wrdreg s20  }
0x9: {  	s30 =	simm.s32 $0xF80;
	s31 =	simm.s32 $0x0;
	[dreg:$0x8] =	wrdreg s21  }
0xa: {  	s0 =	sand.u32 $0x1, s0;
	s7 =	smul.u32 $0x14000, s10;
	[dreg:$0x9] =	wrdreg s23  }
0xb: {  	s9 =	smul.u32 $0xA000, s10;
	s4 =	sadd.s32 $0x2F000, s1;
	[dreg:$0xa] =	wrdreg s24  }
0xc: {  	s5 =	sadd.s32 $0x7000, s1;
	s22 =	smul.u32 $0x50000, s10;
	[dreg:$0xb] =	wrdreg s25  }
0xd: {  	s12 =	sshll.u32 s10, $0x6;
	[dreg:$0xc] =	wrdreg s11;
	s14 =	simm.s32 $0x600  }
0xe: {  	s6 =	smul.u32 $0x140000, s0;
	s17 =	simm.s32 $0x700;
	[dreg:$0xe] =	wrdreg s14  }
0xf: {  	s8 =	smul.u32 $0xA0000, s0;
	s19 =	simm.s32 $0x780;
	[dreg:$0x10] =	wrdreg s17  }
0x10: {  	s0 =	ssub.s32 $0x2, s0;
	s20 =	simm.s32 $0x900;
	[dreg:$0x12] =	wrdreg s19  }
0x11: {  	s21 =	simm.s32 $0x880;
	s23 =	simm.s32 $0x980;
	[dreg:$0x13] =	wrdreg s20  }
0x12: {  	s24 =	simm.s32 $0xB00;
	s25 =	simm.s32 $0xA80;
	[dreg:$0x14] =	wrdreg s21  }
0x13: {  	s18 =	sshrl.u32 s0, $0x1;
	s14 =	simm.s32 $0x1;
	[dreg:$0x16] =	wrdreg s23  }
0x14: {  	s17 =	simm.s32 $0x800;
	[dreg:$0x17] =	wrdreg s24;
	s19 =	simm.s32 $0x3  }
0x15: {  	[dreg:$0x18] =	wrdreg s25;
	s20 =	simm.s32 $0x4;
	s21 =	simm.s32 $0x2  }
0x16: {  	s23 =	simm.s32 $0xD00;
	s24 =	simm.s32 $0xC80;
	s25 =	simm.s32 $0xE00  }
0x17: {  	s6 =	sadd.s32 s7, s6;
	s13 =	sadd.s32 s9, s8;
	s0 =	ssub.s32 s0, s18  }
0x18: {  	s8 =	sshrl.u32 s22, $0x2;
	s18 =	simm.s32 $0x680;
	s22 =	simm.s32 $0xA00  }
0x19: {  	s6 =	sshrl.u32 s6, $0x3;
	s15 =	sor.u32 $0x1000, s13;
	s16 =	sor.u32 $0x1800, s13  }
0x1a: {  	s7 =	sshrl.u32 s13, $0x3;
	s26 =	sadd.s32 s8, s2;
	[dreg:$0x11] =	wrdreg s18  }
0x1b: {  	s13 =	simm.s32 $0x480;
	s8 =	sor.u32 $0x1C05, s12;
	[dreg:$0x15] =	wrdreg s22  }
0x1c: {  	s11 =	smax.u32 s0, $0x1;
	s18 =	simm.s32 $0x5000;
	[dreg:$0x3] =	wrdreg s15  }
0x1d: {  	s22 =	simm.s32 $0xB80;
	s1 =	sadd.s32 s6, s1;
	[dreg:$0x4] =	wrdreg s16  }
0x1e: {  	s7 =	sadd.s32 s5, s7;
	[dreg:$0xd] =	wrdreg s13;
	s16 =	simm.s32 $0x580  }
0x1f: {  	s12 =	sshrl.u32 s26, $0x3;
	s26 =	simm.s32 $0xC00;
	[dreg:$0xf] =	wrdreg s16  }
0x20: {  	s13 =	simm.s32 $0x5;
	s15 =	sadd.s32 $0x100, s7;
	[dreg:$0x19] =	wrdreg s26  }
0x21: {  	s1 =	sadd.s32 $0x7FA00, s1;
	s16 =	simm.s32 $0x1000;
	[dreg:$0x1b] =	wrdreg s15  }
0x22: {  	s26 =	simm.s32 $0xD80;
	[dreg:$0x1c] =	wrdreg s1;
	s15 =	simm.s32 $0x80  }
.LBB2_1:
0x23: {  	[tilespmem:s3], [sflag:$0x1] =	stream.linear.gather [hbm4b:s7+s3], $0x800, $0x38;
	[tilespmem:$0x1D000] =	vst v63  }
0x24: {  	s0 =	rddreg [dreg:$0x1a]  }
0x25: {  	[spmem:s12], [sflag:s8] =	dma.local [hbm:s0], $0x2800  }
0x26: {  	_ =	swait.ge [sflag:s13], $0x2800  }
0x27: {  	[sflag:s13] =	ssyncset.done $0x0  }
0x28: {  	[sflag:s13] =	ssyncadd.s32 $0xFFFFD800  }
0x29: {  	_ =	swait.ge [sflag:s14], $0x800  }
0x2a: {  	[sflag:s14] =	ssyncset.done $0x0  }
0x2b: {  	[sflag:s14] =	ssyncadd.s32 $0xFFFFF800  }
0x2c: {  	[bflag:$0x0] =	sbarrier.arrive $0xFFFF  }
0x2d: {  	[tilespmem:s16], [sflag:$0x3] =	stream.indirect.gather [hbm4b:s4+s15], $0x80, s3, s15, $0xb8;
	[tilespmem:$0x1D000] =	vst v63  }
0x2e: {  	s1 =	rddreg [dreg:$0x1b]  }
0x2f: {  	[tilespmem:s17], [sflag:$0x2] =	stream.linear.gather [hbm4b:s1+s3], $0x800, $0x38;
	[tilespmem:$0x1D000] =	vst v63  }
0x30: {  	s10 =	rddreg [dreg:$0x5]  }
0x31: {  	[tilespmem:s18], [sflag:$0x4] =	stream.indirect.gather [hbm4b:s4+s15], $0x80, s10, s15, $0xb8;
	[tilespmem:$0x1D000] =	vst v63  }
0x32: {  	_ =	swait.ge [sflag:s19], $0x4000  }
0x33: {  	[sflag:s19] =	ssyncset.done $0x0  }
0x34: {  	[sflag:s19] =	ssyncadd.s32 $0xFFFFC000  }
0x35: {  	[spmem:s2] =	stream.indirect.scatter.add.f32 [tilespmem:s16], [sflag:$0x5], $0x80, s15, s15, $0xb8;
	[tilespmem:$0x1D000] =	vst v63  }
0x36: {  	_ =	swait.ge [sflag:s13], $0x4000  }
0x37: {  	[sflag:s13] =	ssyncset.done $0x0  }
0x38: {  	s1 =	rddreg [dreg:$0x6];
	[sflag:s13] =	ssyncadd.s32 $0xFFFFC000  }
0x39: {  	[tilespmem:s16], [sflag:$0x3] =	stream.indirect.gather [hbm4b:s4+s15], $0x80, s1, s15, $0xb8;
	[tilespmem:$0x1D000] =	vst v63  }
0x3a: {  	_ =	swait.ge [sflag:s20], $0x4000  }
0x3b: {  	[sflag:s20] =	ssyncset.done $0x0  }
0x3c: {  	s6 =	rddreg [dreg:$0x7];
	[sflag:s20] =	ssyncadd.s32 $0xFFFFC000  }
0x3d: {  	[spmem:s2] =	stream.indirect.scatter.add.f32 [tilespmem:s18], [sflag:$0x5], $0x80, s6, s15, $0xb8;
	[tilespmem:$0x1D000] =	vst v63  }
0x3e: {  	_ =	swait.ge [sflag:s13], $0x4000  }
0x3f: {  	[sflag:s13] =	ssyncset.done $0x0  }
0x40: {  	s9 =	rddreg [dreg:$0x8];
	[sflag:s13] =	ssyncadd.s32 $0xFFFFC000  }
0x41: {  	[tilespmem:s18], [sflag:$0x4] =	stream.indirect.gather [hbm4b:s4+s15], $0x80, s9, s15, $0xb8;
	[tilespmem:$0x1D000] =	vst v63  }
0x42: {  	_ =	swait.ge [sflag:s19], $0x4000  }
0x43: {  	[sflag:s19] =	ssyncset.done $0x0  }
0x44: {  	s10 =	rddreg [dreg:$0x9];
	[sflag:s19] =	ssyncadd.s32 $0xFFFFC000  }
0x45: {  	[spmem:s2] =	stream.indirect.scatter.add.f32 [tilespmem:s16], [sflag:$0x5], $0x80, s10, s15, $0xb8;
	[tilespmem:$0x1D000] =	vst v63  }
0x46: {  	_ =	swait.ge [sflag:s13], $0x4000  }
0x47: {  	[sflag:s13] =	ssyncset.done $0x0  }
0x48: {  	s1 =	rddreg [dreg:$0xa];
	[sflag:s13] =	ssyncadd.s32 $0xFFFFC000  }
0x49: {  	[tilespmem:s16], [sflag:$0x3] =	stream.indirect.gather [hbm4b:s4+s15], $0x80, s1, s15, $0xb8;
	[tilespmem:$0x1D000] =	vst v63  }
0x4a: {  	_ =	swait.ge [sflag:s20], $0x4000  }
0x4b: {  	[sflag:s20] =	ssyncset.done $0x0  }
0x4c: {  	s6 =	rddreg [dreg:$0xb];
	[sflag:s20] =	ssyncadd.s32 $0xFFFFC000  }
0x4d: {  	[spmem:s2] =	stream.indirect.scatter.add.f32 [tilespmem:s18], [sflag:$0x5], $0x80, s6, s15, $0xb8;
	[tilespmem:$0x1D000] =	vst v63  }
0x4e: {  	_ =	swait.ge [sflag:s13], $0x4000  }
0x4f: {  	[sflag:s13] =	ssyncset.done $0x0  }
0x50: {  	s9 =	rddreg [dreg:$0xc];
	[sflag:s13] =	ssyncadd.s32 $0xFFFFC000  }
0x51: {  	[tilespmem:s18], [sflag:$0x4] =	stream.indirect.gather [hbm4b:s4+s15], $0x80, s9, s15, $0xb8;
	[tilespmem:$0x1D000] =	vst v63  }
0x52: {  	_ =	swait.ge [sflag:s19], $0x4000  }
0x53: {  	[sflag:s19] =	ssyncset.done $0x0  }
0x54: {  	s10 =	rddreg [dreg:$0xd];
	[sflag:s19] =	ssyncadd.s32 $0xFFFFC000  }
0x55: {  	[spmem:s2] =	stream.indirect.scatter.add.f32 [tilespmem:s16], [sflag:$0x5], $0x80, s10, s15, $0xb8;
	[tilespmem:$0x1D000] =	vst v63  }
0x56: {  	_ =	swait.ge [sflag:s13], $0x4000  }
0x57: {  	[sflag:s13] =	ssyncset.done $0x0  }
0x58: {  	s1 =	rddreg [dreg:$0xe];
	[sflag:s13] =	ssyncadd.s32 $0xFFFFC000  }
0x59: {  	[tilespmem:s16], [sflag:$0x3] =	stream.indirect.gather [hbm4b:s4+s15], $0x80, s1, s15, $0xb8;
	[tilespmem:$0x1D000] =	vst v63  }
0x5a: {  	_ =	swait.ge [sflag:s20], $0x4000  }
0x5b: {  	[sflag:s20] =	ssyncset.done $0x0  }
0x5c: {  	s6 =	rddreg [dreg:$0xf];
	[sflag:s20] =	ssyncadd.s32 $0xFFFFC000  }
0x5d: {  	[spmem:s2] =	stream.indirect.scatter.add.f32 [tilespmem:s18], [sflag:$0x5], $0x80, s6, s15, $0xb8;
	[tilespmem:$0x1D000] =	vst v63  }
0x5e: {  	_ =	swait.ge [sflag:s13], $0x4000  }
0x5f: {  	[sflag:s13] =	ssyncset.done $0x0  }
0x60: {  	s9 =	rddreg [dreg:$0x10];
	[sflag:s13] =	ssyncadd.s32 $0xFFFFC000  }
0x61: {  	[tilespmem:s18], [sflag:$0x4] =	stream.indirect.gather [hbm4b:s4+s15], $0x80, s9, s15, $0xb8;
	[tilespmem:$0x1D000] =	vst v63  }
0x62: {  	_ =	swait.ge [sflag:s19], $0x4000  }
0x63: {  	[sflag:s19] =	ssyncset.done $0x0  }
0x64: {  	s10 =	rddreg [dreg:$0x11];
	[sflag:s19] =	ssyncadd.s32 $0xFFFFC000  }
0x65: {  	[spmem:s2] =	stream.indirect.scatter.add.f32 [tilespmem:s16], [sflag:$0x5], $0x80, s10, s15, $0xb8;
	[tilespmem:$0x1D000] =	vst v63  }
0x66: {  	_ =	swait.ge [sflag:s13], $0x4000  }
0x67: {  	[sflag:s13] =	ssyncset.done $0x0  }
0x68: {  	[sflag:s13] =	ssyncadd.s32 $0xFFFFC000  }
0x69: {  	_ =	swait.ge [sflag:s21], $0x800  }
0x6a: {  	[sflag:s21] =	ssyncset.done $0x0  }
0x6b: {  	[sflag:s21] =	ssyncadd.s32 $0xFFFFF800  }
0x6c: {  	[tilespmem:s16], [sflag:$0x3] =	stream.indirect.gather [hbm4b:s4+s15], $0x80, s17, s15, $0xb8;
	[tilespmem:$0x1D000] =	vst v63  }
0x6d: {  	_ =	swait.ge [sflag:s20], $0x4000  }
0x6e: {  	[sflag:s20] =	ssyncset.done $0x0  }
0x6f: {  	s1 =	rddreg [dreg:$0x12];
	[sflag:s20] =	ssyncadd.s32 $0xFFFFC000  }
0x70: {  	[spmem:s2] =	stream.indirect.scatter.add.f32 [tilespmem:s18], [sflag:$0x5], $0x80, s1, s15, $0xb8;
	[tilespmem:$0x1D000] =	vst v63  }
0x71: {  	s9 =	smin.u32 s3, $0x11;
	_ =	swait.ge [sflag:s13], $0x4000  }
0x72: {  	s1 =	sshll.u32 s9, $0xB;
	s6 =	rddreg [dreg:$0x3]  }
0x73: {  	s0 =	sadd.s32 s1, s6  }
0x74: {  	[sflag:s13] =	ssyncset.done $0x0;
	s0 =	sshrl.u32 s0, $0x3  }
0x75: {  	[sflag:s13] =	ssyncadd.s32 $0xFFFFC000;
	s0 =	sadd.s32 s5, s0  }
0x76: {  	[tilespmem:s3], [sflag:$0x1] =	stream.linear.gather [hbm4b:s0+s3], $0x800, $0x38;
	[tilespmem:$0x1D000] =	vst v63  }
0x77: {  	s10 =	rddreg [dreg:$0x13]  }
0x78: {  	[tilespmem:s18], [sflag:$0x4] =	stream.indirect.gather [hbm4b:s4+s15], $0x80, s10, s15, $0xb8;
	[tilespmem:$0x1D000] =	vst v63  }
0x79: {  	_ =	swait.ge [sflag:s19], $0x4000  }
0x7a: {  	[sflag:s19] =	ssyncset.done $0x0  }
0x7b: {  	s1 =	rddreg [dreg:$0x14];
	[sflag:s19] =	ssyncadd.s32 $0xFFFFC000  }
0x7c: {  	[spmem:s2] =	stream.indirect.scatter.add.f32 [tilespmem:s16], [sflag:$0x5], $0x80, s1, s15, $0xb8;
	[tilespmem:$0x1D000] =	vst v63  }
0x7d: {  	_ =	swait.ge [sflag:s13], $0x4000  }
0x7e: {  	[sflag:s13] =	ssyncset.done $0x0  }
0x7f: {  	s6 =	rddreg [dreg:$0x15];
	[sflag:s13] =	ssyncadd.s32 $0xFFFFC000  }
0x80: {  	[tilespmem:s16], [sflag:$0x3] =	stream.indirect.gather [hbm4b:s4+s15], $0x80, s6, s15, $0xb8;
	[tilespmem:$0x1D000] =	vst v63  }
0x81: {  	_ =	swait.ge [sflag:s20], $0x4000  }
0x82: {  	[sflag:s20] =	ssyncset.done $0x0  }
0x83: {  	s9 =	rddreg [dreg:$0x16];
	[sflag:s20] =	ssyncadd.s32 $0xFFFFC000  }
0x84: {  	[spmem:s2] =	stream.indirect.scatter.add.f32 [tilespmem:s18], [sflag:$0x5], $0x80, s9, s15, $0xb8;
	[tilespmem:$0x1D000] =	vst v63  }
0x85: {  	_ =	swait.ge [sflag:s13], $0x4000  }
0x86: {  	[sflag:s13] =	ssyncset.done $0x0  }
0x87: {  	s10 =	rddreg [dreg:$0x17];
	[sflag:s13] =	ssyncadd.s32 $0xFFFFC000  }
0x88: {  	[tilespmem:s18], [sflag:$0x4] =	stream.indirect.gather [hbm4b:s4+s15], $0x80, s10, s15, $0xb8;
	[tilespmem:$0x1D000] =	vst v63  }
0x89: {  	_ =	swait.ge [sflag:s19], $0x4000  }
0x8a: {  	[sflag:s19] =	ssyncset.done $0x0  }
0x8b: {  	s1 =	rddreg [dreg:$0x18];
	[sflag:s19] =	ssyncadd.s32 $0xFFFFC000  }
0x8c: {  	[spmem:s2] =	stream.indirect.scatter.add.f32 [tilespmem:s16], [sflag:$0x5], $0x80, s1, s15, $0xb8;
	[tilespmem:$0x1D000] =	vst v63  }
0x8d: {  	_ =	swait.ge [sflag:s13], $0x4000  }
0x8e: {  	[sflag:s13] =	ssyncset.done $0x0  }
0x8f: {  	s6 =	rddreg [dreg:$0x19];
	[sflag:s13] =	ssyncadd.s32 $0xFFFFC000  }
0x90: {  	[tilespmem:s16], [sflag:$0x3] =	stream.indirect.gather [hbm4b:s4+s15], $0x80, s6, s15, $0xb8;
	[tilespmem:$0x1D000] =	vst v63  }
0x91: {  	_ =	swait.ge [sflag:s20], $0x4000  }
0x92: {  	[sflag:s20] =	ssyncset.done $0x0  }
0x93: {  	[sflag:s20] =	ssyncadd.s32 $0xFFFFC000  }
0x94: {  	[spmem:s2] =	stream.indirect.scatter.add.f32 [tilespmem:s18], [sflag:$0x5], $0x80, s22, s15, $0xb8;
	[tilespmem:$0x1D000] =	vst v63  }
0x95: {  	_ =	swait.ge [sflag:s13], $0x4000  }
0x96: {  	[sflag:s13] =	ssyncset.done $0x0  }
0x97: {  	[sflag:s13] =	ssyncadd.s32 $0xFFFFC000  }
0x98: {  	[tilespmem:s18], [sflag:$0x4] =	stream.indirect.gather [hbm4b:s4+s15], $0x80, s23, s15, $0xb8;
	[tilespmem:$0x1D000] =	vst v63  }
0x99: {  	_ =	swait.ge [sflag:s19], $0x4000  }
0x9a: {  	[sflag:s19] =	ssyncset.done $0x0  }
0x9b: {  	[sflag:s19] =	ssyncadd.s32 $0xFFFFC000  }
0x9c: {  	[spmem:s2] =	stream.indirect.scatter.add.f32 [tilespmem:s16], [sflag:$0x5], $0x80, s24, s15, $0xb8;
	[tilespmem:$0x1D000] =	vst v63  }
0x9d: {  	_ =	swait.ge [sflag:s13], $0x4000  }
0x9e: {  	[sflag:s13] =	ssyncset.done $0x0  }
0x9f: {  	[sflag:s13] =	ssyncadd.s32 $0xFFFFC000  }
0xa0: {  	[tilespmem:s16], [sflag:$0x3] =	stream.indirect.gather [hbm4b:s4+s15], $0x80, s25, s15, $0xb8;
	[tilespmem:$0x1D000] =	vst v63  }
0xa1: {  	_ =	swait.ge [sflag:s20], $0x4000  }
0xa2: {  	[sflag:s20] =	ssyncset.done $0x0  }
0xa3: {  	[sflag:s20] =	ssyncadd.s32 $0xFFFFC000  }
0xa4: {  	[spmem:s2] =	stream.indirect.scatter.add.f32 [tilespmem:s18], [sflag:$0x5], $0x80, s26, s15, $0xb8;
	[tilespmem:$0x1D000] =	vst v63  }
0xa5: {  	_ =	swait.ge [sflag:s13], $0x4000  }
0xa6: {  	[sflag:s13] =	ssyncset.done $0x0  }
0xa7: {  	[sflag:s13] =	ssyncadd.s32 $0xFFFFC000  }
0xa8: {  	[tilespmem:s18], [sflag:$0x4] =	stream.indirect.gather [hbm4b:s4+s15], $0x80, s28, s15, $0xb8;
	[tilespmem:$0x1D000] =	vst v63  }
0xa9: {  	_ =	swait.ge [sflag:s19], $0x4000  }
0xaa: {  	[sflag:s19] =	ssyncset.done $0x0  }
0xab: {  	[sflag:s19] =	ssyncadd.s32 $0xFFFFC000  }
0xac: {  	[spmem:s2] =	stream.indirect.scatter.add.f32 [tilespmem:s16], [sflag:$0x5], $0x80, s29, s15, $0xb8;
	[tilespmem:$0x1D000] =	vst v63  }
0xad: {  	_ =	swait.ge [sflag:s13], $0x4000  }
0xae: {  	[sflag:s13] =	ssyncset.done $0x0  }
0xaf: {  	[sflag:s13] =	ssyncadd.s32 $0xFFFFC000  }
0xb0: {  	_ =	swait.ge [sflag:s14], $0x800  }
0xb1: {  	[sflag:s14] =	ssyncset.done $0x0  }
0xb2: {  	[sflag:s14] =	ssyncadd.s32 $0xFFFFF800  }
0xb3: {  	[tilespmem:s16], [sflag:$0x3] =	stream.indirect.gather [hbm4b:s4+s15], $0x80, s3, s15, $0xb8;
	[tilespmem:$0x1D000] =	vst v63  }
0xb4: {  	_ =	swait.ge [sflag:s20], $0x4000  }
0xb5: {  	[sflag:s20] =	ssyncset.done $0x0  }
0xb6: {  	[sflag:s20] =	ssyncadd.s32 $0xFFFFC000  }
0xb7: {  	[spmem:s2] =	stream.indirect.scatter.add.f32 [tilespmem:s18], [sflag:$0x5], $0x80, s30, s15, $0xb8;
	[tilespmem:$0x1D000] =	vst v63  }
0xb8: {  	s10 =	smin.u32 s3, $0x10;
	_ =	swait.ge [sflag:s13], $0x4000  }
0xb9: {  	s6 =	sshll.u32 s10, $0xB;
	s9 =	rddreg [dreg:$0x4]  }
0xba: {  	s0 =	simm.s32 $0x4;
	s6 =	sadd.s32 s6, s9  }
0xbb: {  	s1 =	simm.s32 $0x2;
	[sflag:s13] =	ssyncset.done $0x0;
	s6 =	sshrl.u32 s6, $0x3  }
0xbc: {  	[sflag:s13] =	ssyncadd.s32 $0xFFFFC000;
	s9 =	rddreg [dreg:$0x5];
	s6 =	sadd.s32 s5, s6  }
.LBB2_2:
0xbd: {  	[tilespmem:s17], [sflag:$0x2] =	stream.linear.gather [hbm4b:s6+s3], $0x800, $0x38;
	[tilespmem:$0x1D000] =	vst v63  }
0xbe: {  	_ = 	snop  }
0xbf: {  	[tilespmem:s18], [sflag:$0x4] =	stream.indirect.gather [hbm4b:s4+s15], $0x80, s9, s15, $0xb8;
	[tilespmem:$0x1D000] =	vst v63  }
0xc0: {  	_ =	swait.ge [sflag:s19], $0x4000  }
0xc1: {  	[sflag:s19] =	ssyncset.done $0x0  }
0xc2: {  	[sflag:s19] =	ssyncadd.s32 $0xFFFFC000  }
0xc3: {  	[spmem:s2] =	stream.indirect.scatter.add.f32 [tilespmem:s16], [sflag:$0x5], $0x80, s15, s15, $0xb8;
	[tilespmem:$0x1D000] =	vst v63  }
0xc4: {  	_ =	swait.ge [sflag:s13], $0x4000  }
0xc5: {  	[sflag:s13] =	ssyncset.done $0x0  }
0xc6: {  	s10 =	rddreg [dreg:$0x6];
	[sflag:s13] =	ssyncadd.s32 $0xFFFFC000  }
0xc7: {  	[tilespmem:s16], [sflag:$0x3] =	stream.indirect.gather [hbm4b:s4+s15], $0x80, s10, s15, $0xb8;
	[tilespmem:$0x1D000] =	vst v63  }
0xc8: {  	_ =	swait.ge [sflag:s20], $0x4000  }
0xc9: {  	[sflag:s20] =	ssyncset.done $0x0  }
0xca: {  	s10 =	rddreg [dreg:$0x7];
	[sflag:s20] =	ssyncadd.s32 $0xFFFFC000  }
0xcb: {  	[spmem:s2] =	stream.indirect.scatter.add.f32 [tilespmem:s18], [sflag:$0x5], $0x80, s10, s15, $0xb8;
	[tilespmem:$0x1D000] =	vst v63  }
0xcc: {  	_ =	swait.ge [sflag:s13], $0x4000  }
0xcd: {  	[sflag:s13] =	ssyncset.done $0x0  }
0xce: {  	s10 =	rddreg [dreg:$0x8];
	[sflag:s13] =	ssyncadd.s32 $0xFFFFC000  }
0xcf: {  	[tilespmem:s18], [sflag:$0x4] =	stream.indirect.gather [hbm4b:s4+s15], $0x80, s10, s15, $0xb8;
	[tilespmem:$0x1D000] =	vst v63  }
0xd0: {  	_ =	swait.ge [sflag:s19], $0x4000  }
0xd1: {  	[sflag:s19] =	ssyncset.done $0x0  }
0xd2: {  	s10 =	rddreg [dreg:$0x9];
	[sflag:s19] =	ssyncadd.s32 $0xFFFFC000  }
0xd3: {  	[spmem:s2] =	stream.indirect.scatter.add.f32 [tilespmem:s16], [sflag:$0x5], $0x80, s10, s15, $0xb8;
	[tilespmem:$0x1D000] =	vst v63  }
0xd4: {  	_ =	swait.ge [sflag:s13], $0x4000  }
0xd5: {  	[sflag:s13] =	ssyncset.done $0x0  }
0xd6: {  	s10 =	rddreg [dreg:$0xa];
	[sflag:s13] =	ssyncadd.s32 $0xFFFFC000  }
0xd7: {  	[tilespmem:s16], [sflag:$0x3] =	stream.indirect.gather [hbm4b:s4+s15], $0x80, s10, s15, $0xb8;
	[tilespmem:$0x1D000] =	vst v63  }
0xd8: {  	_ =	swait.ge [sflag:s20], $0x4000  }
0xd9: {  	[sflag:s20] =	ssyncset.done $0x0  }
0xda: {  	s10 =	rddreg [dreg:$0xb];
	[sflag:s20] =	ssyncadd.s32 $0xFFFFC000  }
0xdb: {  	[spmem:s2] =	stream.indirect.scatter.add.f32 [tilespmem:s18], [sflag:$0x5], $0x80, s10, s15, $0xb8;
	[tilespmem:$0x1D000] =	vst v63  }
0xdc: {  	_ =	swait.ge [sflag:s13], $0x4000  }
0xdd: {  	[sflag:s13] =	ssyncset.done $0x0  }
0xde: {  	s10 =	rddreg [dreg:$0xc];
	[sflag:s13] =	ssyncadd.s32 $0xFFFFC000  }
0xdf: {  	[tilespmem:s18], [sflag:$0x4] =	stream.indirect.gather [hbm4b:s4+s15], $0x80, s10, s15, $0xb8;
	[tilespmem:$0x1D000] =	vst v63  }
0xe0: {  	_ =	swait.ge [sflag:s19], $0x4000  }
0xe1: {  	[sflag:s19] =	ssyncset.done $0x0  }
0xe2: {  	s10 =	rddreg [dreg:$0xd];
	[sflag:s19] =	ssyncadd.s32 $0xFFFFC000  }
0xe3: {  	[spmem:s2] =	stream.indirect.scatter.add.f32 [tilespmem:s16], [sflag:$0x5], $0x80, s10, s15, $0xb8;
	[tilespmem:$0x1D000] =	vst v63  }
0xe4: {  	_ =	swait.ge [sflag:s13], $0x4000  }
0xe5: {  	[sflag:s13] =	ssyncset.done $0x0  }
0xe6: {  	s10 =	rddreg [dreg:$0xe];
	[sflag:s13] =	ssyncadd.s32 $0xFFFFC000  }
0xe7: {  	[tilespmem:s16], [sflag:$0x3] =	stream.indirect.gather [hbm4b:s4+s15], $0x80, s10, s15, $0xb8;
	[tilespmem:$0x1D000] =	vst v63  }
0xe8: {  	_ =	swait.ge [sflag:s20], $0x4000  }
0xe9: {  	[sflag:s20] =	ssyncset.done $0x0  }
0xea: {  	s10 =	rddreg [dreg:$0xf];
	[sflag:s20] =	ssyncadd.s32 $0xFFFFC000  }
0xeb: {  	[spmem:s2] =	stream.indirect.scatter.add.f32 [tilespmem:s18], [sflag:$0x5], $0x80, s10, s15, $0xb8;
	[tilespmem:$0x1D000] =	vst v63  }
0xec: {  	_ =	swait.ge [sflag:s13], $0x4000  }
0xed: {  	[sflag:s13] =	ssyncset.done $0x0  }
0xee: {  	s10 =	rddreg [dreg:$0x10];
	[sflag:s13] =	ssyncadd.s32 $0xFFFFC000  }
0xef: {  	[tilespmem:s18], [sflag:$0x4] =	stream.indirect.gather [hbm4b:s4+s15], $0x80, s10, s15, $0xb8;
	[tilespmem:$0x1D000] =	vst v63  }
0xf0: {  	_ =	swait.ge [sflag:s19], $0x4000  }
0xf1: {  	[sflag:s19] =	ssyncset.done $0x0  }
0xf2: {  	s10 =	rddreg [dreg:$0x11];
	[sflag:s19] =	ssyncadd.s32 $0xFFFFC000  }
0xf3: {  	[spmem:s2] =	stream.indirect.scatter.add.f32 [tilespmem:s16], [sflag:$0x5], $0x80, s10, s15, $0xb8;
	[tilespmem:$0x1D000] =	vst v63  }
0xf4: {  	_ =	swait.ge [sflag:s13], $0x4000  }
0xf5: {  	[sflag:s13] =	ssyncset.done $0x0  }
0xf6: {  	[sflag:s13] =	ssyncadd.s32 $0xFFFFC000  }
0xf7: {  	_ =	swait.ge [sflag:s21], $0x800  }
0xf8: {  	[sflag:s21] =	ssyncset.done $0x0  }
0xf9: {  	[sflag:s21] =	ssyncadd.s32 $0xFFFFF800  }
0xfa: {  	[tilespmem:s16], [sflag:$0x3] =	stream.indirect.gather [hbm4b:s4+s15], $0x80, s17, s15, $0xb8;
	[tilespmem:$0x1D000] =	vst v63  }
0xfb: {  	_ =	swait.ge [sflag:s20], $0x4000  }
0xfc: {  	[sflag:s20] =	ssyncset.done $0x0  }
0xfd: {  	s10 =	rddreg [dreg:$0x12];
	[sflag:s20] =	ssyncadd.s32 $0xFFFFC000  }
0xfe: {  	[spmem:s2] =	stream.indirect.scatter.add.f32 [tilespmem:s18], [sflag:$0x5], $0x80, s10, s15, $0xb8;
	[tilespmem:$0x1D000] =	vst v63  }
0xff: {  	s10 =	smin.u32 s1, $0x11;
	_ =	swait.ge [sflag:s13], $0x4000  }
0x100: {  	s10 =	sshll.u32 s10, $0xB;
	s9 =	rddreg [dreg:$0x3]  }
0x101: {  	s9 =	sadd.s32 s10, s9  }
0x102: {  	[sflag:s13] =	ssyncset.done $0x0;
	s9 =	sshrl.u32 s9, $0x3  }
0x103: {  	[sflag:s13] =	ssyncadd.s32 $0xFFFFC000;
	s9 =	sadd.s32 s5, s9  }
0x104: {  	[tilespmem:s3], [sflag:$0x1] =	stream.linear.gather [hbm4b:s9+s3], $0x800, $0x38;
	[tilespmem:$0x1D000] =	vst v63  }
0x105: {  	s10 =	rddreg [dreg:$0x13]  }
0x106: {  	[tilespmem:s18], [sflag:$0x4] =	stream.indirect.gather [hbm4b:s4+s15], $0x80, s10, s15, $0xb8;
	[tilespmem:$0x1D000] =	vst v63  }
0x107: {  	_ =	swait.ge [sflag:s19], $0x4000  }
0x108: {  	[sflag:s19] =	ssyncset.done $0x0  }
0x109: {  	s10 =	rddreg [dreg:$0x14];
	[sflag:s19] =	ssyncadd.s32 $0xFFFFC000  }
0x10a: {  	[spmem:s2] =	stream.indirect.scatter.add.f32 [tilespmem:s16], [sflag:$0x5], $0x80, s10, s15, $0xb8;
	[tilespmem:$0x1D000] =	vst v63  }
0x10b: {  	_ =	swait.ge [sflag:s13], $0x4000  }
0x10c: {  	[sflag:s13] =	ssyncset.done $0x0  }
0x10d: {  	s10 =	rddreg [dreg:$0x15];
	[sflag:s13] =	ssyncadd.s32 $0xFFFFC000  }
0x10e: {  	[tilespmem:s16], [sflag:$0x3] =	stream.indirect.gather [hbm4b:s4+s15], $0x80, s10, s15, $0xb8;
	[tilespmem:$0x1D000] =	vst v63  }
0x10f: {  	_ =	swait.ge [sflag:s20], $0x4000  }
0x110: {  	[sflag:s20] =	ssyncset.done $0x0  }
0x111: {  	s10 =	rddreg [dreg:$0x16];
	[sflag:s20] =	ssyncadd.s32 $0xFFFFC000  }
0x112: {  	[spmem:s2] =	stream.indirect.scatter.add.f32 [tilespmem:s18], [sflag:$0x5], $0x80, s10, s15, $0xb8;
	[tilespmem:$0x1D000] =	vst v63  }
0x113: {  	_ =	swait.ge [sflag:s13], $0x4000  }
0x114: {  	[sflag:s13] =	ssyncset.done $0x0  }
0x115: {  	s10 =	rddreg [dreg:$0x17];
	[sflag:s13] =	ssyncadd.s32 $0xFFFFC000  }
0x116: {  	[tilespmem:s18], [sflag:$0x4] =	stream.indirect.gather [hbm4b:s4+s15], $0x80, s10, s15, $0xb8;
	[tilespmem:$0x1D000] =	vst v63  }
0x117: {  	_ =	swait.ge [sflag:s19], $0x4000  }
0x118: {  	[sflag:s19] =	ssyncset.done $0x0  }
0x119: {  	s10 =	rddreg [dreg:$0x18];
	[sflag:s19] =	ssyncadd.s32 $0xFFFFC000  }
0x11a: {  	[spmem:s2] =	stream.indirect.scatter.add.f32 [tilespmem:s16], [sflag:$0x5], $0x80, s10, s15, $0xb8;
	[tilespmem:$0x1D000] =	vst v63  }
0x11b: {  	_ =	swait.ge [sflag:s13], $0x4000  }
0x11c: {  	[sflag:s13] =	ssyncset.done $0x0  }
0x11d: {  	s10 =	rddreg [dreg:$0x19];
	[sflag:s13] =	ssyncadd.s32 $0xFFFFC000  }
0x11e: {  	[tilespmem:s16], [sflag:$0x3] =	stream.indirect.gather [hbm4b:s4+s15], $0x80, s10, s15, $0xb8;
	[tilespmem:$0x1D000] =	vst v63  }
0x11f: {  	_ =	swait.ge [sflag:s20], $0x4000  }
0x120: {  	[sflag:s20] =	ssyncset.done $0x0  }
0x121: {  	[sflag:s20] =	ssyncadd.s32 $0xFFFFC000  }
0x122: {  	[spmem:s2] =	stream.indirect.scatter.add.f32 [tilespmem:s18], [sflag:$0x5], $0x80, s22, s15, $0xb8;
	[tilespmem:$0x1D000] =	vst v63  }
0x123: {  	_ =	swait.ge [sflag:s13], $0x4000  }
0x124: {  	[sflag:s13] =	ssyncset.done $0x0  }
0x125: {  	[sflag:s13] =	ssyncadd.s32 $0xFFFFC000  }
0x126: {  	[tilespmem:s18], [sflag:$0x4] =	stream.indirect.gather [hbm4b:s4+s15], $0x80, s23, s15, $0xb8;
	[tilespmem:$0x1D000] =	vst v63  }
0x127: {  	_ =	swait.ge [sflag:s19], $0x4000  }
0x128: {  	[sflag:s19] =	ssyncset.done $0x0  }
0x129: {  	[sflag:s19] =	ssyncadd.s32 $0xFFFFC000  }
0x12a: {  	[spmem:s2] =	stream.indirect.scatter.add.f32 [tilespmem:s16], [sflag:$0x5], $0x80, s24, s15, $0xb8;
	[tilespmem:$0x1D000] =	vst v63  }
0x12b: {  	_ =	swait.ge [sflag:s13], $0x4000  }
0x12c: {  	[sflag:s13] =	ssyncset.done $0x0  }
0x12d: {  	[sflag:s13] =	ssyncadd.s32 $0xFFFFC000  }
0x12e: {  	[tilespmem:s16], [sflag:$0x3] =	stream.indirect.gather [hbm4b:s4+s15], $0x80, s25, s15, $0xb8;
	[tilespmem:$0x1D000] =	vst v63  }
0x12f: {  	_ =	swait.ge [sflag:s20], $0x4000  }
0x130: {  	[sflag:s20] =	ssyncset.done $0x0  }
0x131: {  	[sflag:s20] =	ssyncadd.s32 $0xFFFFC000  }
0x132: {  	[spmem:s2] =	stream.indirect.scatter.add.f32 [tilespmem:s18], [sflag:$0x5], $0x80, s26, s15, $0xb8;
	[tilespmem:$0x1D000] =	vst v63  }
0x133: {  	_ =	swait.ge [sflag:s13], $0x4000  }
0x134: {  	[sflag:s13] =	ssyncset.done $0x0  }
0x135: {  	[sflag:s13] =	ssyncadd.s32 $0xFFFFC000  }
0x136: {  	[tilespmem:s18], [sflag:$0x4] =	stream.indirect.gather [hbm4b:s4+s15], $0x80, s28, s15, $0xb8;
	[tilespmem:$0x1D000] =	vst v63  }
0x137: {  	_ =	swait.ge [sflag:s19], $0x4000  }
0x138: {  	[sflag:s19] =	ssyncset.done $0x0  }
0x139: {  	[sflag:s19] =	ssyncadd.s32 $0xFFFFC000  }
0x13a: {  	[spmem:s2] =	stream.indirect.scatter.add.f32 [tilespmem:s16], [sflag:$0x5], $0x80, s29, s15, $0xb8;
	[tilespmem:$0x1D000] =	vst v63  }
0x13b: {  	_ =	swait.ge [sflag:s13], $0x4000  }
0x13c: {  	[sflag:s13] =	ssyncset.done $0x0  }
0x13d: {  	[sflag:s13] =	ssyncadd.s32 $0xFFFFC000  }
0x13e: {  	_ =	swait.ge [sflag:s14], $0x800  }
0x13f: {  	[sflag:s14] =	ssyncset.done $0x0  }
0x140: {  	[sflag:s14] =	ssyncadd.s32 $0xFFFFF800  }
0x141: {  	[tilespmem:s16], [sflag:$0x3] =	stream.indirect.gather [hbm4b:s4+s15], $0x80, s3, s15, $0xb8;
	[tilespmem:$0x1D000] =	vst v63  }
0x142: {  	_ =	swait.ge [sflag:s20], $0x4000  }
0x143: {  	[sflag:s20] =	ssyncset.done $0x0  }
0x144: {  	p0 =	sne.s32 s0, $0x12;
	[sflag:s20] =	ssyncadd.s32 $0xFFFFC000  }
0x145: {  	[spmem:s2] =	stream.indirect.scatter.add.f32 [tilespmem:s18], [sflag:$0x5], $0x80, s30, s15, $0xb8;
	[tilespmem:$0x1D000] =	vst v63  }
.Ltmp0:
0x146: {  	s10 =	smin.u32 s1, $0x10;
	_ =	swait.ge [sflag:s13], $0x4000;
	(pc) =	sbr.rel @p0 .LBB2_2-.Ltmp0, $4  }
0x147: {  	s10 =	sshll.u32 s10, $0xB;
	s9 =	rddreg [dreg:$0x4]  }
0x148: {  	s6 =	smov.u32 s0;
	s0 =	sadd.s32 $0x2, s0;
	s10 =	sadd.s32 s10, s9  }
0x149: {  	s1 =	smov.u32 s6;
	[sflag:s13] =	ssyncset.done $0x0;
	s6 =	sshrl.u32 s10, $0x3  }
0x14a: {  	[sflag:s13] =	ssyncadd.s32 $0xFFFFC000;
	s9 =	rddreg [dreg:$0x5];
	s6 =	sadd.s32 s5, s6  }
0x14b: {  	[tilespmem:s17], [sflag:$0x2] =	stream.linear.gather [hbm4b:s6+s3], $0x800, $0x38;
	[tilespmem:$0x1D000] =	vst v63  }
0x14c: {  	_ = 	snop  }
0x14d: {  	[tilespmem:s18], [sflag:$0x4] =	stream.indirect.gather [hbm4b:s4+s15], $0x80, s9, s15, $0xb8;
	[tilespmem:$0x1D000] =	vst v63  }
0x14e: {  	_ =	swait.ge [sflag:s19], $0x4000  }
0x14f: {  	[sflag:s19] =	ssyncset.done $0x0  }
0x150: {  	[sflag:s19] =	ssyncadd.s32 $0xFFFFC000  }
0x151: {  	[spmem:s2] =	stream.indirect.scatter.add.f32 [tilespmem:s16], [sflag:$0x5], $0x80, s15, s15, $0xb8;
	[tilespmem:$0x1D000] =	vst v63  }
0x152: {  	_ =	swait.ge [sflag:s13], $0x4000  }
0x153: {  	[sflag:s13] =	ssyncset.done $0x0  }
0x154: {  	s0 =	rddreg [dreg:$0x6];
	[sflag:s13] =	ssyncadd.s32 $0xFFFFC000  }
0x155: {  	[tilespmem:s16], [sflag:$0x3] =	stream.indirect.gather [hbm4b:s4+s15], $0x80, s0, s15, $0xb8;
	[tilespmem:$0x1D000] =	vst v63  }
0x156: {  	_ =	swait.ge [sflag:s20], $0x4000  }
0x157: {  	[sflag:s20] =	ssyncset.done $0x0  }
0x158: {  	s10 =	rddreg [dreg:$0x7];
	[sflag:s20] =	ssyncadd.s32 $0xFFFFC000  }
0x159: {  	[spmem:s2] =	stream.indirect.scatter.add.f32 [tilespmem:s18], [sflag:$0x5], $0x80, s10, s15, $0xb8;
	[tilespmem:$0x1D000] =	vst v63  }
0x15a: {  	_ =	swait.ge [sflag:s13], $0x4000  }
0x15b: {  	[sflag:s13] =	ssyncset.done $0x0  }
0x15c: {  	s6 =	rddreg [dreg:$0x8];
	[sflag:s13] =	ssyncadd.s32 $0xFFFFC000  }
0x15d: {  	[tilespmem:s18], [sflag:$0x4] =	stream.indirect.gather [hbm4b:s4+s15], $0x80, s6, s15, $0xb8;
	[tilespmem:$0x1D000] =	vst v63  }
0x15e: {  	_ =	swait.ge [sflag:s19], $0x4000  }
0x15f: {  	[sflag:s19] =	ssyncset.done $0x0  }
0x160: {  	s9 =	rddreg [dreg:$0x9];
	[sflag:s19] =	ssyncadd.s32 $0xFFFFC000  }
0x161: {  	[spmem:s2] =	stream.indirect.scatter.add.f32 [tilespmem:s16], [sflag:$0x5], $0x80, s9, s15, $0xb8;
	[tilespmem:$0x1D000] =	vst v63  }
0x162: {  	_ =	swait.ge [sflag:s13], $0x4000  }
0x163: {  	[sflag:s13] =	ssyncset.done $0x0  }
0x164: {  	s10 =	rddreg [dreg:$0xa];
	[sflag:s13] =	ssyncadd.s32 $0xFFFFC000  }
0x165: {  	[tilespmem:s16], [sflag:$0x3] =	stream.indirect.gather [hbm4b:s4+s15], $0x80, s10, s15, $0xb8;
	[tilespmem:$0x1D000] =	vst v63  }
0x166: {  	_ =	swait.ge [sflag:s20], $0x4000  }
0x167: {  	[sflag:s20] =	ssyncset.done $0x0  }
0x168: {  	s6 =	rddreg [dreg:$0xb];
	[sflag:s20] =	ssyncadd.s32 $0xFFFFC000  }
0x169: {  	[spmem:s2] =	stream.indirect.scatter.add.f32 [tilespmem:s18], [sflag:$0x5], $0x80, s6, s15, $0xb8;
	[tilespmem:$0x1D000] =	vst v63  }
0x16a: {  	_ =	swait.ge [sflag:s13], $0x4000  }
0x16b: {  	[sflag:s13] =	ssyncset.done $0x0  }
0x16c: {  	s9 =	rddreg [dreg:$0xc];
	[sflag:s13] =	ssyncadd.s32 $0xFFFFC000  }
0x16d: {  	[tilespmem:s18], [sflag:$0x4] =	stream.indirect.gather [hbm4b:s4+s15], $0x80, s9, s15, $0xb8;
	[tilespmem:$0x1D000] =	vst v63  }
0x16e: {  	_ =	swait.ge [sflag:s19], $0x4000  }
0x16f: {  	[sflag:s19] =	ssyncset.done $0x0  }
0x170: {  	s10 =	rddreg [dreg:$0xd];
	[sflag:s19] =	ssyncadd.s32 $0xFFFFC000  }
0x171: {  	[spmem:s2] =	stream.indirect.scatter.add.f32 [tilespmem:s16], [sflag:$0x5], $0x80, s10, s15, $0xb8;
	[tilespmem:$0x1D000] =	vst v63  }
0x172: {  	_ =	swait.ge [sflag:s13], $0x4000  }
0x173: {  	[sflag:s13] =	ssyncset.done $0x0  }
0x174: {  	s6 =	rddreg [dreg:$0xe];
	[sflag:s13] =	ssyncadd.s32 $0xFFFFC000  }
0x175: {  	[tilespmem:s16], [sflag:$0x3] =	stream.indirect.gather [hbm4b:s4+s15], $0x80, s6, s15, $0xb8;
	[tilespmem:$0x1D000] =	vst v63  }
0x176: {  	_ =	swait.ge [sflag:s20], $0x4000  }
0x177: {  	[sflag:s20] =	ssyncset.done $0x0  }
0x178: {  	s9 =	rddreg [dreg:$0xf];
	[sflag:s20] =	ssyncadd.s32 $0xFFFFC000  }
0x179: {  	[spmem:s2] =	stream.indirect.scatter.add.f32 [tilespmem:s18], [sflag:$0x5], $0x80, s9, s15, $0xb8;
	[tilespmem:$0x1D000] =	vst v63  }
0x17a: {  	_ =	swait.ge [sflag:s13], $0x4000  }
0x17b: {  	[sflag:s13] =	ssyncset.done $0x0  }
0x17c: {  	s10 =	rddreg [dreg:$0x10];
	[sflag:s13] =	ssyncadd.s32 $0xFFFFC000  }
0x17d: {  	[tilespmem:s18], [sflag:$0x4] =	stream.indirect.gather [hbm4b:s4+s15], $0x80, s10, s15, $0xb8;
	[tilespmem:$0x1D000] =	vst v63  }
0x17e: {  	_ =	swait.ge [sflag:s19], $0x4000  }
0x17f: {  	[sflag:s19] =	ssyncset.done $0x0  }
0x180: {  	s6 =	rddreg [dreg:$0x11];
	[sflag:s19] =	ssyncadd.s32 $0xFFFFC000  }
0x181: {  	[spmem:s2] =	stream.indirect.scatter.add.f32 [tilespmem:s16], [sflag:$0x5], $0x80, s6, s15, $0xb8;
	[tilespmem:$0x1D000] =	vst v63  }
0x182: {  	_ =	swait.ge [sflag:s13], $0x4000  }
0x183: {  	[sflag:s13] =	ssyncset.done $0x0  }
0x184: {  	[sflag:s13] =	ssyncadd.s32 $0xFFFFC000  }
0x185: {  	_ =	swait.ge [sflag:s21], $0x800  }
0x186: {  	[sflag:s21] =	ssyncset.done $0x0  }
0x187: {  	[sflag:s21] =	ssyncadd.s32 $0xFFFFF800  }
0x188: {  	[tilespmem:s16], [sflag:$0x3] =	stream.indirect.gather [hbm4b:s4+s15], $0x80, s17, s15, $0xb8;
	[tilespmem:$0x1D000] =	vst v63  }
0x189: {  	_ =	swait.ge [sflag:s20], $0x4000  }
0x18a: {  	[sflag:s20] =	ssyncset.done $0x0  }
0x18b: {  	s9 =	rddreg [dreg:$0x12];
	[sflag:s20] =	ssyncadd.s32 $0xFFFFC000  }
0x18c: {  	[spmem:s2] =	stream.indirect.scatter.add.f32 [tilespmem:s18], [sflag:$0x5], $0x80, s9, s15, $0xb8;
	[tilespmem:$0x1D000] =	vst v63  }
0x18d: {  	s9 =	smin.u32 s1, $0x11;
	_ =	swait.ge [sflag:s13], $0x4000  }
0x18e: {  	s6 =	sshll.u32 s9, $0xB;
	s10 =	rddreg [dreg:$0x3]  }
0x18f: {  	s0 =	sadd.s32 s6, s10  }
0x190: {  	[sflag:s13] =	ssyncset.done $0x0;
	s0 =	sshrl.u32 s0, $0x3  }
0x191: {  	[sflag:s13] =	ssyncadd.s32 $0xFFFFC000;
	s0 =	sadd.s32 s5, s0  }
0x192: {  	[tilespmem:s3], [sflag:$0x1] =	stream.linear.gather [hbm4b:s0+s3], $0x800, $0x38;
	[tilespmem:$0x1D000] =	vst v63  }
0x193: {  	s10 =	rddreg [dreg:$0x13]  }
0x194: {  	[tilespmem:s18], [sflag:$0x4] =	stream.indirect.gather [hbm4b:s4+s15], $0x80, s10, s15, $0xb8;
	[tilespmem:$0x1D000] =	vst v63  }
0x195: {  	_ =	swait.ge [sflag:s19], $0x4000  }
0x196: {  	[sflag:s19] =	ssyncset.done $0x0  }
0x197: {  	s6 =	rddreg [dreg:$0x14];
	[sflag:s19] =	ssyncadd.s32 $0xFFFFC000  }
0x198: {  	[spmem:s2] =	stream.indirect.scatter.add.f32 [tilespmem:s16], [sflag:$0x5], $0x80, s6, s15, $0xb8;
	[tilespmem:$0x1D000] =	vst v63  }
0x199: {  	_ =	swait.ge [sflag:s13], $0x4000  }
0x19a: {  	[sflag:s13] =	ssyncset.done $0x0  }
0x19b: {  	s9 =	rddreg [dreg:$0x15];
	[sflag:s13] =	ssyncadd.s32 $0xFFFFC000  }
0x19c: {  	[tilespmem:s16], [sflag:$0x3] =	stream.indirect.gather [hbm4b:s4+s15], $0x80, s9, s15, $0xb8;
	[tilespmem:$0x1D000] =	vst v63  }
0x19d: {  	_ =	swait.ge [sflag:s20], $0x4000  }
0x19e: {  	[sflag:s20] =	ssyncset.done $0x0  }
0x19f: {  	s10 =	rddreg [dreg:$0x16];
	[sflag:s20] =	ssyncadd.s32 $0xFFFFC000  }
0x1a0: {  	[spmem:s2] =	stream.indirect.scatter.add.f32 [tilespmem:s18], [sflag:$0x5], $0x80, s10, s15, $0xb8;
	[tilespmem:$0x1D000] =	vst v63  }
0x1a1: {  	_ =	swait.ge [sflag:s13], $0x4000  }
0x1a2: {  	[sflag:s13] =	ssyncset.done $0x0  }
0x1a3: {  	s6 =	rddreg [dreg:$0x17];
	[sflag:s13] =	ssyncadd.s32 $0xFFFFC000  }
0x1a4: {  	[tilespmem:s18], [sflag:$0x4] =	stream.indirect.gather [hbm4b:s4+s15], $0x80, s6, s15, $0xb8;
	[tilespmem:$0x1D000] =	vst v63  }
0x1a5: {  	_ =	swait.ge [sflag:s19], $0x4000  }
0x1a6: {  	[sflag:s19] =	ssyncset.done $0x0  }
0x1a7: {  	s9 =	rddreg [dreg:$0x18];
	[sflag:s19] =	ssyncadd.s32 $0xFFFFC000  }
0x1a8: {  	[spmem:s2] =	stream.indirect.scatter.add.f32 [tilespmem:s16], [sflag:$0x5], $0x80, s9, s15, $0xb8;
	[tilespmem:$0x1D000] =	vst v63  }
0x1a9: {  	_ =	swait.ge [sflag:s13], $0x4000  }
0x1aa: {  	[sflag:s13] =	ssyncset.done $0x0  }
0x1ab: {  	s10 =	rddreg [dreg:$0x19];
	[sflag:s13] =	ssyncadd.s32 $0xFFFFC000  }
0x1ac: {  	[tilespmem:s16], [sflag:$0x3] =	stream.indirect.gather [hbm4b:s4+s15], $0x80, s10, s15, $0xb8;
	[tilespmem:$0x1D000] =	vst v63  }
0x1ad: {  	_ =	swait.ge [sflag:s20], $0x4000  }
0x1ae: {  	[sflag:s20] =	ssyncset.done $0x0  }
0x1af: {  	[sflag:s20] =	ssyncadd.s32 $0xFFFFC000  }
0x1b0: {  	[spmem:s2] =	stream.indirect.scatter.add.f32 [tilespmem:s18], [sflag:$0x5], $0x80, s22, s15, $0xb8;
	[tilespmem:$0x1D000] =	vst v63  }
0x1b1: {  	_ =	swait.ge [sflag:s13], $0x4000  }
0x1b2: {  	[sflag:s13] =	ssyncset.done $0x0  }
0x1b3: {  	[sflag:s13] =	ssyncadd.s32 $0xFFFFC000  }
0x1b4: {  	[tilespmem:s18], [sflag:$0x4] =	stream.indirect.gather [hbm4b:s4+s15], $0x80, s23, s15, $0xb8;
	[tilespmem:$0x1D000] =	vst v63  }
0x1b5: {  	_ =	swait.ge [sflag:s19], $0x4000  }
0x1b6: {  	[sflag:s19] =	ssyncset.done $0x0  }
0x1b7: {  	[sflag:s19] =	ssyncadd.s32 $0xFFFFC000  }
0x1b8: {  	[spmem:s2] =	stream.indirect.scatter.add.f32 [tilespmem:s16], [sflag:$0x5], $0x80, s24, s15, $0xb8;
	[tilespmem:$0x1D000] =	vst v63  }
0x1b9: {  	_ =	swait.ge [sflag:s13], $0x4000  }
0x1ba: {  	[sflag:s13] =	ssyncset.done $0x0  }
0x1bb: {  	[sflag:s13] =	ssyncadd.s32 $0xFFFFC000  }
0x1bc: {  	[tilespmem:s16], [sflag:$0x3] =	stream.indirect.gather [hbm4b:s4+s15], $0x80, s25, s15, $0xb8;
	[tilespmem:$0x1D000] =	vst v63  }
0x1bd: {  	_ =	swait.ge [sflag:s20], $0x4000  }
0x1be: {  	[sflag:s20] =	ssyncset.done $0x0  }
0x1bf: {  	[sflag:s20] =	ssyncadd.s32 $0xFFFFC000  }
0x1c0: {  	[spmem:s2] =	stream.indirect.scatter.add.f32 [tilespmem:s18], [sflag:$0x5], $0x80, s26, s15, $0xb8;
	[tilespmem:$0x1D000] =	vst v63  }
0x1c1: {  	_ =	swait.ge [sflag:s13], $0x4000  }
0x1c2: {  	[sflag:s13] =	ssyncset.done $0x0  }
0x1c3: {  	[sflag:s13] =	ssyncadd.s32 $0xFFFFC000  }
0x1c4: {  	[tilespmem:s18], [sflag:$0x4] =	stream.indirect.gather [hbm4b:s4+s15], $0x80, s28, s15, $0xb8;
	[tilespmem:$0x1D000] =	vst v63  }
0x1c5: {  	_ =	swait.ge [sflag:s19], $0x4000  }
0x1c6: {  	[sflag:s19] =	ssyncset.done $0x0  }
0x1c7: {  	[sflag:s19] =	ssyncadd.s32 $0xFFFFC000  }
0x1c8: {  	[spmem:s2] =	stream.indirect.scatter.add.f32 [tilespmem:s16], [sflag:$0x5], $0x80, s29, s15, $0xb8;
	[tilespmem:$0x1D000] =	vst v63  }
0x1c9: {  	_ =	swait.ge [sflag:s13], $0x4000  }
0x1ca: {  	[sflag:s13] =	ssyncset.done $0x0  }
0x1cb: {  	[sflag:s13] =	ssyncadd.s32 $0xFFFFC000  }
0x1cc: {  	_ =	swait.ge [sflag:s14], $0x800  }
0x1cd: {  	[sflag:s14] =	ssyncset.done $0x0  }
0x1ce: {  	[sflag:s14] =	ssyncadd.s32 $0xFFFFF800  }
0x1cf: {  	[tilespmem:s16], [sflag:$0x3] =	stream.indirect.gather [hbm4b:s4+s15], $0x80, s3, s15, $0xb8;
	[tilespmem:$0x1D000] =	vst v63  }
0x1d0: {  	_ =	swait.ge [sflag:s20], $0x4000  }
0x1d1: {  	[sflag:s20] =	ssyncset.done $0x0  }
0x1d2: {  	[sflag:s20] =	ssyncadd.s32 $0xFFFFC000  }
0x1d3: {  	[spmem:s2] =	stream.indirect.scatter.add.f32 [tilespmem:s18], [sflag:$0x5], $0x80, s30, s15, $0xb8;
	[tilespmem:$0x1D000] =	vst v63  }
0x1d4: {  	s9 =	smin.u32 s1, $0x10;
	_ =	swait.ge [sflag:s13], $0x4000  }
0x1d5: {  	s1 =	sshll.u32 s9, $0xB;
	s6 =	rddreg [dreg:$0x4]  }
0x1d6: {  	s0 =	sadd.s32 s1, s6  }
0x1d7: {  	[sflag:s13] =	ssyncset.done $0x0;
	s0 =	sshrl.u32 s0, $0x3  }
0x1d8: {  	[sflag:s13] =	ssyncadd.s32 $0xFFFFC000;
	s0 =	sadd.s32 s5, s0  }
0x1d9: {  	[tilespmem:s17], [sflag:$0x2] =	stream.linear.gather [hbm4b:s0+s3], $0x800, $0x38;
	[tilespmem:$0x1D000] =	vst v63  }
0x1da: {  	_ =	swait.ge [sflag:s19], $0x4000  }
0x1db: {  	[sflag:s19] =	ssyncset.done $0x0  }
0x1dc: {  	[sflag:s19] =	ssyncadd.s32 $0xFFFFC000  }
0x1dd: {  	_ =	swait.ge [sflag:s21], $0x800  }
0x1de: {  	[sflag:s21] =	ssyncset.done $0x0  }
0x1df: {  	s31 =	sadd.s32 $0x1, s31;
	[sflag:s21] =	ssyncadd.s32 $0xFFFFF800  }
0x1e0: {  	p0 =	sne.s32 s31, s11;
	[bflag:$0x0] =	sbarrier.arrive $0xFFFF  }
.Ltmp1:
0x1e1: {  	s10 =	rddreg [dreg:$0x1c];
	(pc) =	sbr.rel @p0 .LBB2_1-.Ltmp1, $4  }
0x1e2: {  	[hbm:s10], [sflag:s8] =	dma.local [spmem:s12], $0x2800  }
0x1e3: {  	_ =	swait.ge [sflag:s13], $0x2800  }
0x1e4: {  	[sflag:s13] =	ssyncset.done $0x0  }
0x1e5: {  	[sflag:s13] =	ssyncadd.s32 $0xFFFFD800  }
0x1e6: {  	_ =	sfence.sel $0x180000  }
0x1e7: {  	[bflag:$0x0] =	sbarrier.arrive $0xFFFF  }
0x1e8: {  	_ =	strace $0x9000004A  }
0x1e9: {  	s0 =	stileid.u32;
	[bflag:$0x2] =	sbarrier.arrive $0xFFFF  }
0x1ea: {  	p0 =	sne.s32 s0, $0x0;
	s0 =	rddreg [dreg:$0x2]  }
0x1eb: {  	s0 =	sadd.s32 @!p0 $0x100000, s0  }
0x1ec: {  	[sflag:s0] =	ssyncadd.tile.s32 @!p0 $0x1;
	_ =	shalt  }
.Lfunc_end2:
_tile_overlayer_lowered:
.L_overlay_start_2:
0x1ed: {  	(tag) =	ssettag $0x2  }
0x1ee: {  	s0 =	rddreg [dreg:$0x0];
	s2 =	stileid.u32  }
0x1ef: {  	s1 =	rddreg [dreg:$0x1];
	p0 =	sne.s32 s2, $0x0  }
0x1f0: {  	s3 =	rddreg [dreg:$0x2];
	[bflag:$0x3] =	sbarrier.arrive $0xFFFF;
	s2 =	simm.s32 @!p0 $0x1C05  }
0x1f1: {  	[timem:s3], [sflag:s2] =	dma.local @!p0 [hbm:s0], s1  }
0x1f2: {  	s0 =	simm.s32 @!p0 $0x5  }
0x1f3: {  	_ =	swait.ge @!p0 [sflag:s0], s1  }
0x1f4: {  	s1 =	ssub.s32 @!p0 $0x0, s1;
	[sflag:s0] =	ssyncset.done @!p0 $0x0  }
0x1f5: {  	[sflag:s0] =	ssyncadd.s32 @!p0 s1  }
0x1f6: {  	[bflag:$0x3] =	sbarrier.arrive $0xFFFF  }
0x1f7: {  	_ =	shalt  }

// kernel: kernel.15.cloned.1.call-start
scs
__scs_entry_jumppad:
0x0: {  	(pc) =	sbr.rel $0x88, $3  }
0x1: {  	(tag) =	ssettag $0x0;
	lr =	simm.s32 $0x1  }
0x2: {  	[smem:$0x3F8B] =	sst lr;
	_ =	strace $0xD0000000  }
0x3: {  	_ = 	snop  }
0x4: {  	_ = 	snop  }
0x5: {  	_ = 	snop  }
0x6: {  	_ = 	snop  }
0x7: {  	_ = 	snop  }
__scs_overlays_trampoline_lowered:
0x8: {  	[smem:$0x3F9A] =	sst s0  }
0x9: {  	[smem:$0x3F9B] =	sst s1  }
0xa: {  	[smem:$0x3F9C] =	sst s2  }
0xb: {  	[smem:$0x3F9D] =	sst s3  }
0xc: {  	[smem:$0x3F9E] =	sst s4  }
0xd: {  	[smem:$0x3F9F] =	sst s5  }
0xe: {  	[smem:$0x3FA0] =	sst s6  }
0xf: {  	[smem:$0x3FA1] =	sst s7  }
0x10: {  	[smem:$0x3FA2] =	sst s8  }
0x11: {  	[smem:$0x3FA3] =	sst s9;
	s0 =	simm.s32 @!p0 $0x0  }
0x12: {  	s1 =	sld [smem:$0x3F89];
	s0 =	simm.s32 @p0 $0x1  }
0x13: {  	[smem:$0x3FA4] =	sst s0;
	s0 =	simm.s32 @!p1 $0x0  }
0x14: {  	s2 =	sld [smem:$0x3F88];
	s0 =	simm.s32 @p1 $0x1  }
0x15: {  	[smem:$0x3FA5] =	sst s0;
	s0 =	simm.s32 @!p2 $0x0  }
0x16: {  	s3 =	sld [smem:$0x3FDB];
	s0 =	simm.s32 @p2 $0x1  }
0x17: {  	s4 =	simm.s32 $0x1BF5;
	[smem:$0x3FA7] =	sst s0  }
0x18: {  	s0 =	sld [smem:$0x3F8A];
	_ =	swait.ge [sflag:s4], $0x0  }
0x19: {  	s7 =	sld [smem:$0x3F8B]  }
0x1a: {  	s8 =	sadd.s32 $0xFFFFE003, lr  }
0x1b: {  	s9 =	sadd.s32 $0xFFFFFEF7, lr;
	s5 =	simm.s32 $0xFFFFFFFF;
	p2 =	slt.u32 s8, $0xFFFFF086  }
0x1c: {  	p1 =	slt.u32 s9, $0xF7A;
	s5 =	simm.s32 @!p2 $0x0  }
0x1d: {  	s5 =	simm.s32 @p1 $0x1;
	p0 =	seq.s32 s7, s2  }
0x1e: {  	s7 =	smul.u32 @!p0 $0xF7A, s2;
	p2 =	seq.s32 @!p0 s5, $0x0  }
0x1f: {  	s9 =	smul.u32 $0xF7A, s1;
	s8 =	simm.s32 @!p0 $0x1BF5;
	p2 =	por !p2, p0  }
0x20: {  	[sflag:s8] =	ssyncset.s32 @!p0 $0xFFFFF086;
	s6 =	sadd.s32 @!p0 s3, s7;
	s7 =	simm.s32 @!p0 $0x108  }
0x21: {  	s3 =	sadd.s32 s3, s9;
	s6 =	sadd.s32 @!p0 $0x88, s6;
	s7 =	simm.s32 @p2 $0x1082  }
0x22: {  	[simem:s7], [sflag:s8] =	dma.local @!p0 [hbm:s6], $0xF7A  }
0x23: {  	s9 =	sor.u32 $0xD0000000, s2;
	s6 =	simm.s32 $0x108;
	_ =	swait.ge @!p0 [sflag:s8], $0x0  }
0x24: {  	s3 =	sadd.s32 $0x88, s3;
	s6 =	simm.s32 @!p1 $0x1082;
	[sflag:s4] =	ssyncset.s32 $0xFFFFF086  }
0x25: {  	[simem:s6], [sflag:s4] =	dma.local [hbm:s3], $0xF7A  }
0x26: {  	[smem:$0x3F8B] =	sst s1;
	(tag) =	ssettag s2;
	_ =	strace s9  }
0x27: {  	s1 =	sld [smem:$0x3F9B]  }
0x28: {  	s2 =	sld [smem:$0x3F9C]  }
0x29: {  	s4 =	sld [smem:$0x3F9E]  }
0x2a: {  	p0 =	seq.s32 s5, $0x0;
	s5 =	sld [smem:$0x3F9F]  }
0x2b: {  	s6 =	sld [smem:$0x3FA0]  }
0x2c: {  	s7 =	sld [smem:$0x3FA1]  }
0x2d: {  	s3 =	simm.s32 $0x108;
	s8 =	sld [smem:$0x3FA2]  }
0x2e: {  	s3 =	simm.s32 @!p0 $0x1082;
	s9 =	sld [smem:$0x3FA3]  }
0x2f: {  	lr =	sadd.s32 s0, s3;
	s0 =	sld [smem:$0x3F9A]  }
0x30: {  	s3 =	sld [smem:$0x3F9D]  }
0x31: {  	[smem:$0x3FA6] =	sst s10  }
0x32: {  	s10 =	sld [smem:$0x3FA4];
	_ =	sdelay $0x3  }
0x33: {  	p0 =	seq.s32 s10, $0x1;
	s10 =	sld [smem:$0x3FA6];
	_ =	sdelay $0x3  }
0x34: {  	[smem:$0x3FA6] =	sst s10  }
0x35: {  	s10 =	sld [smem:$0x3FA5];
	_ =	sdelay $0x3  }
0x36: {  	p1 =	seq.s32 s10, $0x1;
	s10 =	sld [smem:$0x3FA6];
	_ =	sdelay $0x3  }
0x37: {  	[smem:$0x3FA6] =	sst s10  }
0x38: {  	s10 =	sld [smem:$0x3FA7]  }
0x39: {  	_ = 	snop;
	(pc) =	sbr.ind lr, $3  }
0x3a: {  	_ = 	snop  }
0x3b: {  	_ = 	snop  }
0x3c: {  	p2 =	seq.s32 s10, $0x1;
	s10 =	sld [smem:$0x3FA6]  }
0x3d: {  	_ =	shalt  }
0x3e: {  	_ =	shalt  }
0x3f: {  	_ =	shalt  }
0x40: {  	_ =	shalt  }
0x41: {  	_ =	shalt  }
0x42: {  	_ =	shalt  }
0x43: {  	_ =	shalt  }
0x44: {  	_ =	shalt  }
0x45: {  	_ =	shalt  }
0x46: {  	_ =	shalt  }
0x47: {  	_ =	shalt  }
0x48: {  	_ =	shalt  }
0x49: {  	_ =	shalt  }
0x4a: {  	_ =	shalt  }
0x4b: {  	_ =	shalt  }
0x4c: {  	_ =	shalt  }
0x4d: {  	_ =	shalt  }
0x4e: {  	_ =	shalt  }
0x4f: {  	_ =	shalt  }
0x50: {  	_ =	shalt  }
0x51: {  	_ =	shalt  }
0x52: {  	_ =	shalt  }
0x53: {  	_ =	shalt  }
0x54: {  	_ =	shalt  }
0x55: {  	_ =	shalt  }
0x56: {  	_ =	shalt  }
0x57: {  	_ =	shalt  }
0x58: {  	_ =	shalt  }
0x59: {  	_ =	shalt  }
0x5a: {  	_ =	shalt  }
0x5b: {  	_ =	shalt  }
0x5c: {  	_ =	shalt  }
0x5d: {  	_ =	shalt  }
0x5e: {  	_ =	shalt  }
0x5f: {  	_ =	shalt  }
0x60: {  	_ =	shalt  }
0x61: {  	_ =	shalt  }
0x62: {  	_ =	shalt  }
0x63: {  	_ =	shalt  }
0x64: {  	_ =	shalt  }
0x65: {  	_ =	shalt  }
0x66: {  	_ =	shalt  }
0x67: {  	_ =	shalt  }
0x68: {  	_ =	shalt  }
0x69: {  	_ =	shalt  }
0x6a: {  	_ =	shalt  }
0x6b: {  	_ =	shalt  }
0x6c: {  	_ =	shalt  }
0x6d: {  	_ =	shalt  }
0x6e: {  	_ =	shalt  }
0x6f: {  	_ =	shalt  }
0x70: {  	_ =	shalt  }
0x71: {  	_ =	shalt  }
0x72: {  	_ =	shalt  }
0x73: {  	_ =	shalt  }
0x74: {  	_ =	shalt  }
0x75: {  	_ =	shalt  }
0x76: {  	_ =	shalt  }
0x77: {  	_ =	shalt  }
0x78: {  	_ =	shalt  }
0x79: {  	_ =	shalt  }
0x7a: {  	_ =	shalt  }
0x7b: {  	_ =	shalt  }
0x7c: {  	_ =	shalt  }
0x7d: {  	_ =	shalt  }
0x7e: {  	_ =	shalt  }
0x7f: {  	_ =	shalt  }
0x80: {  	_ =	shalt  }
0x81: {  	_ =	shalt  }
0x82: {  	_ =	shalt  }
0x83: {  	_ =	shalt  }
0x84: {  	_ =	shalt  }
0x85: {  	_ =	shalt  }
0x86: {  	_ =	shalt  }
0x87: {  	_ =	shalt  }
.Lfunc_end0:
.L_simem_size_0:
called_computation.2_lowered:
.L_overlay_start_0:
0x88: {  	s2 =	sld [smem:$0x3FD9]  }
0x89: {  	s3 =	sld [smem:$0x3FFE];
	_ =	sdelay $0x1  }
0x8a: {  	s1 =	srdreg.scid  }
0x8b: {  	s0 =	sand.u32 $0x1, s1  }
0x8c: {  	s16 =	sshll.u32 s0, $0xA;
	s2 =	sadd.s32 s3, s2  }
0x8d: {  	s2 =	sadd.s32 s2, s16  }
0x8e: {  	[smem:$0x3FB2] =	sst s2  }
0x8f: {  	_ = 	snop  }
0x90: {  	(tm) =	ssettm $0x1  }
0x91: {  	s17 =	sld [smem:$0x3FFB];
	_ =	sdelay $0x3  }
0x92: {  	_ =	strace s17  }
0x93: {  	s2 =	sld [smem:$0x3FFC];
	_ =	sdelay $0x3  }
0x94: {  	_ =	strace s2  }
0x95: {  	s2 =	sld [smem:$0x3FFD];
	_ =	sdelay $0x3  }
0x96: {  	_ =	strace s2  }
0x97: {  	_ =	strace $0x8FFFFFFF  }
0x98: {  	s18 =	sld [smem:$0x3FDB];
	_ =	sdelay $0x1  }
0x99: {  	s19 =	simm.s32 $_scs_section_size  }
0x9a: {  	s4 =	simm.s32 $_size__tile_overlayer_lowered;
	s5 =	simm.s32 $_tile_overlayer_lowered  }
0x9b: {  	s22 =	simm.s32 $0x1BFF;
	s21 =	sshll.u32 s5, $0x1;
	s2 =	sadd.s32 s19, s18  }
0x9c: {  	s6 =	simm.s32 $0x0;
	s20 =	sshll.u32 s4, $0x1;
	s4 =	sadd.s32 s21, s2  }
0x9d: {  	[timem:s6], [sflag:s22] =	dma.local [hbm:s4], s20  }
0x9e: {  	_ =	swait.ge [sflag:s22], s20  }
0x9f: {  	s3 =	ssub.s32 $0x0, s20;
	[sflag:s22] =	ssyncset.done $0x0  }
0xa0: {  	[sflag:s22] =	ssyncadd.s32 s3;
	_ =	sdelay $0x1  }
0xa1: {  	s23 =	simm.s32 $0x1B8B  }
0xa2: {  	_ =	swait.ge [sflag:s23], $0x1  }
0xa3: {  	[sflag:s23] =	ssyncset.done $0x0  }
0xa4: {  	s25 =	simm.s32 $0x1B8E;
	s24 =	sld [smem:$0x3FFE];
	[sflag:s23] =	ssyncadd.s32 $0xFFFFFFFF  }
0xa5: {  	s26 =	simm.s32 $execute0_lowered;
	[smem:$0x3FD2] =	sst s25  }
0xa6: {  	s4 =	sshll.u32 s26, $0x1;
	_ =	strace $0x8000004C;
	[dreg:$0x1] =	wrdreg $0xFFFFFFFF  }
0xa7: {  	s28 =	simm.s32 $_size_execute0_lowered;
	s2 =	sadd.s32 s2, s4;
	[dreg:$0x0] =	wrdreg $0x0  }
0xa8: {  	s4 =	sshll.u32 s28, $0x1;
	[dreg:$0x2] =	wrdreg s2  }
0xa9: {  	[dreg:$0x3] =	wrdreg s4  }
0xaa: {  	[dreg:$0x4] =	wrdreg $0xC0  }
0xab: {  	_ =	task [dreg:s6], $0x5FFFF  }
0xac: {  	[dreg:$0x1] =	wrdreg $0xFFFFFFFF  }
0xad: {  	[dreg:$0x0] =	wrdreg $0x60  }
0xae: {  	[dreg:$0x2] =	wrdreg s24  }
0xaf: {  	[dreg:$0x3] =	wrdreg $0x90000  }
0xb0: {  	[dreg:$0x4] =	wrdreg $0x9  }
0xb1: {  	_ =	task.clear_ibuf [dreg:s6], $0x5FFFF;
	_ =	strace $0x9000004C  }
0xb2: {  	s29 =	simm.s32 $0x9;
	_ =	strace $0x8000004E  }
0xb3: {  	_ =	swait.ge [sflag:s29], $0x1  }
0xb4: {  	[sflag:s29] =	ssyncadd.s32 $0xFFFFFFFF  }
0xb5: {  	_ =	strace $0x9000004E  }
0xb6: {  	_ =	sfence  }
0xb7: {  	s30 =	sld [smem:$0x0];
	_ =	sdelay $0x2  }
0xb8: {  	s31 =	sshll.u32 s1, $0xD;
	s1 =	sshrl.u32 s1, $0x2  }
0xb9: {  	s3 =	sand.u32 $0x4000, s31;
	s1 =	sadd.s32 s1, s30  }
0xba: {  	s0 =	sor.u32 s3, s0;
	s1 =	sshll.u32 s1, $0x11  }
0xbb: {  	s0 =	sor.u32 s1, s0  }
0xbc: {  	s0 =	sadd.s32 $0x8F2B, s0  }
0xbd: {  	[sflag:s0] =	ssyncadd.remote.s32 $0x1  }
0xbe: {  	_ =	sfence.sel $0xFFFF  }
0xbf: {  	[dreg:$0x0] =	wrdreg $0xFFFFFFFF;
	(pc) =	sbr.abs _section_cstart, $3  }
0xc0: {  	[dreg:$0x1] =	wrdreg $0xFFFFFFFF  }
0xc1: {  	_ =	task.clear_ibuf [dreg:s6], $0x2FFFF;
	_ =	strace $0x9FFFFFFF  }
0xc2: {  	(tm) =	ssettm $0x7FFFFFFF  }
0xc3: {  	_ =	shalt  }
tec
execute0_lowered:
.L_overlay_start_1:
0x0: {  	(tag) =	ssettag $0x1  }
0x1: {  	s0 =	srdreg.scid;
	s1 =	rddreg [dreg:$0x0]  }
0x2: {  	s10 =	stileid.u32;
	s2 =	rddreg [dreg:$0x1]  }
0x3: {  	s3 =	simm.s32 $0x0;
	s17 =	simm.s32 $0x100;
	s19 =	simm.s32 $0x200  }
0x4: {  	s20 =	simm.s32 $0x180;
	[smem:$0x7FF] =	sst s3;
	s14 =	sadd.s32 $0x7D200, s1  }
0x5: {  	s21 =	simm.s32 $0x300;
	_ =	strace $0x8000004D;
	[dreg:$0x1a] =	wrdreg s14  }
0x6: {  	s23 =	simm.s32 $0x280;
	s24 =	simm.s32 $0x400;
	[dreg:$0x5] =	wrdreg s17  }
0x7: {  	s25 =	simm.s32 $0x380;
	s11 =	simm.s32 $0x500;
	[dreg:$0x6] =	wrdreg s19  }
0x8: {  	s28 =	simm.s32 $0xF00;
	s29 =	simm.s32 $0xE80;
	[dreg:$0x7] =	wrdreg s20  }
0x9: {  	s30 =	simm.s32 $0xF80;
	s31 =	simm.s32 $0x0;
	[dreg:$0x8] =	wrdreg s21  }
0xa: {  	s0 =	sand.u32 $0x1, s0;
	s7 =	smul.u32 $0x14000, s10;
	[dreg:$0x9] =	wrdreg s23  }
0xb: {  	s9 =	smul.u32 $0xA000, s10;
	s4 =	sadd.s32 $0x2F000, s1;
	[dreg:$0xa] =	wrdreg s24  }
0xc: {  	s5 =	sadd.s32 $0x7000, s1;
	s22 =	smul.u32 $0x50000, s10;
	[dreg:$0xb] =	wrdreg s25  }
0xd: {  	s12 =	sshll.u32 s10, $0x6;
	[dreg:$0xc] =	wrdreg s11;
	s14 =	simm.s32 $0x600  }
0xe: {  	s6 =	smul.u32 $0x140000, s0;
	s17 =	simm.s32 $0x700;
	[dreg:$0xe] =	wrdreg s14  }
0xf: {  	s8 =	smul.u32 $0xA0000, s0;
	s19 =	simm.s32 $0x780;
	[dreg:$0x10] =	wrdreg s17  }
0x10: {  	s0 =	ssub.s32 $0x2, s0;
	s20 =	simm.s32 $0x900;
	[dreg:$0x12] =	wrdreg s19  }
0x11: {  	s21 =	simm.s32 $0x880;
	s23 =	simm.s32 $0x980;
	[dreg:$0x13] =	wrdreg s20  }
0x12: {  	s24 =	simm.s32 $0xB00;
	s25 =	simm.s32 $0xA80;
	[dreg:$0x14] =	wrdreg s21  }
0x13: {  	s18 =	sshrl.u32 s0, $0x1;
	s14 =	simm.s32 $0x1;
	[dreg:$0x16] =	wrdreg s23  }
0x14: {  	s17 =	simm.s32 $0x800;
	[dreg:$0x17] =	wrdreg s24;
	s19 =	simm.s32 $0x3  }
0x15: {  	[dreg:$0x18] =	wrdreg s25;
	s20 =	simm.s32 $0x4;
	s21 =	simm.s32 $0x2  }
0x16: {  	s23 =	simm.s32 $0xD00;
	s24 =	simm.s32 $0xC80;
	s25 =	simm.s32 $0xE00  }
0x17: {  	s6 =	sadd.s32 s7, s6;
	s13 =	sadd.s32 s9, s8;
	s0 =	ssub.s32 s0, s18  }
0x18: {  	s8 =	sshrl.u32 s22, $0x2;
	s18 =	simm.s32 $0x680;
	s22 =	simm.s32 $0xA00  }
0x19: {  	s6 =	sshrl.u32 s6, $0x3;
	s15 =	sor.u32 $0x1000, s13;
	s16 =	sor.u32 $0x1800, s13  }
0x1a: {  	s7 =	sshrl.u32 s13, $0x3;
	s26 =	sadd.s32 s8, s2;
	[dreg:$0x11] =	wrdreg s18  }
0x1b: {  	s13 =	simm.s32 $0x480;
	s8 =	sor.u32 $0x1C05, s12;
	[dreg:$0x15] =	wrdreg s22  }
0x1c: {  	s11 =	smax.u32 s0, $0x1;
	s18 =	simm.s32 $0x5000;
	[dreg:$0x3] =	wrdreg s15  }
0x1d: {  	s22 =	simm.s32 $0xB80;
	s1 =	sadd.s32 s6, s1;
	[dreg:$0x4] =	wrdreg s16  }
0x1e: {  	s7 =	sadd.s32 s5, s7;
	[dreg:$0xd] =	wrdreg s13;
	s16 =	simm.s32 $0x580  }
0x1f: {  	s12 =	sshrl.u32 s26, $0x3;
	s26 =	simm.s32 $0xC00;
	[dreg:$0xf] =	wrdreg s16  }
0x20: {  	s13 =	simm.s32 $0x5;
	s15 =	sadd.s32 $0x100, s7;
	[dreg:$0x19] =	wrdreg s26  }
0x21: {  	s1 =	sadd.s32 $0x7FA00, s1;
	s16 =	simm.s32 $0x1000;
	[dreg:$0x1b] =	wrdreg s15  }
0x22: {  	s26 =	simm.s32 $0xD80;
	[dreg:$0x1c] =	wrdreg s1;
	s15 =	simm.s32 $0x80  }
.LBB2_1:
0x23: {  	[tilespmem:s3], [sflag:$0x1] =	stream.linear.gather [hbm4b:s7+s3], $0x800, $0x38;
	[tilespmem:$0x1D000] =	vst v63  }
0x24: {  	s0 =	rddreg [dreg:$0x1a]  }
0x25: {  	[spmem:s12], [sflag:s8] =	dma.local [hbm:s0], $0x2800  }
0x26: {  	_ =	swait.ge [sflag:s13], $0x2800  }
0x27: {  	[sflag:s13] =	ssyncset.done $0x0  }
0x28: {  	[sflag:s13] =	ssyncadd.s32 $0xFFFFD800  }
0x29: {  	_ =	swait.ge [sflag:s14], $0x800  }
0x2a: {  	[sflag:s14] =	ssyncset.done $0x0  }
0x2b: {  	[sflag:s14] =	ssyncadd.s32 $0xFFFFF800  }
0x2c: {  	[bflag:$0x0] =	sbarrier.arrive $0xFFFF  }
0x2d: {  	[tilespmem:s16], [sflag:$0x3] =	stream.indirect.gather [hbm4b:s4+s15], $0x80, s3, s15, $0xb8;
	[tilespmem:$0x1D000] =	vst v63  }
0x2e: {  	s1 =	rddreg [dreg:$0x1b]  }
0x2f: {  	[tilespmem:s17], [sflag:$0x2] =	stream.linear.gather [hbm4b:s1+s3], $0x800, $0x38;
	[tilespmem:$0x1D000] =	vst v63  }
0x30: {  	s10 =	rddreg [dreg:$0x5]  }
0x31: {  	[tilespmem:s18], [sflag:$0x4] =	stream.indirect.gather [hbm4b:s4+s15], $0x80, s10, s15, $0xb8;
	[tilespmem:$0x1D000] =	vst v63  }
0x32: {  	_ =	swait.ge [sflag:s19], $0x4000  }
0x33: {  	[sflag:s19] =	ssyncset.done $0x0  }
0x34: {  	[sflag:s19] =	ssyncadd.s32 $0xFFFFC000  }
0x35: {  	[spmem:s2] =	stream.indirect.scatter.add.f32 [tilespmem:s16], [sflag:$0x5], $0x80, s15, s15, $0xb8;
	[tilespmem:$0x1D000] =	vst v63  }
0x36: {  	_ =	swait.ge [sflag:s13], $0x4000  }
0x37: {  	[sflag:s13] =	ssyncset.done $0x0  }
0x38: {  	s1 =	rddreg [dreg:$0x6];
	[sflag:s13] =	ssyncadd.s32 $0xFFFFC000  }
0x39: {  	[tilespmem:s16], [sflag:$0x3] =	stream.indirect.gather [hbm4b:s4+s15], $0x80, s1, s15, $0xb8;
	[tilespmem:$0x1D000] =	vst v63  }
0x3a: {  	_ =	swait.ge [sflag:s20], $0x4000  }
0x3b: {  	[sflag:s20] =	ssyncset.done $0x0  }
0x3c: {  	s6 =	rddreg [dreg:$0x7];
	[sflag:s20] =	ssyncadd.s32 $0xFFFFC000  }
0x3d: {  	[spmem:s2] =	stream.indirect.scatter.add.f32 [tilespmem:s18], [sflag:$0x5], $0x80, s6, s15, $0xb8;
	[tilespmem:$0x1D000] =	vst v63  }
0x3e: {  	_ =	swait.ge [sflag:s13], $0x4000  }
0x3f: {  	[sflag:s13] =	ssyncset.done $0x0  }
0x40: {  	s9 =	rddreg [dreg:$0x8];
	[sflag:s13] =	ssyncadd.s32 $0xFFFFC000  }
0x41: {  	[tilespmem:s18], [sflag:$0x4] =	stream.indirect.gather [hbm4b:s4+s15], $0x80, s9, s15, $0xb8;
	[tilespmem:$0x1D000] =	vst v63  }
0x42: {  	_ =	swait.ge [sflag:s19], $0x4000  }
0x43: {  	[sflag:s19] =	ssyncset.done $0x0  }
0x44: {  	s10 =	rddreg [dreg:$0x9];
	[sflag:s19] =	ssyncadd.s32 $0xFFFFC000  }
0x45: {  	[spmem:s2] =	stream.indirect.scatter.add.f32 [tilespmem:s16], [sflag:$0x5], $0x80, s10, s15, $0xb8;
	[tilespmem:$0x1D000] =	vst v63  }
0x46: {  	_ =	swait.ge [sflag:s13], $0x4000  }
0x47: {  	[sflag:s13] =	ssyncset.done $0x0  }
0x48: {  	s1 =	rddreg [dreg:$0xa];
	[sflag:s13] =	ssyncadd.s32 $0xFFFFC000  }
0x49: {  	[tilespmem:s16], [sflag:$0x3] =	stream.indirect.gather [hbm4b:s4+s15], $0x80, s1, s15, $0xb8;
	[tilespmem:$0x1D000] =	vst v63  }
0x4a: {  	_ =	swait.ge [sflag:s20], $0x4000  }
0x4b: {  	[sflag:s20] =	ssyncset.done $0x0  }
0x4c: {  	s6 =	rddreg [dreg:$0xb];
	[sflag:s20] =	ssyncadd.s32 $0xFFFFC000  }
0x4d: {  	[spmem:s2] =	stream.indirect.scatter.add.f32 [tilespmem:s18], [sflag:$0x5], $0x80, s6, s15, $0xb8;
	[tilespmem:$0x1D000] =	vst v63  }
0x4e: {  	_ =	swait.ge [sflag:s13], $0x4000  }
0x4f: {  	[sflag:s13] =	ssyncset.done $0x0  }
0x50: {  	s9 =	rddreg [dreg:$0xc];
	[sflag:s13] =	ssyncadd.s32 $0xFFFFC000  }
0x51: {  	[tilespmem:s18], [sflag:$0x4] =	stream.indirect.gather [hbm4b:s4+s15], $0x80, s9, s15, $0xb8;
	[tilespmem:$0x1D000] =	vst v63  }
0x52: {  	_ =	swait.ge [sflag:s19], $0x4000  }
0x53: {  	[sflag:s19] =	ssyncset.done $0x0  }
0x54: {  	s10 =	rddreg [dreg:$0xd];
	[sflag:s19] =	ssyncadd.s32 $0xFFFFC000  }
0x55: {  	[spmem:s2] =	stream.indirect.scatter.add.f32 [tilespmem:s16], [sflag:$0x5], $0x80, s10, s15, $0xb8;
	[tilespmem:$0x1D000] =	vst v63  }
0x56: {  	_ =	swait.ge [sflag:s13], $0x4000  }
0x57: {  	[sflag:s13] =	ssyncset.done $0x0  }
0x58: {  	s1 =	rddreg [dreg:$0xe];
	[sflag:s13] =	ssyncadd.s32 $0xFFFFC000  }
0x59: {  	[tilespmem:s16], [sflag:$0x3] =	stream.indirect.gather [hbm4b:s4+s15], $0x80, s1, s15, $0xb8;
	[tilespmem:$0x1D000] =	vst v63  }
0x5a: {  	_ =	swait.ge [sflag:s20], $0x4000  }
0x5b: {  	[sflag:s20] =	ssyncset.done $0x0  }
0x5c: {  	s6 =	rddreg [dreg:$0xf];
	[sflag:s20] =	ssyncadd.s32 $0xFFFFC000  }
0x5d: {  	[spmem:s2] =	stream.indirect.scatter.add.f32 [tilespmem:s18], [sflag:$0x5], $0x80, s6, s15, $0xb8;
	[tilespmem:$0x1D000] =	vst v63  }
0x5e: {  	_ =	swait.ge [sflag:s13], $0x4000  }
0x5f: {  	[sflag:s13] =	ssyncset.done $0x0  }
0x60: {  	s9 =	rddreg [dreg:$0x10];
	[sflag:s13] =	ssyncadd.s32 $0xFFFFC000  }
0x61: {  	[tilespmem:s18], [sflag:$0x4] =	stream.indirect.gather [hbm4b:s4+s15], $0x80, s9, s15, $0xb8;
	[tilespmem:$0x1D000] =	vst v63  }
0x62: {  	_ =	swait.ge [sflag:s19], $0x4000  }
0x63: {  	[sflag:s19] =	ssyncset.done $0x0  }
0x64: {  	s10 =	rddreg [dreg:$0x11];
	[sflag:s19] =	ssyncadd.s32 $0xFFFFC000  }
0x65: {  	[spmem:s2] =	stream.indirect.scatter.add.f32 [tilespmem:s16], [sflag:$0x5], $0x80, s10, s15, $0xb8;
	[tilespmem:$0x1D000] =	vst v63  }
0x66: {  	_ =	swait.ge [sflag:s13], $0x4000  }
0x67: {  	[sflag:s13] =	ssyncset.done $0x0  }
0x68: {  	[sflag:s13] =	ssyncadd.s32 $0xFFFFC000  }
0x69: {  	_ =	swait.ge [sflag:s21], $0x800  }
0x6a: {  	[sflag:s21] =	ssyncset.done $0x0  }
0x6b: {  	[sflag:s21] =	ssyncadd.s32 $0xFFFFF800  }
0x6c: {  	[tilespmem:s16], [sflag:$0x3] =	stream.indirect.gather [hbm4b:s4+s15], $0x80, s17, s15, $0xb8;
	[tilespmem:$0x1D000] =	vst v63  }
0x6d: {  	_ =	swait.ge [sflag:s20], $0x4000  }
0x6e: {  	[sflag:s20] =	ssyncset.done $0x0  }
0x6f: {  	s1 =	rddreg [dreg:$0x12];
	[sflag:s20] =	ssyncadd.s32 $0xFFFFC000  }
0x70: {  	[spmem:s2] =	stream.indirect.scatter.add.f32 [tilespmem:s18], [sflag:$0x5], $0x80, s1, s15, $0xb8;
	[tilespmem:$0x1D000] =	vst v63  }
0x71: {  	s9 =	smin.u32 s3, $0x11;
	_ =	swait.ge [sflag:s13], $0x4000  }
0x72: {  	s1 =	sshll.u32 s9, $0xB;
	s6 =	rddreg [dreg:$0x3]  }
0x73: {  	s0 =	sadd.s32 s1, s6  }
0x74: {  	[sflag:s13] =	ssyncset.done $0x0;
	s0 =	sshrl.u32 s0, $0x3  }
0x75: {  	[sflag:s13] =	ssyncadd.s32 $0xFFFFC000;
	s0 =	sadd.s32 s5, s0  }
0x76: {  	[tilespmem:s3], [sflag:$0x1] =	stream.linear.gather [hbm4b:s0+s3], $0x800, $0x38;
	[tilespmem:$0x1D000] =	vst v63  }
0x77: {  	s10 =	rddreg [dreg:$0x13]  }
0x78: {  	[tilespmem:s18], [sflag:$0x4] =	stream.indirect.gather [hbm4b:s4+s15], $0x80, s10, s15, $0xb8;
	[tilespmem:$0x1D000] =	vst v63  }
0x79: {  	_ =	swait.ge [sflag:s19], $0x4000  }
0x7a: {  	[sflag:s19] =	ssyncset.done $0x0  }
0x7b: {  	s1 =	rddreg [dreg:$0x14];
	[sflag:s19] =	ssyncadd.s32 $0xFFFFC000  }
0x7c: {  	[spmem:s2] =	stream.indirect.scatter.add.f32 [tilespmem:s16], [sflag:$0x5], $0x80, s1, s15, $0xb8;
	[tilespmem:$0x1D000] =	vst v63  }
0x7d: {  	_ =	swait.ge [sflag:s13], $0x4000  }
0x7e: {  	[sflag:s13] =	ssyncset.done $0x0  }
0x7f: {  	s6 =	rddreg [dreg:$0x15];
	[sflag:s13] =	ssyncadd.s32 $0xFFFFC000  }
0x80: {  	[tilespmem:s16], [sflag:$0x3] =	stream.indirect.gather [hbm4b:s4+s15], $0x80, s6, s15, $0xb8;
	[tilespmem:$0x1D000] =	vst v63  }
0x81: {  	_ =	swait.ge [sflag:s20], $0x4000  }
0x82: {  	[sflag:s20] =	ssyncset.done $0x0  }
0x83: {  	s9 =	rddreg [dreg:$0x16];
	[sflag:s20] =	ssyncadd.s32 $0xFFFFC000  }
0x84: {  	[spmem:s2] =	stream.indirect.scatter.add.f32 [tilespmem:s18], [sflag:$0x5], $0x80, s9, s15, $0xb8;
	[tilespmem:$0x1D000] =	vst v63  }
0x85: {  	_ =	swait.ge [sflag:s13], $0x4000  }
0x86: {  	[sflag:s13] =	ssyncset.done $0x0  }
0x87: {  	s10 =	rddreg [dreg:$0x17];
	[sflag:s13] =	ssyncadd.s32 $0xFFFFC000  }
0x88: {  	[tilespmem:s18], [sflag:$0x4] =	stream.indirect.gather [hbm4b:s4+s15], $0x80, s10, s15, $0xb8;
	[tilespmem:$0x1D000] =	vst v63  }
0x89: {  	_ =	swait.ge [sflag:s19], $0x4000  }
0x8a: {  	[sflag:s19] =	ssyncset.done $0x0  }
0x8b: {  	s1 =	rddreg [dreg:$0x18];
	[sflag:s19] =	ssyncadd.s32 $0xFFFFC000  }
0x8c: {  	[spmem:s2] =	stream.indirect.scatter.add.f32 [tilespmem:s16], [sflag:$0x5], $0x80, s1, s15, $0xb8;
	[tilespmem:$0x1D000] =	vst v63  }
0x8d: {  	_ =	swait.ge [sflag:s13], $0x4000  }
0x8e: {  	[sflag:s13] =	ssyncset.done $0x0  }
0x8f: {  	s6 =	rddreg [dreg:$0x19];
	[sflag:s13] =	ssyncadd.s32 $0xFFFFC000  }
0x90: {  	[tilespmem:s16], [sflag:$0x3] =	stream.indirect.gather [hbm4b:s4+s15], $0x80, s6, s15, $0xb8;
	[tilespmem:$0x1D000] =	vst v63  }
0x91: {  	_ =	swait.ge [sflag:s20], $0x4000  }
0x92: {  	[sflag:s20] =	ssyncset.done $0x0  }
0x93: {  	[sflag:s20] =	ssyncadd.s32 $0xFFFFC000  }
0x94: {  	[spmem:s2] =	stream.indirect.scatter.add.f32 [tilespmem:s18], [sflag:$0x5], $0x80, s22, s15, $0xb8;
	[tilespmem:$0x1D000] =	vst v63  }
0x95: {  	_ =	swait.ge [sflag:s13], $0x4000  }
0x96: {  	[sflag:s13] =	ssyncset.done $0x0  }
0x97: {  	[sflag:s13] =	ssyncadd.s32 $0xFFFFC000  }
0x98: {  	[tilespmem:s18], [sflag:$0x4] =	stream.indirect.gather [hbm4b:s4+s15], $0x80, s23, s15, $0xb8;
	[tilespmem:$0x1D000] =	vst v63  }
0x99: {  	_ =	swait.ge [sflag:s19], $0x4000  }
0x9a: {  	[sflag:s19] =	ssyncset.done $0x0  }
0x9b: {  	[sflag:s19] =	ssyncadd.s32 $0xFFFFC000  }
0x9c: {  	[spmem:s2] =	stream.indirect.scatter.add.f32 [tilespmem:s16], [sflag:$0x5], $0x80, s24, s15, $0xb8;
	[tilespmem:$0x1D000] =	vst v63  }
0x9d: {  	_ =	swait.ge [sflag:s13], $0x4000  }
0x9e: {  	[sflag:s13] =	ssyncset.done $0x0  }
0x9f: {  	[sflag:s13] =	ssyncadd.s32 $0xFFFFC000  }
0xa0: {  	[tilespmem:s16], [sflag:$0x3] =	stream.indirect.gather [hbm4b:s4+s15], $0x80, s25, s15, $0xb8;
	[tilespmem:$0x1D000] =	vst v63  }
0xa1: {  	_ =	swait.ge [sflag:s20], $0x4000  }
0xa2: {  	[sflag:s20] =	ssyncset.done $0x0  }
0xa3: {  	[sflag:s20] =	ssyncadd.s32 $0xFFFFC000  }
0xa4: {  	[spmem:s2] =	stream.indirect.scatter.add.f32 [tilespmem:s18], [sflag:$0x5], $0x80, s26, s15, $0xb8;
	[tilespmem:$0x1D000] =	vst v63  }
0xa5: {  	_ =	swait.ge [sflag:s13], $0x4000  }
0xa6: {  	[sflag:s13] =	ssyncset.done $0x0  }
0xa7: {  	[sflag:s13] =	ssyncadd.s32 $0xFFFFC000  }
0xa8: {  	[tilespmem:s18], [sflag:$0x4] =	stream.indirect.gather [hbm4b:s4+s15], $0x80, s28, s15, $0xb8;
	[tilespmem:$0x1D000] =	vst v63  }
0xa9: {  	_ =	swait.ge [sflag:s19], $0x4000  }
0xaa: {  	[sflag:s19] =	ssyncset.done $0x0  }
0xab: {  	[sflag:s19] =	ssyncadd.s32 $0xFFFFC000  }
0xac: {  	[spmem:s2] =	stream.indirect.scatter.add.f32 [tilespmem:s16], [sflag:$0x5], $0x80, s29, s15, $0xb8;
	[tilespmem:$0x1D000] =	vst v63  }
0xad: {  	_ =	swait.ge [sflag:s13], $0x4000  }
0xae: {  	[sflag:s13] =	ssyncset.done $0x0  }
0xaf: {  	[sflag:s13] =	ssyncadd.s32 $0xFFFFC000  }
0xb0: {  	_ =	swait.ge [sflag:s14], $0x800  }
0xb1: {  	[sflag:s14] =	ssyncset.done $0x0  }
0xb2: {  	[sflag:s14] =	ssyncadd.s32 $0xFFFFF800  }
0xb3: {  	[tilespmem:s16], [sflag:$0x3] =	stream.indirect.gather [hbm4b:s4+s15], $0x80, s3, s15, $0xb8;
	[tilespmem:$0x1D000] =	vst v63  }
0xb4: {  	_ =	swait.ge [sflag:s20], $0x4000  }
0xb5: {  	[sflag:s20] =	ssyncset.done $0x0  }
0xb6: {  	[sflag:s20] =	ssyncadd.s32 $0xFFFFC000  }
0xb7: {  	[spmem:s2] =	stream.indirect.scatter.add.f32 [tilespmem:s18], [sflag:$0x5], $0x80, s30, s15, $0xb8;
	[tilespmem:$0x1D000] =	vst v63  }
0xb8: {  	s10 =	smin.u32 s3, $0x10;
	_ =	swait.ge [sflag:s13], $0x4000  }
0xb9: {  	s6 =	sshll.u32 s10, $0xB;
	s9 =	rddreg [dreg:$0x4]  }
0xba: {  	s0 =	simm.s32 $0x4;
	s6 =	sadd.s32 s6, s9  }
0xbb: {  	s1 =	simm.s32 $0x2;
	[sflag:s13] =	ssyncset.done $0x0;
	s6 =	sshrl.u32 s6, $0x3  }
0xbc: {  	[sflag:s13] =	ssyncadd.s32 $0xFFFFC000;
	s9 =	rddreg [dreg:$0x5];
	s6 =	sadd.s32 s5, s6  }
.LBB2_2:
0xbd: {  	[tilespmem:s17], [sflag:$0x2] =	stream.linear.gather [hbm4b:s6+s3], $0x800, $0x38;
	[tilespmem:$0x1D000] =	vst v63  }
0xbe: {  	_ = 	snop  }
0xbf: {  	[tilespmem:s18], [sflag:$0x4] =	stream.indirect.gather [hbm4b:s4+s15], $0x80, s9, s15, $0xb8;
	[tilespmem:$0x1D000] =	vst v63  }
0xc0: {  	_ =	swait.ge [sflag:s19], $0x4000  }
0xc1: {  	[sflag:s19] =	ssyncset.done $0x0  }
0xc2: {  	[sflag:s19] =	ssyncadd.s32 $0xFFFFC000  }
0xc3: {  	[spmem:s2] =	stream.indirect.scatter.add.f32 [tilespmem:s16], [sflag:$0x5], $0x80, s15, s15, $0xb8;
	[tilespmem:$0x1D000] =	vst v63  }
0xc4: {  	_ =	swait.ge [sflag:s13], $0x4000  }
0xc5: {  	[sflag:s13] =	ssyncset.done $0x0  }
0xc6: {  	s10 =	rddreg [dreg:$0x6];
	[sflag:s13] =	ssyncadd.s32 $0xFFFFC000  }
0xc7: {  	[tilespmem:s16], [sflag:$0x3] =	stream.indirect.gather [hbm4b:s4+s15], $0x80, s10, s15, $0xb8;
	[tilespmem:$0x1D000] =	vst v63  }
0xc8: {  	_ =	swait.ge [sflag:s20], $0x4000  }
0xc9: {  	[sflag:s20] =	ssyncset.done $0x0  }
0xca: {  	s10 =	rddreg [dreg:$0x7];
	[sflag:s20] =	ssyncadd.s32 $0xFFFFC000  }
0xcb: {  	[spmem:s2] =	stream.indirect.scatter.add.f32 [tilespmem:s18], [sflag:$0x5], $0x80, s10, s15, $0xb8;
	[tilespmem:$0x1D000] =	vst v63  }
0xcc: {  	_ =	swait.ge [sflag:s13], $0x4000  }
0xcd: {  	[sflag:s13] =	ssyncset.done $0x0  }
0xce: {  	s10 =	rddreg [dreg:$0x8];
	[sflag:s13] =	ssyncadd.s32 $0xFFFFC000  }
0xcf: {  	[tilespmem:s18], [sflag:$0x4] =	stream.indirect.gather [hbm4b:s4+s15], $0x80, s10, s15, $0xb8;
	[tilespmem:$0x1D000] =	vst v63  }
0xd0: {  	_ =	swait.ge [sflag:s19], $0x4000  }
0xd1: {  	[sflag:s19] =	ssyncset.done $0x0  }
0xd2: {  	s10 =	rddreg [dreg:$0x9];
	[sflag:s19] =	ssyncadd.s32 $0xFFFFC000  }
0xd3: {  	[spmem:s2] =	stream.indirect.scatter.add.f32 [tilespmem:s16], [sflag:$0x5], $0x80, s10, s15, $0xb8;
	[tilespmem:$0x1D000] =	vst v63  }
0xd4: {  	_ =	swait.ge [sflag:s13], $0x4000  }
0xd5: {  	[sflag:s13] =	ssyncset.done $0x0  }
0xd6: {  	s10 =	rddreg [dreg:$0xa];
	[sflag:s13] =	ssyncadd.s32 $0xFFFFC000  }
0xd7: {  	[tilespmem:s16], [sflag:$0x3] =	stream.indirect.gather [hbm4b:s4+s15], $0x80, s10, s15, $0xb8;
	[tilespmem:$0x1D000] =	vst v63  }
0xd8: {  	_ =	swait.ge [sflag:s20], $0x4000  }
0xd9: {  	[sflag:s20] =	ssyncset.done $0x0  }
0xda: {  	s10 =	rddreg [dreg:$0xb];
	[sflag:s20] =	ssyncadd.s32 $0xFFFFC000  }
0xdb: {  	[spmem:s2] =	stream.indirect.scatter.add.f32 [tilespmem:s18], [sflag:$0x5], $0x80, s10, s15, $0xb8;
	[tilespmem:$0x1D000] =	vst v63  }
0xdc: {  	_ =	swait.ge [sflag:s13], $0x4000  }
0xdd: {  	[sflag:s13] =	ssyncset.done $0x0  }
0xde: {  	s10 =	rddreg [dreg:$0xc];
	[sflag:s13] =	ssyncadd.s32 $0xFFFFC000  }
0xdf: {  	[tilespmem:s18], [sflag:$0x4] =	stream.indirect.gather [hbm4b:s4+s15], $0x80, s10, s15, $0xb8;
	[tilespmem:$0x1D000] =	vst v63  }
0xe0: {  	_ =	swait.ge [sflag:s19], $0x4000  }
0xe1: {  	[sflag:s19] =	ssyncset.done $0x0  }
0xe2: {  	s10 =	rddreg [dreg:$0xd];
	[sflag:s19] =	ssyncadd.s32 $0xFFFFC000  }
0xe3: {  	[spmem:s2] =	stream.indirect.scatter.add.f32 [tilespmem:s16], [sflag:$0x5], $0x80, s10, s15, $0xb8;
	[tilespmem:$0x1D000] =	vst v63  }
0xe4: {  	_ =	swait.ge [sflag:s13], $0x4000  }
0xe5: {  	[sflag:s13] =	ssyncset.done $0x0  }
0xe6: {  	s10 =	rddreg [dreg:$0xe];
	[sflag:s13] =	ssyncadd.s32 $0xFFFFC000  }
0xe7: {  	[tilespmem:s16], [sflag:$0x3] =	stream.indirect.gather [hbm4b:s4+s15], $0x80, s10, s15, $0xb8;
	[tilespmem:$0x1D000] =	vst v63  }
0xe8: {  	_ =	swait.ge [sflag:s20], $0x4000  }
0xe9: {  	[sflag:s20] =	ssyncset.done $0x0  }
0xea: {  	s10 =	rddreg [dreg:$0xf];
	[sflag:s20] =	ssyncadd.s32 $0xFFFFC000  }
0xeb: {  	[spmem:s2] =	stream.indirect.scatter.add.f32 [tilespmem:s18], [sflag:$0x5], $0x80, s10, s15, $0xb8;
	[tilespmem:$0x1D000] =	vst v63  }
0xec: {  	_ =	swait.ge [sflag:s13], $0x4000  }
0xed: {  	[sflag:s13] =	ssyncset.done $0x0  }
0xee: {  	s10 =	rddreg [dreg:$0x10];
	[sflag:s13] =	ssyncadd.s32 $0xFFFFC000  }
0xef: {  	[tilespmem:s18], [sflag:$0x4] =	stream.indirect.gather [hbm4b:s4+s15], $0x80, s10, s15, $0xb8;
	[tilespmem:$0x1D000] =	vst v63  }
0xf0: {  	_ =	swait.ge [sflag:s19], $0x4000  }
0xf1: {  	[sflag:s19] =	ssyncset.done $0x0  }
0xf2: {  	s10 =	rddreg [dreg:$0x11];
	[sflag:s19] =	ssyncadd.s32 $0xFFFFC000  }
0xf3: {  	[spmem:s2] =	stream.indirect.scatter.add.f32 [tilespmem:s16], [sflag:$0x5], $0x80, s10, s15, $0xb8;
	[tilespmem:$0x1D000] =	vst v63  }
0xf4: {  	_ =	swait.ge [sflag:s13], $0x4000  }
0xf5: {  	[sflag:s13] =	ssyncset.done $0x0  }
0xf6: {  	[sflag:s13] =	ssyncadd.s32 $0xFFFFC000  }
0xf7: {  	_ =	swait.ge [sflag:s21], $0x800  }
0xf8: {  	[sflag:s21] =	ssyncset.done $0x0  }
0xf9: {  	[sflag:s21] =	ssyncadd.s32 $0xFFFFF800  }
0xfa: {  	[tilespmem:s16], [sflag:$0x3] =	stream.indirect.gather [hbm4b:s4+s15], $0x80, s17, s15, $0xb8;
	[tilespmem:$0x1D000] =	vst v63  }
0xfb: {  	_ =	swait.ge [sflag:s20], $0x4000  }
0xfc: {  	[sflag:s20] =	ssyncset.done $0x0  }
0xfd: {  	s10 =	rddreg [dreg:$0x12];
	[sflag:s20] =	ssyncadd.s32 $0xFFFFC000  }
0xfe: {  	[spmem:s2] =	stream.indirect.scatter.add.f32 [tilespmem:s18], [sflag:$0x5], $0x80, s10, s15, $0xb8;
	[tilespmem:$0x1D000] =	vst v63  }
0xff: {  	s10 =	smin.u32 s1, $0x11;
	_ =	swait.ge [sflag:s13], $0x4000  }
0x100: {  	s10 =	sshll.u32 s10, $0xB;
	s9 =	rddreg [dreg:$0x3]  }
0x101: {  	s9 =	sadd.s32 s10, s9  }
0x102: {  	[sflag:s13] =	ssyncset.done $0x0;
	s9 =	sshrl.u32 s9, $0x3  }
0x103: {  	[sflag:s13] =	ssyncadd.s32 $0xFFFFC000;
	s9 =	sadd.s32 s5, s9  }
0x104: {  	[tilespmem:s3], [sflag:$0x1] =	stream.linear.gather [hbm4b:s9+s3], $0x800, $0x38;
	[tilespmem:$0x1D000] =	vst v63  }
0x105: {  	s10 =	rddreg [dreg:$0x13]  }
0x106: {  	[tilespmem:s18], [sflag:$0x4] =	stream.indirect.gather [hbm4b:s4+s15], $0x80, s10, s15, $0xb8;
	[tilespmem:$0x1D000] =	vst v63  }
0x107: {  	_ =	swait.ge [sflag:s19], $0x4000  }
0x108: {  	[sflag:s19] =	ssyncset.done $0x0  }
0x109: {  	s10 =	rddreg [dreg:$0x14];
	[sflag:s19] =	ssyncadd.s32 $0xFFFFC000  }
0x10a: {  	[spmem:s2] =	stream.indirect.scatter.add.f32 [tilespmem:s16], [sflag:$0x5], $0x80, s10, s15, $0xb8;
	[tilespmem:$0x1D000] =	vst v63  }
0x10b: {  	_ =	swait.ge [sflag:s13], $0x4000  }
0x10c: {  	[sflag:s13] =	ssyncset.done $0x0  }
0x10d: {  	s10 =	rddreg [dreg:$0x15];
	[sflag:s13] =	ssyncadd.s32 $0xFFFFC000  }
0x10e: {  	[tilespmem:s16], [sflag:$0x3] =	stream.indirect.gather [hbm4b:s4+s15], $0x80, s10, s15, $0xb8;
	[tilespmem:$0x1D000] =	vst v63  }
0x10f: {  	_ =	swait.ge [sflag:s20], $0x4000  }
0x110: {  	[sflag:s20] =	ssyncset.done $0x0  }
0x111: {  	s10 =	rddreg [dreg:$0x16];
	[sflag:s20] =	ssyncadd.s32 $0xFFFFC000  }
0x112: {  	[spmem:s2] =	stream.indirect.scatter.add.f32 [tilespmem:s18], [sflag:$0x5], $0x80, s10, s15, $0xb8;
	[tilespmem:$0x1D000] =	vst v63  }
0x113: {  	_ =	swait.ge [sflag:s13], $0x4000  }
0x114: {  	[sflag:s13] =	ssyncset.done $0x0  }
0x115: {  	s10 =	rddreg [dreg:$0x17];
	[sflag:s13] =	ssyncadd.s32 $0xFFFFC000  }
0x116: {  	[tilespmem:s18], [sflag:$0x4] =	stream.indirect.gather [hbm4b:s4+s15], $0x80, s10, s15, $0xb8;
	[tilespmem:$0x1D000] =	vst v63  }
0x117: {  	_ =	swait.ge [sflag:s19], $0x4000  }
0x118: {  	[sflag:s19] =	ssyncset.done $0x0  }
0x119: {  	s10 =	rddreg [dreg:$0x18];
	[sflag:s19] =	ssyncadd.s32 $0xFFFFC000  }
0x11a: {  	[spmem:s2] =	stream.indirect.scatter.add.f32 [tilespmem:s16], [sflag:$0x5], $0x80, s10, s15, $0xb8;
	[tilespmem:$0x1D000] =	vst v63  }
0x11b: {  	_ =	swait.ge [sflag:s13], $0x4000  }
0x11c: {  	[sflag:s13] =	ssyncset.done $0x0  }
0x11d: {  	s10 =	rddreg [dreg:$0x19];
	[sflag:s13] =	ssyncadd.s32 $0xFFFFC000  }
0x11e: {  	[tilespmem:s16], [sflag:$0x3] =	stream.indirect.gather [hbm4b:s4+s15], $0x80, s10, s15, $0xb8;
	[tilespmem:$0x1D000] =	vst v63  }
0x11f: {  	_ =	swait.ge [sflag:s20], $0x4000  }
0x120: {  	[sflag:s20] =	ssyncset.done $0x0  }
0x121: {  	[sflag:s20] =	ssyncadd.s32 $0xFFFFC000  }
0x122: {  	[spmem:s2] =	stream.indirect.scatter.add.f32 [tilespmem:s18], [sflag:$0x5], $0x80, s22, s15, $0xb8;
	[tilespmem:$0x1D000] =	vst v63  }
0x123: {  	_ =	swait.ge [sflag:s13], $0x4000  }
0x124: {  	[sflag:s13] =	ssyncset.done $0x0  }
0x125: {  	[sflag:s13] =	ssyncadd.s32 $0xFFFFC000  }
0x126: {  	[tilespmem:s18], [sflag:$0x4] =	stream.indirect.gather [hbm4b:s4+s15], $0x80, s23, s15, $0xb8;
	[tilespmem:$0x1D000] =	vst v63  }
0x127: {  	_ =	swait.ge [sflag:s19], $0x4000  }
0x128: {  	[sflag:s19] =	ssyncset.done $0x0  }
0x129: {  	[sflag:s19] =	ssyncadd.s32 $0xFFFFC000  }
0x12a: {  	[spmem:s2] =	stream.indirect.scatter.add.f32 [tilespmem:s16], [sflag:$0x5], $0x80, s24, s15, $0xb8;
	[tilespmem:$0x1D000] =	vst v63  }
0x12b: {  	_ =	swait.ge [sflag:s13], $0x4000  }
0x12c: {  	[sflag:s13] =	ssyncset.done $0x0  }
0x12d: {  	[sflag:s13] =	ssyncadd.s32 $0xFFFFC000  }
0x12e: {  	[tilespmem:s16], [sflag:$0x3] =	stream.indirect.gather [hbm4b:s4+s15], $0x80, s25, s15, $0xb8;
	[tilespmem:$0x1D000] =	vst v63  }
0x12f: {  	_ =	swait.ge [sflag:s20], $0x4000  }
0x130: {  	[sflag:s20] =	ssyncset.done $0x0  }
0x131: {  	[sflag:s20] =	ssyncadd.s32 $0xFFFFC000  }
0x132: {  	[spmem:s2] =	stream.indirect.scatter.add.f32 [tilespmem:s18], [sflag:$0x5], $0x80, s26, s15, $0xb8;
	[tilespmem:$0x1D000] =	vst v63  }
0x133: {  	_ =	swait.ge [sflag:s13], $0x4000  }
0x134: {  	[sflag:s13] =	ssyncset.done $0x0  }
0x135: {  	[sflag:s13] =	ssyncadd.s32 $0xFFFFC000  }
0x136: {  	[tilespmem:s18], [sflag:$0x4] =	stream.indirect.gather [hbm4b:s4+s15], $0x80, s28, s15, $0xb8;
	[tilespmem:$0x1D000] =	vst v63  }
0x137: {  	_ =	swait.ge [sflag:s19], $0x4000  }
0x138: {  	[sflag:s19] =	ssyncset.done $0x0  }
0x139: {  	[sflag:s19] =	ssyncadd.s32 $0xFFFFC000  }
0x13a: {  	[spmem:s2] =	stream.indirect.scatter.add.f32 [tilespmem:s16], [sflag:$0x5], $0x80, s29, s15, $0xb8;
	[tilespmem:$0x1D000] =	vst v63  }
0x13b: {  	_ =	swait.ge [sflag:s13], $0x4000  }
0x13c: {  	[sflag:s13] =	ssyncset.done $0x0  }
0x13d: {  	[sflag:s13] =	ssyncadd.s32 $0xFFFFC000  }
0x13e: {  	_ =	swait.ge [sflag:s14], $0x800  }
0x13f: {  	[sflag:s14] =	ssyncset.done $0x0  }
0x140: {  	[sflag:s14] =	ssyncadd.s32 $0xFFFFF800  }
0x141: {  	[tilespmem:s16], [sflag:$0x3] =	stream.indirect.gather [hbm4b:s4+s15], $0x80, s3, s15, $0xb8;
	[tilespmem:$0x1D000] =	vst v63  }
0x142: {  	_ =	swait.ge [sflag:s20], $0x4000  }
0x143: {  	[sflag:s20] =	ssyncset.done $0x0  }
0x144: {  	p0 =	sne.s32 s0, $0x12;
	[sflag:s20] =	ssyncadd.s32 $0xFFFFC000  }
0x145: {  	[spmem:s2] =	stream.indirect.scatter.add.f32 [tilespmem:s18], [sflag:$0x5], $0x80, s30, s15, $0xb8;
	[tilespmem:$0x1D000] =	vst v63  }
.Ltmp0:
0x146: {  	s10 =	smin.u32 s1, $0x10;
	_ =	swait.ge [sflag:s13], $0x4000;
	(pc) =	sbr.rel @p0 .LBB2_2-.Ltmp0, $4  }
0x147: {  	s10 =	sshll.u32 s10, $0xB;
	s9 =	rddreg [dreg:$0x4]  }
0x148: {  	s6 =	smov.u32 s0;
	s0 =	sadd.s32 $0x2, s0;
	s10 =	sadd.s32 s10, s9  }
0x149: {  	s1 =	smov.u32 s6;
	[sflag:s13] =	ssyncset.done $0x0;
	s6 =	sshrl.u32 s10, $0x3  }
0x14a: {  	[sflag:s13] =	ssyncadd.s32 $0xFFFFC000;
	s9 =	rddreg [dreg:$0x5];
	s6 =	sadd.s32 s5, s6  }
0x14b: {  	[tilespmem:s17], [sflag:$0x2] =	stream.linear.gather [hbm4b:s6+s3], $0x800, $0x38;
	[tilespmem:$0x1D000] =	vst v63  }
0x14c: {  	_ = 	snop  }
0x14d: {  	[tilespmem:s18], [sflag:$0x4] =	stream.indirect.gather [hbm4b:s4+s15], $0x80, s9, s15, $0xb8;
	[tilespmem:$0x1D000] =	vst v63  }
0x14e: {  	_ =	swait.ge [sflag:s19], $0x4000  }
0x14f: {  	[sflag:s19] =	ssyncset.done $0x0  }
0x150: {  	[sflag:s19] =	ssyncadd.s32 $0xFFFFC000  }
0x151: {  	[spmem:s2] =	stream.indirect.scatter.add.f32 [tilespmem:s16], [sflag:$0x5], $0x80, s15, s15, $0xb8;
	[tilespmem:$0x1D000] =	vst v63  }
0x152: {  	_ =	swait.ge [sflag:s13], $0x4000  }
0x153: {  	[sflag:s13] =	ssyncset.done $0x0  }
0x154: {  	s0 =	rddreg [dreg:$0x6];
	[sflag:s13] =	ssyncadd.s32 $0xFFFFC000  }
0x155: {  	[tilespmem:s16], [sflag:$0x3] =	stream.indirect.gather [hbm4b:s4+s15], $0x80, s0, s15, $0xb8;
	[tilespmem:$0x1D000] =	vst v63  }
0x156: {  	_ =	swait.ge [sflag:s20], $0x4000  }
0x157: {  	[sflag:s20] =	ssyncset.done $0x0  }
0x158: {  	s10 =	rddreg [dreg:$0x7];
	[sflag:s20] =	ssyncadd.s32 $0xFFFFC000  }
0x159: {  	[spmem:s2] =	stream.indirect.scatter.add.f32 [tilespmem:s18], [sflag:$0x5], $0x80, s10, s15, $0xb8;
	[tilespmem:$0x1D000] =	vst v63  }
0x15a: {  	_ =	swait.ge [sflag:s13], $0x4000  }
0x15b: {  	[sflag:s13] =	ssyncset.done $0x0  }
0x15c: {  	s6 =	rddreg [dreg:$0x8];
	[sflag:s13] =	ssyncadd.s32 $0xFFFFC000  }
0x15d: {  	[tilespmem:s18], [sflag:$0x4] =	stream.indirect.gather [hbm4b:s4+s15], $0x80, s6, s15, $0xb8;
	[tilespmem:$0x1D000] =	vst v63  }
0x15e: {  	_ =	swait.ge [sflag:s19], $0x4000  }
0x15f: {  	[sflag:s19] =	ssyncset.done $0x0  }
0x160: {  	s9 =	rddreg [dreg:$0x9];
	[sflag:s19] =	ssyncadd.s32 $0xFFFFC000  }
0x161: {  	[spmem:s2] =	stream.indirect.scatter.add.f32 [tilespmem:s16], [sflag:$0x5], $0x80, s9, s15, $0xb8;
	[tilespmem:$0x1D000] =	vst v63  }
0x162: {  	_ =	swait.ge [sflag:s13], $0x4000  }
0x163: {  	[sflag:s13] =	ssyncset.done $0x0  }
0x164: {  	s10 =	rddreg [dreg:$0xa];
	[sflag:s13] =	ssyncadd.s32 $0xFFFFC000  }
0x165: {  	[tilespmem:s16], [sflag:$0x3] =	stream.indirect.gather [hbm4b:s4+s15], $0x80, s10, s15, $0xb8;
	[tilespmem:$0x1D000] =	vst v63  }
0x166: {  	_ =	swait.ge [sflag:s20], $0x4000  }
0x167: {  	[sflag:s20] =	ssyncset.done $0x0  }
0x168: {  	s6 =	rddreg [dreg:$0xb];
	[sflag:s20] =	ssyncadd.s32 $0xFFFFC000  }
0x169: {  	[spmem:s2] =	stream.indirect.scatter.add.f32 [tilespmem:s18], [sflag:$0x5], $0x80, s6, s15, $0xb8;
	[tilespmem:$0x1D000] =	vst v63  }
0x16a: {  	_ =	swait.ge [sflag:s13], $0x4000  }
0x16b: {  	[sflag:s13] =	ssyncset.done $0x0  }
0x16c: {  	s9 =	rddreg [dreg:$0xc];
	[sflag:s13] =	ssyncadd.s32 $0xFFFFC000  }
0x16d: {  	[tilespmem:s18], [sflag:$0x4] =	stream.indirect.gather [hbm4b:s4+s15], $0x80, s9, s15, $0xb8;
	[tilespmem:$0x1D000] =	vst v63  }
0x16e: {  	_ =	swait.ge [sflag:s19], $0x4000  }
0x16f: {  	[sflag:s19] =	ssyncset.done $0x0  }
0x170: {  	s10 =	rddreg [dreg:$0xd];
	[sflag:s19] =	ssyncadd.s32 $0xFFFFC000  }
0x171: {  	[spmem:s2] =	stream.indirect.scatter.add.f32 [tilespmem:s16], [sflag:$0x5], $0x80, s10, s15, $0xb8;
	[tilespmem:$0x1D000] =	vst v63  }
0x172: {  	_ =	swait.ge [sflag:s13], $0x4000  }
0x173: {  	[sflag:s13] =	ssyncset.done $0x0  }
0x174: {  	s6 =	rddreg [dreg:$0xe];
	[sflag:s13] =	ssyncadd.s32 $0xFFFFC000  }
0x175: {  	[tilespmem:s16], [sflag:$0x3] =	stream.indirect.gather [hbm4b:s4+s15], $0x80, s6, s15, $0xb8;
	[tilespmem:$0x1D000] =	vst v63  }
0x176: {  	_ =	swait.ge [sflag:s20], $0x4000  }
0x177: {  	[sflag:s20] =	ssyncset.done $0x0  }
0x178: {  	s9 =	rddreg [dreg:$0xf];
	[sflag:s20] =	ssyncadd.s32 $0xFFFFC000  }
0x179: {  	[spmem:s2] =	stream.indirect.scatter.add.f32 [tilespmem:s18], [sflag:$0x5], $0x80, s9, s15, $0xb8;
	[tilespmem:$0x1D000] =	vst v63  }
0x17a: {  	_ =	swait.ge [sflag:s13], $0x4000  }
0x17b: {  	[sflag:s13] =	ssyncset.done $0x0  }
0x17c: {  	s10 =	rddreg [dreg:$0x10];
	[sflag:s13] =	ssyncadd.s32 $0xFFFFC000  }
0x17d: {  	[tilespmem:s18], [sflag:$0x4] =	stream.indirect.gather [hbm4b:s4+s15], $0x80, s10, s15, $0xb8;
	[tilespmem:$0x1D000] =	vst v63  }
0x17e: {  	_ =	swait.ge [sflag:s19], $0x4000  }
0x17f: {  	[sflag:s19] =	ssyncset.done $0x0  }
0x180: {  	s6 =	rddreg [dreg:$0x11];
	[sflag:s19] =	ssyncadd.s32 $0xFFFFC000  }
0x181: {  	[spmem:s2] =	stream.indirect.scatter.add.f32 [tilespmem:s16], [sflag:$0x5], $0x80, s6, s15, $0xb8;
	[tilespmem:$0x1D000] =	vst v63  }
0x182: {  	_ =	swait.ge [sflag:s13], $0x4000  }
0x183: {  	[sflag:s13] =	ssyncset.done $0x0  }
0x184: {  	[sflag:s13] =	ssyncadd.s32 $0xFFFFC000  }
0x185: {  	_ =	swait.ge [sflag:s21], $0x800  }
0x186: {  	[sflag:s21] =	ssyncset.done $0x0  }
0x187: {  	[sflag:s21] =	ssyncadd.s32 $0xFFFFF800  }
0x188: {  	[tilespmem:s16], [sflag:$0x3] =	stream.indirect.gather [hbm4b:s4+s15], $0x80, s17, s15, $0xb8;
	[tilespmem:$0x1D000] =	vst v63  }
0x189: {  	_ =	swait.ge [sflag:s20], $0x4000  }
0x18a: {  	[sflag:s20] =	ssyncset.done $0x0  }
0x18b: {  	s9 =	rddreg [dreg:$0x12];
	[sflag:s20] =	ssyncadd.s32 $0xFFFFC000  }
0x18c: {  	[spmem:s2] =	stream.indirect.scatter.add.f32 [tilespmem:s18], [sflag:$0x5], $0x80, s9, s15, $0xb8;
	[tilespmem:$0x1D000] =	vst v63  }
0x18d: {  	s9 =	smin.u32 s1, $0x11;
	_ =	swait.ge [sflag:s13], $0x4000  }
0x18e: {  	s6 =	sshll.u32 s9, $0xB;
	s10 =	rddreg [dreg:$0x3]  }
0x18f: {  	s0 =	sadd.s32 s6, s10  }
0x190: {  	[sflag:s13] =	ssyncset.done $0x0;
	s0 =	sshrl.u32 s0, $0x3  }
0x191: {  	[sflag:s13] =	ssyncadd.s32 $0xFFFFC000;
	s0 =	sadd.s32 s5, s0  }
0x192: {  	[tilespmem:s3], [sflag:$0x1] =	stream.linear.gather [hbm4b:s0+s3], $0x800, $0x38;
	[tilespmem:$0x1D000] =	vst v63  }
0x193: {  	s10 =	rddreg [dreg:$0x13]  }
0x194: {  	[tilespmem:s18], [sflag:$0x4] =	stream.indirect.gather [hbm4b:s4+s15], $0x80, s10, s15, $0xb8;
	[tilespmem:$0x1D000] =	vst v63  }
0x195: {  	_ =	swait.ge [sflag:s19], $0x4000  }
0x196: {  	[sflag:s19] =	ssyncset.done $0x0  }
0x197: {  	s6 =	rddreg [dreg:$0x14];
	[sflag:s19] =	ssyncadd.s32 $0xFFFFC000  }
0x198: {  	[spmem:s2] =	stream.indirect.scatter.add.f32 [tilespmem:s16], [sflag:$0x5], $0x80, s6, s15, $0xb8;
	[tilespmem:$0x1D000] =	vst v63  }
0x199: {  	_ =	swait.ge [sflag:s13], $0x4000  }
0x19a: {  	[sflag:s13] =	ssyncset.done $0x0  }
0x19b: {  	s9 =	rddreg [dreg:$0x15];
	[sflag:s13] =	ssyncadd.s32 $0xFFFFC000  }
0x19c: {  	[tilespmem:s16], [sflag:$0x3] =	stream.indirect.gather [hbm4b:s4+s15], $0x80, s9, s15, $0xb8;
	[tilespmem:$0x1D000] =	vst v63  }
0x19d: {  	_ =	swait.ge [sflag:s20], $0x4000  }
0x19e: {  	[sflag:s20] =	ssyncset.done $0x0  }
0x19f: {  	s10 =	rddreg [dreg:$0x16];
	[sflag:s20] =	ssyncadd.s32 $0xFFFFC000  }
0x1a0: {  	[spmem:s2] =	stream.indirect.scatter.add.f32 [tilespmem:s18], [sflag:$0x5], $0x80, s10, s15, $0xb8;
	[tilespmem:$0x1D000] =	vst v63  }
0x1a1: {  	_ =	swait.ge [sflag:s13], $0x4000  }
0x1a2: {  	[sflag:s13] =	ssyncset.done $0x0  }
0x1a3: {  	s6 =	rddreg [dreg:$0x17];
	[sflag:s13] =	ssyncadd.s32 $0xFFFFC000  }
0x1a4: {  	[tilespmem:s18], [sflag:$0x4] =	stream.indirect.gather [hbm4b:s4+s15], $0x80, s6, s15, $0xb8;
	[tilespmem:$0x1D000] =	vst v63  }
0x1a5: {  	_ =	swait.ge [sflag:s19], $0x4000  }
0x1a6: {  	[sflag:s19] =	ssyncset.done $0x0  }
0x1a7: {  	s9 =	rddreg [dreg:$0x18];
	[sflag:s19] =	ssyncadd.s32 $0xFFFFC000  }
0x1a8: {  	[spmem:s2] =	stream.indirect.scatter.add.f32 [tilespmem:s16], [sflag:$0x5], $0x80, s9, s15, $0xb8;
	[tilespmem:$0x1D000] =	vst v63  }
0x1a9: {  	_ =	swait.ge [sflag:s13], $0x4000  }
0x1aa: {  	[sflag:s13] =	ssyncset.done $0x0  }
0x1ab: {  	s10 =	rddreg [dreg:$0x19];
	[sflag:s13] =	ssyncadd.s32 $0xFFFFC000  }
0x1ac: {  	[tilespmem:s16], [sflag:$0x3] =	stream.indirect.gather [hbm4b:s4+s15], $0x80, s10, s15, $0xb8;
	[tilespmem:$0x1D000] =	vst v63  }
0x1ad: {  	_ =	swait.ge [sflag:s20], $0x4000  }
0x1ae: {  	[sflag:s20] =	ssyncset.done $0x0  }
0x1af: {  	[sflag:s20] =	ssyncadd.s32 $0xFFFFC000  }
0x1b0: {  	[spmem:s2] =	stream.indirect.scatter.add.f32 [tilespmem:s18], [sflag:$0x5], $0x80, s22, s15, $0xb8;
	[tilespmem:$0x1D000] =	vst v63  }
0x1b1: {  	_ =	swait.ge [sflag:s13], $0x4000  }
0x1b2: {  	[sflag:s13] =	ssyncset.done $0x0  }
0x1b3: {  	[sflag:s13] =	ssyncadd.s32 $0xFFFFC000  }
0x1b4: {  	[tilespmem:s18], [sflag:$0x4] =	stream.indirect.gather [hbm4b:s4+s15], $0x80, s23, s15, $0xb8;
	[tilespmem:$0x1D000] =	vst v63  }
0x1b5: {  	_ =	swait.ge [sflag:s19], $0x4000  }
0x1b6: {  	[sflag:s19] =	ssyncset.done $0x0  }
0x1b7: {  	[sflag:s19] =	ssyncadd.s32 $0xFFFFC000  }
0x1b8: {  	[spmem:s2] =	stream.indirect.scatter.add.f32 [tilespmem:s16], [sflag:$0x5], $0x80, s24, s15, $0xb8;
	[tilespmem:$0x1D000] =	vst v63  }
0x1b9: {  	_ =	swait.ge [sflag:s13], $0x4000  }
0x1ba: {  	[sflag:s13] =	ssyncset.done $0x0  }
0x1bb: {  	[sflag:s13] =	ssyncadd.s32 $0xFFFFC000  }
0x1bc: {  	[tilespmem:s16], [sflag:$0x3] =	stream.indirect.gather [hbm4b:s4+s15], $0x80, s25, s15, $0xb8;
	[tilespmem:$0x1D000] =	vst v63  }
0x1bd: {  	_ =	swait.ge [sflag:s20], $0x4000  }
0x1be: {  	[sflag:s20] =	ssyncset.done $0x0  }
0x1bf: {  	[sflag:s20] =	ssyncadd.s32 $0xFFFFC000  }
0x1c0: {  	[spmem:s2] =	stream.indirect.scatter.add.f32 [tilespmem:s18], [sflag:$0x5], $0x80, s26, s15, $0xb8;
	[tilespmem:$0x1D000] =	vst v63  }
0x1c1: {  	_ =	swait.ge [sflag:s13], $0x4000  }
0x1c2: {  	[sflag:s13] =	ssyncset.done $0x0  }
0x1c3: {  	[sflag:s13] =	ssyncadd.s32 $0xFFFFC000  }
0x1c4: {  	[tilespmem:s18], [sflag:$0x4] =	stream.indirect.gather [hbm4b:s4+s15], $0x80, s28, s15, $0xb8;
	[tilespmem:$0x1D000] =	vst v63  }
0x1c5: {  	_ =	swait.ge [sflag:s19], $0x4000  }
0x1c6: {  	[sflag:s19] =	ssyncset.done $0x0  }
0x1c7: {  	[sflag:s19] =	ssyncadd.s32 $0xFFFFC000  }
0x1c8: {  	[spmem:s2] =	stream.indirect.scatter.add.f32 [tilespmem:s16], [sflag:$0x5], $0x80, s29, s15, $0xb8;
	[tilespmem:$0x1D000] =	vst v63  }
0x1c9: {  	_ =	swait.ge [sflag:s13], $0x4000  }
0x1ca: {  	[sflag:s13] =	ssyncset.done $0x0  }
0x1cb: {  	[sflag:s13] =	ssyncadd.s32 $0xFFFFC000  }
0x1cc: {  	_ =	swait.ge [sflag:s14], $0x800  }
0x1cd: {  	[sflag:s14] =	ssyncset.done $0x0  }
0x1ce: {  	[sflag:s14] =	ssyncadd.s32 $0xFFFFF800  }
0x1cf: {  	[tilespmem:s16], [sflag:$0x3] =	stream.indirect.gather [hbm4b:s4+s15], $0x80, s3, s15, $0xb8;
	[tilespmem:$0x1D000] =	vst v63  }
0x1d0: {  	_ =	swait.ge [sflag:s20], $0x4000  }
0x1d1: {  	[sflag:s20] =	ssyncset.done $0x0  }
0x1d2: {  	[sflag:s20] =	ssyncadd.s32 $0xFFFFC000  }
0x1d3: {  	[spmem:s2] =	stream.indirect.scatter.add.f32 [tilespmem:s18], [sflag:$0x5], $0x80, s30, s15, $0xb8;
	[tilespmem:$0x1D000] =	vst v63  }
0x1d4: {  	s9 =	smin.u32 s1, $0x10;
	_ =	swait.ge [sflag:s13], $0x4000  }
0x1d5: {  	s1 =	sshll.u32 s9, $0xB;
	s6 =	rddreg [dreg:$0x4]  }
0x1d6: {  	s0 =	sadd.s32 s1, s6  }
0x1d7: {  	[sflag:s13] =	ssyncset.done $0x0;
	s0 =	sshrl.u32 s0, $0x3  }
0x1d8: {  	[sflag:s13] =	ssyncadd.s32 $0xFFFFC000;
	s0 =	sadd.s32 s5, s0  }
0x1d9: {  	[tilespmem:s17], [sflag:$0x2] =	stream.linear.gather [hbm4b:s0+s3], $0x800, $0x38;
	[tilespmem:$0x1D000] =	vst v63  }
0x1da: {  	_ =	swait.ge [sflag:s19], $0x4000  }
0x1db: {  	[sflag:s19] =	ssyncset.done $0x0  }
0x1dc: {  	[sflag:s19] =	ssyncadd.s32 $0xFFFFC000  }
0x1dd: {  	_ =	swait.ge [sflag:s21], $0x800  }
0x1de: {  	[sflag:s21] =	ssyncset.done $0x0  }
0x1df: {  	s31 =	sadd.s32 $0x1, s31;
	[sflag:s21] =	ssyncadd.s32 $0xFFFFF800  }
0x1e0: {  	p0 =	sne.s32 s31, s11;
	[bflag:$0x0] =	sbarrier.arrive $0xFFFF  }
.Ltmp1:
0x1e1: {  	s10 =	rddreg [dreg:$0x1c];
	(pc) =	sbr.rel @p0 .LBB2_1-.Ltmp1, $4  }
0x1e2: {  	[hbm:s10], [sflag:s8] =	dma.local [spmem:s12], $0x2800  }
0x1e3: {  	_ =	swait.ge [sflag:s13], $0x2800  }
0x1e4: {  	[sflag:s13] =	ssyncset.done $0x0  }
0x1e5: {  	[sflag:s13] =	ssyncadd.s32 $0xFFFFD800  }
0x1e6: {  	_ =	sfence.sel $0x180000  }
0x1e7: {  	[bflag:$0x0] =	sbarrier.arrive $0xFFFF  }
0x1e8: {  	_ =	strace $0x9000004D  }
0x1e9: {  	s0 =	stileid.u32;
	[bflag:$0x2] =	sbarrier.arrive $0xFFFF  }
0x1ea: {  	p0 =	sne.s32 s0, $0x0;
	s0 =	rddreg [dreg:$0x2]  }
0x1eb: {  	s0 =	sadd.s32 @!p0 $0x100000, s0  }
0x1ec: {  	[sflag:s0] =	ssyncadd.tile.s32 @!p0 $0x1;
	_ =	shalt  }
.Lfunc_end2:
_tile_overlayer_lowered:
.L_overlay_start_2:
0x1ed: {  	(tag) =	ssettag $0x2  }
0x1ee: {  	s0 =	rddreg [dreg:$0x0];
	s2 =	stileid.u32  }
0x1ef: {  	s1 =	rddreg [dreg:$0x1];
	p0 =	sne.s32 s2, $0x0  }
0x1f0: {  	s3 =	rddreg [dreg:$0x2];
	[bflag:$0x3] =	sbarrier.arrive $0xFFFF;
	s2 =	simm.s32 @!p0 $0x1C05  }
0x1f1: {  	[timem:s3], [sflag:s2] =	dma.local @!p0 [hbm:s0], s1  }
0x1f2: {  	s0 =	simm.s32 @!p0 $0x5  }
0x1f3: {  	_ =	swait.ge @!p0 [sflag:s0], s1  }
0x1f4: {  	s1 =	ssub.s32 @!p0 $0x0, s1;
	[sflag:s0] =	ssyncset.done @!p0 $0x0  }
0x1f5: {  	[sflag:s0] =	ssyncadd.s32 @!p0 s1  }
0x1f6: {  	[bflag:$0x3] =	sbarrier.arrive $0xFFFF  }
0x1f7: {  	_ =	shalt  }

// kernel: kernel.9.cloned.1.call-start
scs
__scs_entry_jumppad:
0x0: {  	(pc) =	sbr.rel $0x88, $3  }
0x1: {  	(tag) =	ssettag $0x0;
	lr =	simm.s32 $0x1  }
0x2: {  	[smem:$0x3F8B] =	sst lr;
	_ =	strace $0xD0000000  }
0x3: {  	_ = 	snop  }
0x4: {  	_ = 	snop  }
0x5: {  	_ = 	snop  }
0x6: {  	_ = 	snop  }
0x7: {  	_ = 	snop  }
__scs_overlays_trampoline_lowered:
0x8: {  	[smem:$0x3F9A] =	sst s0  }
0x9: {  	[smem:$0x3F9B] =	sst s1  }
0xa: {  	[smem:$0x3F9C] =	sst s2  }
0xb: {  	[smem:$0x3F9D] =	sst s3  }
0xc: {  	[smem:$0x3F9E] =	sst s4  }
0xd: {  	[smem:$0x3F9F] =	sst s5  }
0xe: {  	[smem:$0x3FA0] =	sst s6  }
0xf: {  	[smem:$0x3FA1] =	sst s7  }
0x10: {  	[smem:$0x3FA2] =	sst s8  }
0x11: {  	[smem:$0x3FA3] =	sst s9;
	s0 =	simm.s32 @!p0 $0x0  }
0x12: {  	s1 =	sld [smem:$0x3F89];
	s0 =	simm.s32 @p0 $0x1  }
0x13: {  	[smem:$0x3FA4] =	sst s0;
	s0 =	simm.s32 @!p1 $0x0  }
0x14: {  	s2 =	sld [smem:$0x3F88];
	s0 =	simm.s32 @p1 $0x1  }
0x15: {  	[smem:$0x3FA5] =	sst s0;
	s0 =	simm.s32 @!p2 $0x0  }
0x16: {  	s3 =	sld [smem:$0x3FDB];
	s0 =	simm.s32 @p2 $0x1  }
0x17: {  	s4 =	simm.s32 $0x1BF5;
	[smem:$0x3FA7] =	sst s0  }
0x18: {  	s0 =	sld [smem:$0x3F8A];
	_ =	swait.ge [sflag:s4], $0x0  }
0x19: {  	s7 =	sld [smem:$0x3F8B]  }
0x1a: {  	s8 =	sadd.s32 $0xFFFFE003, lr  }
0x1b: {  	s9 =	sadd.s32 $0xFFFFFEF7, lr;
	s5 =	simm.s32 $0xFFFFFFFF;
	p2 =	slt.u32 s8, $0xFFFFF086  }
0x1c: {  	p1 =	slt.u32 s9, $0xF7A;
	s5 =	simm.s32 @!p2 $0x0  }
0x1d: {  	s5 =	simm.s32 @p1 $0x1;
	p0 =	seq.s32 s7, s2  }
0x1e: {  	s7 =	smul.u32 @!p0 $0xF7A, s2;
	p2 =	seq.s32 @!p0 s5, $0x0  }
0x1f: {  	s9 =	smul.u32 $0xF7A, s1;
	s8 =	simm.s32 @!p0 $0x1BF5;
	p2 =	por !p2, p0  }
0x20: {  	[sflag:s8] =	ssyncset.s32 @!p0 $0xFFFFF086;
	s6 =	sadd.s32 @!p0 s3, s7;
	s7 =	simm.s32 @!p0 $0x108  }
0x21: {  	s3 =	sadd.s32 s3, s9;
	s6 =	sadd.s32 @!p0 $0x88, s6;
	s7 =	simm.s32 @p2 $0x1082  }
0x22: {  	[simem:s7], [sflag:s8] =	dma.local @!p0 [hbm:s6], $0xF7A  }
0x23: {  	s9 =	sor.u32 $0xD0000000, s2;
	s6 =	simm.s32 $0x108;
	_ =	swait.ge @!p0 [sflag:s8], $0x0  }
0x24: {  	s3 =	sadd.s32 $0x88, s3;
	s6 =	simm.s32 @!p1 $0x1082;
	[sflag:s4] =	ssyncset.s32 $0xFFFFF086  }
0x25: {  	[simem:s6], [sflag:s4] =	dma.local [hbm:s3], $0xF7A  }
0x26: {  	[smem:$0x3F8B] =	sst s1;
	(tag) =	ssettag s2;
	_ =	strace s9  }
0x27: {  	s1 =	sld [smem:$0x3F9B]  }
0x28: {  	s2 =	sld [smem:$0x3F9C]  }
0x29: {  	s4 =	sld [smem:$0x3F9E]  }
0x2a: {  	p0 =	seq.s32 s5, $0x0;
	s5 =	sld [smem:$0x3F9F]  }
0x2b: {  	s6 =	sld [smem:$0x3FA0]  }
0x2c: {  	s7 =	sld [smem:$0x3FA1]  }
0x2d: {  	s3 =	simm.s32 $0x108;
	s8 =	sld [smem:$0x3FA2]  }
0x2e: {  	s3 =	simm.s32 @!p0 $0x1082;
	s9 =	sld [smem:$0x3FA3]  }
0x2f: {  	lr =	sadd.s32 s0, s3;
	s0 =	sld [smem:$0x3F9A]  }
0x30: {  	s3 =	sld [smem:$0x3F9D]  }
0x31: {  	[smem:$0x3FA6] =	sst s10  }
0x32: {  	s10 =	sld [smem:$0x3FA4];
	_ =	sdelay $0x3  }
0x33: {  	p0 =	seq.s32 s10, $0x1;
	s10 =	sld [smem:$0x3FA6];
	_ =	sdelay $0x3  }
0x34: {  	[smem:$0x3FA6] =	sst s10  }
0x35: {  	s10 =	sld [smem:$0x3FA5];
	_ =	sdelay $0x3  }
0x36: {  	p1 =	seq.s32 s10, $0x1;
	s10 =	sld [smem:$0x3FA6];
	_ =	sdelay $0x3  }
0x37: {  	[smem:$0x3FA6] =	sst s10  }
0x38: {  	s10 =	sld [smem:$0x3FA7]  }
0x39: {  	_ = 	snop;
	(pc) =	sbr.ind lr, $3  }
0x3a: {  	_ = 	snop  }
0x3b: {  	_ = 	snop  }
0x3c: {  	p2 =	seq.s32 s10, $0x1;
	s10 =	sld [smem:$0x3FA6]  }
0x3d: {  	_ =	shalt  }
0x3e: {  	_ =	shalt  }
0x3f: {  	_ =	shalt  }
0x40: {  	_ =	shalt  }
0x41: {  	_ =	shalt  }
0x42: {  	_ =	shalt  }
0x43: {  	_ =	shalt  }
0x44: {  	_ =	shalt  }
0x45: {  	_ =	shalt  }
0x46: {  	_ =	shalt  }
0x47: {  	_ =	shalt  }
0x48: {  	_ =	shalt  }
0x49: {  	_ =	shalt  }
0x4a: {  	_ =	shalt  }
0x4b: {  	_ =	shalt  }
0x4c: {  	_ =	shalt  }
0x4d: {  	_ =	shalt  }
0x4e: {  	_ =	shalt  }
0x4f: {  	_ =	shalt  }
0x50: {  	_ =	shalt  }
0x51: {  	_ =	shalt  }
0x52: {  	_ =	shalt  }
0x53: {  	_ =	shalt  }
0x54: {  	_ =	shalt  }
0x55: {  	_ =	shalt  }
0x56: {  	_ =	shalt  }
0x57: {  	_ =	shalt  }
0x58: {  	_ =	shalt  }
0x59: {  	_ =	shalt  }
0x5a: {  	_ =	shalt  }
0x5b: {  	_ =	shalt  }
0x5c: {  	_ =	shalt  }
0x5d: {  	_ =	shalt  }
0x5e: {  	_ =	shalt  }
0x5f: {  	_ =	shalt  }
0x60: {  	_ =	shalt  }
0x61: {  	_ =	shalt  }
0x62: {  	_ =	shalt  }
0x63: {  	_ =	shalt  }
0x64: {  	_ =	shalt  }
0x65: {  	_ =	shalt  }
0x66: {  	_ =	shalt  }
0x67: {  	_ =	shalt  }
0x68: {  	_ =	shalt  }
0x69: {  	_ =	shalt  }
0x6a: {  	_ =	shalt  }
0x6b: {  	_ =	shalt  }
0x6c: {  	_ =	shalt  }
0x6d: {  	_ =	shalt  }
0x6e: {  	_ =	shalt  }
0x6f: {  	_ =	shalt  }
0x70: {  	_ =	shalt  }
0x71: {  	_ =	shalt  }
0x72: {  	_ =	shalt  }
0x73: {  	_ =	shalt  }
0x74: {  	_ =	shalt  }
0x75: {  	_ =	shalt  }
0x76: {  	_ =	shalt  }
0x77: {  	_ =	shalt  }
0x78: {  	_ =	shalt  }
0x79: {  	_ =	shalt  }
0x7a: {  	_ =	shalt  }
0x7b: {  	_ =	shalt  }
0x7c: {  	_ =	shalt  }
0x7d: {  	_ =	shalt  }
0x7e: {  	_ =	shalt  }
0x7f: {  	_ =	shalt  }
0x80: {  	_ =	shalt  }
0x81: {  	_ =	shalt  }
0x82: {  	_ =	shalt  }
0x83: {  	_ =	shalt  }
0x84: {  	_ =	shalt  }
0x85: {  	_ =	shalt  }
0x86: {  	_ =	shalt  }
0x87: {  	_ =	shalt  }
.Lfunc_end0:
.L_simem_size_0:
called_computation_lowered:
.L_overlay_start_0:
0x88: {  	s2 =	sld [smem:$0x3FD9]  }
0x89: {  	s3 =	sld [smem:$0x3FFE];
	_ =	sdelay $0x1  }
0x8a: {  	s1 =	srdreg.scid  }
0x8b: {  	s0 =	sand.u32 $0x1, s1  }
0x8c: {  	s16 =	sshll.u32 s0, $0xA;
	s2 =	sadd.s32 s3, s2  }
0x8d: {  	s2 =	sadd.s32 s2, s16  }
0x8e: {  	[smem:$0x3FB2] =	sst s2  }
0x8f: {  	_ = 	snop  }
0x90: {  	(tm) =	ssettm $0x1  }
0x91: {  	s17 =	sld [smem:$0x3FFB];
	_ =	sdelay $0x3  }
0x92: {  	_ =	strace s17  }
0x93: {  	s2 =	sld [smem:$0x3FFC];
	_ =	sdelay $0x3  }
0x94: {  	_ =	strace s2  }
0x95: {  	s2 =	sld [smem:$0x3FFD];
	_ =	sdelay $0x3  }
0x96: {  	_ =	strace s2  }
0x97: {  	_ =	strace $0x8FFFFFFF  }
0x98: {  	s18 =	sld [smem:$0x3FDB];
	_ =	sdelay $0x1  }
0x99: {  	s19 =	simm.s32 $_scs_section_size  }
0x9a: {  	s4 =	simm.s32 $_size__tile_overlayer_lowered;
	s5 =	simm.s32 $_tile_overlayer_lowered  }
0x9b: {  	s22 =	simm.s32 $0x1BFF;
	s21 =	sshll.u32 s5, $0x1;
	s2 =	sadd.s32 s19, s18  }
0x9c: {  	s6 =	simm.s32 $0x0;
	s20 =	sshll.u32 s4, $0x1;
	s4 =	sadd.s32 s21, s2  }
0x9d: {  	[timem:s6], [sflag:s22] =	dma.local [hbm:s4], s20  }
0x9e: {  	_ =	swait.ge [sflag:s22], s20  }
0x9f: {  	s3 =	ssub.s32 $0x0, s20;
	[sflag:s22] =	ssyncset.done $0x0  }
0xa0: {  	[sflag:s22] =	ssyncadd.s32 s3;
	_ =	sdelay $0x1  }
0xa1: {  	s23 =	simm.s32 $0x1B8B  }
0xa2: {  	_ =	swait.ge [sflag:s23], $0x1  }
0xa3: {  	[sflag:s23] =	ssyncset.done $0x0  }
0xa4: {  	s25 =	simm.s32 $0x1B8E;
	s24 =	sld [smem:$0x3FFE];
	[sflag:s23] =	ssyncadd.s32 $0xFFFFFFFF  }
0xa5: {  	s26 =	simm.s32 $execute0_lowered;
	[smem:$0x3FD2] =	sst s25  }
0xa6: {  	s4 =	sshll.u32 s26, $0x1;
	_ =	strace $0x80000046;
	[dreg:$0x1] =	wrdreg $0xFFFFFFFF  }
0xa7: {  	s28 =	simm.s32 $_size_execute0_lowered;
	s2 =	sadd.s32 s2, s4;
	[dreg:$0x0] =	wrdreg $0x0  }
0xa8: {  	s4 =	sshll.u32 s28, $0x1;
	[dreg:$0x2] =	wrdreg s2  }
0xa9: {  	[dreg:$0x3] =	wrdreg s4  }
0xaa: {  	[dreg:$0x4] =	wrdreg $0xC0  }
0xab: {  	_ =	task [dreg:s6], $0x5FFFF  }
0xac: {  	[dreg:$0x1] =	wrdreg $0xFFFFFFFF  }
0xad: {  	[dreg:$0x0] =	wrdreg $0x60  }
0xae: {  	[dreg:$0x2] =	wrdreg s24  }
0xaf: {  	[dreg:$0x3] =	wrdreg $0x90000  }
0xb0: {  	[dreg:$0x4] =	wrdreg $0x9  }
0xb1: {  	_ =	task.clear_ibuf [dreg:s6], $0x5FFFF;
	_ =	strace $0x90000046  }
0xb2: {  	s29 =	simm.s32 $0x9;
	_ =	strace $0x80000048  }
0xb3: {  	_ =	swait.ge [sflag:s29], $0x1  }
0xb4: {  	[sflag:s29] =	ssyncadd.s32 $0xFFFFFFFF  }
0xb5: {  	_ =	strace $0x90000048  }
0xb6: {  	_ =	sfence  }
0xb7: {  	s30 =	sld [smem:$0x0];
	_ =	sdelay $0x2  }
0xb8: {  	s31 =	sshll.u32 s1, $0xD;
	s1 =	sshrl.u32 s1, $0x2  }
0xb9: {  	s3 =	sand.u32 $0x4000, s31;
	s1 =	sadd.s32 s1, s30  }
0xba: {  	s0 =	sor.u32 s3, s0;
	s1 =	sshll.u32 s1, $0x11  }
0xbb: {  	s0 =	sor.u32 s1, s0  }
0xbc: {  	s0 =	sadd.s32 $0x8F2B, s0  }
0xbd: {  	[sflag:s0] =	ssyncadd.remote.s32 $0x1  }
0xbe: {  	_ =	sfence.sel $0xFFFF  }
0xbf: {  	[dreg:$0x0] =	wrdreg $0xFFFFFFFF;
	(pc) =	sbr.abs _section_cstart, $3  }
0xc0: {  	[dreg:$0x1] =	wrdreg $0xFFFFFFFF  }
0xc1: {  	_ =	task.clear_ibuf [dreg:s6], $0x2FFFF;
	_ =	strace $0x9FFFFFFF  }
0xc2: {  	(tm) =	ssettm $0x7FFFFFFF  }
0xc3: {  	_ =	shalt  }
tec
execute0_lowered:
.L_overlay_start_1:
0x0: {  	(tag) =	ssettag $0x1  }
0x1: {  	s0 =	srdreg.scid;
	s1 =	rddreg [dreg:$0x0]  }
0x2: {  	s10 =	stileid.u32;
	s2 =	rddreg [dreg:$0x1]  }
0x3: {  	s3 =	simm.s32 $0x0;
	s17 =	simm.s32 $0x100;
	s19 =	simm.s32 $0x200  }
0x4: {  	s20 =	simm.s32 $0x180;
	[smem:$0x7FF] =	sst s3;
	s14 =	sadd.s32 $0x7D200, s1  }
0x5: {  	s21 =	simm.s32 $0x300;
	_ =	strace $0x80000047;
	[dreg:$0x1a] =	wrdreg s14  }
0x6: {  	s23 =	simm.s32 $0x280;
	s24 =	simm.s32 $0x400;
	[dreg:$0x5] =	wrdreg s17  }
0x7: {  	s25 =	simm.s32 $0x380;
	s11 =	simm.s32 $0x500;
	[dreg:$0x6] =	wrdreg s19  }
0x8: {  	s28 =	simm.s32 $0xF00;
	s29 =	simm.s32 $0xE80;
	[dreg:$0x7] =	wrdreg s20  }
0x9: {  	s30 =	simm.s32 $0xF80;
	s31 =	simm.s32 $0x0;
	[dreg:$0x8] =	wrdreg s21  }
0xa: {  	s0 =	sand.u32 $0x1, s0;
	s7 =	smul.u32 $0x14000, s10;
	[dreg:$0x9] =	wrdreg s23  }
0xb: {  	s9 =	smul.u32 $0xA000, s10;
	s4 =	sadd.s32 $0x2F000, s1;
	[dreg:$0xa] =	wrdreg s24  }
0xc: {  	s5 =	sadd.s32 $0x7000, s1;
	s22 =	smul.u32 $0x50000, s10;
	[dreg:$0xb] =	wrdreg s25  }
0xd: {  	s12 =	sshll.u32 s10, $0x6;
	[dreg:$0xc] =	wrdreg s11;
	s14 =	simm.s32 $0x600  }
0xe: {  	s6 =	smul.u32 $0x140000, s0;
	s17 =	simm.s32 $0x700;
	[dreg:$0xe] =	wrdreg s14  }
0xf: {  	s8 =	smul.u32 $0xA0000, s0;
	s19 =	simm.s32 $0x780;
	[dreg:$0x10] =	wrdreg s17  }
0x10: {  	s0 =	ssub.s32 $0x2, s0;
	s20 =	simm.s32 $0x900;
	[dreg:$0x12] =	wrdreg s19  }
0x11: {  	s21 =	simm.s32 $0x880;
	s23 =	simm.s32 $0x980;
	[dreg:$0x13] =	wrdreg s20  }
0x12: {  	s24 =	simm.s32 $0xB00;
	s25 =	simm.s32 $0xA80;
	[dreg:$0x14] =	wrdreg s21  }
0x13: {  	s18 =	sshrl.u32 s0, $0x1;
	s14 =	simm.s32 $0x1;
	[dreg:$0x16] =	wrdreg s23  }
0x14: {  	s17 =	simm.s32 $0x800;
	[dreg:$0x17] =	wrdreg s24;
	s19 =	simm.s32 $0x3  }
0x15: {  	[dreg:$0x18] =	wrdreg s25;
	s20 =	simm.s32 $0x4;
	s21 =	simm.s32 $0x2  }
0x16: {  	s23 =	simm.s32 $0xD00;
	s24 =	simm.s32 $0xC80;
	s25 =	simm.s32 $0xE00  }
0x17: {  	s6 =	sadd.s32 s7, s6;
	s13 =	sadd.s32 s9, s8;
	s0 =	ssub.s32 s0, s18  }
0x18: {  	s8 =	sshrl.u32 s22, $0x2;
	s18 =	simm.s32 $0x680;
	s22 =	simm.s32 $0xA00  }
0x19: {  	s6 =	sshrl.u32 s6, $0x3;
	s15 =	sor.u32 $0x1000, s13;
	s16 =	sor.u32 $0x1800, s13  }
0x1a: {  	s7 =	sshrl.u32 s13, $0x3;
	s26 =	sadd.s32 s8, s2;
	[dreg:$0x11] =	wrdreg s18  }
0x1b: {  	s13 =	simm.s32 $0x480;
	s8 =	sor.u32 $0x1C05, s12;
	[dreg:$0x15] =	wrdreg s22  }
0x1c: {  	s11 =	smax.u32 s0, $0x1;
	s18 =	simm.s32 $0x5000;
	[dreg:$0x3] =	wrdreg s15  }
0x1d: {  	s22 =	simm.s32 $0xB80;
	s1 =	sadd.s32 s6, s1;
	[dreg:$0x4] =	wrdreg s16  }
0x1e: {  	s7 =	sadd.s32 s5, s7;
	[dreg:$0xd] =	wrdreg s13;
	s16 =	simm.s32 $0x580  }
0x1f: {  	s12 =	sshrl.u32 s26, $0x3;
	s26 =	simm.s32 $0xC00;
	[dreg:$0xf] =	wrdreg s16  }
0x20: {  	s13 =	simm.s32 $0x5;
	s15 =	sadd.s32 $0x100, s7;
	[dreg:$0x19] =	wrdreg s26  }
0x21: {  	s1 =	sadd.s32 $0x7FA00, s1;
	s16 =	simm.s32 $0x1000;
	[dreg:$0x1b] =	wrdreg s15  }
0x22: {  	s26 =	simm.s32 $0xD80;
	[dreg:$0x1c] =	wrdreg s1;
	s15 =	simm.s32 $0x80  }
.LBB2_1:
0x23: {  	[tilespmem:s3], [sflag:$0x1] =	stream.linear.gather [hbm4b:s7+s3], $0x800, $0x38;
	[tilespmem:$0x1D000] =	vst v63  }
0x24: {  	s0 =	rddreg [dreg:$0x1a]  }
0x25: {  	[spmem:s12], [sflag:s8] =	dma.local [hbm:s0], $0x2800  }
0x26: {  	_ =	swait.ge [sflag:s13], $0x2800  }
0x27: {  	[sflag:s13] =	ssyncset.done $0x0  }
0x28: {  	[sflag:s13] =	ssyncadd.s32 $0xFFFFD800  }
0x29: {  	_ =	swait.ge [sflag:s14], $0x800  }
0x2a: {  	[sflag:s14] =	ssyncset.done $0x0  }
0x2b: {  	[sflag:s14] =	ssyncadd.s32 $0xFFFFF800  }
0x2c: {  	[bflag:$0x0] =	sbarrier.arrive $0xFFFF  }
0x2d: {  	[tilespmem:s16], [sflag:$0x3] =	stream.indirect.gather [hbm4b:s4+s15], $0x80, s3, s15, $0xb8;
	[tilespmem:$0x1D000] =	vst v63  }
0x2e: {  	s1 =	rddreg [dreg:$0x1b]  }
0x2f: {  	[tilespmem:s17], [sflag:$0x2] =	stream.linear.gather [hbm4b:s1+s3], $0x800, $0x38;
	[tilespmem:$0x1D000] =	vst v63  }
0x30: {  	s10 =	rddreg [dreg:$0x5]  }
0x31: {  	[tilespmem:s18], [sflag:$0x4] =	stream.indirect.gather [hbm4b:s4+s15], $0x80, s10, s15, $0xb8;
	[tilespmem:$0x1D000] =	vst v63  }
0x32: {  	_ =	swait.ge [sflag:s19], $0x4000  }
0x33: {  	[sflag:s19] =	ssyncset.done $0x0  }
0x34: {  	[sflag:s19] =	ssyncadd.s32 $0xFFFFC000  }
0x35: {  	[spmem:s2] =	stream.indirect.scatter.add.f32 [tilespmem:s16], [sflag:$0x5], $0x80, s15, s15, $0xb8;
	[tilespmem:$0x1D000] =	vst v63  }
0x36: {  	_ =	swait.ge [sflag:s13], $0x4000  }
0x37: {  	[sflag:s13] =	ssyncset.done $0x0  }
0x38: {  	s1 =	rddreg [dreg:$0x6];
	[sflag:s13] =	ssyncadd.s32 $0xFFFFC000  }
0x39: {  	[tilespmem:s16], [sflag:$0x3] =	stream.indirect.gather [hbm4b:s4+s15], $0x80, s1, s15, $0xb8;
	[tilespmem:$0x1D000] =	vst v63  }
0x3a: {  	_ =	swait.ge [sflag:s20], $0x4000  }
0x3b: {  	[sflag:s20] =	ssyncset.done $0x0  }
0x3c: {  	s6 =	rddreg [dreg:$0x7];
	[sflag:s20] =	ssyncadd.s32 $0xFFFFC000  }
0x3d: {  	[spmem:s2] =	stream.indirect.scatter.add.f32 [tilespmem:s18], [sflag:$0x5], $0x80, s6, s15, $0xb8;
	[tilespmem:$0x1D000] =	vst v63  }
0x3e: {  	_ =	swait.ge [sflag:s13], $0x4000  }
0x3f: {  	[sflag:s13] =	ssyncset.done $0x0  }
0x40: {  	s9 =	rddreg [dreg:$0x8];
	[sflag:s13] =	ssyncadd.s32 $0xFFFFC000  }
0x41: {  	[tilespmem:s18], [sflag:$0x4] =	stream.indirect.gather [hbm4b:s4+s15], $0x80, s9, s15, $0xb8;
	[tilespmem:$0x1D000] =	vst v63  }
0x42: {  	_ =	swait.ge [sflag:s19], $0x4000  }
0x43: {  	[sflag:s19] =	ssyncset.done $0x0  }
0x44: {  	s10 =	rddreg [dreg:$0x9];
	[sflag:s19] =	ssyncadd.s32 $0xFFFFC000  }
0x45: {  	[spmem:s2] =	stream.indirect.scatter.add.f32 [tilespmem:s16], [sflag:$0x5], $0x80, s10, s15, $0xb8;
	[tilespmem:$0x1D000] =	vst v63  }
0x46: {  	_ =	swait.ge [sflag:s13], $0x4000  }
0x47: {  	[sflag:s13] =	ssyncset.done $0x0  }
0x48: {  	s1 =	rddreg [dreg:$0xa];
	[sflag:s13] =	ssyncadd.s32 $0xFFFFC000  }
0x49: {  	[tilespmem:s16], [sflag:$0x3] =	stream.indirect.gather [hbm4b:s4+s15], $0x80, s1, s15, $0xb8;
	[tilespmem:$0x1D000] =	vst v63  }
0x4a: {  	_ =	swait.ge [sflag:s20], $0x4000  }
0x4b: {  	[sflag:s20] =	ssyncset.done $0x0  }
0x4c: {  	s6 =	rddreg [dreg:$0xb];
	[sflag:s20] =	ssyncadd.s32 $0xFFFFC000  }
0x4d: {  	[spmem:s2] =	stream.indirect.scatter.add.f32 [tilespmem:s18], [sflag:$0x5], $0x80, s6, s15, $0xb8;
	[tilespmem:$0x1D000] =	vst v63  }
0x4e: {  	_ =	swait.ge [sflag:s13], $0x4000  }
0x4f: {  	[sflag:s13] =	ssyncset.done $0x0  }
0x50: {  	s9 =	rddreg [dreg:$0xc];
	[sflag:s13] =	ssyncadd.s32 $0xFFFFC000  }
0x51: {  	[tilespmem:s18], [sflag:$0x4] =	stream.indirect.gather [hbm4b:s4+s15], $0x80, s9, s15, $0xb8;
	[tilespmem:$0x1D000] =	vst v63  }
0x52: {  	_ =	swait.ge [sflag:s19], $0x4000  }
0x53: {  	[sflag:s19] =	ssyncset.done $0x0  }
0x54: {  	s10 =	rddreg [dreg:$0xd];
	[sflag:s19] =	ssyncadd.s32 $0xFFFFC000  }
0x55: {  	[spmem:s2] =	stream.indirect.scatter.add.f32 [tilespmem:s16], [sflag:$0x5], $0x80, s10, s15, $0xb8;
	[tilespmem:$0x1D000] =	vst v63  }
0x56: {  	_ =	swait.ge [sflag:s13], $0x4000  }
0x57: {  	[sflag:s13] =	ssyncset.done $0x0  }
0x58: {  	s1 =	rddreg [dreg:$0xe];
	[sflag:s13] =	ssyncadd.s32 $0xFFFFC000  }
0x59: {  	[tilespmem:s16], [sflag:$0x3] =	stream.indirect.gather [hbm4b:s4+s15], $0x80, s1, s15, $0xb8;
	[tilespmem:$0x1D000] =	vst v63  }
0x5a: {  	_ =	swait.ge [sflag:s20], $0x4000  }
0x5b: {  	[sflag:s20] =	ssyncset.done $0x0  }
0x5c: {  	s6 =	rddreg [dreg:$0xf];
	[sflag:s20] =	ssyncadd.s32 $0xFFFFC000  }
0x5d: {  	[spmem:s2] =	stream.indirect.scatter.add.f32 [tilespmem:s18], [sflag:$0x5], $0x80, s6, s15, $0xb8;
	[tilespmem:$0x1D000] =	vst v63  }
0x5e: {  	_ =	swait.ge [sflag:s13], $0x4000  }
0x5f: {  	[sflag:s13] =	ssyncset.done $0x0  }
0x60: {  	s9 =	rddreg [dreg:$0x10];
	[sflag:s13] =	ssyncadd.s32 $0xFFFFC000  }
0x61: {  	[tilespmem:s18], [sflag:$0x4] =	stream.indirect.gather [hbm4b:s4+s15], $0x80, s9, s15, $0xb8;
	[tilespmem:$0x1D000] =	vst v63  }
0x62: {  	_ =	swait.ge [sflag:s19], $0x4000  }
0x63: {  	[sflag:s19] =	ssyncset.done $0x0  }
0x64: {  	s10 =	rddreg [dreg:$0x11];
	[sflag:s19] =	ssyncadd.s32 $0xFFFFC000  }
0x65: {  	[spmem:s2] =	stream.indirect.scatter.add.f32 [tilespmem:s16], [sflag:$0x5], $0x80, s10, s15, $0xb8;
	[tilespmem:$0x1D000] =	vst v63  }
0x66: {  	_ =	swait.ge [sflag:s13], $0x4000  }
0x67: {  	[sflag:s13] =	ssyncset.done $0x0  }
0x68: {  	[sflag:s13] =	ssyncadd.s32 $0xFFFFC000  }
0x69: {  	_ =	swait.ge [sflag:s21], $0x800  }
0x6a: {  	[sflag:s21] =	ssyncset.done $0x0  }
0x6b: {  	[sflag:s21] =	ssyncadd.s32 $0xFFFFF800  }
0x6c: {  	[tilespmem:s16], [sflag:$0x3] =	stream.indirect.gather [hbm4b:s4+s15], $0x80, s17, s15, $0xb8;
	[tilespmem:$0x1D000] =	vst v63  }
0x6d: {  	_ =	swait.ge [sflag:s20], $0x4000  }
0x6e: {  	[sflag:s20] =	ssyncset.done $0x0  }
0x6f: {  	s1 =	rddreg [dreg:$0x12];
	[sflag:s20] =	ssyncadd.s32 $0xFFFFC000  }
0x70: {  	[spmem:s2] =	stream.indirect.scatter.add.f32 [tilespmem:s18], [sflag:$0x5], $0x80, s1, s15, $0xb8;
	[tilespmem:$0x1D000] =	vst v63  }
0x71: {  	s9 =	smin.u32 s3, $0x11;
	_ =	swait.ge [sflag:s13], $0x4000  }
0x72: {  	s1 =	sshll.u32 s9, $0xB;
	s6 =	rddreg [dreg:$0x3]  }
0x73: {  	s0 =	sadd.s32 s1, s6  }
0x74: {  	[sflag:s13] =	ssyncset.done $0x0;
	s0 =	sshrl.u32 s0, $0x3  }
0x75: {  	[sflag:s13] =	ssyncadd.s32 $0xFFFFC000;
	s0 =	sadd.s32 s5, s0  }
0x76: {  	[tilespmem:s3], [sflag:$0x1] =	stream.linear.gather [hbm4b:s0+s3], $0x800, $0x38;
	[tilespmem:$0x1D000] =	vst v63  }
0x77: {  	s10 =	rddreg [dreg:$0x13]  }
0x78: {  	[tilespmem:s18], [sflag:$0x4] =	stream.indirect.gather [hbm4b:s4+s15], $0x80, s10, s15, $0xb8;
	[tilespmem:$0x1D000] =	vst v63  }
0x79: {  	_ =	swait.ge [sflag:s19], $0x4000  }
0x7a: {  	[sflag:s19] =	ssyncset.done $0x0  }
0x7b: {  	s1 =	rddreg [dreg:$0x14];
	[sflag:s19] =	ssyncadd.s32 $0xFFFFC000  }
0x7c: {  	[spmem:s2] =	stream.indirect.scatter.add.f32 [tilespmem:s16], [sflag:$0x5], $0x80, s1, s15, $0xb8;
	[tilespmem:$0x1D000] =	vst v63  }
0x7d: {  	_ =	swait.ge [sflag:s13], $0x4000  }
0x7e: {  	[sflag:s13] =	ssyncset.done $0x0  }
0x7f: {  	s6 =	rddreg [dreg:$0x15];
	[sflag:s13] =	ssyncadd.s32 $0xFFFFC000  }
0x80: {  	[tilespmem:s16], [sflag:$0x3] =	stream.indirect.gather [hbm4b:s4+s15], $0x80, s6, s15, $0xb8;
	[tilespmem:$0x1D000] =	vst v63  }
0x81: {  	_ =	swait.ge [sflag:s20], $0x4000  }
0x82: {  	[sflag:s20] =	ssyncset.done $0x0  }
0x83: {  	s9 =	rddreg [dreg:$0x16];
	[sflag:s20] =	ssyncadd.s32 $0xFFFFC000  }
0x84: {  	[spmem:s2] =	stream.indirect.scatter.add.f32 [tilespmem:s18], [sflag:$0x5], $0x80, s9, s15, $0xb8;
	[tilespmem:$0x1D000] =	vst v63  }
0x85: {  	_ =	swait.ge [sflag:s13], $0x4000  }
0x86: {  	[sflag:s13] =	ssyncset.done $0x0  }
0x87: {  	s10 =	rddreg [dreg:$0x17];
	[sflag:s13] =	ssyncadd.s32 $0xFFFFC000  }
0x88: {  	[tilespmem:s18], [sflag:$0x4] =	stream.indirect.gather [hbm4b:s4+s15], $0x80, s10, s15, $0xb8;
	[tilespmem:$0x1D000] =	vst v63  }
0x89: {  	_ =	swait.ge [sflag:s19], $0x4000  }
0x8a: {  	[sflag:s19] =	ssyncset.done $0x0  }
0x8b: {  	s1 =	rddreg [dreg:$0x18];
	[sflag:s19] =	ssyncadd.s32 $0xFFFFC000  }
0x8c: {  	[spmem:s2] =	stream.indirect.scatter.add.f32 [tilespmem:s16], [sflag:$0x5], $0x80, s1, s15, $0xb8;
	[tilespmem:$0x1D000] =	vst v63  }
0x8d: {  	_ =	swait.ge [sflag:s13], $0x4000  }
0x8e: {  	[sflag:s13] =	ssyncset.done $0x0  }
0x8f: {  	s6 =	rddreg [dreg:$0x19];
	[sflag:s13] =	ssyncadd.s32 $0xFFFFC000  }
0x90: {  	[tilespmem:s16], [sflag:$0x3] =	stream.indirect.gather [hbm4b:s4+s15], $0x80, s6, s15, $0xb8;
	[tilespmem:$0x1D000] =	vst v63  }
0x91: {  	_ =	swait.ge [sflag:s20], $0x4000  }
0x92: {  	[sflag:s20] =	ssyncset.done $0x0  }
0x93: {  	[sflag:s20] =	ssyncadd.s32 $0xFFFFC000  }
0x94: {  	[spmem:s2] =	stream.indirect.scatter.add.f32 [tilespmem:s18], [sflag:$0x5], $0x80, s22, s15, $0xb8;
	[tilespmem:$0x1D000] =	vst v63  }
0x95: {  	_ =	swait.ge [sflag:s13], $0x4000  }
0x96: {  	[sflag:s13] =	ssyncset.done $0x0  }
0x97: {  	[sflag:s13] =	ssyncadd.s32 $0xFFFFC000  }
0x98: {  	[tilespmem:s18], [sflag:$0x4] =	stream.indirect.gather [hbm4b:s4+s15], $0x80, s23, s15, $0xb8;
	[tilespmem:$0x1D000] =	vst v63  }
0x99: {  	_ =	swait.ge [sflag:s19], $0x4000  }
0x9a: {  	[sflag:s19] =	ssyncset.done $0x0  }
0x9b: {  	[sflag:s19] =	ssyncadd.s32 $0xFFFFC000  }
0x9c: {  	[spmem:s2] =	stream.indirect.scatter.add.f32 [tilespmem:s16], [sflag:$0x5], $0x80, s24, s15, $0xb8;
	[tilespmem:$0x1D000] =	vst v63  }
0x9d: {  	_ =	swait.ge [sflag:s13], $0x4000  }
0x9e: {  	[sflag:s13] =	ssyncset.done $0x0  }
0x9f: {  	[sflag:s13] =	ssyncadd.s32 $0xFFFFC000  }
0xa0: {  	[tilespmem:s16], [sflag:$0x3] =	stream.indirect.gather [hbm4b:s4+s15], $0x80, s25, s15, $0xb8;
	[tilespmem:$0x1D000] =	vst v63  }
0xa1: {  	_ =	swait.ge [sflag:s20], $0x4000  }
0xa2: {  	[sflag:s20] =	ssyncset.done $0x0  }
0xa3: {  	[sflag:s20] =	ssyncadd.s32 $0xFFFFC000  }
0xa4: {  	[spmem:s2] =	stream.indirect.scatter.add.f32 [tilespmem:s18], [sflag:$0x5], $0x80, s26, s15, $0xb8;
	[tilespmem:$0x1D000] =	vst v63  }
0xa5: {  	_ =	swait.ge [sflag:s13], $0x4000  }
0xa6: {  	[sflag:s13] =	ssyncset.done $0x0  }
0xa7: {  	[sflag:s13] =	ssyncadd.s32 $0xFFFFC000  }
0xa8: {  	[tilespmem:s18], [sflag:$0x4] =	stream.indirect.gather [hbm4b:s4+s15], $0x80, s28, s15, $0xb8;
	[tilespmem:$0x1D000] =	vst v63  }
0xa9: {  	_ =	swait.ge [sflag:s19], $0x4000  }
0xaa: {  	[sflag:s19] =	ssyncset.done $0x0  }
0xab: {  	[sflag:s19] =	ssyncadd.s32 $0xFFFFC000  }
0xac: {  	[spmem:s2] =	stream.indirect.scatter.add.f32 [tilespmem:s16], [sflag:$0x5], $0x80, s29, s15, $0xb8;
	[tilespmem:$0x1D000] =	vst v63  }
0xad: {  	_ =	swait.ge [sflag:s13], $0x4000  }
0xae: {  	[sflag:s13] =	ssyncset.done $0x0  }
0xaf: {  	[sflag:s13] =	ssyncadd.s32 $0xFFFFC000  }
0xb0: {  	_ =	swait.ge [sflag:s14], $0x800  }
0xb1: {  	[sflag:s14] =	ssyncset.done $0x0  }
0xb2: {  	[sflag:s14] =	ssyncadd.s32 $0xFFFFF800  }
0xb3: {  	[tilespmem:s16], [sflag:$0x3] =	stream.indirect.gather [hbm4b:s4+s15], $0x80, s3, s15, $0xb8;
	[tilespmem:$0x1D000] =	vst v63  }
0xb4: {  	_ =	swait.ge [sflag:s20], $0x4000  }
0xb5: {  	[sflag:s20] =	ssyncset.done $0x0  }
0xb6: {  	[sflag:s20] =	ssyncadd.s32 $0xFFFFC000  }
0xb7: {  	[spmem:s2] =	stream.indirect.scatter.add.f32 [tilespmem:s18], [sflag:$0x5], $0x80, s30, s15, $0xb8;
	[tilespmem:$0x1D000] =	vst v63  }
0xb8: {  	s10 =	smin.u32 s3, $0x10;
	_ =	swait.ge [sflag:s13], $0x4000  }
0xb9: {  	s6 =	sshll.u32 s10, $0xB;
	s9 =	rddreg [dreg:$0x4]  }
0xba: {  	s0 =	simm.s32 $0x4;
	s6 =	sadd.s32 s6, s9  }
0xbb: {  	s1 =	simm.s32 $0x2;
	[sflag:s13] =	ssyncset.done $0x0;
	s6 =	sshrl.u32 s6, $0x3  }
0xbc: {  	[sflag:s13] =	ssyncadd.s32 $0xFFFFC000;
	s9 =	rddreg [dreg:$0x5];
	s6 =	sadd.s32 s5, s6  }
.LBB2_2:
0xbd: {  	[tilespmem:s17], [sflag:$0x2] =	stream.linear.gather [hbm4b:s6+s3], $0x800, $0x38;
	[tilespmem:$0x1D000] =	vst v63  }
0xbe: {  	_ = 	snop  }
0xbf: {  	[tilespmem:s18], [sflag:$0x4] =	stream.indirect.gather [hbm4b:s4+s15], $0x80, s9, s15, $0xb8;
	[tilespmem:$0x1D000] =	vst v63  }
0xc0: {  	_ =	swait.ge [sflag:s19], $0x4000  }
0xc1: {  	[sflag:s19] =	ssyncset.done $0x0  }
0xc2: {  	[sflag:s19] =	ssyncadd.s32 $0xFFFFC000  }
0xc3: {  	[spmem:s2] =	stream.indirect.scatter.add.f32 [tilespmem:s16], [sflag:$0x5], $0x80, s15, s15, $0xb8;
	[tilespmem:$0x1D000] =	vst v63  }
0xc4: {  	_ =	swait.ge [sflag:s13], $0x4000  }
0xc5: {  	[sflag:s13] =	ssyncset.done $0x0  }
0xc6: {  	s10 =	rddreg [dreg:$0x6];
	[sflag:s13] =	ssyncadd.s32 $0xFFFFC000  }
0xc7: {  	[tilespmem:s16], [sflag:$0x3] =	stream.indirect.gather [hbm4b:s4+s15], $0x80, s10, s15, $0xb8;
	[tilespmem:$0x1D000] =	vst v63  }
0xc8: {  	_ =	swait.ge [sflag:s20], $0x4000  }
0xc9: {  	[sflag:s20] =	ssyncset.done $0x0  }
0xca: {  	s10 =	rddreg [dreg:$0x7];
	[sflag:s20] =	ssyncadd.s32 $0xFFFFC000  }
0xcb: {  	[spmem:s2] =	stream.indirect.scatter.add.f32 [tilespmem:s18], [sflag:$0x5], $0x80, s10, s15, $0xb8;
	[tilespmem:$0x1D000] =	vst v63  }
0xcc: {  	_ =	swait.ge [sflag:s13], $0x4000  }
0xcd: {  	[sflag:s13] =	ssyncset.done $0x0  }
0xce: {  	s10 =	rddreg [dreg:$0x8];
	[sflag:s13] =	ssyncadd.s32 $0xFFFFC000  }
0xcf: {  	[tilespmem:s18], [sflag:$0x4] =	stream.indirect.gather [hbm4b:s4+s15], $0x80, s10, s15, $0xb8;
	[tilespmem:$0x1D000] =	vst v63  }
0xd0: {  	_ =	swait.ge [sflag:s19], $0x4000  }
0xd1: {  	[sflag:s19] =	ssyncset.done $0x0  }
0xd2: {  	s10 =	rddreg [dreg:$0x9];
	[sflag:s19] =	ssyncadd.s32 $0xFFFFC000  }
0xd3: {  	[spmem:s2] =	stream.indirect.scatter.add.f32 [tilespmem:s16], [sflag:$0x5], $0x80, s10, s15, $0xb8;
	[tilespmem:$0x1D000] =	vst v63  }
0xd4: {  	_ =	swait.ge [sflag:s13], $0x4000  }
0xd5: {  	[sflag:s13] =	ssyncset.done $0x0  }
0xd6: {  	s10 =	rddreg [dreg:$0xa];
	[sflag:s13] =	ssyncadd.s32 $0xFFFFC000  }
0xd7: {  	[tilespmem:s16], [sflag:$0x3] =	stream.indirect.gather [hbm4b:s4+s15], $0x80, s10, s15, $0xb8;
	[tilespmem:$0x1D000] =	vst v63  }
0xd8: {  	_ =	swait.ge [sflag:s20], $0x4000  }
0xd9: {  	[sflag:s20] =	ssyncset.done $0x0  }
0xda: {  	s10 =	rddreg [dreg:$0xb];
	[sflag:s20] =	ssyncadd.s32 $0xFFFFC000  }
0xdb: {  	[spmem:s2] =	stream.indirect.scatter.add.f32 [tilespmem:s18], [sflag:$0x5], $0x80, s10, s15, $0xb8;
	[tilespmem:$0x1D000] =	vst v63  }
0xdc: {  	_ =	swait.ge [sflag:s13], $0x4000  }
0xdd: {  	[sflag:s13] =	ssyncset.done $0x0  }
0xde: {  	s10 =	rddreg [dreg:$0xc];
	[sflag:s13] =	ssyncadd.s32 $0xFFFFC000  }
0xdf: {  	[tilespmem:s18], [sflag:$0x4] =	stream.indirect.gather [hbm4b:s4+s15], $0x80, s10, s15, $0xb8;
	[tilespmem:$0x1D000] =	vst v63  }
0xe0: {  	_ =	swait.ge [sflag:s19], $0x4000  }
0xe1: {  	[sflag:s19] =	ssyncset.done $0x0  }
0xe2: {  	s10 =	rddreg [dreg:$0xd];
	[sflag:s19] =	ssyncadd.s32 $0xFFFFC000  }
0xe3: {  	[spmem:s2] =	stream.indirect.scatter.add.f32 [tilespmem:s16], [sflag:$0x5], $0x80, s10, s15, $0xb8;
	[tilespmem:$0x1D000] =	vst v63  }
0xe4: {  	_ =	swait.ge [sflag:s13], $0x4000  }
0xe5: {  	[sflag:s13] =	ssyncset.done $0x0  }
0xe6: {  	s10 =	rddreg [dreg:$0xe];
	[sflag:s13] =	ssyncadd.s32 $0xFFFFC000  }
0xe7: {  	[tilespmem:s16], [sflag:$0x3] =	stream.indirect.gather [hbm4b:s4+s15], $0x80, s10, s15, $0xb8;
	[tilespmem:$0x1D000] =	vst v63  }
0xe8: {  	_ =	swait.ge [sflag:s20], $0x4000  }
0xe9: {  	[sflag:s20] =	ssyncset.done $0x0  }
0xea: {  	s10 =	rddreg [dreg:$0xf];
	[sflag:s20] =	ssyncadd.s32 $0xFFFFC000  }
0xeb: {  	[spmem:s2] =	stream.indirect.scatter.add.f32 [tilespmem:s18], [sflag:$0x5], $0x80, s10, s15, $0xb8;
	[tilespmem:$0x1D000] =	vst v63  }
0xec: {  	_ =	swait.ge [sflag:s13], $0x4000  }
0xed: {  	[sflag:s13] =	ssyncset.done $0x0  }
0xee: {  	s10 =	rddreg [dreg:$0x10];
	[sflag:s13] =	ssyncadd.s32 $0xFFFFC000  }
0xef: {  	[tilespmem:s18], [sflag:$0x4] =	stream.indirect.gather [hbm4b:s4+s15], $0x80, s10, s15, $0xb8;
	[tilespmem:$0x1D000] =	vst v63  }
0xf0: {  	_ =	swait.ge [sflag:s19], $0x4000  }
0xf1: {  	[sflag:s19] =	ssyncset.done $0x0  }
0xf2: {  	s10 =	rddreg [dreg:$0x11];
	[sflag:s19] =	ssyncadd.s32 $0xFFFFC000  }
0xf3: {  	[spmem:s2] =	stream.indirect.scatter.add.f32 [tilespmem:s16], [sflag:$0x5], $0x80, s10, s15, $0xb8;
	[tilespmem:$0x1D000] =	vst v63  }
0xf4: {  	_ =	swait.ge [sflag:s13], $0x4000  }
0xf5: {  	[sflag:s13] =	ssyncset.done $0x0  }
0xf6: {  	[sflag:s13] =	ssyncadd.s32 $0xFFFFC000  }
0xf7: {  	_ =	swait.ge [sflag:s21], $0x800  }
0xf8: {  	[sflag:s21] =	ssyncset.done $0x0  }
0xf9: {  	[sflag:s21] =	ssyncadd.s32 $0xFFFFF800  }
0xfa: {  	[tilespmem:s16], [sflag:$0x3] =	stream.indirect.gather [hbm4b:s4+s15], $0x80, s17, s15, $0xb8;
	[tilespmem:$0x1D000] =	vst v63  }
0xfb: {  	_ =	swait.ge [sflag:s20], $0x4000  }
0xfc: {  	[sflag:s20] =	ssyncset.done $0x0  }
0xfd: {  	s10 =	rddreg [dreg:$0x12];
	[sflag:s20] =	ssyncadd.s32 $0xFFFFC000  }
0xfe: {  	[spmem:s2] =	stream.indirect.scatter.add.f32 [tilespmem:s18], [sflag:$0x5], $0x80, s10, s15, $0xb8;
	[tilespmem:$0x1D000] =	vst v63  }
0xff: {  	s10 =	smin.u32 s1, $0x11;
	_ =	swait.ge [sflag:s13], $0x4000  }
0x100: {  	s10 =	sshll.u32 s10, $0xB;
	s9 =	rddreg [dreg:$0x3]  }
0x101: {  	s9 =	sadd.s32 s10, s9  }
0x102: {  	[sflag:s13] =	ssyncset.done $0x0;
	s9 =	sshrl.u32 s9, $0x3  }
0x103: {  	[sflag:s13] =	ssyncadd.s32 $0xFFFFC000;
	s9 =	sadd.s32 s5, s9  }
0x104: {  	[tilespmem:s3], [sflag:$0x1] =	stream.linear.gather [hbm4b:s9+s3], $0x800, $0x38;
	[tilespmem:$0x1D000] =	vst v63  }
0x105: {  	s10 =	rddreg [dreg:$0x13]  }
0x106: {  	[tilespmem:s18], [sflag:$0x4] =	stream.indirect.gather [hbm4b:s4+s15], $0x80, s10, s15, $0xb8;
	[tilespmem:$0x1D000] =	vst v63  }
0x107: {  	_ =	swait.ge [sflag:s19], $0x4000  }
0x108: {  	[sflag:s19] =	ssyncset.done $0x0  }
0x109: {  	s10 =	rddreg [dreg:$0x14];
	[sflag:s19] =	ssyncadd.s32 $0xFFFFC000  }
0x10a: {  	[spmem:s2] =	stream.indirect.scatter.add.f32 [tilespmem:s16], [sflag:$0x5], $0x80, s10, s15, $0xb8;
	[tilespmem:$0x1D000] =	vst v63  }
0x10b: {  	_ =	swait.ge [sflag:s13], $0x4000  }
0x10c: {  	[sflag:s13] =	ssyncset.done $0x0  }
0x10d: {  	s10 =	rddreg [dreg:$0x15];
	[sflag:s13] =	ssyncadd.s32 $0xFFFFC000  }
0x10e: {  	[tilespmem:s16], [sflag:$0x3] =	stream.indirect.gather [hbm4b:s4+s15], $0x80, s10, s15, $0xb8;
	[tilespmem:$0x1D000] =	vst v63  }
0x10f: {  	_ =	swait.ge [sflag:s20], $0x4000  }
0x110: {  	[sflag:s20] =	ssyncset.done $0x0  }
0x111: {  	s10 =	rddreg [dreg:$0x16];
	[sflag:s20] =	ssyncadd.s32 $0xFFFFC000  }
0x112: {  	[spmem:s2] =	stream.indirect.scatter.add.f32 [tilespmem:s18], [sflag:$0x5], $0x80, s10, s15, $0xb8;
	[tilespmem:$0x1D000] =	vst v63  }
0x113: {  	_ =	swait.ge [sflag:s13], $0x4000  }
0x114: {  	[sflag:s13] =	ssyncset.done $0x0  }
0x115: {  	s10 =	rddreg [dreg:$0x17];
	[sflag:s13] =	ssyncadd.s32 $0xFFFFC000  }
0x116: {  	[tilespmem:s18], [sflag:$0x4] =	stream.indirect.gather [hbm4b:s4+s15], $0x80, s10, s15, $0xb8;
	[tilespmem:$0x1D000] =	vst v63  }
0x117: {  	_ =	swait.ge [sflag:s19], $0x4000  }
0x118: {  	[sflag:s19] =	ssyncset.done $0x0  }
0x119: {  	s10 =	rddreg [dreg:$0x18];
	[sflag:s19] =	ssyncadd.s32 $0xFFFFC000  }
0x11a: {  	[spmem:s2] =	stream.indirect.scatter.add.f32 [tilespmem:s16], [sflag:$0x5], $0x80, s10, s15, $0xb8;
	[tilespmem:$0x1D000] =	vst v63  }
0x11b: {  	_ =	swait.ge [sflag:s13], $0x4000  }
0x11c: {  	[sflag:s13] =	ssyncset.done $0x0  }
0x11d: {  	s10 =	rddreg [dreg:$0x19];
	[sflag:s13] =	ssyncadd.s32 $0xFFFFC000  }
0x11e: {  	[tilespmem:s16], [sflag:$0x3] =	stream.indirect.gather [hbm4b:s4+s15], $0x80, s10, s15, $0xb8;
	[tilespmem:$0x1D000] =	vst v63  }
0x11f: {  	_ =	swait.ge [sflag:s20], $0x4000  }
0x120: {  	[sflag:s20] =	ssyncset.done $0x0  }
0x121: {  	[sflag:s20] =	ssyncadd.s32 $0xFFFFC000  }
0x122: {  	[spmem:s2] =	stream.indirect.scatter.add.f32 [tilespmem:s18], [sflag:$0x5], $0x80, s22, s15, $0xb8;
	[tilespmem:$0x1D000] =	vst v63  }
0x123: {  	_ =	swait.ge [sflag:s13], $0x4000  }
0x124: {  	[sflag:s13] =	ssyncset.done $0x0  }
0x125: {  	[sflag:s13] =	ssyncadd.s32 $0xFFFFC000  }
0x126: {  	[tilespmem:s18], [sflag:$0x4] =	stream.indirect.gather [hbm4b:s4+s15], $0x80, s23, s15, $0xb8;
	[tilespmem:$0x1D000] =	vst v63  }
0x127: {  	_ =	swait.ge [sflag:s19], $0x4000  }
0x128: {  	[sflag:s19] =	ssyncset.done $0x0  }
0x129: {  	[sflag:s19] =	ssyncadd.s32 $0xFFFFC000  }
0x12a: {  	[spmem:s2] =	stream.indirect.scatter.add.f32 [tilespmem:s16], [sflag:$0x5], $0x80, s24, s15, $0xb8;
	[tilespmem:$0x1D000] =	vst v63  }
0x12b: {  	_ =	swait.ge [sflag:s13], $0x4000  }
0x12c: {  	[sflag:s13] =	ssyncset.done $0x0  }
0x12d: {  	[sflag:s13] =	ssyncadd.s32 $0xFFFFC000  }
0x12e: {  	[tilespmem:s16], [sflag:$0x3] =	stream.indirect.gather [hbm4b:s4+s15], $0x80, s25, s15, $0xb8;
	[tilespmem:$0x1D000] =	vst v63  }
0x12f: {  	_ =	swait.ge [sflag:s20], $0x4000  }
0x130: {  	[sflag:s20] =	ssyncset.done $0x0  }
0x131: {  	[sflag:s20] =	ssyncadd.s32 $0xFFFFC000  }
0x132: {  	[spmem:s2] =	stream.indirect.scatter.add.f32 [tilespmem:s18], [sflag:$0x5], $0x80, s26, s15, $0xb8;
	[tilespmem:$0x1D000] =	vst v63  }
0x133: {  	_ =	swait.ge [sflag:s13], $0x4000  }
0x134: {  	[sflag:s13] =	ssyncset.done $0x0  }
0x135: {  	[sflag:s13] =	ssyncadd.s32 $0xFFFFC000  }
0x136: {  	[tilespmem:s18], [sflag:$0x4] =	stream.indirect.gather [hbm4b:s4+s15], $0x80, s28, s15, $0xb8;
	[tilespmem:$0x1D000] =	vst v63  }
0x137: {  	_ =	swait.ge [sflag:s19], $0x4000  }
0x138: {  	[sflag:s19] =	ssyncset.done $0x0  }
0x139: {  	[sflag:s19] =	ssyncadd.s32 $0xFFFFC000  }
0x13a: {  	[spmem:s2] =	stream.indirect.scatter.add.f32 [tilespmem:s16], [sflag:$0x5], $0x80, s29, s15, $0xb8;
	[tilespmem:$0x1D000] =	vst v63  }
0x13b: {  	_ =	swait.ge [sflag:s13], $0x4000  }
0x13c: {  	[sflag:s13] =	ssyncset.done $0x0  }
0x13d: {  	[sflag:s13] =	ssyncadd.s32 $0xFFFFC000  }
0x13e: {  	_ =	swait.ge [sflag:s14], $0x800  }
0x13f: {  	[sflag:s14] =	ssyncset.done $0x0  }
0x140: {  	[sflag:s14] =	ssyncadd.s32 $0xFFFFF800  }
0x141: {  	[tilespmem:s16], [sflag:$0x3] =	stream.indirect.gather [hbm4b:s4+s15], $0x80, s3, s15, $0xb8;
	[tilespmem:$0x1D000] =	vst v63  }
0x142: {  	_ =	swait.ge [sflag:s20], $0x4000  }
0x143: {  	[sflag:s20] =	ssyncset.done $0x0  }
0x144: {  	p0 =	sne.s32 s0, $0x12;
	[sflag:s20] =	ssyncadd.s32 $0xFFFFC000  }
0x145: {  	[spmem:s2] =	stream.indirect.scatter.add.f32 [tilespmem:s18], [sflag:$0x5], $0x80, s30, s15, $0xb8;
	[tilespmem:$0x1D000] =	vst v63  }
.Ltmp0:
0x146: {  	s10 =	smin.u32 s1, $0x10;
	_ =	swait.ge [sflag:s13], $0x4000;
	(pc) =	sbr.rel @p0 .LBB2_2-.Ltmp0, $4  }
0x147: {  	s10 =	sshll.u32 s10, $0xB;
	s9 =	rddreg [dreg:$0x4]  }
0x148: {  	s6 =	smov.u32 s0;
	s0 =	sadd.s32 $0x2, s0;
	s10 =	sadd.s32 s10, s9  }
0x149: {  	s1 =	smov.u32 s6;
	[sflag:s13] =	ssyncset.done $0x0;
	s6 =	sshrl.u32 s10, $0x3  }
0x14a: {  	[sflag:s13] =	ssyncadd.s32 $0xFFFFC000;
	s9 =	rddreg [dreg:$0x5];
	s6 =	sadd.s32 s5, s6  }
0x14b: {  	[tilespmem:s17], [sflag:$0x2] =	stream.linear.gather [hbm4b:s6+s3], $0x800, $0x38;
	[tilespmem:$0x1D000] =	vst v63  }
0x14c: {  	_ = 	snop  }
0x14d: {  	[tilespmem:s18], [sflag:$0x4] =	stream.indirect.gather [hbm4b:s4+s15], $0x80, s9, s15, $0xb8;
	[tilespmem:$0x1D000] =	vst v63  }
0x14e: {  	_ =	swait.ge [sflag:s19], $0x4000  }
0x14f: {  	[sflag:s19] =	ssyncset.done $0x0  }
0x150: {  	[sflag:s19] =	ssyncadd.s32 $0xFFFFC000  }
0x151: {  	[spmem:s2] =	stream.indirect.scatter.add.f32 [tilespmem:s16], [sflag:$0x5], $0x80, s15, s15, $0xb8;
	[tilespmem:$0x1D000] =	vst v63  }
0x152: {  	_ =	swait.ge [sflag:s13], $0x4000  }
0x153: {  	[sflag:s13] =	ssyncset.done $0x0  }
0x154: {  	s0 =	rddreg [dreg:$0x6];
	[sflag:s13] =	ssyncadd.s32 $0xFFFFC000  }
0x155: {  	[tilespmem:s16], [sflag:$0x3] =	stream.indirect.gather [hbm4b:s4+s15], $0x80, s0, s15, $0xb8;
	[tilespmem:$0x1D000] =	vst v63  }
0x156: {  	_ =	swait.ge [sflag:s20], $0x4000  }
0x157: {  	[sflag:s20] =	ssyncset.done $0x0  }
0x158: {  	s10 =	rddreg [dreg:$0x7];
	[sflag:s20] =	ssyncadd.s32 $0xFFFFC000  }
0x159: {  	[spmem:s2] =	stream.indirect.scatter.add.f32 [tilespmem:s18], [sflag:$0x5], $0x80, s10, s15, $0xb8;
	[tilespmem:$0x1D000] =	vst v63  }
0x15a: {  	_ =	swait.ge [sflag:s13], $0x4000  }
0x15b: {  	[sflag:s13] =	ssyncset.done $0x0  }
0x15c: {  	s6 =	rddreg [dreg:$0x8];
	[sflag:s13] =	ssyncadd.s32 $0xFFFFC000  }
0x15d: {  	[tilespmem:s18], [sflag:$0x4] =	stream.indirect.gather [hbm4b:s4+s15], $0x80, s6, s15, $0xb8;
	[tilespmem:$0x1D000] =	vst v63  }
0x15e: {  	_ =	swait.ge [sflag:s19], $0x4000  }
0x15f: {  	[sflag:s19] =	ssyncset.done $0x0  }
0x160: {  	s9 =	rddreg [dreg:$0x9];
	[sflag:s19] =	ssyncadd.s32 $0xFFFFC000  }
0x161: {  	[spmem:s2] =	stream.indirect.scatter.add.f32 [tilespmem:s16], [sflag:$0x5], $0x80, s9, s15, $0xb8;
	[tilespmem:$0x1D000] =	vst v63  }
0x162: {  	_ =	swait.ge [sflag:s13], $0x4000  }
0x163: {  	[sflag:s13] =	ssyncset.done $0x0  }
0x164: {  	s10 =	rddreg [dreg:$0xa];
	[sflag:s13] =	ssyncadd.s32 $0xFFFFC000  }
0x165: {  	[tilespmem:s16], [sflag:$0x3] =	stream.indirect.gather [hbm4b:s4+s15], $0x80, s10, s15, $0xb8;
	[tilespmem:$0x1D000] =	vst v63  }
0x166: {  	_ =	swait.ge [sflag:s20], $0x4000  }
0x167: {  	[sflag:s20] =	ssyncset.done $0x0  }
0x168: {  	s6 =	rddreg [dreg:$0xb];
	[sflag:s20] =	ssyncadd.s32 $0xFFFFC000  }
0x169: {  	[spmem:s2] =	stream.indirect.scatter.add.f32 [tilespmem:s18], [sflag:$0x5], $0x80, s6, s15, $0xb8;
	[tilespmem:$0x1D000] =	vst v63  }
0x16a: {  	_ =	swait.ge [sflag:s13], $0x4000  }
0x16b: {  	[sflag:s13] =	ssyncset.done $0x0  }
0x16c: {  	s9 =	rddreg [dreg:$0xc];
	[sflag:s13] =	ssyncadd.s32 $0xFFFFC000  }
0x16d: {  	[tilespmem:s18], [sflag:$0x4] =	stream.indirect.gather [hbm4b:s4+s15], $0x80, s9, s15, $0xb8;
	[tilespmem:$0x1D000] =	vst v63  }
0x16e: {  	_ =	swait.ge [sflag:s19], $0x4000  }
0x16f: {  	[sflag:s19] =	ssyncset.done $0x0  }
0x170: {  	s10 =	rddreg [dreg:$0xd];
	[sflag:s19] =	ssyncadd.s32 $0xFFFFC000  }
0x171: {  	[spmem:s2] =	stream.indirect.scatter.add.f32 [tilespmem:s16], [sflag:$0x5], $0x80, s10, s15, $0xb8;
	[tilespmem:$0x1D000] =	vst v63  }
0x172: {  	_ =	swait.ge [sflag:s13], $0x4000  }
0x173: {  	[sflag:s13] =	ssyncset.done $0x0  }
0x174: {  	s6 =	rddreg [dreg:$0xe];
	[sflag:s13] =	ssyncadd.s32 $0xFFFFC000  }
0x175: {  	[tilespmem:s16], [sflag:$0x3] =	stream.indirect.gather [hbm4b:s4+s15], $0x80, s6, s15, $0xb8;
	[tilespmem:$0x1D000] =	vst v63  }
0x176: {  	_ =	swait.ge [sflag:s20], $0x4000  }
0x177: {  	[sflag:s20] =	ssyncset.done $0x0  }
0x178: {  	s9 =	rddreg [dreg:$0xf];
	[sflag:s20] =	ssyncadd.s32 $0xFFFFC000  }
0x179: {  	[spmem:s2] =	stream.indirect.scatter.add.f32 [tilespmem:s18], [sflag:$0x5], $0x80, s9, s15, $0xb8;
	[tilespmem:$0x1D000] =	vst v63  }
0x17a: {  	_ =	swait.ge [sflag:s13], $0x4000  }
0x17b: {  	[sflag:s13] =	ssyncset.done $0x0  }
0x17c: {  	s10 =	rddreg [dreg:$0x10];
	[sflag:s13] =	ssyncadd.s32 $0xFFFFC000  }
0x17d: {  	[tilespmem:s18], [sflag:$0x4] =	stream.indirect.gather [hbm4b:s4+s15], $0x80, s10, s15, $0xb8;
	[tilespmem:$0x1D000] =	vst v63  }
0x17e: {  	_ =	swait.ge [sflag:s19], $0x4000  }
0x17f: {  	[sflag:s19] =	ssyncset.done $0x0  }
0x180: {  	s6 =	rddreg [dreg:$0x11];
	[sflag:s19] =	ssyncadd.s32 $0xFFFFC000  }
0x181: {  	[spmem:s2] =	stream.indirect.scatter.add.f32 [tilespmem:s16], [sflag:$0x5], $0x80, s6, s15, $0xb8;
	[tilespmem:$0x1D000] =	vst v63  }
0x182: {  	_ =	swait.ge [sflag:s13], $0x4000  }
0x183: {  	[sflag:s13] =	ssyncset.done $0x0  }
0x184: {  	[sflag:s13] =	ssyncadd.s32 $0xFFFFC000  }
0x185: {  	_ =	swait.ge [sflag:s21], $0x800  }
0x186: {  	[sflag:s21] =	ssyncset.done $0x0  }
0x187: {  	[sflag:s21] =	ssyncadd.s32 $0xFFFFF800  }
0x188: {  	[tilespmem:s16], [sflag:$0x3] =	stream.indirect.gather [hbm4b:s4+s15], $0x80, s17, s15, $0xb8;
	[tilespmem:$0x1D000] =	vst v63  }
0x189: {  	_ =	swait.ge [sflag:s20], $0x4000  }
0x18a: {  	[sflag:s20] =	ssyncset.done $0x0  }
0x18b: {  	s9 =	rddreg [dreg:$0x12];
	[sflag:s20] =	ssyncadd.s32 $0xFFFFC000  }
0x18c: {  	[spmem:s2] =	stream.indirect.scatter.add.f32 [tilespmem:s18], [sflag:$0x5], $0x80, s9, s15, $0xb8;
	[tilespmem:$0x1D000] =	vst v63  }
0x18d: {  	s9 =	smin.u32 s1, $0x11;
	_ =	swait.ge [sflag:s13], $0x4000  }
0x18e: {  	s6 =	sshll.u32 s9, $0xB;
	s10 =	rddreg [dreg:$0x3]  }
0x18f: {  	s0 =	sadd.s32 s6, s10  }
0x190: {  	[sflag:s13] =	ssyncset.done $0x0;
	s0 =	sshrl.u32 s0, $0x3  }
0x191: {  	[sflag:s13] =	ssyncadd.s32 $0xFFFFC000;
	s0 =	sadd.s32 s5, s0  }
0x192: {  	[tilespmem:s3], [sflag:$0x1] =	stream.linear.gather [hbm4b:s0+s3], $0x800, $0x38;
	[tilespmem:$0x1D000] =	vst v63  }
0x193: {  	s10 =	rddreg [dreg:$0x13]  }
0x194: {  	[tilespmem:s18], [sflag:$0x4] =	stream.indirect.gather [hbm4b:s4+s15], $0x80, s10, s15, $0xb8;
	[tilespmem:$0x1D000] =	vst v63  }
0x195: {  	_ =	swait.ge [sflag:s19], $0x4000  }
0x196: {  	[sflag:s19] =	ssyncset.done $0x0  }
0x197: {  	s6 =	rddreg [dreg:$0x14];
	[sflag:s19] =	ssyncadd.s32 $0xFFFFC000  }
0x198: {  	[spmem:s2] =	stream.indirect.scatter.add.f32 [tilespmem:s16], [sflag:$0x5], $0x80, s6, s15, $0xb8;
	[tilespmem:$0x1D000] =	vst v63  }
0x199: {  	_ =	swait.ge [sflag:s13], $0x4000  }
0x19a: {  	[sflag:s13] =	ssyncset.done $0x0  }
0x19b: {  	s9 =	rddreg [dreg:$0x15];
	[sflag:s13] =	ssyncadd.s32 $0xFFFFC000  }
0x19c: {  	[tilespmem:s16], [sflag:$0x3] =	stream.indirect.gather [hbm4b:s4+s15], $0x80, s9, s15, $0xb8;
	[tilespmem:$0x1D000] =	vst v63  }
0x19d: {  	_ =	swait.ge [sflag:s20], $0x4000  }
0x19e: {  	[sflag:s20] =	ssyncset.done $0x0  }
0x19f: {  	s10 =	rddreg [dreg:$0x16];
	[sflag:s20] =	ssyncadd.s32 $0xFFFFC000  }
0x1a0: {  	[spmem:s2] =	stream.indirect.scatter.add.f32 [tilespmem:s18], [sflag:$0x5], $0x80, s10, s15, $0xb8;
	[tilespmem:$0x1D000] =	vst v63  }
0x1a1: {  	_ =	swait.ge [sflag:s13], $0x4000  }
0x1a2: {  	[sflag:s13] =	ssyncset.done $0x0  }
0x1a3: {  	s6 =	rddreg [dreg:$0x17];
	[sflag:s13] =	ssyncadd.s32 $0xFFFFC000  }
0x1a4: {  	[tilespmem:s18], [sflag:$0x4] =	stream.indirect.gather [hbm4b:s4+s15], $0x80, s6, s15, $0xb8;
	[tilespmem:$0x1D000] =	vst v63  }
0x1a5: {  	_ =	swait.ge [sflag:s19], $0x4000  }
0x1a6: {  	[sflag:s19] =	ssyncset.done $0x0  }
0x1a7: {  	s9 =	rddreg [dreg:$0x18];
	[sflag:s19] =	ssyncadd.s32 $0xFFFFC000  }
0x1a8: {  	[spmem:s2] =	stream.indirect.scatter.add.f32 [tilespmem:s16], [sflag:$0x5], $0x80, s9, s15, $0xb8;
	[tilespmem:$0x1D000] =	vst v63  }
0x1a9: {  	_ =	swait.ge [sflag:s13], $0x4000  }
0x1aa: {  	[sflag:s13] =	ssyncset.done $0x0  }
0x1ab: {  	s10 =	rddreg [dreg:$0x19];
	[sflag:s13] =	ssyncadd.s32 $0xFFFFC000  }
0x1ac: {  	[tilespmem:s16], [sflag:$0x3] =	stream.indirect.gather [hbm4b:s4+s15], $0x80, s10, s15, $0xb8;
	[tilespmem:$0x1D000] =	vst v63  }
0x1ad: {  	_ =	swait.ge [sflag:s20], $0x4000  }
0x1ae: {  	[sflag:s20] =	ssyncset.done $0x0  }
0x1af: {  	[sflag:s20] =	ssyncadd.s32 $0xFFFFC000  }
0x1b0: {  	[spmem:s2] =	stream.indirect.scatter.add.f32 [tilespmem:s18], [sflag:$0x5], $0x80, s22, s15, $0xb8;
	[tilespmem:$0x1D000] =	vst v63  }
0x1b1: {  	_ =	swait.ge [sflag:s13], $0x4000  }
0x1b2: {  	[sflag:s13] =	ssyncset.done $0x0  }
0x1b3: {  	[sflag:s13] =	ssyncadd.s32 $0xFFFFC000  }
0x1b4: {  	[tilespmem:s18], [sflag:$0x4] =	stream.indirect.gather [hbm4b:s4+s15], $0x80, s23, s15, $0xb8;
	[tilespmem:$0x1D000] =	vst v63  }
0x1b5: {  	_ =	swait.ge [sflag:s19], $0x4000  }
0x1b6: {  	[sflag:s19] =	ssyncset.done $0x0  }
0x1b7: {  	[sflag:s19] =	ssyncadd.s32 $0xFFFFC000  }
0x1b8: {  	[spmem:s2] =	stream.indirect.scatter.add.f32 [tilespmem:s16], [sflag:$0x5], $0x80, s24, s15, $0xb8;
	[tilespmem:$0x1D000] =	vst v63  }
0x1b9: {  	_ =	swait.ge [sflag:s13], $0x4000  }
0x1ba: {  	[sflag:s13] =	ssyncset.done $0x0  }
0x1bb: {  	[sflag:s13] =	ssyncadd.s32 $0xFFFFC000  }
0x1bc: {  	[tilespmem:s16], [sflag:$0x3] =	stream.indirect.gather [hbm4b:s4+s15], $0x80, s25, s15, $0xb8;
	[tilespmem:$0x1D000] =	vst v63  }
0x1bd: {  	_ =	swait.ge [sflag:s20], $0x4000  }
0x1be: {  	[sflag:s20] =	ssyncset.done $0x0  }
0x1bf: {  	[sflag:s20] =	ssyncadd.s32 $0xFFFFC000  }
0x1c0: {  	[spmem:s2] =	stream.indirect.scatter.add.f32 [tilespmem:s18], [sflag:$0x5], $0x80, s26, s15, $0xb8;
	[tilespmem:$0x1D000] =	vst v63  }
0x1c1: {  	_ =	swait.ge [sflag:s13], $0x4000  }
0x1c2: {  	[sflag:s13] =	ssyncset.done $0x0  }
0x1c3: {  	[sflag:s13] =	ssyncadd.s32 $0xFFFFC000  }
0x1c4: {  	[tilespmem:s18], [sflag:$0x4] =	stream.indirect.gather [hbm4b:s4+s15], $0x80, s28, s15, $0xb8;
	[tilespmem:$0x1D000] =	vst v63  }
0x1c5: {  	_ =	swait.ge [sflag:s19], $0x4000  }
0x1c6: {  	[sflag:s19] =	ssyncset.done $0x0  }
0x1c7: {  	[sflag:s19] =	ssyncadd.s32 $0xFFFFC000  }
0x1c8: {  	[spmem:s2] =	stream.indirect.scatter.add.f32 [tilespmem:s16], [sflag:$0x5], $0x80, s29, s15, $0xb8;
	[tilespmem:$0x1D000] =	vst v63  }
0x1c9: {  	_ =	swait.ge [sflag:s13], $0x4000  }
0x1ca: {  	[sflag:s13] =	ssyncset.done $0x0  }
0x1cb: {  	[sflag:s13] =	ssyncadd.s32 $0xFFFFC000  }
0x1cc: {  	_ =	swait.ge [sflag:s14], $0x800  }
0x1cd: {  	[sflag:s14] =	ssyncset.done $0x0  }
0x1ce: {  	[sflag:s14] =	ssyncadd.s32 $0xFFFFF800  }
0x1cf: {  	[tilespmem:s16], [sflag:$0x3] =	stream.indirect.gather [hbm4b:s4+s15], $0x80, s3, s15, $0xb8;
	[tilespmem:$0x1D000] =	vst v63  }
0x1d0: {  	_ =	swait.ge [sflag:s20], $0x4000  }
0x1d1: {  	[sflag:s20] =	ssyncset.done $0x0  }
0x1d2: {  	[sflag:s20] =	ssyncadd.s32 $0xFFFFC000  }
0x1d3: {  	[spmem:s2] =	stream.indirect.scatter.add.f32 [tilespmem:s18], [sflag:$0x5], $0x80, s30, s15, $0xb8;
	[tilespmem:$0x1D000] =	vst v63  }
0x1d4: {  	s9 =	smin.u32 s1, $0x10;
	_ =	swait.ge [sflag:s13], $0x4000  }
0x1d5: {  	s1 =	sshll.u32 s9, $0xB;
	s6 =	rddreg [dreg:$0x4]  }
0x1d6: {  	s0 =	sadd.s32 s1, s6  }
0x1d7: {  	[sflag:s13] =	ssyncset.done $0x0;
	s0 =	sshrl.u32 s0, $0x3  }
0x1d8: {  	[sflag:s13] =	ssyncadd.s32 $0xFFFFC000;
	s0 =	sadd.s32 s5, s0  }
0x1d9: {  	[tilespmem:s17], [sflag:$0x2] =	stream.linear.gather [hbm4b:s0+s3], $0x800, $0x38;
	[tilespmem:$0x1D000] =	vst v63  }
0x1da: {  	_ =	swait.ge [sflag:s19], $0x4000  }
0x1db: {  	[sflag:s19] =	ssyncset.done $0x0  }
0x1dc: {  	[sflag:s19] =	ssyncadd.s32 $0xFFFFC000  }
0x1dd: {  	_ =	swait.ge [sflag:s21], $0x800  }
0x1de: {  	[sflag:s21] =	ssyncset.done $0x0  }
0x1df: {  	s31 =	sadd.s32 $0x1, s31;
	[sflag:s21] =	ssyncadd.s32 $0xFFFFF800  }
0x1e0: {  	p0 =	sne.s32 s31, s11;
	[bflag:$0x0] =	sbarrier.arrive $0xFFFF  }
.Ltmp1:
0x1e1: {  	s10 =	rddreg [dreg:$0x1c];
	(pc) =	sbr.rel @p0 .LBB2_1-.Ltmp1, $4  }
0x1e2: {  	[hbm:s10], [sflag:s8] =	dma.local [spmem:s12], $0x2800  }
0x1e3: {  	_ =	swait.ge [sflag:s13], $0x2800  }
0x1e4: {  	[sflag:s13] =	ssyncset.done $0x0  }
0x1e5: {  	[sflag:s13] =	ssyncadd.s32 $0xFFFFD800  }
0x1e6: {  	_ =	sfence.sel $0x180000  }
0x1e7: {  	[bflag:$0x0] =	sbarrier.arrive $0xFFFF  }
0x1e8: {  	_ =	strace $0x90000047  }
0x1e9: {  	s0 =	stileid.u32;
	[bflag:$0x2] =	sbarrier.arrive $0xFFFF  }
0x1ea: {  	p0 =	sne.s32 s0, $0x0;
	s0 =	rddreg [dreg:$0x2]  }
0x1eb: {  	s0 =	sadd.s32 @!p0 $0x100000, s0  }
0x1ec: {  	[sflag:s0] =	ssyncadd.tile.s32 @!p0 $0x1;
	_ =	shalt  }
.Lfunc_end2:
_tile_overlayer_lowered:
.L_overlay_start_2:
0x1ed: {  	(tag) =	ssettag $0x2  }
0x1ee: {  	s0 =	rddreg [dreg:$0x0];
	s2 =	stileid.u32  }
0x1ef: {  	s1 =	rddreg [dreg:$0x1];
	p0 =	sne.s32 s2, $0x0  }
0x1f0: {  	s3 =	rddreg [dreg:$0x2];
	[bflag:$0x3] =	sbarrier.arrive $0xFFFF;
	s2 =	simm.s32 @!p0 $0x1C05  }
0x1f1: {  	[timem:s3], [sflag:s2] =	dma.local @!p0 [hbm:s0], s1  }
0x1f2: {  	s0 =	simm.s32 @!p0 $0x5  }
0x1f3: {  	_ =	swait.ge @!p0 [sflag:s0], s1  }
0x1f4: {  	s1 =	ssub.s32 @!p0 $0x0, s1;
	[sflag:s0] =	ssyncset.done @!p0 $0x0  }
0x1f5: {  	[sflag:s0] =	ssyncadd.s32 @!p0 s1  }
0x1f6: {  	[bflag:$0x3] =	sbarrier.arrive $0xFFFF  }
0x1f7: {  	_ =	shalt  }

</sc_bundles>
